<compile_context>
chip_gen: v7x
topology: tpu7x:2x2x1
jax: 0.10.2.dev20260603
libtpu: 0.0.44.dev20260713+nightly
codegen_flags: <defaults>
</compile_context>

<pallas_src>
import functools

import jax
import jax.numpy as jnp
from jax import lax
from jax.experimental import pallas as pl
from jax.experimental.pallas import tpu as pltpu
from jax.experimental.pallas import tpu_sc as plsc

B, S, V, D = 4096, 50, 1000000, 32
N = B * S

_info = plsc.get_sparse_core_info()
NC, NS = _info.num_cores, _info.num_subcores
NW = NC * NS
CH = 1600


def _sc_gather(ntok, idx_off):
  per_w = ntok // NW
  nch = per_w // CH
  mesh = plsc.VectorSubcoreMesh(core_axis_name="c", subcore_axis_name="s")

  @functools.partial(
      pl.kernel,
      mesh=mesh,
      compiler_params=pltpu.CompilerParams(use_tc_tiling_on_sc=False,
                                           needs_layout_passes=False),
      out_type=jax.ShapeDtypeStruct((ntok, D), jnp.float32),
      scratch_types=[
          pltpu.VMEM((CH,), jnp.int32),
          pltpu.VMEM((CH,), jnp.int32),
          pltpu.VMEM((CH, D), jnp.float32),
          pltpu.VMEM((CH, D), jnp.float32),
          pltpu.SemaphoreType.DMA,
          pltpu.SemaphoreType.DMA,
          pltpu.SemaphoreType.DMA,
      ],
  )
  def k(table, idx_hbm, out,
        idx_v0, idx_v1, rows_v0, rows_v1, gsem, wsem0, wsem1):
    wid = lax.axis_index("s") * NC + lax.axis_index("c")
    idx_v = (idx_v0, idx_v1)
    rows_v = (rows_v0, rows_v1)
    wsem = (wsem0, wsem1)

    writes = [None, None]
    for c in range(nch):
      b = c % 2
      base = wid * per_w + c * CH
      if writes[b] is not None:
        writes[b].wait()
      pltpu.sync_copy(idx_hbm.at[pl.ds(idx_off + base, CH)], idx_v[b])
      pltpu.async_copy(table.at[idx_v[b]], rows_v[b], gsem).wait()
      writes[b] = pltpu.async_copy(
          rows_v[b], out.at[pl.ds(base, CH)], wsem[b])
    for w in writes:
      if w is not None:
        w.wait()

  return k


_PQ = 1024
_PCH = 4 * S * (B // _PQ) // NW


def _sc_prep_idx():
  mesh = plsc.VectorSubcoreMesh(core_axis_name="c", subcore_axis_name="s")

  @functools.partial(
      pl.kernel,
      mesh=mesh,
      compiler_params=pltpu.CompilerParams(use_tc_tiling_on_sc=False,
                                           needs_layout_passes=False),
      out_type=jax.ShapeDtypeStruct((4 * N,), jnp.int32),
      scratch_types=[
          pltpu.VMEM((_PQ,), jnp.int32),
          pltpu.VMEM((_PQ,), jnp.int32),
          pltpu.VMEM((_PQ,), jnp.int32),
      ],
  )
  def k(ids_hbm, out, raw_v, fix_v, out_v):
    wid = lax.axis_index("s") * NC + lax.axis_index("c")

    iota = lax.iota(jnp.int32, 16)
    perm16 = ((iota & 3) << 8) + (iota >> 2)
    qrun = _PQ // 4

    def chunk(t, _):
      gi = wid * _PCH + t
      seg = gi // (_PCH * NW // 4)
      rem = gi % (_PCH * NW // 4)
      s = rem // (B // _PQ)
      q = rem % (B // _PQ)
      off = seg * N + s * B + q * _PQ

      for j in range(4):
        pltpu.sync_copy(
            ids_hbm.at[pl.ds(seg * N + s * B + j * (B // 4) + q * qrun, qrun)],
            raw_v.at[pl.ds(j * qrun, qrun)])

      for g in range(_PQ // 16):
        v = raw_v[pl.ds(g * 16, 16)]
        u = v & (_TBLK - 1)
        fix_v[pl.ds(g * 16, 16)] = (
            (v - u) + ((u & (_TQ - 1)) << 2) + (u >> _TQSH))

      for g in range(_PQ // 16):
        out_v[pl.ds(g * 16, 16)] = plsc.load_gather(fix_v, [perm16 + 4 * g])

      pltpu.sync_copy(out_v, out.at[pl.ds(off, _PQ)])
      return 0

    lax.fori_loop(0, _PCH, chunk, 0)

  return k


_TBLK = 32768
_TQ = _TBLK // 4
_TQSH = (_TQ - 1).bit_length()
_TGRID = (V + _TBLK - 1) // _TBLK
_VPAD = _TGRID * _TBLK


def _table_t_body(wt_ref, out_ref):
  eye = jnp.eye(D, dtype=jnp.float32)
  parts = [
      lax.dot_general(wt_ref[:, c * _TQ:(c + 1) * _TQ], eye,
                      (((0,), (0,)), ((), ())),
                      preferred_element_type=jnp.float32)
      for c in range(4)
  ]
  out_ref[...] = jnp.concatenate(parts, axis=1)


def _transpose_table(wt):
  return pl.pallas_call(
      _table_t_body,
      grid=(_TGRID,),
      in_specs=[pl.BlockSpec((D, _TBLK), lambda j: (0, j))],
      out_specs=pl.BlockSpec((_TQ, 4 * D), lambda j: (j, 0)),
      out_shape=jax.ShapeDtypeStruct((_VPAD // 4, 4 * D), jnp.float32),
  )(wt)


def _out_t_body(gs_ref, gt_ref, o0_ref, o1_ref, o2_ref, o3_ref):
  eye = jnp.eye(D, dtype=jnp.float32)
  blocks = [gs_ref[0]] + [gt_ref[i, 0] for i in range(3)]
  for g, o_ref in zip(blocks, (o0_ref, o1_ref, o2_ref, o3_ref)):
    parts = [
        lax.dot_general(eye, g[:, j * D:(j + 1) * D],
                        (((1,), (1,)), ((), ())),
                        preferred_element_type=jnp.float32)
        for j in range(4)
    ]
    o_ref[0] = jnp.concatenate(parts, axis=1)


def _transpose_out(gs, gt):
  return pl.pallas_call(
      _out_t_body,
      grid=(S,),
      in_specs=[
          pl.BlockSpec((1, B // 4, 4 * D), lambda s: (s, 0, 0)),
          pl.BlockSpec((3, 1, B // 4, 4 * D), lambda s: (0, s, 0, 0)),
      ],
      out_specs=[pl.BlockSpec((1, D, B), lambda s: (s, 0, 0))] * 4,
      out_shape=[jax.ShapeDtypeStruct((S, D, B), jnp.float32)] * 4,
  )(gs, gt)


def _mask_body(a_ref, b_ref, c_ref, d_ref, oa_ref, ob_ref, oc_ref, od_ref):
  oa_ref[...] = a_ref[...] == 0
  ob_ref[...] = b_ref[...] == 0
  oc_ref[...] = c_ref[...] == 0
  od_ref[...] = d_ref[...] == 0


def kernel(sources_input_ids, sources_attention_mask,
           hypotheses_input_ids, hypotheses_attention_mask,
           ref0_input_ids, ref0_attention_mask,
           ref1_input_ids, ref1_attention_mask,
           W_src, W_tgt):
  ids_flat = jnp.concatenate([
      sources_input_ids.T.reshape(N).astype(jnp.int32),
      hypotheses_input_ids.T.reshape(N).astype(jnp.int32),
      ref0_input_ids.T.reshape(N).astype(jnp.int32),
      ref1_input_ids.T.reshape(N).astype(jnp.int32),
  ])
  idx = _sc_prep_idx()(ids_flat)

  wt = _transpose_table(W_tgt.T).reshape(_VPAD, D)
  gtgt = _sc_gather(3 * N, N)(wt, idx)
  ws = _transpose_table(W_src.T).reshape(_VPAD, D)
  gsrc = _sc_gather(N, 0)(ws, idx)

  o0, o1, o2, o3 = _transpose_out(
      gsrc.reshape(S, B // 4, 4 * D), gtgt.reshape(3, S, B // 4, 4 * D))

  embedded_sources = o0.transpose(2, 0, 1)
  embedded_hypotheses = o1.transpose(2, 0, 1)
  embedded_ref0 = o2.transpose(2, 0, 1)
  embedded_ref1 = o3.transpose(2, 0, 1)

  inv = pl.pallas_call(
      _mask_body,
      out_shape=[jax.ShapeDtypeStruct((S, B), jnp.bool_)] * 4,
  )(sources_attention_mask.T, hypotheses_attention_mask.T,
    ref0_attention_mask.T, ref1_attention_mask.T)

  return (embedded_sources, embedded_hypotheses, embedded_ref0, embedded_ref1,
          inv[0].T, inv[1].T, inv[2].T, inv[3].T)

# --- scband reference (transcript-rebuilt; emitter-appended) ---
"""Pipeline reference for scband-embedding-layer-15899968930054 (READ-ONLY COPY).

The authoritative reference and input builder live on the scoring server;
editing this copy changes nothing except your own understanding.
"""

import jax, jax.numpy as jnp
import numpy as np

B, S, V, D = 4096, 50, 1000000, 32

def setup_inputs(seed: int = 0) -> dict:
    key = jax.random.key(seed)
    ks = jax.random.split(key, 10)
    inp = {
        "sources_input_ids": jax.random.randint(ks[0], (B, S), 0, V, dtype=jnp.int64) if jax.config.jax_enable_x64 else jax.random.randint(ks[0], (B, S), 0, V),
        "sources_attention_mask": jax.random.randint(ks[1], (B, S), 0, 2).astype(jnp.int32),
        "hypotheses_input_ids": jax.random.randint(ks[2], (B, S), 0, V),
        "hypotheses_attention_mask": jax.random.randint(ks[3], (B, S), 0, 2).astype(jnp.int32),
        "ref0_input_ids": jax.random.randint(ks[4], (B, S), 0, V),
        "ref0_attention_mask": jax.random.randint(ks[5], (B, S), 0, 2).astype(jnp.int32),
        "ref1_input_ids": jax.random.randint(ks[6], (B, S), 0, V),
        "ref1_attention_mask": jax.random.randint(ks[7], (B, S), 0, 2).astype(jnp.int32),
        "W_src": jax.random.normal(ks[8], (V, D), dtype=jnp.float32) * 0.02,
        "W_tgt": jax.random.normal(ks[9], (V, D), dtype=jnp.float32) * 0.02,
    }
    return inp

def reference(sources_input_ids, sources_attention_mask,
              hypotheses_input_ids, hypotheses_attention_mask,
              ref0_input_ids, ref0_attention_mask,
              ref1_input_ids, ref1_attention_mask,
              W_src, W_tgt):
    # EmbeddingLayer.forward: embed sources with source table, hyps/refs with target table
    embedded_sources = jnp.take(W_src, sources_input_ids, axis=0)
    embedded_hypotheses = jnp.take(W_tgt, hypotheses_input_ids, axis=0)
    embedded_ref0 = jnp.take(W_tgt, ref0_input_ids, axis=0)
    embedded_ref1 = jnp.take(W_tgt, ref1_input_ids, axis=0)
    # attention_* = ~attention_mask.bool()
    attention_sources = jnp.logical_not(sources_attention_mask.astype(bool))
    attention_hypotheses = jnp.logical_not(hypotheses_attention_mask.astype(bool))
    attention_ref0 = jnp.logical_not(ref0_attention_mask.astype(bool))
    attention_ref1 = jnp.logical_not(ref1_attention_mask.astype(bool))
    return (embedded_sources, embedded_hypotheses, embedded_ref0, embedded_ref1,
            attention_sources, attention_hypotheses, attention_ref0, attention_ref1)

if __name__ == "__main__":
    import jax
    _d = setup_inputs()
    print(jax.jit(kernel)(*tuple(_d.values())))

</pallas_src>

<mosaic_0001>
#map = affine_map<(d0, d1) -> (0)>
module attributes {stable_mosaic.version = 14 : i64} {
  func.func @k(%arg0: i32, %arg1: i32, %arg2: memref<819200xi32, #tpu.memory_space<hbm>>, %arg3: memref<819200xi32, #tpu.memory_space<hbm>>, %arg4: memref<1024xi32, #tpu.memory_space<vmem>>, %arg5: memref<1024xi32, #tpu.memory_space<vmem>>, %arg6: memref<1024xi32, #tpu.memory_space<vmem>>) attributes {dimension_semantics = [#tpu.dimension_semantics<core_parallel>, #tpu.dimension_semantics<subcore_parallel>], iteration_bounds = array<i64: 2, 16>, scalar_prefetch = 0 : i64, scratch_operands = 3 : i64, tpu.core_type = #tpu.core_type<sc_vector_subcore>, window_params = [{transform_indices = #map}, {transform_indices = #map}]} {
    %mul3A = arith.constant 2 : i32
    %mul3A_0 = arith.muli %arg1, %mul3A : i32
    %add3A = arith.addi %mul3A_0, %arg0 : i32
    %iota3A = tpu.iota {dimensions = array<i32: 0>} : vector<16xi32>
    %and3A = arith.constant 3 : i32
    %and3A_1 = vector.broadcast %and3A : i32 to vector<16xi32>
    %and3A_2 = arith.andi %iota3A, %and3A_1 : vector<16xi32>
    %shift_left3A = arith.constant 8 : i32
    %shift_left3A_3 = vector.broadcast %shift_left3A : i32 to vector<16xi32>
    %shift_left3A_4 = arith.shli %and3A_2, %shift_left3A_3 : vector<16xi32>
    %shift_right_arithmetic3A = arith.constant 2 : i32
    %shift_right_arithmetic3A_5 = vector.broadcast %shift_right_arithmetic3A : i32 to vector<16xi32>
    %shift_right_arithmetic3A_6 = arith.shrsi %iota3A, %shift_right_arithmetic3A_5 : vector<16xi32>
    %add3A_7 = arith.addi %shift_left3A_4, %shift_right_arithmetic3A_6 : vector<16xi32>
    %scan3A = arith.constant 0 : i32
    %scan3A_8 = arith.constant 0 : i32
    %scan3A_9 = arith.constant 25 : i32
    %scan3A_10 = arith.addi %scan3A_8, %scan3A_9 : i32
    %scan3A_11 = arith.constant 1 : i32
    %scan3A_12 = scf.for %scan3A_14 = %scan3A_8 to %scan3A_10 step %scan3A_11 iter_args(%scan3A_15 = %scan3A) -> (i32)  : i32 {
      %mul3A_16 = arith.constant 25 : i32
      %mul3A_17 = arith.muli %add3A, %mul3A_16 : i32
      %add3A_18 = arith.addi %mul3A_17, %scan3A_14 : i32
      %jit3A = arith.constant 200 : i32
      %div3A = arith.divsi %add3A_18, %jit3A : i32
      %sign3A = arith.constant 0 : i32
      %sign3A_19 = arith.cmpi sgt, %add3A_18, %sign3A : i32
      %sign3A_20 = arith.extui %sign3A_19 : i1 to i32
      %sign3A_21 = arith.constant 0 : i32
      %sign3A_22 = arith.cmpi slt, %add3A_18, %sign3A_21 : i32
      %sign3A_23 = arith.extui %sign3A_22 : i1 to i32
      %sign3A_24 = arith.subi %sign3A_20, %sign3A_23 : i32
      %sign3A_25 = arith.constant 0 : i32
      %sign3A_26 = arith.cmpi sgt, %jit3A, %sign3A_25 : i32
      %sign3A_27 = arith.extui %sign3A_26 : i1 to i32
      %sign3A_28 = arith.constant 0 : i32
      %sign3A_29 = arith.cmpi slt, %jit3A, %sign3A_28 : i32
      %sign3A_30 = arith.extui %sign3A_29 : i1 to i32
      %sign3A_31 = arith.subi %sign3A_27, %sign3A_30 : i32
      %ne3A = arith.cmpi ne, %sign3A_24, %sign3A_31 : i32
      %rem3A = arith.remsi %add3A_18, %jit3A : i32
      %ne3A_32 = arith.constant 0 : i32
      %ne3A_33 = arith.cmpi ne, %rem3A, %ne3A_32 : i32
      %and3A_34 = arith.andi %ne3A, %ne3A_33 : i1
      %sub3A = arith.constant 1 : i32
      %sub3A_35 = arith.subi %div3A, %sub3A : i32
      %select_n3A = arith.select %and3A_34, %sub3A_35, %div3A : i32
      %jit3A_36 = arith.constant 200 : i32
      %eq3A = arith.constant 0 : i32
      %eq3A_37 = arith.cmpi eq, %jit3A_36, %eq3A : i32
      %jit3A_38 = arith.constant 1 : i32
      %select_n3A_39 = arith.select %eq3A_37, %jit3A_38, %jit3A_36 : i32
      %rem3A_40 = arith.remsi %add3A_18, %select_n3A_39 : i32
      %ne3A_41 = arith.constant 0 : i32
      %ne3A_42 = arith.cmpi ne, %rem3A_40, %ne3A_41 : i32
      %lt3A = arith.constant 0 : i32
      %lt3A_43 = arith.cmpi slt, %rem3A_40, %lt3A : i32
      %lt3A_44 = arith.constant 0 : i32
      %lt3A_45 = arith.cmpi slt, %select_n3A_39, %lt3A_44 : i32
      %ne3A_46 = arith.xori %lt3A_43, %lt3A_45 : i1
      %and3A_47 = arith.andi %ne3A_46, %ne3A_42 : i1
      %add3A_48 = arith.addi %rem3A_40, %select_n3A_39 : i32
      %select_n3A_49 = arith.select %and3A_47, %add3A_48, %rem3A_40 : i32
      %jit3A_50 = arith.constant 4 : i32
      %div3A_51 = arith.divsi %select_n3A_49, %jit3A_50 : i32
      %sign3A_52 = arith.constant 0 : i32
      %sign3A_53 = arith.cmpi sgt, %select_n3A_49, %sign3A_52 : i32
      %sign3A_54 = arith.extui %sign3A_53 : i1 to i32
      %sign3A_55 = arith.constant 0 : i32
      %sign3A_56 = arith.cmpi slt, %select_n3A_49, %sign3A_55 : i32
      %sign3A_57 = arith.extui %sign3A_56 : i1 to i32
      %sign3A_58 = arith.subi %sign3A_54, %sign3A_57 : i32
      %sign3A_59 = arith.constant 0 : i32
      %sign3A_60 = arith.cmpi sgt, %jit3A_50, %sign3A_59 : i32
      %sign3A_61 = arith.extui %sign3A_60 : i1 to i32
      %sign3A_62 = arith.constant 0 : i32
      %sign3A_63 = arith.cmpi slt, %jit3A_50, %sign3A_62 : i32
      %sign3A_64 = arith.extui %sign3A_63 : i1 to i32
      %sign3A_65 = arith.subi %sign3A_61, %sign3A_64 : i32
      %ne3A_66 = arith.cmpi ne, %sign3A_58, %sign3A_65 : i32
      %rem3A_67 = arith.remsi %select_n3A_49, %jit3A_50 : i32
      %ne3A_68 = arith.constant 0 : i32
      %ne3A_69 = arith.cmpi ne, %rem3A_67, %ne3A_68 : i32
      %and3A_70 = arith.andi %ne3A_66, %ne3A_69 : i1
      %sub3A_71 = arith.constant 1 : i32
      %sub3A_72 = arith.subi %div3A_51, %sub3A_71 : i32
      %select_n3A_73 = arith.select %and3A_70, %sub3A_72, %div3A_51 : i32
      %jit3A_74 = arith.constant 4 : i32
      %eq3A_75 = arith.constant 0 : i32
      %eq3A_76 = arith.cmpi eq, %jit3A_74, %eq3A_75 : i32
      %jit3A_77 = arith.constant 1 : i32
      %select_n3A_78 = arith.select %eq3A_76, %jit3A_77, %jit3A_74 : i32
      %rem3A_79 = arith.remsi %select_n3A_49, %select_n3A_78 : i32
      %ne3A_80 = arith.constant 0 : i32
      %ne3A_81 = arith.cmpi ne, %rem3A_79, %ne3A_80 : i32
      %lt3A_82 = arith.constant 0 : i32
      %lt3A_83 = arith.cmpi slt, %rem3A_79, %lt3A_82 : i32
      %lt3A_84 = arith.constant 0 : i32
      %lt3A_85 = arith.cmpi slt, %select_n3A_78, %lt3A_84 : i32
      %ne3A_86 = arith.xori %lt3A_83, %lt3A_85 : i1
      %and3A_87 = arith.andi %ne3A_86, %ne3A_81 : i1
      %add3A_88 = arith.addi %rem3A_79, %select_n3A_78 : i32
      %select_n3A_89 = arith.select %and3A_87, %add3A_88, %rem3A_79 : i32
      %mul3A_90 = arith.constant 204800 : i32
      %mul3A_91 = arith.muli %select_n3A, %mul3A_90 : i32
      %mul3A_92 = arith.constant 4096 : i32
      %mul3A_93 = arith.muli %select_n3A_73, %mul3A_92 : i32
      %add3A_94 = arith.addi %mul3A_91, %mul3A_93 : i32
      %mul3A_95 = arith.constant 1024 : i32
      %mul3A_96 = arith.muli %select_n3A_89, %mul3A_95 : i32
      %add3A_97 = arith.addi %add3A_94, %mul3A_96 : i32
      %mul3A_98 = arith.constant 204800 : i32
      %mul3A_99 = arith.muli %select_n3A, %mul3A_98 : i32
      %mul3A_100 = arith.constant 4096 : i32
      %mul3A_101 = arith.muli %select_n3A_73, %mul3A_100 : i32
      %add3A_102 = arith.addi %mul3A_99, %mul3A_101 : i32
      %add3A_103 = arith.constant 0 : i32
      %add3A_104 = arith.addi %add3A_102, %add3A_103 : i32
      %mul3A_105 = arith.constant 256 : i32
      %mul3A_106 = arith.muli %select_n3A_89, %mul3A_105 : i32
      %add3A_107 = arith.addi %add3A_104, %mul3A_106 : i32
      "tpu.region"() ({
        %run_scoped3A = tpu.sem_alloc : memref<!tpu.dma_semaphore, #tpu.memory_space<semaphore_mem>>
        %dma_start3A = arith.constant 0 : i32
        %dma_start3A_1736 = tpu.memref_slice %arg4[%dma_start3A] : memref<1024xi32, #tpu.memory_space<vmem>> -> memref<256xi32, #tpu.memory_space<vmem>>
        %dma_start3A_1737 = tpu.memref_slice %arg2[%add3A_107] : memref<819200xi32, #tpu.memory_space<hbm>> -> memref<256xi32, #tpu.memory_space<hbm>>
        %dma_start3A_1738 = arith.constant 0 : i32
        %dma_start3A_1739 = tpu.memref_slice %arg4[%dma_start3A_1738] : memref<1024xi32, #tpu.memory_space<vmem>> -> memref<256xi32, #tpu.memory_space<vmem>>
        %dma_start3A_1740 = tpu.memref_slice %arg2[%add3A_107] : memref<819200xi32, #tpu.memory_space<hbm>> -> memref<256xi32, #tpu.memory_space<hbm>>
        tpu.enqueue_dma source(%dma_start3A_1740 : memref<256xi32, #tpu.memory_space<hbm>>) target(%dma_start3A_1739 : memref<256xi32, #tpu.memory_space<vmem>>) target_semaphore(%run_scoped3A : memref<!tpu.dma_semaphore, #tpu.memory_space<semaphore_mem>>)
        %dma_wait3A = arith.constant 0 : i32
        %dma_wait3A_1741 = tpu.memref_slice %arg4[%dma_wait3A] : memref<1024xi32, #tpu.memory_space<vmem>> -> memref<256xi32, #tpu.memory_space<vmem>>
        %dma_wait3A_1742 = tpu.memref_slice %arg2[%add3A_107] : memref<819200xi32, #tpu.memory_space<hbm>> -> memref<256xi32, #tpu.memory_space<hbm>>
        %dma_wait3A_1743 = arith.constant 0 : i32
        %dma_wait3A_1744 = tpu.memref_slice %arg4[%dma_wait3A_1743] : memref<1024xi32, #tpu.memory_space<vmem>> -> memref<256xi32, #tpu.memory_space<vmem>>
        %dma_wait3A_1745 = tpu.memref_slice %arg2[%add3A_107] : memref<819200xi32, #tpu.memory_space<hbm>> -> memref<256xi32, #tpu.memory_space<hbm>>
        tpu.wait_dma2 semaphore(%run_scoped3A : memref<!tpu.dma_semaphore, #tpu.memory_space<semaphore_mem>>) src(%dma_wait3A_1745 : memref<256xi32, #tpu.memory_space<hbm>>) dst(%dma_wait3A_1744 : memref<256xi32, #tpu.memory_space<vmem>>)
        tpu.yield
      }) : () -> ()
      %mul3A_108 = arith.constant 204800 : i32
      %mul3A_109 = arith.muli %select_n3A, %mul3A_108 : i32
      %mul3A_110 = arith.constant 4096 : i32
      %mul3A_111 = arith.muli %select_n3A_73, %mul3A_110 : i32
      %add3A_112 = arith.addi %mul3A_109, %mul3A_111 : i32
      %add3A_113 = arith.constant 1024 : i32
      %add3A_114 = arith.addi %add3A_112, %add3A_113 : i32
      %mul3A_115 = arith.constant 256 : i32
      %mul3A_116 = arith.muli %select_n3A_89, %mul3A_115 : i32
      %add3A_117 = arith.addi %add3A_114, %mul3A_116 : i32
      "tpu.region"() ({
        %run_scoped3A = tpu.sem_alloc : memref<!tpu.dma_semaphore, #tpu.memory_space<semaphore_mem>>
        %dma_start3A = arith.constant 256 : i32
        %dma_start3A_1736 = tpu.memref_slice %arg4[%dma_start3A] : memref<1024xi32, #tpu.memory_space<vmem>> -> memref<256xi32, #tpu.memory_space<vmem>>
        %dma_start3A_1737 = tpu.memref_slice %arg2[%add3A_117] : memref<819200xi32, #tpu.memory_space<hbm>> -> memref<256xi32, #tpu.memory_space<hbm>>
        %dma_start3A_1738 = arith.constant 256 : i32
        %dma_start3A_1739 = tpu.memref_slice %arg4[%dma_start3A_1738] : memref<1024xi32, #tpu.memory_space<vmem>> -> memref<256xi32, #tpu.memory_space<vmem>>
        %dma_start3A_1740 = tpu.memref_slice %arg2[%add3A_117] : memref<819200xi32, #tpu.memory_space<hbm>> -> memref<256xi32, #tpu.memory_space<hbm>>
        tpu.enqueue_dma source(%dma_start3A_1740 : memref<256xi32, #tpu.memory_space<hbm>>) target(%dma_start3A_1739 : memref<256xi32, #tpu.memory_space<vmem>>) target_semaphore(%run_scoped3A : memref<!tpu.dma_semaphore, #tpu.memory_space<semaphore_mem>>)
        %dma_wait3A = arith.constant 256 : i32
        %dma_wait3A_1741 = tpu.memref_slice %arg4[%dma_wait3A] : memref<1024xi32, #tpu.memory_space<vmem>> -> memref<256xi32, #tpu.memory_space<vmem>>
        %dma_wait3A_1742 = tpu.memref_slice %arg2[%add3A_117] : memref<819200xi32, #tpu.memory_space<hbm>> -> memref<256xi32, #tpu.memory_space<hbm>>
        %dma_wait3A_1743 = arith.constant 256 : i32
        %dma_wait3A_1744 = tpu.memref_slice %arg4[%dma_wait3A_1743] : memref<1024xi32, #tpu.memory_space<vmem>> -> memref<256xi32, #tpu.memory_space<vmem>>
        %dma_wait3A_1745 = tpu.memref_slice %arg2[%add3A_117] : memref<819200xi32, #tpu.memory_space<hbm>> -> memref<256xi32, #tpu.memory_space<hbm>>
        tpu.wait_dma2 semaphore(%run_scoped3A : memref<!tpu.dma_semaphore, #tpu.memory_space<semaphore_mem>>) src(%dma_wait3A_1745 : memref<256xi32, #tpu.memory_space<hbm>>) dst(%dma_wait3A_1744 : memref<256xi32, #tpu.memory_space<vmem>>)
        tpu.yield
      }) : () -> ()
      %mul3A_118 = arith.constant 204800 : i32
      %mul3A_119 = arith.muli %select_n3A, %mul3A_118 : i32
      %mul3A_120 = arith.constant 4096 : i32
      %mul3A_121 = arith.muli %select_n3A_73, %mul3A_120 : i32
      %add3A_122 = arith.addi %mul3A_119, %mul3A_121 : i32
      %add3A_123 = arith.constant 2048 : i32
      %add3A_124 = arith.addi %add3A_122, %add3A_123 : i32
      %mul3A_125 = arith.constant 256 : i32
      %mul3A_126 = arith.muli %select_n3A_89, %mul3A_125 : i32
      %add3A_127 = arith.addi %add3A_124, %mul3A_126 : i32
      "tpu.region"() ({
        %run_scoped3A = tpu.sem_alloc : memref<!tpu.dma_semaphore, #tpu.memory_space<semaphore_mem>>
        %dma_start3A = arith.constant 512 : i32
        %dma_start3A_1736 = tpu.memref_slice %arg4[%dma_start3A] : memref<1024xi32, #tpu.memory_space<vmem>> -> memref<256xi32, #tpu.memory_space<vmem>>
        %dma_start3A_1737 = tpu.memref_slice %arg2[%add3A_127] : memref<819200xi32, #tpu.memory_space<hbm>> -> memref<256xi32, #tpu.memory_space<hbm>>
        %dma_start3A_1738 = arith.constant 512 : i32
        %dma_start3A_1739 = tpu.memref_slice %arg4[%dma_start3A_1738] : memref<1024xi32, #tpu.memory_space<vmem>> -> memref<256xi32, #tpu.memory_space<vmem>>
        %dma_start3A_1740 = tpu.memref_slice %arg2[%add3A_127] : memref<819200xi32, #tpu.memory_space<hbm>> -> memref<256xi32, #tpu.memory_space<hbm>>
        tpu.enqueue_dma source(%dma_start3A_1740 : memref<256xi32, #tpu.memory_space<hbm>>) target(%dma_start3A_1739 : memref<256xi32, #tpu.memory_space<vmem>>) target_semaphore(%run_scoped3A : memref<!tpu.dma_semaphore, #tpu.memory_space<semaphore_mem>>)
        %dma_wait3A = arith.constant 512 : i32
        %dma_wait3A_1741 = tpu.memref_slice %arg4[%dma_wait3A] : memref<1024xi32, #tpu.memory_space<vmem>> -> memref<256xi32, #tpu.memory_space<vmem>>
        %dma_wait3A_1742 = tpu.memref_slice %arg2[%add3A_127] : memref<819200xi32, #tpu.memory_space<hbm>> -> memref<256xi32, #tpu.memory_space<hbm>>
        %dma_wait3A_1743 = arith.constant 512 : i32
        %dma_wait3A_1744 = tpu.memref_slice %arg4[%dma_wait3A_1743] : memref<1024xi32, #tpu.memory_space<vmem>> -> memref<256xi32, #tpu.memory_space<vmem>>
        %dma_wait3A_1745 = tpu.memref_slice %arg2[%add3A_127] : memref<819200xi32, #tpu.memory_space<hbm>> -> memref<256xi32, #tpu.memory_space<hbm>>
        tpu.wait_dma2 semaphore(%run_scoped3A : memref<!tpu.dma_semaphore, #tpu.memory_space<semaphore_mem>>) src(%dma_wait3A_1745 : memref<256xi32, #tpu.memory_space<hbm>>) dst(%dma_wait3A_1744 : memref<256xi32, #tpu.memory_space<vmem>>)
        tpu.yield
      }) : () -> ()
      %mul3A_128 = arith.constant 204800 : i32
      %mul3A_129 = arith.muli %select_n3A, %mul3A_128 : i32
      %mul3A_130 = arith.constant 4096 : i32
      %mul3A_131 = arith.muli %select_n3A_73, %mul3A_130 : i32
      %add3A_132 = arith.addi %mul3A_129, %mul3A_131 : i32
      %add3A_133 = arith.constant 3072 : i32
      %add3A_134 = arith.addi %add3A_132, %add3A_133 : i32
      %mul3A_135 = arith.constant 256 : i32
      %mul3A_136 = arith.muli %select_n3A_89, %mul3A_135 : i32
      %add3A_137 = arith.addi %add3A_134, %mul3A_136 : i32
      "tpu.region"() ({
        %run_scoped3A = tpu.sem_alloc : memref<!tpu.dma_semaphore, #tpu.memory_space<semaphore_mem>>
        %dma_start3A = arith.constant 768 : i32
        %dma_start3A_1736 = tpu.memref_slice %arg4[%dma_start3A] : memref<1024xi32, #tpu.memory_space<vmem>> -> memref<256xi32, #tpu.memory_space<vmem>>
        %dma_start3A_1737 = tpu.memref_slice %arg2[%add3A_137] : memref<819200xi32, #tpu.memory_space<hbm>> -> memref<256xi32, #tpu.memory_space<hbm>>
        %dma_start3A_1738 = arith.constant 768 : i32
        %dma_start3A_1739 = tpu.memref_slice %arg4[%dma_start3A_1738] : memref<1024xi32, #tpu.memory_space<vmem>> -> memref<256xi32, #tpu.memory_space<vmem>>
        %dma_start3A_1740 = tpu.memref_slice %arg2[%add3A_137] : memref<819200xi32, #tpu.memory_space<hbm>> -> memref<256xi32, #tpu.memory_space<hbm>>
        tpu.enqueue_dma source(%dma_start3A_1740 : memref<256xi32, #tpu.memory_space<hbm>>) target(%dma_start3A_1739 : memref<256xi32, #tpu.memory_space<vmem>>) target_semaphore(%run_scoped3A : memref<!tpu.dma_semaphore, #tpu.memory_space<semaphore_mem>>)
        %dma_wait3A = arith.constant 768 : i32
        %dma_wait3A_1741 = tpu.memref_slice %arg4[%dma_wait3A] : memref<1024xi32, #tpu.memory_space<vmem>> -> memref<256xi32, #tpu.memory_space<vmem>>
        %dma_wait3A_1742 = tpu.memref_slice %arg2[%add3A_137] : memref<819200xi32, #tpu.memory_space<hbm>> -> memref<256xi32, #tpu.memory_space<hbm>>
        %dma_wait3A_1743 = arith.constant 768 : i32
        %dma_wait3A_1744 = tpu.memref_slice %arg4[%dma_wait3A_1743] : memref<1024xi32, #tpu.memory_space<vmem>> -> memref<256xi32, #tpu.memory_space<vmem>>
        %dma_wait3A_1745 = tpu.memref_slice %arg2[%add3A_137] : memref<819200xi32, #tpu.memory_space<hbm>> -> memref<256xi32, #tpu.memory_space<hbm>>
        tpu.wait_dma2 semaphore(%run_scoped3A : memref<!tpu.dma_semaphore, #tpu.memory_space<semaphore_mem>>) src(%dma_wait3A_1745 : memref<256xi32, #tpu.memory_space<hbm>>) dst(%dma_wait3A_1744 : memref<256xi32, #tpu.memory_space<vmem>>)
        tpu.yield
      }) : () -> ()
      %get3A = arith.constant 0 : index
      %get3A_138 = tpu.vector_load %arg4[%get3A] {strides = array<i32>} : memref<1024xi32, #tpu.memory_space<vmem>>, vector<16xi32>,
      %and3A_139 = arith.constant 32767 : i32
      %and3A_140 = vector.broadcast %and3A_139 : i32 to vector<16xi32>
      %and3A_141 = arith.andi %get3A_138, %and3A_140 : vector<16xi32>
      %sub3A_142 = arith.subi %get3A_138, %and3A_141 : vector<16xi32>
      %and3A_143 = arith.constant 8191 : i32
      %and3A_144 = vector.broadcast %and3A_143 : i32 to vector<16xi32>
      %and3A_145 = arith.andi %and3A_141, %and3A_144 : vector<16xi32>
      %shift_left3A_146 = arith.constant 2 : i32
      %shift_left3A_147 = vector.broadcast %shift_left3A_146 : i32 to vector<16xi32>
      %shift_left3A_148 = arith.shli %and3A_145, %shift_left3A_147 : vector<16xi32>
      %add3A_149 = arith.addi %sub3A_142, %shift_left3A_148 : vector<16xi32>
      %shift_right_arithmetic3A_150 = arith.constant 13 : i32
      %shift_right_arithmetic3A_151 = vector.broadcast %shift_right_arithmetic3A_150 : i32 to vector<16xi32>
      %shift_right_arithmetic3A_152 = arith.shrsi %and3A_141, %shift_right_arithmetic3A_151 : vector<16xi32>
      %add3A_153 = arith.addi %add3A_149, %shift_right_arithmetic3A_152 : vector<16xi32>
      %swap3A = arith.constant 0 : index
      %swap3A_154 = tpu.vector_load %arg5[%swap3A] {strides = array<i32>} : memref<1024xi32, #tpu.memory_space<vmem>>, vector<16xi32>,
      tpu.vector_store %arg5[%swap3A], %add3A_153 {strides = array<i32>} : memref<1024xi32, #tpu.memory_space<vmem>>, vector<16xi32>,
      %get3A_155 = arith.constant 16 : index
      %get3A_156 = tpu.vector_load %arg4[%get3A_155] {strides = array<i32>} : memref<1024xi32, #tpu.memory_space<vmem>>, vector<16xi32>,
      %and3A_157 = arith.constant 32767 : i32
      %and3A_158 = vector.broadcast %and3A_157 : i32 to vector<16xi32>
      %and3A_159 = arith.andi %get3A_156, %and3A_158 : vector<16xi32>
      %sub3A_160 = arith.subi %get3A_156, %and3A_159 : vector<16xi32>
      %and3A_161 = arith.constant 8191 : i32
      %and3A_162 = vector.broadcast %and3A_161 : i32 to vector<16xi32>
      %and3A_163 = arith.andi %and3A_159, %and3A_162 : vector<16xi32>
      %shift_left3A_164 = arith.constant 2 : i32
      %shift_left3A_165 = vector.broadcast %shift_left3A_164 : i32 to vector<16xi32>
      %shift_left3A_166 = arith.shli %and3A_163, %shift_left3A_165 : vector<16xi32>
      %add3A_167 = arith.addi %sub3A_160, %shift_left3A_166 : vector<16xi32>
      %shift_right_arithmetic3A_168 = arith.constant 13 : i32
      %shift_right_arithmetic3A_169 = vector.broadcast %shift_right_arithmetic3A_168 : i32 to vector<16xi32>
      %shift_right_arithmetic3A_170 = arith.shrsi %and3A_159, %shift_right_arithmetic3A_169 : vector<16xi32>
      %add3A_171 = arith.addi %add3A_167, %shift_right_arithmetic3A_170 : vector<16xi32>
      %swap3A_172 = arith.constant 16 : index
      %swap3A_173 = tpu.vector_load %arg5[%swap3A_172] {strides = array<i32>} : memref<1024xi32, #tpu.memory_space<vmem>>, vector<16xi32>,
      tpu.vector_store %arg5[%swap3A_172], %add3A_171 {strides = array<i32>} : memref<1024xi32, #tpu.memory_space<vmem>>, vector<16xi32>,
      %get3A_174 = arith.constant 32 : index
      %get3A_175 = tpu.vector_load %arg4[%get3A_174] {strides = array<i32>} : memref<1024xi32, #tpu.memory_space<vmem>>, vector<16xi32>,
      %and3A_176 = arith.constant 32767 : i32
      %and3A_177 = vector.broadcast %and3A_176 : i32 to vector<16xi32>
      %and3A_178 = arith.andi %get3A_175, %and3A_177 : vector<16xi32>
      %sub3A_179 = arith.subi %get3A_175, %and3A_178 : vector<16xi32>
      %and3A_180 = arith.constant 8191 : i32
      %and3A_181 = vector.broadcast %and3A_180 : i32 to vector<16xi32>
      %and3A_182 = arith.andi %and3A_178, %and3A_181 : vector<16xi32>
      %shift_left3A_183 = arith.constant 2 : i32
      %shift_left3A_184 = vector.broadcast %shift_left3A_183 : i32 to vector<16xi32>
      %shift_left3A_185 = arith.shli %and3A_182, %shift_left3A_184 : vector<16xi32>
      %add3A_186 = arith.addi %sub3A_179, %shift_left3A_185 : vector<16xi32>
      %shift_right_arithmetic3A_187 = arith.constant 13 : i32
      %shift_right_arithmetic3A_188 = vector.broadcast %shift_right_arithmetic3A_187 : i32 to vector<16xi32>
      %shift_right_arithmetic3A_189 = arith.shrsi %and3A_178, %shift_right_arithmetic3A_188 : vector<16xi32>
      %add3A_190 = arith.addi %add3A_186, %shift_right_arithmetic3A_189 : vector<16xi32>
      %swap3A_191 = arith.constant 32 : index
      %swap3A_192 = tpu.vector_load %arg5[%swap3A_191] {strides = array<i32>} : memref<1024xi32, #tpu.memory_space<vmem>>, vector<16xi32>,
      tpu.vector_store %arg5[%swap3A_191], %add3A_190 {strides = array<i32>} : memref<1024xi32, #tpu.memory_space<vmem>>, vector<16xi32>,
      %get3A_193 = arith.constant 48 : index
      %get3A_194 = tpu.vector_load %arg4[%get3A_193] {strides = array<i32>} : memref<1024xi32, #tpu.memory_space<vmem>>, vector<16xi32>,
      %and3A_195 = arith.constant 32767 : i32
      %and3A_196 = vector.broadcast %and3A_195 : i32 to vector<16xi32>
      %and3A_197 = arith.andi %get3A_194, %and3A_196 : vector<16xi32>
      %sub3A_198 = arith.subi %get3A_194, %and3A_197 : vector<16xi32>
      %and3A_199 = arith.constant 8191 : i32
      %and3A_200 = vector.broadcast %and3A_199 : i32 to vector<16xi32>
      %and3A_201 = arith.andi %and3A_197, %and3A_200 : vector<16xi32>
      %shift_left3A_202 = arith.constant 2 : i32
      %shift_left3A_203 = vector.broadcast %shift_left3A_202 : i32 to vector<16xi32>
      %shift_left3A_204 = arith.shli %and3A_201, %shift_left3A_203 : vector<16xi32>
      %add3A_205 = arith.addi %sub3A_198, %shift_left3A_204 : vector<16xi32>
      %shift_right_arithmetic3A_206 = arith.constant 13 : i32
      %shift_right_arithmetic3A_207 = vector.broadcast %shift_right_arithmetic3A_206 : i32 to vector<16xi32>
      %shift_right_arithmetic3A_208 = arith.shrsi %and3A_197, %shift_right_arithmetic3A_207 : vector<16xi32>
      %add3A_209 = arith.addi %add3A_205, %shift_right_arithmetic3A_208 : vector<16xi32>
      %swap3A_210 = arith.constant 48 : index
      %swap3A_211 = tpu.vector_load %arg5[%swap3A_210] {strides = array<i32>} : memref<1024xi32, #tpu.memory_space<vmem>>, vector<16xi32>,
      tpu.vector_store %arg5[%swap3A_210], %add3A_209 {strides = array<i32>} : memref<1024xi32, #tpu.memory_space<vmem>>, vector<16xi32>,
      %get3A_212 = arith.constant 64 : index
      %get3A_213 = tpu.vector_load %arg4[%get3A_212] {strides = array<i32>} : memref<1024xi32, #tpu.memory_space<vmem>>, vector<16xi32>,
      %and3A_214 = arith.constant 32767 : i32
      %and3A_215 = vector.broadcast %and3A_214 : i32 to vector<16xi32>
      %and3A_216 = arith.andi %get3A_213, %and3A_215 : vector<16xi32>
      %sub3A_217 = arith.subi %get3A_213, %and3A_216 : vector<16xi32>
      %and3A_218 = arith.constant 8191 : i32
      %and3A_219 = vector.broadcast %and3A_218 : i32 to vector<16xi32>
      %and3A_220 = arith.andi %and3A_216, %and3A_219 : vector<16xi32>
      %shift_left3A_221 = arith.constant 2 : i32
      %shift_left3A_222 = vector.broadcast %shift_left3A_221 : i32 to vector<16xi32>
      %shift_left3A_223 = arith.shli %and3A_220, %shift_left3A_222 : vector<16xi32>
      %add3A_224 = arith.addi %sub3A_217, %shift_left3A_223 : vector<16xi32>
      %shift_right_arithmetic3A_225 = arith.constant 13 : i32
      %shift_right_arithmetic3A_226 = vector.broadcast %shift_right_arithmetic3A_225 : i32 to vector<16xi32>
      %shift_right_arithmetic3A_227 = arith.shrsi %and3A_216, %shift_right_arithmetic3A_226 : vector<16xi32>
      %add3A_228 = arith.addi %add3A_224, %shift_right_arithmetic3A_227 : vector<16xi32>
      %swap3A_229 = arith.constant 64 : index
      %swap3A_230 = tpu.vector_load %arg5[%swap3A_229] {strides = array<i32>} : memref<1024xi32, #tpu.memory_space<vmem>>, vector<16xi32>,
      tpu.vector_store %arg5[%swap3A_229], %add3A_228 {strides = array<i32>} : memref<1024xi32, #tpu.memory_space<vmem>>, vector<16xi32>,
      %get3A_231 = arith.constant 80 : index
      %get3A_232 = tpu.vector_load %arg4[%get3A_231] {strides = array<i32>} : memref<1024xi32, #tpu.memory_space<vmem>>, vector<16xi32>,
      %and3A_233 = arith.constant 32767 : i32
      %and3A_234 = vector.broadcast %and3A_233 : i32 to vector<16xi32>
      %and3A_235 = arith.andi %get3A_232, %and3A_234 : vector<16xi32>
      %sub3A_236 = arith.subi %get3A_232, %and3A_235 : vector<16xi32>
      %and3A_237 = arith.constant 8191 : i32
      %and3A_238 = vector.broadcast %and3A_237 : i32 to vector<16xi32>
      %and3A_239 = arith.andi %and3A_235, %and3A_238 : vector<16xi32>
      %shift_left3A_240 = arith.constant 2 : i32
      %shift_left3A_241 = vector.broadcast %shift_left3A_240 : i32 to vector<16xi32>
      %shift_left3A_242 = arith.shli %and3A_239, %shift_left3A_241 : vector<16xi32>
      %add3A_243 = arith.addi %sub3A_236, %shift_left3A_242 : vector<16xi32>
      %shift_right_arithmetic3A_244 = arith.constant 13 : i32
      %shift_right_arithmetic3A_245 = vector.broadcast %shift_right_arithmetic3A_244 : i32 to vector<16xi32>
      %shift_right_arithmetic3A_246 = arith.shrsi %and3A_235, %shift_right_arithmetic3A_245 : vector<16xi32>
      %add3A_247 = arith.addi %add3A_243, %shift_right_arithmetic3A_246 : vector<16xi32>
      %swap3A_248 = arith.constant 80 : index
      %swap3A_249 = tpu.vector_load %arg5[%swap3A_248] {strides = array<i32>} : memref<1024xi32, #tpu.memory_space<vmem>>, vector<16xi32>,
      tpu.vector_store %arg5[%swap3A_248], %add3A_247 {strides = array<i32>} : memref<1024xi32, #tpu.memory_space<vmem>>, vector<16xi32>,
      %get3A_250 = arith.constant 96 : index
      %get3A_251 = tpu.vector_load %arg4[%get3A_250] {strides = array<i32>} : memref<1024xi32, #tpu.memory_space<vmem>>, vector<16xi32>,
      %and3A_252 = arith.constant 32767 : i32
      %and3A_253 = vector.broadcast %and3A_252 : i32 to vector<16xi32>
      %and3A_254 = arith.andi %get3A_251, %and3A_253 : vector<16xi32>
      %sub3A_255 = arith.subi %get3A_251, %and3A_254 : vector<16xi32>
      %and3A_256 = arith.constant 8191 : i32
      %and3A_257 = vector.broadcast %and3A_256 : i32 to vector<16xi32>
      %and3A_258 = arith.andi %and3A_254, %and3A_257 : vector<16xi32>
      %shift_left3A_259 = arith.constant 2 : i32
      %shift_left3A_260 = vector.broadcast %shift_left3A_259 : i32 to vector<16xi32>
      %shift_left3A_261 = arith.shli %and3A_258, %shift_left3A_260 : vector<16xi32>
      %add3A_262 = arith.addi %sub3A_255, %shift_left3A_261 : vector<16xi32>
      %shift_right_arithmetic3A_263 = arith.constant 13 : i32
      %shift_right_arithmetic3A_264 = vector.broadcast %shift_right_arithmetic3A_263 : i32 to vector<16xi32>
      %shift_right_arithmetic3A_265 = arith.shrsi %and3A_254, %shift_right_arithmetic3A_264 : vector<16xi32>
      %add3A_266 = arith.addi %add3A_262, %shift_right_arithmetic3A_265 : vector<16xi32>
      %swap3A_267 = arith.constant 96 : index
      %swap3A_268 = tpu.vector_load %arg5[%swap3A_267] {strides = array<i32>} : memref<1024xi32, #tpu.memory_space<vmem>>, vector<16xi32>,
      tpu.vector_store %arg5[%swap3A_267], %add3A_266 {strides = array<i32>} : memref<1024xi32, #tpu.memory_space<vmem>>, vector<16xi32>,
      %get3A_269 = arith.constant 112 : index
      %get3A_270 = tpu.vector_load %arg4[%get3A_269] {strides = array<i32>} : memref<1024xi32, #tpu.memory_space<vmem>>, vector<16xi32>,
      %and3A_271 = arith.constant 32767 : i32
      %and3A_272 = vector.broadcast %and3A_271 : i32 to vector<16xi32>
      %and3A_273 = arith.andi %get3A_270, %and3A_272 : vector<16xi32>
      %sub3A_274 = arith.subi %get3A_270, %and3A_273 : vector<16xi32>
      %and3A_275 = arith.constant 8191 : i32
      %and3A_276 = vector.broadcast %and3A_275 : i32 to vector<16xi32>
      %and3A_277 = arith.andi %and3A_273, %and3A_276 : vector<16xi32>
      %shift_left3A_278 = arith.constant 2 : i32
      %shift_left3A_279 = vector.broadcast %shift_left3A_278 : i32 to vector<16xi32>
      %shift_left3A_280 = arith.shli %and3A_277, %shift_left3A_279 : vector<16xi32>
      %add3A_281 = arith.addi %sub3A_274, %shift_left3A_280 : vector<16xi32>
      %shift_right_arithmetic3A_282 = arith.constant 13 : i32
      %shift_right_arithmetic3A_283 = vector.broadcast %shift_right_arithmetic3A_282 : i32 to vector<16xi32>
      %shift_right_arithmetic3A_284 = arith.shrsi %and3A_273, %shift_right_arithmetic3A_283 : vector<16xi32>
      %add3A_285 = arith.addi %add3A_281, %shift_right_arithmetic3A_284 : vector<16xi32>
      %swap3A_286 = arith.constant 112 : index
      %swap3A_287 = tpu.vector_load %arg5[%swap3A_286] {strides = array<i32>} : memref<1024xi32, #tpu.memory_space<vmem>>, vector<16xi32>,
      tpu.vector_store %arg5[%swap3A_286], %add3A_285 {strides = array<i32>} : memref<1024xi32, #tpu.memory_space<vmem>>, vector<16xi32>,
      %get3A_288 = arith.constant 128 : index
      %get3A_289 = tpu.vector_load %arg4[%get3A_288] {strides = array<i32>} : memref<1024xi32, #tpu.memory_space<vmem>>, vector<16xi32>,
      %and3A_290 = arith.constant 32767 : i32
      %and3A_291 = vector.broadcast %and3A_290 : i32 to vector<16xi32>
      %and3A_292 = arith.andi %get3A_289, %and3A_291 : vector<16xi32>
      %sub3A_293 = arith.subi %get3A_289, %and3A_292 : vector<16xi32>
      %and3A_294 = arith.constant 8191 : i32
      %and3A_295 = vector.broadcast %and3A_294 : i32 to vector<16xi32>
      %and3A_296 = arith.andi %and3A_292, %and3A_295 : vector<16xi32>
      %shift_left3A_297 = arith.constant 2 : i32
      %shift_left3A_298 = vector.broadcast %shift_left3A_297 : i32 to vector<16xi32>
      %shift_left3A_299 = arith.shli %and3A_296, %shift_left3A_298 : vector<16xi32>
      %add3A_300 = arith.addi %sub3A_293, %shift_left3A_299 : vector<16xi32>
      %shift_right_arithmetic3A_301 = arith.constant 13 : i32
      %shift_right_arithmetic3A_302 = vector.broadcast %shift_right_arithmetic3A_301 : i32 to vector<16xi32>
      %shift_right_arithmetic3A_303 = arith.shrsi %and3A_292, %shift_right_arithmetic3A_302 : vector<16xi32>
      %add3A_304 = arith.addi %add3A_300, %shift_right_arithmetic3A_303 : vector<16xi32>
      %swap3A_305 = arith.constant 128 : index
      %swap3A_306 = tpu.vector_load %arg5[%swap3A_305] {strides = array<i32>} : memref<1024xi32, #tpu.memory_space<vmem>>, vector<16xi32>,
      tpu.vector_store %arg5[%swap3A_305], %add3A_304 {strides = array<i32>} : memref<1024xi32, #tpu.memory_space<vmem>>, vector<16xi32>,
      %get3A_307 = arith.constant 144 : index
      %get3A_308 = tpu.vector_load %arg4[%get3A_307] {strides = array<i32>} : memref<1024xi32, #tpu.memory_space<vmem>>, vector<16xi32>,
      %and3A_309 = arith.constant 32767 : i32
      %and3A_310 = vector.broadcast %and3A_309 : i32 to vector<16xi32>
      %and3A_311 = arith.andi %get3A_308, %and3A_310 : vector<16xi32>
      %sub3A_312 = arith.subi %get3A_308, %and3A_311 : vector<16xi32>
      %and3A_313 = arith.constant 8191 : i32
      %and3A_314 = vector.broadcast %and3A_313 : i32 to vector<16xi32>
      %and3A_315 = arith.andi %and3A_311, %and3A_314 : vector<16xi32>
      %shift_left3A_316 = arith.constant 2 : i32
      %shift_left3A_317 = vector.broadcast %shift_left3A_316 : i32 to vector<16xi32>
      %shift_left3A_318 = arith.shli %and3A_315, %shift_left3A_317 : vector<16xi32>
      %add3A_319 = arith.addi %sub3A_312, %shift_left3A_318 : vector<16xi32>
      %shift_right_arithmetic3A_320 = arith.constant 13 : i32
      %shift_right_arithmetic3A_321 = vector.broadcast %shift_right_arithmetic3A_320 : i32 to vector<16xi32>
      %shift_right_arithmetic3A_322 = arith.shrsi %and3A_311, %shift_right_arithmetic3A_321 : vector<16xi32>
      %add3A_323 = arith.addi %add3A_319, %shift_right_arithmetic3A_322 : vector<16xi32>
      %swap3A_324 = arith.constant 144 : index
      %swap3A_325 = tpu.vector_load %arg5[%swap3A_324] {strides = array<i32>} : memref<1024xi32, #tpu.memory_space<vmem>>, vector<16xi32>,
      tpu.vector_store %arg5[%swap3A_324], %add3A_323 {strides = array<i32>} : memref<1024xi32, #tpu.memory_space<vmem>>, vector<16xi32>,
      %get3A_326 = arith.constant 160 : index
      %get3A_327 = tpu.vector_load %arg4[%get3A_326] {strides = array<i32>} : memref<1024xi32, #tpu.memory_space<vmem>>, vector<16xi32>,
      %and3A_328 = arith.constant 32767 : i32
      %and3A_329 = vector.broadcast %and3A_328 : i32 to vector<16xi32>
      %and3A_330 = arith.andi %get3A_327, %and3A_329 : vector<16xi32>
      %sub3A_331 = arith.subi %get3A_327, %and3A_330 : vector<16xi32>
      %and3A_332 = arith.constant 8191 : i32
      %and3A_333 = vector.broadcast %and3A_332 : i32 to vector<16xi32>
      %and3A_334 = arith.andi %and3A_330, %and3A_333 : vector<16xi32>
      %shift_left3A_335 = arith.constant 2 : i32
      %shift_left3A_336 = vector.broadcast %shift_left3A_335 : i32 to vector<16xi32>
      %shift_left3A_337 = arith.shli %and3A_334, %shift_left3A_336 : vector<16xi32>
      %add3A_338 = arith.addi %sub3A_331, %shift_left3A_337 : vector<16xi32>
      %shift_right_arithmetic3A_339 = arith.constant 13 : i32
      %shift_right_arithmetic3A_340 = vector.broadcast %shift_right_arithmetic3A_339 : i32 to vector<16xi32>
      %shift_right_arithmetic3A_341 = arith.shrsi %and3A_330, %shift_right_arithmetic3A_340 : vector<16xi32>
      %add3A_342 = arith.addi %add3A_338, %shift_right_arithmetic3A_341 : vector<16xi32>
      %swap3A_343 = arith.constant 160 : index
      %swap3A_344 = tpu.vector_load %arg5[%swap3A_343] {strides = array<i32>} : memref<1024xi32, #tpu.memory_space<vmem>>, vector<16xi32>,
      tpu.vector_store %arg5[%swap3A_343], %add3A_342 {strides = array<i32>} : memref<1024xi32, #tpu.memory_space<vmem>>, vector<16xi32>,
      %get3A_345 = arith.constant 176 : index
      %get3A_346 = tpu.vector_load %arg4[%get3A_345] {strides = array<i32>} : memref<1024xi32, #tpu.memory_space<vmem>>, vector<16xi32>,
      %and3A_347 = arith.constant 32767 : i32
      %and3A_348 = vector.broadcast %and3A_347 : i32 to vector<16xi32>
      %and3A_349 = arith.andi %get3A_346, %and3A_348 : vector<16xi32>
      %sub3A_350 = arith.subi %get3A_346, %and3A_349 : vector<16xi32>
      %and3A_351 = arith.constant 8191 : i32
      %and3A_352 = vector.broadcast %and3A_351 : i32 to vector<16xi32>
      %and3A_353 = arith.andi %and3A_349, %and3A_352 : vector<16xi32>
      %shift_left3A_354 = arith.constant 2 : i32
      %shift_left3A_355 = vector.broadcast %shift_left3A_354 : i32 to vector<16xi32>
      %shift_left3A_356 = arith.shli %and3A_353, %shift_left3A_355 : vector<16xi32>
      %add3A_357 = arith.addi %sub3A_350, %shift_left3A_356 : vector<16xi32>
      %shift_right_arithmetic3A_358 = arith.constant 13 : i32
      %shift_right_arithmetic3A_359 = vector.broadcast %shift_right_arithmetic3A_358 : i32 to vector<16xi32>
      %shift_right_arithmetic3A_360 = arith.shrsi %and3A_349, %shift_right_arithmetic3A_359 : vector<16xi32>
      %add3A_361 = arith.addi %add3A_357, %shift_right_arithmetic3A_360 : vector<16xi32>
      %swap3A_362 = arith.constant 176 : index
      %swap3A_363 = tpu.vector_load %arg5[%swap3A_362] {strides = array<i32>} : memref<1024xi32, #tpu.memory_space<vmem>>, vector<16xi32>,
      tpu.vector_store %arg5[%swap3A_362], %add3A_361 {strides = array<i32>} : memref<1024xi32, #tpu.memory_space<vmem>>, vector<16xi32>,
      %get3A_364 = arith.constant 192 : index
      %get3A_365 = tpu.vector_load %arg4[%get3A_364] {strides = array<i32>} : memref<1024xi32, #tpu.memory_space<vmem>>, vector<16xi32>,
      %and3A_366 = arith.constant 32767 : i32
      %and3A_367 = vector.broadcast %and3A_366 : i32 to vector<16xi32>
      %and3A_368 = arith.andi %get3A_365, %and3A_367 : vector<16xi32>
      %sub3A_369 = arith.subi %get3A_365, %and3A_368 : vector<16xi32>
      %and3A_370 = arith.constant 8191 : i32
      %and3A_371 = vector.broadcast %and3A_370 : i32 to vector<16xi32>
      %and3A_372 = arith.andi %and3A_368, %and3A_371 : vector<16xi32>
      %shift_left3A_373 = arith.constant 2 : i32
      %shift_left3A_374 = vector.broadcast %shift_left3A_373 : i32 to vector<16xi32>
      %shift_left3A_375 = arith.shli %and3A_372, %shift_left3A_374 : vector<16xi32>
      %add3A_376 = arith.addi %sub3A_369, %shift_left3A_375 : vector<16xi32>
      %shift_right_arithmetic3A_377 = arith.constant 13 : i32
      %shift_right_arithmetic3A_378 = vector.broadcast %shift_right_arithmetic3A_377 : i32 to vector<16xi32>
      %shift_right_arithmetic3A_379 = arith.shrsi %and3A_368, %shift_right_arithmetic3A_378 : vector<16xi32>
      %add3A_380 = arith.addi %add3A_376, %shift_right_arithmetic3A_379 : vector<16xi32>
      %swap3A_381 = arith.constant 192 : index
      %swap3A_382 = tpu.vector_load %arg5[%swap3A_381] {strides = array<i32>} : memref<1024xi32, #tpu.memory_space<vmem>>, vector<16xi32>,
      tpu.vector_store %arg5[%swap3A_381], %add3A_380 {strides = array<i32>} : memref<1024xi32, #tpu.memory_space<vmem>>, vector<16xi32>,
      %get3A_383 = arith.constant 208 : index
      %get3A_384 = tpu.vector_load %arg4[%get3A_383] {strides = array<i32>} : memref<1024xi32, #tpu.memory_space<vmem>>, vector<16xi32>,
      %and3A_385 = arith.constant 32767 : i32
      %and3A_386 = vector.broadcast %and3A_385 : i32 to vector<16xi32>
      %and3A_387 = arith.andi %get3A_384, %and3A_386 : vector<16xi32>
      %sub3A_388 = arith.subi %get3A_384, %and3A_387 : vector<16xi32>
      %and3A_389 = arith.constant 8191 : i32
      %and3A_390 = vector.broadcast %and3A_389 : i32 to vector<16xi32>
      %and3A_391 = arith.andi %and3A_387, %and3A_390 : vector<16xi32>
      %shift_left3A_392 = arith.constant 2 : i32
      %shift_left3A_393 = vector.broadcast %shift_left3A_392 : i32 to vector<16xi32>
      %shift_left3A_394 = arith.shli %and3A_391, %shift_left3A_393 : vector<16xi32>
      %add3A_395 = arith.addi %sub3A_388, %shift_left3A_394 : vector<16xi32>
      %shift_right_arithmetic3A_396 = arith.constant 13 : i32
      %shift_right_arithmetic3A_397 = vector.broadcast %shift_right_arithmetic3A_396 : i32 to vector<16xi32>
      %shift_right_arithmetic3A_398 = arith.shrsi %and3A_387, %shift_right_arithmetic3A_397 : vector<16xi32>
      %add3A_399 = arith.addi %add3A_395, %shift_right_arithmetic3A_398 : vector<16xi32>
      %swap3A_400 = arith.constant 208 : index
      %swap3A_401 = tpu.vector_load %arg5[%swap3A_400] {strides = array<i32>} : memref<1024xi32, #tpu.memory_space<vmem>>, vector<16xi32>,
      tpu.vector_store %arg5[%swap3A_400], %add3A_399 {strides = array<i32>} : memref<1024xi32, #tpu.memory_space<vmem>>, vector<16xi32>,
      %get3A_402 = arith.constant 224 : index
      %get3A_403 = tpu.vector_load %arg4[%get3A_402] {strides = array<i32>} : memref<1024xi32, #tpu.memory_space<vmem>>, vector<16xi32>,
      %and3A_404 = arith.constant 32767 : i32
      %and3A_405 = vector.broadcast %and3A_404 : i32 to vector<16xi32>
      %and3A_406 = arith.andi %get3A_403, %and3A_405 : vector<16xi32>
      %sub3A_407 = arith.subi %get3A_403, %and3A_406 : vector<16xi32>
      %and3A_408 = arith.constant 8191 : i32
      %and3A_409 = vector.broadcast %and3A_408 : i32 to vector<16xi32>
      %and3A_410 = arith.andi %and3A_406, %and3A_409 : vector<16xi32>
      %shift_left3A_411 = arith.constant 2 : i32
      %shift_left3A_412 = vector.broadcast %shift_left3A_411 : i32 to vector<16xi32>
      %shift_left3A_413 = arith.shli %and3A_410, %shift_left3A_412 : vector<16xi32>
      %add3A_414 = arith.addi %sub3A_407, %shift_left3A_413 : vector<16xi32>
      %shift_right_arithmetic3A_415 = arith.constant 13 : i32
      %shift_right_arithmetic3A_416 = vector.broadcast %shift_right_arithmetic3A_415 : i32 to vector<16xi32>
      %shift_right_arithmetic3A_417 = arith.shrsi %and3A_406, %shift_right_arithmetic3A_416 : vector<16xi32>
      %add3A_418 = arith.addi %add3A_414, %shift_right_arithmetic3A_417 : vector<16xi32>
      %swap3A_419 = arith.constant 224 : index
      %swap3A_420 = tpu.vector_load %arg5[%swap3A_419] {strides = array<i32>} : memref<1024xi32, #tpu.memory_space<vmem>>, vector<16xi32>,
      tpu.vector_store %arg5[%swap3A_419], %add3A_418 {strides = array<i32>} : memref<1024xi32, #tpu.memory_space<vmem>>, vector<16xi32>,
      %get3A_421 = arith.constant 240 : index
      %get3A_422 = tpu.vector_load %arg4[%get3A_421] {strides = array<i32>} : memref<1024xi32, #tpu.memory_space<vmem>>, vector<16xi32>,
      %and3A_423 = arith.constant 32767 : i32
      %and3A_424 = vector.broadcast %and3A_423 : i32 to vector<16xi32>
      %and3A_425 = arith.andi %get3A_422, %and3A_424 : vector<16xi32>
      %sub3A_426 = arith.subi %get3A_422, %and3A_425 : vector<16xi32>
      %and3A_427 = arith.constant 8191 : i32
      %and3A_428 = vector.broadcast %and3A_427 : i32 to vector<16xi32>
      %and3A_429 = arith.andi %and3A_425, %and3A_428 : vector<16xi32>
      %shift_left3A_430 = arith.constant 2 : i32
      %shift_left3A_431 = vector.broadcast %shift_left3A_430 : i32 to vector<16xi32>
      %shift_left3A_432 = arith.shli %and3A_429, %shift_left3A_431 : vector<16xi32>
      %add3A_433 = arith.addi %sub3A_426, %shift_left3A_432 : vector<16xi32>
      %shift_right_arithmetic3A_434 = arith.constant 13 : i32
      %shift_right_arithmetic3A_435 = vector.broadcast %shift_right_arithmetic3A_434 : i32 to vector<16xi32>
      %shift_right_arithmetic3A_436 = arith.shrsi %and3A_425, %shift_right_arithmetic3A_435 : vector<16xi32>
      %add3A_437 = arith.addi %add3A_433, %shift_right_arithmetic3A_436 : vector<16xi32>
      %swap3A_438 = arith.constant 240 : index
      %swap3A_439 = tpu.vector_load %arg5[%swap3A_438] {strides = array<i32>} : memref<1024xi32, #tpu.memory_space<vmem>>, vector<16xi32>,
      tpu.vector_store %arg5[%swap3A_438], %add3A_437 {strides = array<i32>} : memref<1024xi32, #tpu.memory_space<vmem>>, vector<16xi32>,
      %get3A_440 = arith.constant 256 : index
      %get3A_441 = tpu.vector_load %arg4[%get3A_440] {strides = array<i32>} : memref<1024xi32, #tpu.memory_space<vmem>>, vector<16xi32>,
      %and3A_442 = arith.constant 32767 : i32
      %and3A_443 = vector.broadcast %and3A_442 : i32 to vector<16xi32>
      %and3A_444 = arith.andi %get3A_441, %and3A_443 : vector<16xi32>
      %sub3A_445 = arith.subi %get3A_441, %and3A_444 : vector<16xi32>
      %and3A_446 = arith.constant 8191 : i32
      %and3A_447 = vector.broadcast %and3A_446 : i32 to vector<16xi32>
      %and3A_448 = arith.andi %and3A_444, %and3A_447 : vector<16xi32>
      %shift_left3A_449 = arith.constant 2 : i32
      %shift_left3A_450 = vector.broadcast %shift_left3A_449 : i32 to vector<16xi32>
      %shift_left3A_451 = arith.shli %and3A_448, %shift_left3A_450 : vector<16xi32>
      %add3A_452 = arith.addi %sub3A_445, %shift_left3A_451 : vector<16xi32>
      %shift_right_arithmetic3A_453 = arith.constant 13 : i32
      %shift_right_arithmetic3A_454 = vector.broadcast %shift_right_arithmetic3A_453 : i32 to vector<16xi32>
      %shift_right_arithmetic3A_455 = arith.shrsi %and3A_444, %shift_right_arithmetic3A_454 : vector<16xi32>
      %add3A_456 = arith.addi %add3A_452, %shift_right_arithmetic3A_455 : vector<16xi32>
      %swap3A_457 = arith.constant 256 : index
      %swap3A_458 = tpu.vector_load %arg5[%swap3A_457] {strides = array<i32>} : memref<1024xi32, #tpu.memory_space<vmem>>, vector<16xi32>,
      tpu.vector_store %arg5[%swap3A_457], %add3A_456 {strides = array<i32>} : memref<1024xi32, #tpu.memory_space<vmem>>, vector<16xi32>,
      %get3A_459 = arith.constant 272 : index
      %get3A_460 = tpu.vector_load %arg4[%get3A_459] {strides = array<i32>} : memref<1024xi32, #tpu.memory_space<vmem>>, vector<16xi32>,
      %and3A_461 = arith.constant 32767 : i32
      %and3A_462 = vector.broadcast %and3A_461 : i32 to vector<16xi32>
      %and3A_463 = arith.andi %get3A_460, %and3A_462 : vector<16xi32>
      %sub3A_464 = arith.subi %get3A_460, %and3A_463 : vector<16xi32>
      %and3A_465 = arith.constant 8191 : i32
      %and3A_466 = vector.broadcast %and3A_465 : i32 to vector<16xi32>
      %and3A_467 = arith.andi %and3A_463, %and3A_466 : vector<16xi32>
      %shift_left3A_468 = arith.constant 2 : i32
      %shift_left3A_469 = vector.broadcast %shift_left3A_468 : i32 to vector<16xi32>
      %shift_left3A_470 = arith.shli %and3A_467, %shift_left3A_469 : vector<16xi32>
      %add3A_471 = arith.addi %sub3A_464, %shift_left3A_470 : vector<16xi32>
      %shift_right_arithmetic3A_472 = arith.constant 13 : i32
      %shift_right_arithmetic3A_473 = vector.broadcast %shift_right_arithmetic3A_472 : i32 to vector<16xi32>
      %shift_right_arithmetic3A_474 = arith.shrsi %and3A_463, %shift_right_arithmetic3A_473 : vector<16xi32>
      %add3A_475 = arith.addi %add3A_471, %shift_right_arithmetic3A_474 : vector<16xi32>
      %swap3A_476 = arith.constant 272 : index
      %swap3A_477 = tpu.vector_load %arg5[%swap3A_476] {strides = array<i32>} : memref<1024xi32, #tpu.memory_space<vmem>>, vector<16xi32>,
      tpu.vector_store %arg5[%swap3A_476], %add3A_475 {strides = array<i32>} : memref<1024xi32, #tpu.memory_space<vmem>>, vector<16xi32>,
      %get3A_478 = arith.constant 288 : index
      %get3A_479 = tpu.vector_load %arg4[%get3A_478] {strides = array<i32>} : memref<1024xi32, #tpu.memory_space<vmem>>, vector<16xi32>,
      %and3A_480 = arith.constant 32767 : i32
      %and3A_481 = vector.broadcast %and3A_480 : i32 to vector<16xi32>
      %and3A_482 = arith.andi %get3A_479, %and3A_481 : vector<16xi32>
      %sub3A_483 = arith.subi %get3A_479, %and3A_482 : vector<16xi32>
      %and3A_484 = arith.constant 8191 : i32
      %and3A_485 = vector.broadcast %and3A_484 : i32 to vector<16xi32>
      %and3A_486 = arith.andi %and3A_482, %and3A_485 : vector<16xi32>
      %shift_left3A_487 = arith.constant 2 : i32
      %shift_left3A_488 = vector.broadcast %shift_left3A_487 : i32 to vector<16xi32>
      %shift_left3A_489 = arith.shli %and3A_486, %shift_left3A_488 : vector<16xi32>
      %add3A_490 = arith.addi %sub3A_483, %shift_left3A_489 : vector<16xi32>
      %shift_right_arithmetic3A_491 = arith.constant 13 : i32
      %shift_right_arithmetic3A_492 = vector.broadcast %shift_right_arithmetic3A_491 : i32 to vector<16xi32>
      %shift_right_arithmetic3A_493 = arith.shrsi %and3A_482, %shift_right_arithmetic3A_492 : vector<16xi32>
      %add3A_494 = arith.addi %add3A_490, %shift_right_arithmetic3A_493 : vector<16xi32>
      %swap3A_495 = arith.constant 288 : index
      %swap3A_496 = tpu.vector_load %arg5[%swap3A_495] {strides = array<i32>} : memref<1024xi32, #tpu.memory_space<vmem>>, vector<16xi32>,
      tpu.vector_store %arg5[%swap3A_495], %add3A_494 {strides = array<i32>} : memref<1024xi32, #tpu.memory_space<vmem>>, vector<16xi32>,
      %get3A_497 = arith.constant 304 : index
      %get3A_498 = tpu.vector_load %arg4[%get3A_497] {strides = array<i32>} : memref<1024xi32, #tpu.memory_space<vmem>>, vector<16xi32>,
      %and3A_499 = arith.constant 32767 : i32
      %and3A_500 = vector.broadcast %and3A_499 : i32 to vector<16xi32>
      %and3A_501 = arith.andi %get3A_498, %and3A_500 : vector<16xi32>
      %sub3A_502 = arith.subi %get3A_498, %and3A_501 : vector<16xi32>
      %and3A_503 = arith.constant 8191 : i32
      %and3A_504 = vector.broadcast %and3A_503 : i32 to vector<16xi32>
      %and3A_505 = arith.andi %and3A_501, %and3A_504 : vector<16xi32>
      %shift_left3A_506 = arith.constant 2 : i32
      %shift_left3A_507 = vector.broadcast %shift_left3A_506 : i32 to vector<16xi32>
      %shift_left3A_508 = arith.shli %and3A_505, %shift_left3A_507 : vector<16xi32>
      %add3A_509 = arith.addi %sub3A_502, %shift_left3A_508 : vector<16xi32>
      %shift_right_arithmetic3A_510 = arith.constant 13 : i32
      %shift_right_arithmetic3A_511 = vector.broadcast %shift_right_arithmetic3A_510 : i32 to vector<16xi32>
      %shift_right_arithmetic3A_512 = arith.shrsi %and3A_501, %shift_right_arithmetic3A_511 : vector<16xi32>
      %add3A_513 = arith.addi %add3A_509, %shift_right_arithmetic3A_512 : vector<16xi32>
      %swap3A_514 = arith.constant 304 : index
      %swap3A_515 = tpu.vector_load %arg5[%swap3A_514] {strides = array<i32>} : memref<1024xi32, #tpu.memory_space<vmem>>, vector<16xi32>,
      tpu.vector_store %arg5[%swap3A_514], %add3A_513 {strides = array<i32>} : memref<1024xi32, #tpu.memory_space<vmem>>, vector<16xi32>,
      %get3A_516 = arith.constant 320 : index
      %get3A_517 = tpu.vector_load %arg4[%get3A_516] {strides = array<i32>} : memref<1024xi32, #tpu.memory_space<vmem>>, vector<16xi32>,
      %and3A_518 = arith.constant 32767 : i32
      %and3A_519 = vector.broadcast %and3A_518 : i32 to vector<16xi32>
      %and3A_520 = arith.andi %get3A_517, %and3A_519 : vector<16xi32>
      %sub3A_521 = arith.subi %get3A_517, %and3A_520 : vector<16xi32>
      %and3A_522 = arith.constant 8191 : i32
      %and3A_523 = vector.broadcast %and3A_522 : i32 to vector<16xi32>
      %and3A_524 = arith.andi %and3A_520, %and3A_523 : vector<16xi32>
      %shift_left3A_525 = arith.constant 2 : i32
      %shift_left3A_526 = vector.broadcast %shift_left3A_525 : i32 to vector<16xi32>
      %shift_left3A_527 = arith.shli %and3A_524, %shift_left3A_526 : vector<16xi32>
      %add3A_528 = arith.addi %sub3A_521, %shift_left3A_527 : vector<16xi32>
      %shift_right_arithmetic3A_529 = arith.constant 13 : i32
      %shift_right_arithmetic3A_530 = vector.broadcast %shift_right_arithmetic3A_529 : i32 to vector<16xi32>
      %shift_right_arithmetic3A_531 = arith.shrsi %and3A_520, %shift_right_arithmetic3A_530 : vector<16xi32>
      %add3A_532 = arith.addi %add3A_528, %shift_right_arithmetic3A_531 : vector<16xi32>
      %swap3A_533 = arith.constant 320 : index
      %swap3A_534 = tpu.vector_load %arg5[%swap3A_533] {strides = array<i32>} : memref<1024xi32, #tpu.memory_space<vmem>>, vector<16xi32>,
      tpu.vector_store %arg5[%swap3A_533], %add3A_532 {strides = array<i32>} : memref<1024xi32, #tpu.memory_space<vmem>>, vector<16xi32>,
      %get3A_535 = arith.constant 336 : index
      %get3A_536 = tpu.vector_load %arg4[%get3A_535] {strides = array<i32>} : memref<1024xi32, #tpu.memory_space<vmem>>, vector<16xi32>,
      %and3A_537 = arith.constant 32767 : i32
      %and3A_538 = vector.broadcast %and3A_537 : i32 to vector<16xi32>
      %and3A_539 = arith.andi %get3A_536, %and3A_538 : vector<16xi32>
      %sub3A_540 = arith.subi %get3A_536, %and3A_539 : vector<16xi32>
      %and3A_541 = arith.constant 8191 : i32
      %and3A_542 = vector.broadcast %and3A_541 : i32 to vector<16xi32>
      %and3A_543 = arith.andi %and3A_539, %and3A_542 : vector<16xi32>
      %shift_left3A_544 = arith.constant 2 : i32
      %shift_left3A_545 = vector.broadcast %shift_left3A_544 : i32 to vector<16xi32>
      %shift_left3A_546 = arith.shli %and3A_543, %shift_left3A_545 : vector<16xi32>
      %add3A_547 = arith.addi %sub3A_540, %shift_left3A_546 : vector<16xi32>
      %shift_right_arithmetic3A_548 = arith.constant 13 : i32
      %shift_right_arithmetic3A_549 = vector.broadcast %shift_right_arithmetic3A_548 : i32 to vector<16xi32>
      %shift_right_arithmetic3A_550 = arith.shrsi %and3A_539, %shift_right_arithmetic3A_549 : vector<16xi32>
      %add3A_551 = arith.addi %add3A_547, %shift_right_arithmetic3A_550 : vector<16xi32>
      %swap3A_552 = arith.constant 336 : index
      %swap3A_553 = tpu.vector_load %arg5[%swap3A_552] {strides = array<i32>} : memref<1024xi32, #tpu.memory_space<vmem>>, vector<16xi32>,
      tpu.vector_store %arg5[%swap3A_552], %add3A_551 {strides = array<i32>} : memref<1024xi32, #tpu.memory_space<vmem>>, vector<16xi32>,
      %get3A_554 = arith.constant 352 : index
      %get3A_555 = tpu.vector_load %arg4[%get3A_554] {strides = array<i32>} : memref<1024xi32, #tpu.memory_space<vmem>>, vector<16xi32>,
      %and3A_556 = arith.constant 32767 : i32
      %and3A_557 = vector.broadcast %and3A_556 : i32 to vector<16xi32>
      %and3A_558 = arith.andi %get3A_555, %and3A_557 : vector<16xi32>
      %sub3A_559 = arith.subi %get3A_555, %and3A_558 : vector<16xi32>
      %and3A_560 = arith.constant 8191 : i32
      %and3A_561 = vector.broadcast %and3A_560 : i32 to vector<16xi32>
      %and3A_562 = arith.andi %and3A_558, %and3A_561 : vector<16xi32>
      %shift_left3A_563 = arith.constant 2 : i32
      %shift_left3A_564 = vector.broadcast %shift_left3A_563 : i32 to vector<16xi32>
      %shift_left3A_565 = arith.shli %and3A_562, %shift_left3A_564 : vector<16xi32>
      %add3A_566 = arith.addi %sub3A_559, %shift_left3A_565 : vector<16xi32>
      %shift_right_arithmetic3A_567 = arith.constant 13 : i32
      %shift_right_arithmetic3A_568 = vector.broadcast %shift_right_arithmetic3A_567 : i32 to vector<16xi32>
      %shift_right_arithmetic3A_569 = arith.shrsi %and3A_558, %shift_right_arithmetic3A_568 : vector<16xi32>
      %add3A_570 = arith.addi %add3A_566, %shift_right_arithmetic3A_569 : vector<16xi32>
      %swap3A_571 = arith.constant 352 : index
      %swap3A_572 = tpu.vector_load %arg5[%swap3A_571] {strides = array<i32>} : memref<1024xi32, #tpu.memory_space<vmem>>, vector<16xi32>,
      tpu.vector_store %arg5[%swap3A_571], %add3A_570 {strides = array<i32>} : memref<1024xi32, #tpu.memory_space<vmem>>, vector<16xi32>,
      %get3A_573 = arith.constant 368 : index
      %get3A_574 = tpu.vector_load %arg4[%get3A_573] {strides = array<i32>} : memref<1024xi32, #tpu.memory_space<vmem>>, vector<16xi32>,
      %and3A_575 = arith.constant 32767 : i32
      %and3A_576 = vector.broadcast %and3A_575 : i32 to vector<16xi32>
      %and3A_577 = arith.andi %get3A_574, %and3A_576 : vector<16xi32>
      %sub3A_578 = arith.subi %get3A_574, %and3A_577 : vector<16xi32>
      %and3A_579 = arith.constant 8191 : i32
      %and3A_580 = vector.broadcast %and3A_579 : i32 to vector<16xi32>
      %and3A_581 = arith.andi %and3A_577, %and3A_580 : vector<16xi32>
      %shift_left3A_582 = arith.constant 2 : i32
      %shift_left3A_583 = vector.broadcast %shift_left3A_582 : i32 to vector<16xi32>
      %shift_left3A_584 = arith.shli %and3A_581, %shift_left3A_583 : vector<16xi32>
      %add3A_585 = arith.addi %sub3A_578, %shift_left3A_584 : vector<16xi32>
      %shift_right_arithmetic3A_586 = arith.constant 13 : i32
      %shift_right_arithmetic3A_587 = vector.broadcast %shift_right_arithmetic3A_586 : i32 to vector<16xi32>
      %shift_right_arithmetic3A_588 = arith.shrsi %and3A_577, %shift_right_arithmetic3A_587 : vector<16xi32>
      %add3A_589 = arith.addi %add3A_585, %shift_right_arithmetic3A_588 : vector<16xi32>
      %swap3A_590 = arith.constant 368 : index
      %swap3A_591 = tpu.vector_load %arg5[%swap3A_590] {strides = array<i32>} : memref<1024xi32, #tpu.memory_space<vmem>>, vector<16xi32>,
      tpu.vector_store %arg5[%swap3A_590], %add3A_589 {strides = array<i32>} : memref<1024xi32, #tpu.memory_space<vmem>>, vector<16xi32>,
      %get3A_592 = arith.constant 384 : index
      %get3A_593 = tpu.vector_load %arg4[%get3A_592] {strides = array<i32>} : memref<1024xi32, #tpu.memory_space<vmem>>, vector<16xi32>,
      %and3A_594 = arith.constant 32767 : i32
      %and3A_595 = vector.broadcast %and3A_594 : i32 to vector<16xi32>
      %and3A_596 = arith.andi %get3A_593, %and3A_595 : vector<16xi32>
      %sub3A_597 = arith.subi %get3A_593, %and3A_596 : vector<16xi32>
      %and3A_598 = arith.constant 8191 : i32
      %and3A_599 = vector.broadcast %and3A_598 : i32 to vector<16xi32>
      %and3A_600 = arith.andi %and3A_596, %and3A_599 : vector<16xi32>
      %shift_left3A_601 = arith.constant 2 : i32
      %shift_left3A_602 = vector.broadcast %shift_left3A_601 : i32 to vector<16xi32>
      %shift_left3A_603 = arith.shli %and3A_600, %shift_left3A_602 : vector<16xi32>
      %add3A_604 = arith.addi %sub3A_597, %shift_left3A_603 : vector<16xi32>
      %shift_right_arithmetic3A_605 = arith.constant 13 : i32
      %shift_right_arithmetic3A_606 = vector.broadcast %shift_right_arithmetic3A_605 : i32 to vector<16xi32>
      %shift_right_arithmetic3A_607 = arith.shrsi %and3A_596, %shift_right_arithmetic3A_606 : vector<16xi32>
      %add3A_608 = arith.addi %add3A_604, %shift_right_arithmetic3A_607 : vector<16xi32>
      %swap3A_609 = arith.constant 384 : index
      %swap3A_610 = tpu.vector_load %arg5[%swap3A_609] {strides = array<i32>} : memref<1024xi32, #tpu.memory_space<vmem>>, vector<16xi32>,
      tpu.vector_store %arg5[%swap3A_609], %add3A_608 {strides = array<i32>} : memref<1024xi32, #tpu.memory_space<vmem>>, vector<16xi32>,
      %get3A_611 = arith.constant 400 : index
      %get3A_612 = tpu.vector_load %arg4[%get3A_611] {strides = array<i32>} : memref<1024xi32, #tpu.memory_space<vmem>>, vector<16xi32>,
      %and3A_613 = arith.constant 32767 : i32
      %and3A_614 = vector.broadcast %and3A_613 : i32 to vector<16xi32>
      %and3A_615 = arith.andi %get3A_612, %and3A_614 : vector<16xi32>
      %sub3A_616 = arith.subi %get3A_612, %and3A_615 : vector<16xi32>
      %and3A_617 = arith.constant 8191 : i32
      %and3A_618 = vector.broadcast %and3A_617 : i32 to vector<16xi32>
      %and3A_619 = arith.andi %and3A_615, %and3A_618 : vector<16xi32>
      %shift_left3A_620 = arith.constant 2 : i32
      %shift_left3A_621 = vector.broadcast %shift_left3A_620 : i32 to vector<16xi32>
      %shift_left3A_622 = arith.shli %and3A_619, %shift_left3A_621 : vector<16xi32>
      %add3A_623 = arith.addi %sub3A_616, %shift_left3A_622 : vector<16xi32>
      %shift_right_arithmetic3A_624 = arith.constant 13 : i32
      %shift_right_arithmetic3A_625 = vector.broadcast %shift_right_arithmetic3A_624 : i32 to vector<16xi32>
      %shift_right_arithmetic3A_626 = arith.shrsi %and3A_615, %shift_right_arithmetic3A_625 : vector<16xi32>
      %add3A_627 = arith.addi %add3A_623, %shift_right_arithmetic3A_626 : vector<16xi32>
      %swap3A_628 = arith.constant 400 : index
      %swap3A_629 = tpu.vector_load %arg5[%swap3A_628] {strides = array<i32>} : memref<1024xi32, #tpu.memory_space<vmem>>, vector<16xi32>,
      tpu.vector_store %arg5[%swap3A_628], %add3A_627 {strides = array<i32>} : memref<1024xi32, #tpu.memory_space<vmem>>, vector<16xi32>,
      %get3A_630 = arith.constant 416 : index
      %get3A_631 = tpu.vector_load %arg4[%get3A_630] {strides = array<i32>} : memref<1024xi32, #tpu.memory_space<vmem>>, vector<16xi32>,
      %and3A_632 = arith.constant 32767 : i32
      %and3A_633 = vector.broadcast %and3A_632 : i32 to vector<16xi32>
      %and3A_634 = arith.andi %get3A_631, %and3A_633 : vector<16xi32>
      %sub3A_635 = arith.subi %get3A_631, %and3A_634 : vector<16xi32>
      %and3A_636 = arith.constant 8191 : i32
      %and3A_637 = vector.broadcast %and3A_636 : i32 to vector<16xi32>
      %and3A_638 = arith.andi %and3A_634, %and3A_637 : vector<16xi32>
      %shift_left3A_639 = arith.constant 2 : i32
      %shift_left3A_640 = vector.broadcast %shift_left3A_639 : i32 to vector<16xi32>
      %shift_left3A_641 = arith.shli %and3A_638, %shift_left3A_640 : vector<16xi32>
      %add3A_642 = arith.addi %sub3A_635, %shift_left3A_641 : vector<16xi32>
      %shift_right_arithmetic3A_643 = arith.constant 13 : i32
      %shift_right_arithmetic3A_644 = vector.broadcast %shift_right_arithmetic3A_643 : i32 to vector<16xi32>
      %shift_right_arithmetic3A_645 = arith.shrsi %and3A_634, %shift_right_arithmetic3A_644 : vector<16xi32>
      %add3A_646 = arith.addi %add3A_642, %shift_right_arithmetic3A_645 : vector<16xi32>
      %swap3A_647 = arith.constant 416 : index
      %swap3A_648 = tpu.vector_load %arg5[%swap3A_647] {strides = array<i32>} : memref<1024xi32, #tpu.memory_space<vmem>>, vector<16xi32>,
      tpu.vector_store %arg5[%swap3A_647], %add3A_646 {strides = array<i32>} : memref<1024xi32, #tpu.memory_space<vmem>>, vector<16xi32>,
      %get3A_649 = arith.constant 432 : index
      %get3A_650 = tpu.vector_load %arg4[%get3A_649] {strides = array<i32>} : memref<1024xi32, #tpu.memory_space<vmem>>, vector<16xi32>,
      %and3A_651 = arith.constant 32767 : i32
      %and3A_652 = vector.broadcast %and3A_651 : i32 to vector<16xi32>
      %and3A_653 = arith.andi %get3A_650, %and3A_652 : vector<16xi32>
      %sub3A_654 = arith.subi %get3A_650, %and3A_653 : vector<16xi32>
      %and3A_655 = arith.constant 8191 : i32
      %and3A_656 = vector.broadcast %and3A_655 : i32 to vector<16xi32>
      %and3A_657 = arith.andi %and3A_653, %and3A_656 : vector<16xi32>
      %shift_left3A_658 = arith.constant 2 : i32
      %shift_left3A_659 = vector.broadcast %shift_left3A_658 : i32 to vector<16xi32>
      %shift_left3A_660 = arith.shli %and3A_657, %shift_left3A_659 : vector<16xi32>
      %add3A_661 = arith.addi %sub3A_654, %shift_left3A_660 : vector<16xi32>
      %shift_right_arithmetic3A_662 = arith.constant 13 : i32
      %shift_right_arithmetic3A_663 = vector.broadcast %shift_right_arithmetic3A_662 : i32 to vector<16xi32>
      %shift_right_arithmetic3A_664 = arith.shrsi %and3A_653, %shift_right_arithmetic3A_663 : vector<16xi32>
      %add3A_665 = arith.addi %add3A_661, %shift_right_arithmetic3A_664 : vector<16xi32>
      %swap3A_666 = arith.constant 432 : index
      %swap3A_667 = tpu.vector_load %arg5[%swap3A_666] {strides = array<i32>} : memref<1024xi32, #tpu.memory_space<vmem>>, vector<16xi32>,
      tpu.vector_store %arg5[%swap3A_666], %add3A_665 {strides = array<i32>} : memref<1024xi32, #tpu.memory_space<vmem>>, vector<16xi32>,
      %get3A_668 = arith.constant 448 : index
      %get3A_669 = tpu.vector_load %arg4[%get3A_668] {strides = array<i32>} : memref<1024xi32, #tpu.memory_space<vmem>>, vector<16xi32>,
      %and3A_670 = arith.constant 32767 : i32
      %and3A_671 = vector.broadcast %and3A_670 : i32 to vector<16xi32>
      %and3A_672 = arith.andi %get3A_669, %and3A_671 : vector<16xi32>
      %sub3A_673 = arith.subi %get3A_669, %and3A_672 : vector<16xi32>
      %and3A_674 = arith.constant 8191 : i32
      %and3A_675 = vector.broadcast %and3A_674 : i32 to vector<16xi32>
      %and3A_676 = arith.andi %and3A_672, %and3A_675 : vector<16xi32>
      %shift_left3A_677 = arith.constant 2 : i32
      %shift_left3A_678 = vector.broadcast %shift_left3A_677 : i32 to vector<16xi32>
      %shift_left3A_679 = arith.shli %and3A_676, %shift_left3A_678 : vector<16xi32>
      %add3A_680 = arith.addi %sub3A_673, %shift_left3A_679 : vector<16xi32>
      %shift_right_arithmetic3A_681 = arith.constant 13 : i32
      %shift_right_arithmetic3A_682 = vector.broadcast %shift_right_arithmetic3A_681 : i32 to vector<16xi32>
      %shift_right_arithmetic3A_683 = arith.shrsi %and3A_672, %shift_right_arithmetic3A_682 : vector<16xi32>
      %add3A_684 = arith.addi %add3A_680, %shift_right_arithmetic3A_683 : vector<16xi32>
      %swap3A_685 = arith.constant 448 : index
      %swap3A_686 = tpu.vector_load %arg5[%swap3A_685] {strides = array<i32>} : memref<1024xi32, #tpu.memory_space<vmem>>, vector<16xi32>,
      tpu.vector_store %arg5[%swap3A_685], %add3A_684 {strides = array<i32>} : memref<1024xi32, #tpu.memory_space<vmem>>, vector<16xi32>,
      %get3A_687 = arith.constant 464 : index
      %get3A_688 = tpu.vector_load %arg4[%get3A_687] {strides = array<i32>} : memref<1024xi32, #tpu.memory_space<vmem>>, vector<16xi32>,
      %and3A_689 = arith.constant 32767 : i32
      %and3A_690 = vector.broadcast %and3A_689 : i32 to vector<16xi32>
      %and3A_691 = arith.andi %get3A_688, %and3A_690 : vector<16xi32>
      %sub3A_692 = arith.subi %get3A_688, %and3A_691 : vector<16xi32>
      %and3A_693 = arith.constant 8191 : i32
      %and3A_694 = vector.broadcast %and3A_693 : i32 to vector<16xi32>
      %and3A_695 = arith.andi %and3A_691, %and3A_694 : vector<16xi32>
      %shift_left3A_696 = arith.constant 2 : i32
      %shift_left3A_697 = vector.broadcast %shift_left3A_696 : i32 to vector<16xi32>
      %shift_left3A_698 = arith.shli %and3A_695, %shift_left3A_697 : vector<16xi32>
      %add3A_699 = arith.addi %sub3A_692, %shift_left3A_698 : vector<16xi32>
      %shift_right_arithmetic3A_700 = arith.constant 13 : i32
      %shift_right_arithmetic3A_701 = vector.broadcast %shift_right_arithmetic3A_700 : i32 to vector<16xi32>
      %shift_right_arithmetic3A_702 = arith.shrsi %and3A_691, %shift_right_arithmetic3A_701 : vector<16xi32>
      %add3A_703 = arith.addi %add3A_699, %shift_right_arithmetic3A_702 : vector<16xi32>
      %swap3A_704 = arith.constant 464 : index
      %swap3A_705 = tpu.vector_load %arg5[%swap3A_704] {strides = array<i32>} : memref<1024xi32, #tpu.memory_space<vmem>>, vector<16xi32>,
      tpu.vector_store %arg5[%swap3A_704], %add3A_703 {strides = array<i32>} : memref<1024xi32, #tpu.memory_space<vmem>>, vector<16xi32>,
      %get3A_706 = arith.constant 480 : index
      %get3A_707 = tpu.vector_load %arg4[%get3A_706] {strides = array<i32>} : memref<1024xi32, #tpu.memory_space<vmem>>, vector<16xi32>,
      %and3A_708 = arith.constant 32767 : i32
      %and3A_709 = vector.broadcast %and3A_708 : i32 to vector<16xi32>
      %and3A_710 = arith.andi %get3A_707, %and3A_709 : vector<16xi32>
      %sub3A_711 = arith.subi %get3A_707, %and3A_710 : vector<16xi32>
      %and3A_712 = arith.constant 8191 : i32
      %and3A_713 = vector.broadcast %and3A_712 : i32 to vector<16xi32>
      %and3A_714 = arith.andi %and3A_710, %and3A_713 : vector<16xi32>
      %shift_left3A_715 = arith.constant 2 : i32
      %shift_left3A_716 = vector.broadcast %shift_left3A_715 : i32 to vector<16xi32>
      %shift_left3A_717 = arith.shli %and3A_714, %shift_left3A_716 : vector<16xi32>
      %add3A_718 = arith.addi %sub3A_711, %shift_left3A_717 : vector<16xi32>
      %shift_right_arithmetic3A_719 = arith.constant 13 : i32
      %shift_right_arithmetic3A_720 = vector.broadcast %shift_right_arithmetic3A_719 : i32 to vector<16xi32>
      %shift_right_arithmetic3A_721 = arith.shrsi %and3A_710, %shift_right_arithmetic3A_720 : vector<16xi32>
      %add3A_722 = arith.addi %add3A_718, %shift_right_arithmetic3A_721 : vector<16xi32>
      %swap3A_723 = arith.constant 480 : index
      %swap3A_724 = tpu.vector_load %arg5[%swap3A_723] {strides = array<i32>} : memref<1024xi32, #tpu.memory_space<vmem>>, vector<16xi32>,
      tpu.vector_store %arg5[%swap3A_723], %add3A_722 {strides = array<i32>} : memref<1024xi32, #tpu.memory_space<vmem>>, vector<16xi32>,
      %get3A_725 = arith.constant 496 : index
      %get3A_726 = tpu.vector_load %arg4[%get3A_725] {strides = array<i32>} : memref<1024xi32, #tpu.memory_space<vmem>>, vector<16xi32>,
      %and3A_727 = arith.constant 32767 : i32
      %and3A_728 = vector.broadcast %and3A_727 : i32 to vector<16xi32>
      %and3A_729 = arith.andi %get3A_726, %and3A_728 : vector<16xi32>
      %sub3A_730 = arith.subi %get3A_726, %and3A_729 : vector<16xi32>
      %and3A_731 = arith.constant 8191 : i32
      %and3A_732 = vector.broadcast %and3A_731 : i32 to vector<16xi32>
      %and3A_733 = arith.andi %and3A_729, %and3A_732 : vector<16xi32>
      %shift_left3A_734 = arith.constant 2 : i32
      %shift_left3A_735 = vector.broadcast %shift_left3A_734 : i32 to vector<16xi32>
      %shift_left3A_736 = arith.shli %and3A_733, %shift_left3A_735 : vector<16xi32>
      %add3A_737 = arith.addi %sub3A_730, %shift_left3A_736 : vector<16xi32>
      %shift_right_arithmetic3A_738 = arith.constant 13 : i32
      %shift_right_arithmetic3A_739 = vector.broadcast %shift_right_arithmetic3A_738 : i32 to vector<16xi32>
      %shift_right_arithmetic3A_740 = arith.shrsi %and3A_729, %shift_right_arithmetic3A_739 : vector<16xi32>
      %add3A_741 = arith.addi %add3A_737, %shift_right_arithmetic3A_740 : vector<16xi32>
      %swap3A_742 = arith.constant 496 : index
      %swap3A_743 = tpu.vector_load %arg5[%swap3A_742] {strides = array<i32>} : memref<1024xi32, #tpu.memory_space<vmem>>, vector<16xi32>,
      tpu.vector_store %arg5[%swap3A_742], %add3A_741 {strides = array<i32>} : memref<1024xi32, #tpu.memory_space<vmem>>, vector<16xi32>,
      %get3A_744 = arith.constant 512 : index
      %get3A_745 = tpu.vector_load %arg4[%get3A_744] {strides = array<i32>} : memref<1024xi32, #tpu.memory_space<vmem>>, vector<16xi32>,
      %and3A_746 = arith.constant 32767 : i32
      %and3A_747 = vector.broadcast %and3A_746 : i32 to vector<16xi32>
      %and3A_748 = arith.andi %get3A_745, %and3A_747 : vector<16xi32>
      %sub3A_749 = arith.subi %get3A_745, %and3A_748 : vector<16xi32>
      %and3A_750 = arith.constant 8191 : i32
      %and3A_751 = vector.broadcast %and3A_750 : i32 to vector<16xi32>
      %and3A_752 = arith.andi %and3A_748, %and3A_751 : vector<16xi32>
      %shift_left3A_753 = arith.constant 2 : i32
      %shift_left3A_754 = vector.broadcast %shift_left3A_753 : i32 to vector<16xi32>
      %shift_left3A_755 = arith.shli %and3A_752, %shift_left3A_754 : vector<16xi32>
      %add3A_756 = arith.addi %sub3A_749, %shift_left3A_755 : vector<16xi32>
      %shift_right_arithmetic3A_757 = arith.constant 13 : i32
      %shift_right_arithmetic3A_758 = vector.broadcast %shift_right_arithmetic3A_757 : i32 to vector<16xi32>
      %shift_right_arithmetic3A_759 = arith.shrsi %and3A_748, %shift_right_arithmetic3A_758 : vector<16xi32>
      %add3A_760 = arith.addi %add3A_756, %shift_right_arithmetic3A_759 : vector<16xi32>
      %swap3A_761 = arith.constant 512 : index
      %swap3A_762 = tpu.vector_load %arg5[%swap3A_761] {strides = array<i32>} : memref<1024xi32, #tpu.memory_space<vmem>>, vector<16xi32>,
      tpu.vector_store %arg5[%swap3A_761], %add3A_760 {strides = array<i32>} : memref<1024xi32, #tpu.memory_space<vmem>>, vector<16xi32>,
      %get3A_763 = arith.constant 528 : index
      %get3A_764 = tpu.vector_load %arg4[%get3A_763] {strides = array<i32>} : memref<1024xi32, #tpu.memory_space<vmem>>, vector<16xi32>,
      %and3A_765 = arith.constant 32767 : i32
      %and3A_766 = vector.broadcast %and3A_765 : i32 to vector<16xi32>
      %and3A_767 = arith.andi %get3A_764, %and3A_766 : vector<16xi32>
      %sub3A_768 = arith.subi %get3A_764, %and3A_767 : vector<16xi32>
      %and3A_769 = arith.constant 8191 : i32
      %and3A_770 = vector.broadcast %and3A_769 : i32 to vector<16xi32>
      %and3A_771 = arith.andi %and3A_767, %and3A_770 : vector<16xi32>
      %shift_left3A_772 = arith.constant 2 : i32
      %shift_left3A_773 = vector.broadcast %shift_left3A_772 : i32 to vector<16xi32>
      %shift_left3A_774 = arith.shli %and3A_771, %shift_left3A_773 : vector<16xi32>
      %add3A_775 = arith.addi %sub3A_768, %shift_left3A_774 : vector<16xi32>
      %shift_right_arithmetic3A_776 = arith.constant 13 : i32
      %shift_right_arithmetic3A_777 = vector.broadcast %shift_right_arithmetic3A_776 : i32 to vector<16xi32>
      %shift_right_arithmetic3A_778 = arith.shrsi %and3A_767, %shift_right_arithmetic3A_777 : vector<16xi32>
      %add3A_779 = arith.addi %add3A_775, %shift_right_arithmetic3A_778 : vector<16xi32>
      %swap3A_780 = arith.constant 528 : index
      %swap3A_781 = tpu.vector_load %arg5[%swap3A_780] {strides = array<i32>} : memref<1024xi32, #tpu.memory_space<vmem>>, vector<16xi32>,
      tpu.vector_store %arg5[%swap3A_780], %add3A_779 {strides = array<i32>} : memref<1024xi32, #tpu.memory_space<vmem>>, vector<16xi32>,
      %get3A_782 = arith.constant 544 : index
      %get3A_783 = tpu.vector_load %arg4[%get3A_782] {strides = array<i32>} : memref<1024xi32, #tpu.memory_space<vmem>>, vector<16xi32>,
      %and3A_784 = arith.constant 32767 : i32
      %and3A_785 = vector.broadcast %and3A_784 : i32 to vector<16xi32>
      %and3A_786 = arith.andi %get3A_783, %and3A_785 : vector<16xi32>
      %sub3A_787 = arith.subi %get3A_783, %and3A_786 : vector<16xi32>
      %and3A_788 = arith.constant 8191 : i32
      %and3A_789 = vector.broadcast %and3A_788 : i32 to vector<16xi32>
      %and3A_790 = arith.andi %and3A_786, %and3A_789 : vector<16xi32>
      %shift_left3A_791 = arith.constant 2 : i32
      %shift_left3A_792 = vector.broadcast %shift_left3A_791 : i32 to vector<16xi32>
      %shift_left3A_793 = arith.shli %and3A_790, %shift_left3A_792 : vector<16xi32>
      %add3A_794 = arith.addi %sub3A_787, %shift_left3A_793 : vector<16xi32>
      %shift_right_arithmetic3A_795 = arith.constant 13 : i32
      %shift_right_arithmetic3A_796 = vector.broadcast %shift_right_arithmetic3A_795 : i32 to vector<16xi32>
      %shift_right_arithmetic3A_797 = arith.shrsi %and3A_786, %shift_right_arithmetic3A_796 : vector<16xi32>
      %add3A_798 = arith.addi %add3A_794, %shift_right_arithmetic3A_797 : vector<16xi32>
      %swap3A_799 = arith.constant 544 : index
      %swap3A_800 = tpu.vector_load %arg5[%swap3A_799] {strides = array<i32>} : memref<1024xi32, #tpu.memory_space<vmem>>, vector<16xi32>,
      tpu.vector_store %arg5[%swap3A_799], %add3A_798 {strides = array<i32>} : memref<1024xi32, #tpu.memory_space<vmem>>, vector<16xi32>,
      %get3A_801 = arith.constant 560 : index
      %get3A_802 = tpu.vector_load %arg4[%get3A_801] {strides = array<i32>} : memref<1024xi32, #tpu.memory_space<vmem>>, vector<16xi32>,
      %and3A_803 = arith.constant 32767 : i32
      %and3A_804 = vector.broadcast %and3A_803 : i32 to vector<16xi32>
      %and3A_805 = arith.andi %get3A_802, %and3A_804 : vector<16xi32>
      %sub3A_806 = arith.subi %get3A_802, %and3A_805 : vector<16xi32>
      %and3A_807 = arith.constant 8191 : i32
      %and3A_808 = vector.broadcast %and3A_807 : i32 to vector<16xi32>
      %and3A_809 = arith.andi %and3A_805, %and3A_808 : vector<16xi32>
      %shift_left3A_810 = arith.constant 2 : i32
      %shift_left3A_811 = vector.broadcast %shift_left3A_810 : i32 to vector<16xi32>
      %shift_left3A_812 = arith.shli %and3A_809, %shift_left3A_811 : vector<16xi32>
      %add3A_813 = arith.addi %sub3A_806, %shift_left3A_812 : vector<16xi32>
      %shift_right_arithmetic3A_814 = arith.constant 13 : i32
      %shift_right_arithmetic3A_815 = vector.broadcast %shift_right_arithmetic3A_814 : i32 to vector<16xi32>
      %shift_right_arithmetic3A_816 = arith.shrsi %and3A_805, %shift_right_arithmetic3A_815 : vector<16xi32>
      %add3A_817 = arith.addi %add3A_813, %shift_right_arithmetic3A_816 : vector<16xi32>
      %swap3A_818 = arith.constant 560 : index
      %swap3A_819 = tpu.vector_load %arg5[%swap3A_818] {strides = array<i32>} : memref<1024xi32, #tpu.memory_space<vmem>>, vector<16xi32>,
      tpu.vector_store %arg5[%swap3A_818], %add3A_817 {strides = array<i32>} : memref<1024xi32, #tpu.memory_space<vmem>>, vector<16xi32>,
      %get3A_820 = arith.constant 576 : index
      %get3A_821 = tpu.vector_load %arg4[%get3A_820] {strides = array<i32>} : memref<1024xi32, #tpu.memory_space<vmem>>, vector<16xi32>,
      %and3A_822 = arith.constant 32767 : i32
      %and3A_823 = vector.broadcast %and3A_822 : i32 to vector<16xi32>
      %and3A_824 = arith.andi %get3A_821, %and3A_823 : vector<16xi32>
      %sub3A_825 = arith.subi %get3A_821, %and3A_824 : vector<16xi32>
      %and3A_826 = arith.constant 8191 : i32
      %and3A_827 = vector.broadcast %and3A_826 : i32 to vector<16xi32>
      %and3A_828 = arith.andi %and3A_824, %and3A_827 : vector<16xi32>
      %shift_left3A_829 = arith.constant 2 : i32
      %shift_left3A_830 = vector.broadcast %shift_left3A_829 : i32 to vector<16xi32>
      %shift_left3A_831 = arith.shli %and3A_828, %shift_left3A_830 : vector<16xi32>
      %add3A_832 = arith.addi %sub3A_825, %shift_left3A_831 : vector<16xi32>
      %shift_right_arithmetic3A_833 = arith.constant 13 : i32
      %shift_right_arithmetic3A_834 = vector.broadcast %shift_right_arithmetic3A_833 : i32 to vector<16xi32>
      %shift_right_arithmetic3A_835 = arith.shrsi %and3A_824, %shift_right_arithmetic3A_834 : vector<16xi32>
      %add3A_836 = arith.addi %add3A_832, %shift_right_arithmetic3A_835 : vector<16xi32>
      %swap3A_837 = arith.constant 576 : index
      %swap3A_838 = tpu.vector_load %arg5[%swap3A_837] {strides = array<i32>} : memref<1024xi32, #tpu.memory_space<vmem>>, vector<16xi32>,
      tpu.vector_store %arg5[%swap3A_837], %add3A_836 {strides = array<i32>} : memref<1024xi32, #tpu.memory_space<vmem>>, vector<16xi32>,
      %get3A_839 = arith.constant 592 : index
      %get3A_840 = tpu.vector_load %arg4[%get3A_839] {strides = array<i32>} : memref<1024xi32, #tpu.memory_space<vmem>>, vector<16xi32>,
      %and3A_841 = arith.constant 32767 : i32
      %and3A_842 = vector.broadcast %and3A_841 : i32 to vector<16xi32>
      %and3A_843 = arith.andi %get3A_840, %and3A_842 : vector<16xi32>
      %sub3A_844 = arith.subi %get3A_840, %and3A_843 : vector<16xi32>
      %and3A_845 = arith.constant 8191 : i32
      %and3A_846 = vector.broadcast %and3A_845 : i32 to vector<16xi32>
      %and3A_847 = arith.andi %and3A_843, %and3A_846 : vector<16xi32>
      %shift_left3A_848 = arith.constant 2 : i32
      %shift_left3A_849 = vector.broadcast %shift_left3A_848 : i32 to vector<16xi32>
      %shift_left3A_850 = arith.shli %and3A_847, %shift_left3A_849 : vector<16xi32>
      %add3A_851 = arith.addi %sub3A_844, %shift_left3A_850 : vector<16xi32>
      %shift_right_arithmetic3A_852 = arith.constant 13 : i32
      %shift_right_arithmetic3A_853 = vector.broadcast %shift_right_arithmetic3A_852 : i32 to vector<16xi32>
      %shift_right_arithmetic3A_854 = arith.shrsi %and3A_843, %shift_right_arithmetic3A_853 : vector<16xi32>
      %add3A_855 = arith.addi %add3A_851, %shift_right_arithmetic3A_854 : vector<16xi32>
      %swap3A_856 = arith.constant 592 : index
      %swap3A_857 = tpu.vector_load %arg5[%swap3A_856] {strides = array<i32>} : memref<1024xi32, #tpu.memory_space<vmem>>, vector<16xi32>,
      tpu.vector_store %arg5[%swap3A_856], %add3A_855 {strides = array<i32>} : memref<1024xi32, #tpu.memory_space<vmem>>, vector<16xi32>,
      %get3A_858 = arith.constant 608 : index
      %get3A_859 = tpu.vector_load %arg4[%get3A_858] {strides = array<i32>} : memref<1024xi32, #tpu.memory_space<vmem>>, vector<16xi32>,
      %and3A_860 = arith.constant 32767 : i32
      %and3A_861 = vector.broadcast %and3A_860 : i32 to vector<16xi32>
      %and3A_862 = arith.andi %get3A_859, %and3A_861 : vector<16xi32>
      %sub3A_863 = arith.subi %get3A_859, %and3A_862 : vector<16xi32>
      %and3A_864 = arith.constant 8191 : i32
      %and3A_865 = vector.broadcast %and3A_864 : i32 to vector<16xi32>
      %and3A_866 = arith.andi %and3A_862, %and3A_865 : vector<16xi32>
      %shift_left3A_867 = arith.constant 2 : i32
      %shift_left3A_868 = vector.broadcast %shift_left3A_867 : i32 to vector<16xi32>
      %shift_left3A_869 = arith.shli %and3A_866, %shift_left3A_868 : vector<16xi32>
      %add3A_870 = arith.addi %sub3A_863, %shift_left3A_869 : vector<16xi32>
      %shift_right_arithmetic3A_871 = arith.constant 13 : i32
      %shift_right_arithmetic3A_872 = vector.broadcast %shift_right_arithmetic3A_871 : i32 to vector<16xi32>
      %shift_right_arithmetic3A_873 = arith.shrsi %and3A_862, %shift_right_arithmetic3A_872 : vector<16xi32>
      %add3A_874 = arith.addi %add3A_870, %shift_right_arithmetic3A_873 : vector<16xi32>
      %swap3A_875 = arith.constant 608 : index
      %swap3A_876 = tpu.vector_load %arg5[%swap3A_875] {strides = array<i32>} : memref<1024xi32, #tpu.memory_space<vmem>>, vector<16xi32>,
      tpu.vector_store %arg5[%swap3A_875], %add3A_874 {strides = array<i32>} : memref<1024xi32, #tpu.memory_space<vmem>>, vector<16xi32>,
      %get3A_877 = arith.constant 624 : index
      %get3A_878 = tpu.vector_load %arg4[%get3A_877] {strides = array<i32>} : memref<1024xi32, #tpu.memory_space<vmem>>, vector<16xi32>,
      %and3A_879 = arith.constant 32767 : i32
      %and3A_880 = vector.broadcast %and3A_879 : i32 to vector<16xi32>
      %and3A_881 = arith.andi %get3A_878, %and3A_880 : vector<16xi32>
      %sub3A_882 = arith.subi %get3A_878, %and3A_881 : vector<16xi32>
      %and3A_883 = arith.constant 8191 : i32
      %and3A_884 = vector.broadcast %and3A_883 : i32 to vector<16xi32>
      %and3A_885 = arith.andi %and3A_881, %and3A_884 : vector<16xi32>
      %shift_left3A_886 = arith.constant 2 : i32
      %shift_left3A_887 = vector.broadcast %shift_left3A_886 : i32 to vector<16xi32>
      %shift_left3A_888 = arith.shli %and3A_885, %shift_left3A_887 : vector<16xi32>
      %add3A_889 = arith.addi %sub3A_882, %shift_left3A_888 : vector<16xi32>
      %shift_right_arithmetic3A_890 = arith.constant 13 : i32
      %shift_right_arithmetic3A_891 = vector.broadcast %shift_right_arithmetic3A_890 : i32 to vector<16xi32>
      %shift_right_arithmetic3A_892 = arith.shrsi %and3A_881, %shift_right_arithmetic3A_891 : vector<16xi32>
      %add3A_893 = arith.addi %add3A_889, %shift_right_arithmetic3A_892 : vector<16xi32>
      %swap3A_894 = arith.constant 624 : index
      %swap3A_895 = tpu.vector_load %arg5[%swap3A_894] {strides = array<i32>} : memref<1024xi32, #tpu.memory_space<vmem>>, vector<16xi32>,
      tpu.vector_store %arg5[%swap3A_894], %add3A_893 {strides = array<i32>} : memref<1024xi32, #tpu.memory_space<vmem>>, vector<16xi32>,
      %get3A_896 = arith.constant 640 : index
      %get3A_897 = tpu.vector_load %arg4[%get3A_896] {strides = array<i32>} : memref<1024xi32, #tpu.memory_space<vmem>>, vector<16xi32>,
      %and3A_898 = arith.constant 32767 : i32
      %and3A_899 = vector.broadcast %and3A_898 : i32 to vector<16xi32>
      %and3A_900 = arith.andi %get3A_897, %and3A_899 : vector<16xi32>
      %sub3A_901 = arith.subi %get3A_897, %and3A_900 : vector<16xi32>
      %and3A_902 = arith.constant 8191 : i32
      %and3A_903 = vector.broadcast %and3A_902 : i32 to vector<16xi32>
      %and3A_904 = arith.andi %and3A_900, %and3A_903 : vector<16xi32>
      %shift_left3A_905 = arith.constant 2 : i32
      %shift_left3A_906 = vector.broadcast %shift_left3A_905 : i32 to vector<16xi32>
      %shift_left3A_907 = arith.shli %and3A_904, %shift_left3A_906 : vector<16xi32>
      %add3A_908 = arith.addi %sub3A_901, %shift_left3A_907 : vector<16xi32>
      %shift_right_arithmetic3A_909 = arith.constant 13 : i32
      %shift_right_arithmetic3A_910 = vector.broadcast %shift_right_arithmetic3A_909 : i32 to vector<16xi32>
      %shift_right_arithmetic3A_911 = arith.shrsi %and3A_900, %shift_right_arithmetic3A_910 : vector<16xi32>
      %add3A_912 = arith.addi %add3A_908, %shift_right_arithmetic3A_911 : vector<16xi32>
      %swap3A_913 = arith.constant 640 : index
      %swap3A_914 = tpu.vector_load %arg5[%swap3A_913] {strides = array<i32>} : memref<1024xi32, #tpu.memory_space<vmem>>, vector<16xi32>,
      tpu.vector_store %arg5[%swap3A_913], %add3A_912 {strides = array<i32>} : memref<1024xi32, #tpu.memory_space<vmem>>, vector<16xi32>,
      %get3A_915 = arith.constant 656 : index
      %get3A_916 = tpu.vector_load %arg4[%get3A_915] {strides = array<i32>} : memref<1024xi32, #tpu.memory_space<vmem>>, vector<16xi32>,
      %and3A_917 = arith.constant 32767 : i32
      %and3A_918 = vector.broadcast %and3A_917 : i32 to vector<16xi32>
      %and3A_919 = arith.andi %get3A_916, %and3A_918 : vector<16xi32>
      %sub3A_920 = arith.subi %get3A_916, %and3A_919 : vector<16xi32>
      %and3A_921 = arith.constant 8191 : i32
      %and3A_922 = vector.broadcast %and3A_921 : i32 to vector<16xi32>
      %and3A_923 = arith.andi %and3A_919, %and3A_922 : vector<16xi32>
      %shift_left3A_924 = arith.constant 2 : i32
      %shift_left3A_925 = vector.broadcast %shift_left3A_924 : i32 to vector<16xi32>
      %shift_left3A_926 = arith.shli %and3A_923, %shift_left3A_925 : vector<16xi32>
      %add3A_927 = arith.addi %sub3A_920, %shift_left3A_926 : vector<16xi32>
      %shift_right_arithmetic3A_928 = arith.constant 13 : i32
      %shift_right_arithmetic3A_929 = vector.broadcast %shift_right_arithmetic3A_928 : i32 to vector<16xi32>
      %shift_right_arithmetic3A_930 = arith.shrsi %and3A_919, %shift_right_arithmetic3A_929 : vector<16xi32>
      %add3A_931 = arith.addi %add3A_927, %shift_right_arithmetic3A_930 : vector<16xi32>
      %swap3A_932 = arith.constant 656 : index
      %swap3A_933 = tpu.vector_load %arg5[%swap3A_932] {strides = array<i32>} : memref<1024xi32, #tpu.memory_space<vmem>>, vector<16xi32>,
      tpu.vector_store %arg5[%swap3A_932], %add3A_931 {strides = array<i32>} : memref<1024xi32, #tpu.memory_space<vmem>>, vector<16xi32>,
      %get3A_934 = arith.constant 672 : index
      %get3A_935 = tpu.vector_load %arg4[%get3A_934] {strides = array<i32>} : memref<1024xi32, #tpu.memory_space<vmem>>, vector<16xi32>,
      %and3A_936 = arith.constant 32767 : i32
      %and3A_937 = vector.broadcast %and3A_936 : i32 to vector<16xi32>
      %and3A_938 = arith.andi %get3A_935, %and3A_937 : vector<16xi32>
      %sub3A_939 = arith.subi %get3A_935, %and3A_938 : vector<16xi32>
      %and3A_940 = arith.constant 8191 : i32
      %and3A_941 = vector.broadcast %and3A_940 : i32 to vector<16xi32>
      %and3A_942 = arith.andi %and3A_938, %and3A_941 : vector<16xi32>
      %shift_left3A_943 = arith.constant 2 : i32
      %shift_left3A_944 = vector.broadcast %shift_left3A_943 : i32 to vector<16xi32>
      %shift_left3A_945 = arith.shli %and3A_942, %shift_left3A_944 : vector<16xi32>
      %add3A_946 = arith.addi %sub3A_939, %shift_left3A_945 : vector<16xi32>
      %shift_right_arithmetic3A_947 = arith.constant 13 : i32
      %shift_right_arithmetic3A_948 = vector.broadcast %shift_right_arithmetic3A_947 : i32 to vector<16xi32>
      %shift_right_arithmetic3A_949 = arith.shrsi %and3A_938, %shift_right_arithmetic3A_948 : vector<16xi32>
      %add3A_950 = arith.addi %add3A_946, %shift_right_arithmetic3A_949 : vector<16xi32>
      %swap3A_951 = arith.constant 672 : index
      %swap3A_952 = tpu.vector_load %arg5[%swap3A_951] {strides = array<i32>} : memref<1024xi32, #tpu.memory_space<vmem>>, vector<16xi32>,
      tpu.vector_store %arg5[%swap3A_951], %add3A_950 {strides = array<i32>} : memref<1024xi32, #tpu.memory_space<vmem>>, vector<16xi32>,
      %get3A_953 = arith.constant 688 : index
      %get3A_954 = tpu.vector_load %arg4[%get3A_953] {strides = array<i32>} : memref<1024xi32, #tpu.memory_space<vmem>>, vector<16xi32>,
      %and3A_955 = arith.constant 32767 : i32
      %and3A_956 = vector.broadcast %and3A_955 : i32 to vector<16xi32>
      %and3A_957 = arith.andi %get3A_954, %and3A_956 : vector<16xi32>
      %sub3A_958 = arith.subi %get3A_954, %and3A_957 : vector<16xi32>
      %and3A_959 = arith.constant 8191 : i32
      %and3A_960 = vector.broadcast %and3A_959 : i32 to vector<16xi32>
      %and3A_961 = arith.andi %and3A_957, %and3A_960 : vector<16xi32>
      %shift_left3A_962 = arith.constant 2 : i32
      %shift_left3A_963 = vector.broadcast %shift_left3A_962 : i32 to vector<16xi32>
      %shift_left3A_964 = arith.shli %and3A_961, %shift_left3A_963 : vector<16xi32>
      %add3A_965 = arith.addi %sub3A_958, %shift_left3A_964 : vector<16xi32>
      %shift_right_arithmetic3A_966 = arith.constant 13 : i32
      %shift_right_arithmetic3A_967 = vector.broadcast %shift_right_arithmetic3A_966 : i32 to vector<16xi32>
      %shift_right_arithmetic3A_968 = arith.shrsi %and3A_957, %shift_right_arithmetic3A_967 : vector<16xi32>
      %add3A_969 = arith.addi %add3A_965, %shift_right_arithmetic3A_968 : vector<16xi32>
      %swap3A_970 = arith.constant 688 : index
      %swap3A_971 = tpu.vector_load %arg5[%swap3A_970] {strides = array<i32>} : memref<1024xi32, #tpu.memory_space<vmem>>, vector<16xi32>,
      tpu.vector_store %arg5[%swap3A_970], %add3A_969 {strides = array<i32>} : memref<1024xi32, #tpu.memory_space<vmem>>, vector<16xi32>,
      %get3A_972 = arith.constant 704 : index
      %get3A_973 = tpu.vector_load %arg4[%get3A_972] {strides = array<i32>} : memref<1024xi32, #tpu.memory_space<vmem>>, vector<16xi32>,
      %and3A_974 = arith.constant 32767 : i32
      %and3A_975 = vector.broadcast %and3A_974 : i32 to vector<16xi32>
      %and3A_976 = arith.andi %get3A_973, %and3A_975 : vector<16xi32>
      %sub3A_977 = arith.subi %get3A_973, %and3A_976 : vector<16xi32>
      %and3A_978 = arith.constant 8191 : i32
      %and3A_979 = vector.broadcast %and3A_978 : i32 to vector<16xi32>
      %and3A_980 = arith.andi %and3A_976, %and3A_979 : vector<16xi32>
      %shift_left3A_981 = arith.constant 2 : i32
      %shift_left3A_982 = vector.broadcast %shift_left3A_981 : i32 to vector<16xi32>
      %shift_left3A_983 = arith.shli %and3A_980, %shift_left3A_982 : vector<16xi32>
      %add3A_984 = arith.addi %sub3A_977, %shift_left3A_983 : vector<16xi32>
      %shift_right_arithmetic3A_985 = arith.constant 13 : i32
      %shift_right_arithmetic3A_986 = vector.broadcast %shift_right_arithmetic3A_985 : i32 to vector<16xi32>
      %shift_right_arithmetic3A_987 = arith.shrsi %and3A_976, %shift_right_arithmetic3A_986 : vector<16xi32>
      %add3A_988 = arith.addi %add3A_984, %shift_right_arithmetic3A_987 : vector<16xi32>
      %swap3A_989 = arith.constant 704 : index
      %swap3A_990 = tpu.vector_load %arg5[%swap3A_989] {strides = array<i32>} : memref<1024xi32, #tpu.memory_space<vmem>>, vector<16xi32>,
      tpu.vector_store %arg5[%swap3A_989], %add3A_988 {strides = array<i32>} : memref<1024xi32, #tpu.memory_space<vmem>>, vector<16xi32>,
      %get3A_991 = arith.constant 720 : index
      %get3A_992 = tpu.vector_load %arg4[%get3A_991] {strides = array<i32>} : memref<1024xi32, #tpu.memory_space<vmem>>, vector<16xi32>,
      %and3A_993 = arith.constant 32767 : i32
      %and3A_994 = vector.broadcast %and3A_993 : i32 to vector<16xi32>
      %and3A_995 = arith.andi %get3A_992, %and3A_994 : vector<16xi32>
      %sub3A_996 = arith.subi %get3A_992, %and3A_995 : vector<16xi32>
      %and3A_997 = arith.constant 8191 : i32
      %and3A_998 = vector.broadcast %and3A_997 : i32 to vector<16xi32>
      %and3A_999 = arith.andi %and3A_995, %and3A_998 : vector<16xi32>
      %shift_left3A_1000 = arith.constant 2 : i32
      %shift_left3A_1001 = vector.broadcast %shift_left3A_1000 : i32 to vector<16xi32>
      %shift_left3A_1002 = arith.shli %and3A_999, %shift_left3A_1001 : vector<16xi32>
      %add3A_1003 = arith.addi %sub3A_996, %shift_left3A_1002 : vector<16xi32>
      %shift_right_arithmetic3A_1004 = arith.constant 13 : i32
      %shift_right_arithmetic3A_1005 = vector.broadcast %shift_right_arithmetic3A_1004 : i32 to vector<16xi32>
      %shift_right_arithmetic3A_1006 = arith.shrsi %and3A_995, %shift_right_arithmetic3A_1005 : vector<16xi32>
      %add3A_1007 = arith.addi %add3A_1003, %shift_right_arithmetic3A_1006 : vector<16xi32>
      %swap3A_1008 = arith.constant 720 : index
      %swap3A_1009 = tpu.vector_load %arg5[%swap3A_1008] {strides = array<i32>} : memref<1024xi32, #tpu.memory_space<vmem>>, vector<16xi32>,
      tpu.vector_store %arg5[%swap3A_1008], %add3A_1007 {strides = array<i32>} : memref<1024xi32, #tpu.memory_space<vmem>>, vector<16xi32>,
      %get3A_1010 = arith.constant 736 : index
      %get3A_1011 = tpu.vector_load %arg4[%get3A_1010] {strides = array<i32>} : memref<1024xi32, #tpu.memory_space<vmem>>, vector<16xi32>,
      %and3A_1012 = arith.constant 32767 : i32
      %and3A_1013 = vector.broadcast %and3A_1012 : i32 to vector<16xi32>
      %and3A_1014 = arith.andi %get3A_1011, %and3A_1013 : vector<16xi32>
      %sub3A_1015 = arith.subi %get3A_1011, %and3A_1014 : vector<16xi32>
      %and3A_1016 = arith.constant 8191 : i32
      %and3A_1017 = vector.broadcast %and3A_1016 : i32 to vector<16xi32>
      %and3A_1018 = arith.andi %and3A_1014, %and3A_1017 : vector<16xi32>
      %shift_left3A_1019 = arith.constant 2 : i32
      %shift_left3A_1020 = vector.broadcast %shift_left3A_1019 : i32 to vector<16xi32>
      %shift_left3A_1021 = arith.shli %and3A_1018, %shift_left3A_1020 : vector<16xi32>
      %add3A_1022 = arith.addi %sub3A_1015, %shift_left3A_1021 : vector<16xi32>
      %shift_right_arithmetic3A_1023 = arith.constant 13 : i32
      %shift_right_arithmetic3A_1024 = vector.broadcast %shift_right_arithmetic3A_1023 : i32 to vector<16xi32>
      %shift_right_arithmetic3A_1025 = arith.shrsi %and3A_1014, %shift_right_arithmetic3A_1024 : vector<16xi32>
      %add3A_1026 = arith.addi %add3A_1022, %shift_right_arithmetic3A_1025 : vector<16xi32>
      %swap3A_1027 = arith.constant 736 : index
      %swap3A_1028 = tpu.vector_load %arg5[%swap3A_1027] {strides = array<i32>} : memref<1024xi32, #tpu.memory_space<vmem>>, vector<16xi32>,
      tpu.vector_store %arg5[%swap3A_1027], %add3A_1026 {strides = array<i32>} : memref<1024xi32, #tpu.memory_space<vmem>>, vector<16xi32>,
      %get3A_1029 = arith.constant 752 : index
      %get3A_1030 = tpu.vector_load %arg4[%get3A_1029] {strides = array<i32>} : memref<1024xi32, #tpu.memory_space<vmem>>, vector<16xi32>,
      %and3A_1031 = arith.constant 32767 : i32
      %and3A_1032 = vector.broadcast %and3A_1031 : i32 to vector<16xi32>
      %and3A_1033 = arith.andi %get3A_1030, %and3A_1032 : vector<16xi32>
      %sub3A_1034 = arith.subi %get3A_1030, %and3A_1033 : vector<16xi32>
      %and3A_1035 = arith.constant 8191 : i32
      %and3A_1036 = vector.broadcast %and3A_1035 : i32 to vector<16xi32>
      %and3A_1037 = arith.andi %and3A_1033, %and3A_1036 : vector<16xi32>
      %shift_left3A_1038 = arith.constant 2 : i32
      %shift_left3A_1039 = vector.broadcast %shift_left3A_1038 : i32 to vector<16xi32>
      %shift_left3A_1040 = arith.shli %and3A_1037, %shift_left3A_1039 : vector<16xi32>
      %add3A_1041 = arith.addi %sub3A_1034, %shift_left3A_1040 : vector<16xi32>
      %shift_right_arithmetic3A_1042 = arith.constant 13 : i32
      %shift_right_arithmetic3A_1043 = vector.broadcast %shift_right_arithmetic3A_1042 : i32 to vector<16xi32>
      %shift_right_arithmetic3A_1044 = arith.shrsi %and3A_1033, %shift_right_arithmetic3A_1043 : vector<16xi32>
      %add3A_1045 = arith.addi %add3A_1041, %shift_right_arithmetic3A_1044 : vector<16xi32>
      %swap3A_1046 = arith.constant 752 : index
      %swap3A_1047 = tpu.vector_load %arg5[%swap3A_1046] {strides = array<i32>} : memref<1024xi32, #tpu.memory_space<vmem>>, vector<16xi32>,
      tpu.vector_store %arg5[%swap3A_1046], %add3A_1045 {strides = array<i32>} : memref<1024xi32, #tpu.memory_space<vmem>>, vector<16xi32>,
      %get3A_1048 = arith.constant 768 : index
      %get3A_1049 = tpu.vector_load %arg4[%get3A_1048] {strides = array<i32>} : memref<1024xi32, #tpu.memory_space<vmem>>, vector<16xi32>,
      %and3A_1050 = arith.constant 32767 : i32
      %and3A_1051 = vector.broadcast %and3A_1050 : i32 to vector<16xi32>
      %and3A_1052 = arith.andi %get3A_1049, %and3A_1051 : vector<16xi32>
      %sub3A_1053 = arith.subi %get3A_1049, %and3A_1052 : vector<16xi32>
      %and3A_1054 = arith.constant 8191 : i32
      %and3A_1055 = vector.broadcast %and3A_1054 : i32 to vector<16xi32>
      %and3A_1056 = arith.andi %and3A_1052, %and3A_1055 : vector<16xi32>
      %shift_left3A_1057 = arith.constant 2 : i32
      %shift_left3A_1058 = vector.broadcast %shift_left3A_1057 : i32 to vector<16xi32>
      %shift_left3A_1059 = arith.shli %and3A_1056, %shift_left3A_1058 : vector<16xi32>
      %add3A_1060 = arith.addi %sub3A_1053, %shift_left3A_1059 : vector<16xi32>
      %shift_right_arithmetic3A_1061 = arith.constant 13 : i32
      %shift_right_arithmetic3A_1062 = vector.broadcast %shift_right_arithmetic3A_1061 : i32 to vector<16xi32>
      %shift_right_arithmetic3A_1063 = arith.shrsi %and3A_1052, %shift_right_arithmetic3A_1062 : vector<16xi32>
      %add3A_1064 = arith.addi %add3A_1060, %shift_right_arithmetic3A_1063 : vector<16xi32>
      %swap3A_1065 = arith.constant 768 : index
      %swap3A_1066 = tpu.vector_load %arg5[%swap3A_1065] {strides = array<i32>} : memref<1024xi32, #tpu.memory_space<vmem>>, vector<16xi32>,
      tpu.vector_store %arg5[%swap3A_1065], %add3A_1064 {strides = array<i32>} : memref<1024xi32, #tpu.memory_space<vmem>>, vector<16xi32>,
      %get3A_1067 = arith.constant 784 : index
      %get3A_1068 = tpu.vector_load %arg4[%get3A_1067] {strides = array<i32>} : memref<1024xi32, #tpu.memory_space<vmem>>, vector<16xi32>,
      %and3A_1069 = arith.constant 32767 : i32
      %and3A_1070 = vector.broadcast %and3A_1069 : i32 to vector<16xi32>
      %and3A_1071 = arith.andi %get3A_1068, %and3A_1070 : vector<16xi32>
      %sub3A_1072 = arith.subi %get3A_1068, %and3A_1071 : vector<16xi32>
      %and3A_1073 = arith.constant 8191 : i32
      %and3A_1074 = vector.broadcast %and3A_1073 : i32 to vector<16xi32>
      %and3A_1075 = arith.andi %and3A_1071, %and3A_1074 : vector<16xi32>
      %shift_left3A_1076 = arith.constant 2 : i32
      %shift_left3A_1077 = vector.broadcast %shift_left3A_1076 : i32 to vector<16xi32>
      %shift_left3A_1078 = arith.shli %and3A_1075, %shift_left3A_1077 : vector<16xi32>
      %add3A_1079 = arith.addi %sub3A_1072, %shift_left3A_1078 : vector<16xi32>
      %shift_right_arithmetic3A_1080 = arith.constant 13 : i32
      %shift_right_arithmetic3A_1081 = vector.broadcast %shift_right_arithmetic3A_1080 : i32 to vector<16xi32>
      %shift_right_arithmetic3A_1082 = arith.shrsi %and3A_1071, %shift_right_arithmetic3A_1081 : vector<16xi32>
      %add3A_1083 = arith.addi %add3A_1079, %shift_right_arithmetic3A_1082 : vector<16xi32>
      %swap3A_1084 = arith.constant 784 : index
      %swap3A_1085 = tpu.vector_load %arg5[%swap3A_1084] {strides = array<i32>} : memref<1024xi32, #tpu.memory_space<vmem>>, vector<16xi32>,
      tpu.vector_store %arg5[%swap3A_1084], %add3A_1083 {strides = array<i32>} : memref<1024xi32, #tpu.memory_space<vmem>>, vector<16xi32>,
      %get3A_1086 = arith.constant 800 : index
      %get3A_1087 = tpu.vector_load %arg4[%get3A_1086] {strides = array<i32>} : memref<1024xi32, #tpu.memory_space<vmem>>, vector<16xi32>,
      %and3A_1088 = arith.constant 32767 : i32
      %and3A_1089 = vector.broadcast %and3A_1088 : i32 to vector<16xi32>
      %and3A_1090 = arith.andi %get3A_1087, %and3A_1089 : vector<16xi32>
      %sub3A_1091 = arith.subi %get3A_1087, %and3A_1090 : vector<16xi32>
      %and3A_1092 = arith.constant 8191 : i32
      %and3A_1093 = vector.broadcast %and3A_1092 : i32 to vector<16xi32>
      %and3A_1094 = arith.andi %and3A_1090, %and3A_1093 : vector<16xi32>
      %shift_left3A_1095 = arith.constant 2 : i32
      %shift_left3A_1096 = vector.broadcast %shift_left3A_1095 : i32 to vector<16xi32>
      %shift_left3A_1097 = arith.shli %and3A_1094, %shift_left3A_1096 : vector<16xi32>
      %add3A_1098 = arith.addi %sub3A_1091, %shift_left3A_1097 : vector<16xi32>
      %shift_right_arithmetic3A_1099 = arith.constant 13 : i32
      %shift_right_arithmetic3A_1100 = vector.broadcast %shift_right_arithmetic3A_1099 : i32 to vector<16xi32>
      %shift_right_arithmetic3A_1101 = arith.shrsi %and3A_1090, %shift_right_arithmetic3A_1100 : vector<16xi32>
      %add3A_1102 = arith.addi %add3A_1098, %shift_right_arithmetic3A_1101 : vector<16xi32>
      %swap3A_1103 = arith.constant 800 : index
      %swap3A_1104 = tpu.vector_load %arg5[%swap3A_1103] {strides = array<i32>} : memref<1024xi32, #tpu.memory_space<vmem>>, vector<16xi32>,
      tpu.vector_store %arg5[%swap3A_1103], %add3A_1102 {strides = array<i32>} : memref<1024xi32, #tpu.memory_space<vmem>>, vector<16xi32>,
      %get3A_1105 = arith.constant 816 : index
      %get3A_1106 = tpu.vector_load %arg4[%get3A_1105] {strides = array<i32>} : memref<1024xi32, #tpu.memory_space<vmem>>, vector<16xi32>,
      %and3A_1107 = arith.constant 32767 : i32
      %and3A_1108 = vector.broadcast %and3A_1107 : i32 to vector<16xi32>
      %and3A_1109 = arith.andi %get3A_1106, %and3A_1108 : vector<16xi32>
      %sub3A_1110 = arith.subi %get3A_1106, %and3A_1109 : vector<16xi32>
      %and3A_1111 = arith.constant 8191 : i32
      %and3A_1112 = vector.broadcast %and3A_1111 : i32 to vector<16xi32>
      %and3A_1113 = arith.andi %and3A_1109, %and3A_1112 : vector<16xi32>
      %shift_left3A_1114 = arith.constant 2 : i32
      %shift_left3A_1115 = vector.broadcast %shift_left3A_1114 : i32 to vector<16xi32>
      %shift_left3A_1116 = arith.shli %and3A_1113, %shift_left3A_1115 : vector<16xi32>
      %add3A_1117 = arith.addi %sub3A_1110, %shift_left3A_1116 : vector<16xi32>
      %shift_right_arithmetic3A_1118 = arith.constant 13 : i32
      %shift_right_arithmetic3A_1119 = vector.broadcast %shift_right_arithmetic3A_1118 : i32 to vector<16xi32>
      %shift_right_arithmetic3A_1120 = arith.shrsi %and3A_1109, %shift_right_arithmetic3A_1119 : vector<16xi32>
      %add3A_1121 = arith.addi %add3A_1117, %shift_right_arithmetic3A_1120 : vector<16xi32>
      %swap3A_1122 = arith.constant 816 : index
      %swap3A_1123 = tpu.vector_load %arg5[%swap3A_1122] {strides = array<i32>} : memref<1024xi32, #tpu.memory_space<vmem>>, vector<16xi32>,
      tpu.vector_store %arg5[%swap3A_1122], %add3A_1121 {strides = array<i32>} : memref<1024xi32, #tpu.memory_space<vmem>>, vector<16xi32>,
      %get3A_1124 = arith.constant 832 : index
      %get3A_1125 = tpu.vector_load %arg4[%get3A_1124] {strides = array<i32>} : memref<1024xi32, #tpu.memory_space<vmem>>, vector<16xi32>,
      %and3A_1126 = arith.constant 32767 : i32
      %and3A_1127 = vector.broadcast %and3A_1126 : i32 to vector<16xi32>
      %and3A_1128 = arith.andi %get3A_1125, %and3A_1127 : vector<16xi32>
      %sub3A_1129 = arith.subi %get3A_1125, %and3A_1128 : vector<16xi32>
      %and3A_1130 = arith.constant 8191 : i32
      %and3A_1131 = vector.broadcast %and3A_1130 : i32 to vector<16xi32>
      %and3A_1132 = arith.andi %and3A_1128, %and3A_1131 : vector<16xi32>
      %shift_left3A_1133 = arith.constant 2 : i32
      %shift_left3A_1134 = vector.broadcast %shift_left3A_1133 : i32 to vector<16xi32>
      %shift_left3A_1135 = arith.shli %and3A_1132, %shift_left3A_1134 : vector<16xi32>
      %add3A_1136 = arith.addi %sub3A_1129, %shift_left3A_1135 : vector<16xi32>
      %shift_right_arithmetic3A_1137 = arith.constant 13 : i32
      %shift_right_arithmetic3A_1138 = vector.broadcast %shift_right_arithmetic3A_1137 : i32 to vector<16xi32>
      %shift_right_arithmetic3A_1139 = arith.shrsi %and3A_1128, %shift_right_arithmetic3A_1138 : vector<16xi32>
      %add3A_1140 = arith.addi %add3A_1136, %shift_right_arithmetic3A_1139 : vector<16xi32>
      %swap3A_1141 = arith.constant 832 : index
      %swap3A_1142 = tpu.vector_load %arg5[%swap3A_1141] {strides = array<i32>} : memref<1024xi32, #tpu.memory_space<vmem>>, vector<16xi32>,
      tpu.vector_store %arg5[%swap3A_1141], %add3A_1140 {strides = array<i32>} : memref<1024xi32, #tpu.memory_space<vmem>>, vector<16xi32>,
      %get3A_1143 = arith.constant 848 : index
      %get3A_1144 = tpu.vector_load %arg4[%get3A_1143] {strides = array<i32>} : memref<1024xi32, #tpu.memory_space<vmem>>, vector<16xi32>,
      %and3A_1145 = arith.constant 32767 : i32
      %and3A_1146 = vector.broadcast %and3A_1145 : i32 to vector<16xi32>
      %and3A_1147 = arith.andi %get3A_1144, %and3A_1146 : vector<16xi32>
      %sub3A_1148 = arith.subi %get3A_1144, %and3A_1147 : vector<16xi32>
      %and3A_1149 = arith.constant 8191 : i32
      %and3A_1150 = vector.broadcast %and3A_1149 : i32 to vector<16xi32>
      %and3A_1151 = arith.andi %and3A_1147, %and3A_1150 : vector<16xi32>
      %shift_left3A_1152 = arith.constant 2 : i32
      %shift_left3A_1153 = vector.broadcast %shift_left3A_1152 : i32 to vector<16xi32>
      %shift_left3A_1154 = arith.shli %and3A_1151, %shift_left3A_1153 : vector<16xi32>
      %add3A_1155 = arith.addi %sub3A_1148, %shift_left3A_1154 : vector<16xi32>
      %shift_right_arithmetic3A_1156 = arith.constant 13 : i32
      %shift_right_arithmetic3A_1157 = vector.broadcast %shift_right_arithmetic3A_1156 : i32 to vector<16xi32>
      %shift_right_arithmetic3A_1158 = arith.shrsi %and3A_1147, %shift_right_arithmetic3A_1157 : vector<16xi32>
      %add3A_1159 = arith.addi %add3A_1155, %shift_right_arithmetic3A_1158 : vector<16xi32>
      %swap3A_1160 = arith.constant 848 : index
      %swap3A_1161 = tpu.vector_load %arg5[%swap3A_1160] {strides = array<i32>} : memref<1024xi32, #tpu.memory_space<vmem>>, vector<16xi32>,
      tpu.vector_store %arg5[%swap3A_1160], %add3A_1159 {strides = array<i32>} : memref<1024xi32, #tpu.memory_space<vmem>>, vector<16xi32>,
      %get3A_1162 = arith.constant 864 : index
      %get3A_1163 = tpu.vector_load %arg4[%get3A_1162] {strides = array<i32>} : memref<1024xi32, #tpu.memory_space<vmem>>, vector<16xi32>,
      %and3A_1164 = arith.constant 32767 : i32
      %and3A_1165 = vector.broadcast %and3A_1164 : i32 to vector<16xi32>
      %and3A_1166 = arith.andi %get3A_1163, %and3A_1165 : vector<16xi32>
      %sub3A_1167 = arith.subi %get3A_1163, %and3A_1166 : vector<16xi32>
      %and3A_1168 = arith.constant 8191 : i32
      %and3A_1169 = vector.broadcast %and3A_1168 : i32 to vector<16xi32>
      %and3A_1170 = arith.andi %and3A_1166, %and3A_1169 : vector<16xi32>
      %shift_left3A_1171 = arith.constant 2 : i32
      %shift_left3A_1172 = vector.broadcast %shift_left3A_1171 : i32 to vector<16xi32>
      %shift_left3A_1173 = arith.shli %and3A_1170, %shift_left3A_1172 : vector<16xi32>
      %add3A_1174 = arith.addi %sub3A_1167, %shift_left3A_1173 : vector<16xi32>
      %shift_right_arithmetic3A_1175 = arith.constant 13 : i32
      %shift_right_arithmetic3A_1176 = vector.broadcast %shift_right_arithmetic3A_1175 : i32 to vector<16xi32>
      %shift_right_arithmetic3A_1177 = arith.shrsi %and3A_1166, %shift_right_arithmetic3A_1176 : vector<16xi32>
      %add3A_1178 = arith.addi %add3A_1174, %shift_right_arithmetic3A_1177 : vector<16xi32>
      %swap3A_1179 = arith.constant 864 : index
      %swap3A_1180 = tpu.vector_load %arg5[%swap3A_1179] {strides = array<i32>} : memref<1024xi32, #tpu.memory_space<vmem>>, vector<16xi32>,
      tpu.vector_store %arg5[%swap3A_1179], %add3A_1178 {strides = array<i32>} : memref<1024xi32, #tpu.memory_space<vmem>>, vector<16xi32>,
      %get3A_1181 = arith.constant 880 : index
      %get3A_1182 = tpu.vector_load %arg4[%get3A_1181] {strides = array<i32>} : memref<1024xi32, #tpu.memory_space<vmem>>, vector<16xi32>,
      %and3A_1183 = arith.constant 32767 : i32
      %and3A_1184 = vector.broadcast %and3A_1183 : i32 to vector<16xi32>
      %and3A_1185 = arith.andi %get3A_1182, %and3A_1184 : vector<16xi32>
      %sub3A_1186 = arith.subi %get3A_1182, %and3A_1185 : vector<16xi32>
      %and3A_1187 = arith.constant 8191 : i32
      %and3A_1188 = vector.broadcast %and3A_1187 : i32 to vector<16xi32>
      %and3A_1189 = arith.andi %and3A_1185, %and3A_1188 : vector<16xi32>
      %shift_left3A_1190 = arith.constant 2 : i32
      %shift_left3A_1191 = vector.broadcast %shift_left3A_1190 : i32 to vector<16xi32>
      %shift_left3A_1192 = arith.shli %and3A_1189, %shift_left3A_1191 : vector<16xi32>
      %add3A_1193 = arith.addi %sub3A_1186, %shift_left3A_1192 : vector<16xi32>
      %shift_right_arithmetic3A_1194 = arith.constant 13 : i32
      %shift_right_arithmetic3A_1195 = vector.broadcast %shift_right_arithmetic3A_1194 : i32 to vector<16xi32>
      %shift_right_arithmetic3A_1196 = arith.shrsi %and3A_1185, %shift_right_arithmetic3A_1195 : vector<16xi32>
      %add3A_1197 = arith.addi %add3A_1193, %shift_right_arithmetic3A_1196 : vector<16xi32>
      %swap3A_1198 = arith.constant 880 : index
      %swap3A_1199 = tpu.vector_load %arg5[%swap3A_1198] {strides = array<i32>} : memref<1024xi32, #tpu.memory_space<vmem>>, vector<16xi32>,
      tpu.vector_store %arg5[%swap3A_1198], %add3A_1197 {strides = array<i32>} : memref<1024xi32, #tpu.memory_space<vmem>>, vector<16xi32>,
      %get3A_1200 = arith.constant 896 : index
      %get3A_1201 = tpu.vector_load %arg4[%get3A_1200] {strides = array<i32>} : memref<1024xi32, #tpu.memory_space<vmem>>, vector<16xi32>,
      %and3A_1202 = arith.constant 32767 : i32
      %and3A_1203 = vector.broadcast %and3A_1202 : i32 to vector<16xi32>
      %and3A_1204 = arith.andi %get3A_1201, %and3A_1203 : vector<16xi32>
      %sub3A_1205 = arith.subi %get3A_1201, %and3A_1204 : vector<16xi32>
      %and3A_1206 = arith.constant 8191 : i32
      %and3A_1207 = vector.broadcast %and3A_1206 : i32 to vector<16xi32>
      %and3A_1208 = arith.andi %and3A_1204, %and3A_1207 : vector<16xi32>
      %shift_left3A_1209 = arith.constant 2 : i32
      %shift_left3A_1210 = vector.broadcast %shift_left3A_1209 : i32 to vector<16xi32>
      %shift_left3A_1211 = arith.shli %and3A_1208, %shift_left3A_1210 : vector<16xi32>
      %add3A_1212 = arith.addi %sub3A_1205, %shift_left3A_1211 : vector<16xi32>
      %shift_right_arithmetic3A_1213 = arith.constant 13 : i32
      %shift_right_arithmetic3A_1214 = vector.broadcast %shift_right_arithmetic3A_1213 : i32 to vector<16xi32>
      %shift_right_arithmetic3A_1215 = arith.shrsi %and3A_1204, %shift_right_arithmetic3A_1214 : vector<16xi32>
      %add3A_1216 = arith.addi %add3A_1212, %shift_right_arithmetic3A_1215 : vector<16xi32>
      %swap3A_1217 = arith.constant 896 : index
      %swap3A_1218 = tpu.vector_load %arg5[%swap3A_1217] {strides = array<i32>} : memref<1024xi32, #tpu.memory_space<vmem>>, vector<16xi32>,
      tpu.vector_store %arg5[%swap3A_1217], %add3A_1216 {strides = array<i32>} : memref<1024xi32, #tpu.memory_space<vmem>>, vector<16xi32>,
      %get3A_1219 = arith.constant 912 : index
      %get3A_1220 = tpu.vector_load %arg4[%get3A_1219] {strides = array<i32>} : memref<1024xi32, #tpu.memory_space<vmem>>, vector<16xi32>,
      %and3A_1221 = arith.constant 32767 : i32
      %and3A_1222 = vector.broadcast %and3A_1221 : i32 to vector<16xi32>
      %and3A_1223 = arith.andi %get3A_1220, %and3A_1222 : vector<16xi32>
      %sub3A_1224 = arith.subi %get3A_1220, %and3A_1223 : vector<16xi32>
      %and3A_1225 = arith.constant 8191 : i32
      %and3A_1226 = vector.broadcast %and3A_1225 : i32 to vector<16xi32>
      %and3A_1227 = arith.andi %and3A_1223, %and3A_1226 : vector<16xi32>
      %shift_left3A_1228 = arith.constant 2 : i32
      %shift_left3A_1229 = vector.broadcast %shift_left3A_1228 : i32 to vector<16xi32>
      %shift_left3A_1230 = arith.shli %and3A_1227, %shift_left3A_1229 : vector<16xi32>
      %add3A_1231 = arith.addi %sub3A_1224, %shift_left3A_1230 : vector<16xi32>
      %shift_right_arithmetic3A_1232 = arith.constant 13 : i32
      %shift_right_arithmetic3A_1233 = vector.broadcast %shift_right_arithmetic3A_1232 : i32 to vector<16xi32>
      %shift_right_arithmetic3A_1234 = arith.shrsi %and3A_1223, %shift_right_arithmetic3A_1233 : vector<16xi32>
      %add3A_1235 = arith.addi %add3A_1231, %shift_right_arithmetic3A_1234 : vector<16xi32>
      %swap3A_1236 = arith.constant 912 : index
      %swap3A_1237 = tpu.vector_load %arg5[%swap3A_1236] {strides = array<i32>} : memref<1024xi32, #tpu.memory_space<vmem>>, vector<16xi32>,
      tpu.vector_store %arg5[%swap3A_1236], %add3A_1235 {strides = array<i32>} : memref<1024xi32, #tpu.memory_space<vmem>>, vector<16xi32>,
      %get3A_1238 = arith.constant 928 : index
      %get3A_1239 = tpu.vector_load %arg4[%get3A_1238] {strides = array<i32>} : memref<1024xi32, #tpu.memory_space<vmem>>, vector<16xi32>,
      %and3A_1240 = arith.constant 32767 : i32
      %and3A_1241 = vector.broadcast %and3A_1240 : i32 to vector<16xi32>
      %and3A_1242 = arith.andi %get3A_1239, %and3A_1241 : vector<16xi32>
      %sub3A_1243 = arith.subi %get3A_1239, %and3A_1242 : vector<16xi32>
      %and3A_1244 = arith.constant 8191 : i32
      %and3A_1245 = vector.broadcast %and3A_1244 : i32 to vector<16xi32>
      %and3A_1246 = arith.andi %and3A_1242, %and3A_1245 : vector<16xi32>
      %shift_left3A_1247 = arith.constant 2 : i32
      %shift_left3A_1248 = vector.broadcast %shift_left3A_1247 : i32 to vector<16xi32>
      %shift_left3A_1249 = arith.shli %and3A_1246, %shift_left3A_1248 : vector<16xi32>
      %add3A_1250 = arith.addi %sub3A_1243, %shift_left3A_1249 : vector<16xi32>
      %shift_right_arithmetic3A_1251 = arith.constant 13 : i32
      %shift_right_arithmetic3A_1252 = vector.broadcast %shift_right_arithmetic3A_1251 : i32 to vector<16xi32>
      %shift_right_arithmetic3A_1253 = arith.shrsi %and3A_1242, %shift_right_arithmetic3A_1252 : vector<16xi32>
      %add3A_1254 = arith.addi %add3A_1250, %shift_right_arithmetic3A_1253 : vector<16xi32>
      %swap3A_1255 = arith.constant 928 : index
      %swap3A_1256 = tpu.vector_load %arg5[%swap3A_1255] {strides = array<i32>} : memref<1024xi32, #tpu.memory_space<vmem>>, vector<16xi32>,
      tpu.vector_store %arg5[%swap3A_1255], %add3A_1254 {strides = array<i32>} : memref<1024xi32, #tpu.memory_space<vmem>>, vector<16xi32>,
      %get3A_1257 = arith.constant 944 : index
      %get3A_1258 = tpu.vector_load %arg4[%get3A_1257] {strides = array<i32>} : memref<1024xi32, #tpu.memory_space<vmem>>, vector<16xi32>,
      %and3A_1259 = arith.constant 32767 : i32
      %and3A_1260 = vector.broadcast %and3A_1259 : i32 to vector<16xi32>
      %and3A_1261 = arith.andi %get3A_1258, %and3A_1260 : vector<16xi32>
      %sub3A_1262 = arith.subi %get3A_1258, %and3A_1261 : vector<16xi32>
      %and3A_1263 = arith.constant 8191 : i32
      %and3A_1264 = vector.broadcast %and3A_1263 : i32 to vector<16xi32>
      %and3A_1265 = arith.andi %and3A_1261, %and3A_1264 : vector<16xi32>
      %shift_left3A_1266 = arith.constant 2 : i32
      %shift_left3A_1267 = vector.broadcast %shift_left3A_1266 : i32 to vector<16xi32>
      %shift_left3A_1268 = arith.shli %and3A_1265, %shift_left3A_1267 : vector<16xi32>
      %add3A_1269 = arith.addi %sub3A_1262, %shift_left3A_1268 : vector<16xi32>
      %shift_right_arithmetic3A_1270 = arith.constant 13 : i32
      %shift_right_arithmetic3A_1271 = vector.broadcast %shift_right_arithmetic3A_1270 : i32 to vector<16xi32>
      %shift_right_arithmetic3A_1272 = arith.shrsi %and3A_1261, %shift_right_arithmetic3A_1271 : vector<16xi32>
      %add3A_1273 = arith.addi %add3A_1269, %shift_right_arithmetic3A_1272 : vector<16xi32>
      %swap3A_1274 = arith.constant 944 : index
      %swap3A_1275 = tpu.vector_load %arg5[%swap3A_1274] {strides = array<i32>} : memref<1024xi32, #tpu.memory_space<vmem>>, vector<16xi32>,
      tpu.vector_store %arg5[%swap3A_1274], %add3A_1273 {strides = array<i32>} : memref<1024xi32, #tpu.memory_space<vmem>>, vector<16xi32>,
      %get3A_1276 = arith.constant 960 : index
      %get3A_1277 = tpu.vector_load %arg4[%get3A_1276] {strides = array<i32>} : memref<1024xi32, #tpu.memory_space<vmem>>, vector<16xi32>,
      %and3A_1278 = arith.constant 32767 : i32
      %and3A_1279 = vector.broadcast %and3A_1278 : i32 to vector<16xi32>
      %and3A_1280 = arith.andi %get3A_1277, %and3A_1279 : vector<16xi32>
      %sub3A_1281 = arith.subi %get3A_1277, %and3A_1280 : vector<16xi32>
      %and3A_1282 = arith.constant 8191 : i32
      %and3A_1283 = vector.broadcast %and3A_1282 : i32 to vector<16xi32>
      %and3A_1284 = arith.andi %and3A_1280, %and3A_1283 : vector<16xi32>
      %shift_left3A_1285 = arith.constant 2 : i32
      %shift_left3A_1286 = vector.broadcast %shift_left3A_1285 : i32 to vector<16xi32>
      %shift_left3A_1287 = arith.shli %and3A_1284, %shift_left3A_1286 : vector<16xi32>
      %add3A_1288 = arith.addi %sub3A_1281, %shift_left3A_1287 : vector<16xi32>
      %shift_right_arithmetic3A_1289 = arith.constant 13 : i32
      %shift_right_arithmetic3A_1290 = vector.broadcast %shift_right_arithmetic3A_1289 : i32 to vector<16xi32>
      %shift_right_arithmetic3A_1291 = arith.shrsi %and3A_1280, %shift_right_arithmetic3A_1290 : vector<16xi32>
      %add3A_1292 = arith.addi %add3A_1288, %shift_right_arithmetic3A_1291 : vector<16xi32>
      %swap3A_1293 = arith.constant 960 : index
      %swap3A_1294 = tpu.vector_load %arg5[%swap3A_1293] {strides = array<i32>} : memref<1024xi32, #tpu.memory_space<vmem>>, vector<16xi32>,
      tpu.vector_store %arg5[%swap3A_1293], %add3A_1292 {strides = array<i32>} : memref<1024xi32, #tpu.memory_space<vmem>>, vector<16xi32>,
      %get3A_1295 = arith.constant 976 : index
      %get3A_1296 = tpu.vector_load %arg4[%get3A_1295] {strides = array<i32>} : memref<1024xi32, #tpu.memory_space<vmem>>, vector<16xi32>,
      %and3A_1297 = arith.constant 32767 : i32
      %and3A_1298 = vector.broadcast %and3A_1297 : i32 to vector<16xi32>
      %and3A_1299 = arith.andi %get3A_1296, %and3A_1298 : vector<16xi32>
      %sub3A_1300 = arith.subi %get3A_1296, %and3A_1299 : vector<16xi32>
      %and3A_1301 = arith.constant 8191 : i32
      %and3A_1302 = vector.broadcast %and3A_1301 : i32 to vector<16xi32>
      %and3A_1303 = arith.andi %and3A_1299, %and3A_1302 : vector<16xi32>
      %shift_left3A_1304 = arith.constant 2 : i32
      %shift_left3A_1305 = vector.broadcast %shift_left3A_1304 : i32 to vector<16xi32>
      %shift_left3A_1306 = arith.shli %and3A_1303, %shift_left3A_1305 : vector<16xi32>
      %add3A_1307 = arith.addi %sub3A_1300, %shift_left3A_1306 : vector<16xi32>
      %shift_right_arithmetic3A_1308 = arith.constant 13 : i32
      %shift_right_arithmetic3A_1309 = vector.broadcast %shift_right_arithmetic3A_1308 : i32 to vector<16xi32>
      %shift_right_arithmetic3A_1310 = arith.shrsi %and3A_1299, %shift_right_arithmetic3A_1309 : vector<16xi32>
      %add3A_1311 = arith.addi %add3A_1307, %shift_right_arithmetic3A_1310 : vector<16xi32>
      %swap3A_1312 = arith.constant 976 : index
      %swap3A_1313 = tpu.vector_load %arg5[%swap3A_1312] {strides = array<i32>} : memref<1024xi32, #tpu.memory_space<vmem>>, vector<16xi32>,
      tpu.vector_store %arg5[%swap3A_1312], %add3A_1311 {strides = array<i32>} : memref<1024xi32, #tpu.memory_space<vmem>>, vector<16xi32>,
      %get3A_1314 = arith.constant 992 : index
      %get3A_1315 = tpu.vector_load %arg4[%get3A_1314] {strides = array<i32>} : memref<1024xi32, #tpu.memory_space<vmem>>, vector<16xi32>,
      %and3A_1316 = arith.constant 32767 : i32
      %and3A_1317 = vector.broadcast %and3A_1316 : i32 to vector<16xi32>
      %and3A_1318 = arith.andi %get3A_1315, %and3A_1317 : vector<16xi32>
      %sub3A_1319 = arith.subi %get3A_1315, %and3A_1318 : vector<16xi32>
      %and3A_1320 = arith.constant 8191 : i32
      %and3A_1321 = vector.broadcast %and3A_1320 : i32 to vector<16xi32>
      %and3A_1322 = arith.andi %and3A_1318, %and3A_1321 : vector<16xi32>
      %shift_left3A_1323 = arith.constant 2 : i32
      %shift_left3A_1324 = vector.broadcast %shift_left3A_1323 : i32 to vector<16xi32>
      %shift_left3A_1325 = arith.shli %and3A_1322, %shift_left3A_1324 : vector<16xi32>
      %add3A_1326 = arith.addi %sub3A_1319, %shift_left3A_1325 : vector<16xi32>
      %shift_right_arithmetic3A_1327 = arith.constant 13 : i32
      %shift_right_arithmetic3A_1328 = vector.broadcast %shift_right_arithmetic3A_1327 : i32 to vector<16xi32>
      %shift_right_arithmetic3A_1329 = arith.shrsi %and3A_1318, %shift_right_arithmetic3A_1328 : vector<16xi32>
      %add3A_1330 = arith.addi %add3A_1326, %shift_right_arithmetic3A_1329 : vector<16xi32>
      %swap3A_1331 = arith.constant 992 : index
      %swap3A_1332 = tpu.vector_load %arg5[%swap3A_1331] {strides = array<i32>} : memref<1024xi32, #tpu.memory_space<vmem>>, vector<16xi32>,
      tpu.vector_store %arg5[%swap3A_1331], %add3A_1330 {strides = array<i32>} : memref<1024xi32, #tpu.memory_space<vmem>>, vector<16xi32>,
      %get3A_1333 = arith.constant 1008 : index
      %get3A_1334 = tpu.vector_load %arg4[%get3A_1333] {strides = array<i32>} : memref<1024xi32, #tpu.memory_space<vmem>>, vector<16xi32>,
      %and3A_1335 = arith.constant 32767 : i32
      %and3A_1336 = vector.broadcast %and3A_1335 : i32 to vector<16xi32>
      %and3A_1337 = arith.andi %get3A_1334, %and3A_1336 : vector<16xi32>
      %sub3A_1338 = arith.subi %get3A_1334, %and3A_1337 : vector<16xi32>
      %and3A_1339 = arith.constant 8191 : i32
      %and3A_1340 = vector.broadcast %and3A_1339 : i32 to vector<16xi32>
      %and3A_1341 = arith.andi %and3A_1337, %and3A_1340 : vector<16xi32>
      %shift_left3A_1342 = arith.constant 2 : i32
      %shift_left3A_1343 = vector.broadcast %shift_left3A_1342 : i32 to vector<16xi32>
      %shift_left3A_1344 = arith.shli %and3A_1341, %shift_left3A_1343 : vector<16xi32>
      %add3A_1345 = arith.addi %sub3A_1338, %shift_left3A_1344 : vector<16xi32>
      %shift_right_arithmetic3A_1346 = arith.constant 13 : i32
      %shift_right_arithmetic3A_1347 = vector.broadcast %shift_right_arithmetic3A_1346 : i32 to vector<16xi32>
      %shift_right_arithmetic3A_1348 = arith.shrsi %and3A_1337, %shift_right_arithmetic3A_1347 : vector<16xi32>
      %add3A_1349 = arith.addi %add3A_1345, %shift_right_arithmetic3A_1348 : vector<16xi32>
      %swap3A_1350 = arith.constant 1008 : index
      %swap3A_1351 = tpu.vector_load %arg5[%swap3A_1350] {strides = array<i32>} : memref<1024xi32, #tpu.memory_space<vmem>>, vector<16xi32>,
      tpu.vector_store %arg5[%swap3A_1350], %add3A_1349 {strides = array<i32>} : memref<1024xi32, #tpu.memory_space<vmem>>, vector<16xi32>,
      %add3A_1352 = arith.constant 0 : i32
      %add3A_1353 = vector.broadcast %add3A_1352 : i32 to vector<16xi32>
      %add3A_1354 = arith.addi %add3A_7, %add3A_1353 : vector<16xi32>
      %gather3A = tpu.vector_load_idx %arg5[%add3A_1354] : memref<1024xi32, #tpu.memory_space<vmem>>[vector<16xi32>], vector<16xi32>,
      %swap3A_1355 = arith.constant 0 : index
      %swap3A_1356 = tpu.vector_load %arg6[%swap3A_1355] {strides = array<i32>} : memref<1024xi32, #tpu.memory_space<vmem>>, vector<16xi32>,
      tpu.vector_store %arg6[%swap3A_1355], %gather3A {strides = array<i32>} : memref<1024xi32, #tpu.memory_space<vmem>>, vector<16xi32>,
      %add3A_1357 = arith.constant 4 : i32
      %add3A_1358 = vector.broadcast %add3A_1357 : i32 to vector<16xi32>
      %add3A_1359 = arith.addi %add3A_7, %add3A_1358 : vector<16xi32>
      %gather3A_1360 = tpu.vector_load_idx %arg5[%add3A_1359] : memref<1024xi32, #tpu.memory_space<vmem>>[vector<16xi32>], vector<16xi32>,
      %swap3A_1361 = arith.constant 16 : index
      %swap3A_1362 = tpu.vector_load %arg6[%swap3A_1361] {strides = array<i32>} : memref<1024xi32, #tpu.memory_space<vmem>>, vector<16xi32>,
      tpu.vector_store %arg6[%swap3A_1361], %gather3A_1360 {strides = array<i32>} : memref<1024xi32, #tpu.memory_space<vmem>>, vector<16xi32>,
      %add3A_1363 = arith.constant 8 : i32
      %add3A_1364 = vector.broadcast %add3A_1363 : i32 to vector<16xi32>
      %add3A_1365 = arith.addi %add3A_7, %add3A_1364 : vector<16xi32>
      %gather3A_1366 = tpu.vector_load_idx %arg5[%add3A_1365] : memref<1024xi32, #tpu.memory_space<vmem>>[vector<16xi32>], vector<16xi32>,
      %swap3A_1367 = arith.constant 32 : index
      %swap3A_1368 = tpu.vector_load %arg6[%swap3A_1367] {strides = array<i32>} : memref<1024xi32, #tpu.memory_space<vmem>>, vector<16xi32>,
      tpu.vector_store %arg6[%swap3A_1367], %gather3A_1366 {strides = array<i32>} : memref<1024xi32, #tpu.memory_space<vmem>>, vector<16xi32>,
      %add3A_1369 = arith.constant 12 : i32
      %add3A_1370 = vector.broadcast %add3A_1369 : i32 to vector<16xi32>
      %add3A_1371 = arith.addi %add3A_7, %add3A_1370 : vector<16xi32>
      %gather3A_1372 = tpu.vector_load_idx %arg5[%add3A_1371] : memref<1024xi32, #tpu.memory_space<vmem>>[vector<16xi32>], vector<16xi32>,
      %swap3A_1373 = arith.constant 48 : index
      %swap3A_1374 = tpu.vector_load %arg6[%swap3A_1373] {strides = array<i32>} : memref<1024xi32, #tpu.memory_space<vmem>>, vector<16xi32>,
      tpu.vector_store %arg6[%swap3A_1373], %gather3A_1372 {strides = array<i32>} : memref<1024xi32, #tpu.memory_space<vmem>>, vector<16xi32>,
      %add3A_1375 = arith.constant 16 : i32
      %add3A_1376 = vector.broadcast %add3A_1375 : i32 to vector<16xi32>
      %add3A_1377 = arith.addi %add3A_7, %add3A_1376 : vector<16xi32>
      %gather3A_1378 = tpu.vector_load_idx %arg5[%add3A_1377] : memref<1024xi32, #tpu.memory_space<vmem>>[vector<16xi32>], vector<16xi32>,
      %swap3A_1379 = arith.constant 64 : index
      %swap3A_1380 = tpu.vector_load %arg6[%swap3A_1379] {strides = array<i32>} : memref<1024xi32, #tpu.memory_space<vmem>>, vector<16xi32>,
      tpu.vector_store %arg6[%swap3A_1379], %gather3A_1378 {strides = array<i32>} : memref<1024xi32, #tpu.memory_space<vmem>>, vector<16xi32>,
      %add3A_1381 = arith.constant 20 : i32
      %add3A_1382 = vector.broadcast %add3A_1381 : i32 to vector<16xi32>
      %add3A_1383 = arith.addi %add3A_7, %add3A_1382 : vector<16xi32>
      %gather3A_1384 = tpu.vector_load_idx %arg5[%add3A_1383] : memref<1024xi32, #tpu.memory_space<vmem>>[vector<16xi32>], vector<16xi32>,
      %swap3A_1385 = arith.constant 80 : index
      %swap3A_1386 = tpu.vector_load %arg6[%swap3A_1385] {strides = array<i32>} : memref<1024xi32, #tpu.memory_space<vmem>>, vector<16xi32>,
      tpu.vector_store %arg6[%swap3A_1385], %gather3A_1384 {strides = array<i32>} : memref<1024xi32, #tpu.memory_space<vmem>>, vector<16xi32>,
      %add3A_1387 = arith.constant 24 : i32
      %add3A_1388 = vector.broadcast %add3A_1387 : i32 to vector<16xi32>
      %add3A_1389 = arith.addi %add3A_7, %add3A_1388 : vector<16xi32>
      %gather3A_1390 = tpu.vector_load_idx %arg5[%add3A_1389] : memref<1024xi32, #tpu.memory_space<vmem>>[vector<16xi32>], vector<16xi32>,
      %swap3A_1391 = arith.constant 96 : index
      %swap3A_1392 = tpu.vector_load %arg6[%swap3A_1391] {strides = array<i32>} : memref<1024xi32, #tpu.memory_space<vmem>>, vector<16xi32>,
      tpu.vector_store %arg6[%swap3A_1391], %gather3A_1390 {strides = array<i32>} : memref<1024xi32, #tpu.memory_space<vmem>>, vector<16xi32>,
      %add3A_1393 = arith.constant 28 : i32
      %add3A_1394 = vector.broadcast %add3A_1393 : i32 to vector<16xi32>
      %add3A_1395 = arith.addi %add3A_7, %add3A_1394 : vector<16xi32>
      %gather3A_1396 = tpu.vector_load_idx %arg5[%add3A_1395] : memref<1024xi32, #tpu.memory_space<vmem>>[vector<16xi32>], vector<16xi32>,
      %swap3A_1397 = arith.constant 112 : index
      %swap3A_1398 = tpu.vector_load %arg6[%swap3A_1397] {strides = array<i32>} : memref<1024xi32, #tpu.memory_space<vmem>>, vector<16xi32>,
      tpu.vector_store %arg6[%swap3A_1397], %gather3A_1396 {strides = array<i32>} : memref<1024xi32, #tpu.memory_space<vmem>>, vector<16xi32>,
      %add3A_1399 = arith.constant 32 : i32
      %add3A_1400 = vector.broadcast %add3A_1399 : i32 to vector<16xi32>
      %add3A_1401 = arith.addi %add3A_7, %add3A_1400 : vector<16xi32>
      %gather3A_1402 = tpu.vector_load_idx %arg5[%add3A_1401] : memref<1024xi32, #tpu.memory_space<vmem>>[vector<16xi32>], vector<16xi32>,
      %swap3A_1403 = arith.constant 128 : index
      %swap3A_1404 = tpu.vector_load %arg6[%swap3A_1403] {strides = array<i32>} : memref<1024xi32, #tpu.memory_space<vmem>>, vector<16xi32>,
      tpu.vector_store %arg6[%swap3A_1403], %gather3A_1402 {strides = array<i32>} : memref<1024xi32, #tpu.memory_space<vmem>>, vector<16xi32>,
      %add3A_1405 = arith.constant 36 : i32
      %add3A_1406 = vector.broadcast %add3A_1405 : i32 to vector<16xi32>
      %add3A_1407 = arith.addi %add3A_7, %add3A_1406 : vector<16xi32>
      %gather3A_1408 = tpu.vector_load_idx %arg5[%add3A_1407] : memref<1024xi32, #tpu.memory_space<vmem>>[vector<16xi32>], vector<16xi32>,
      %swap3A_1409 = arith.constant 144 : index
      %swap3A_1410 = tpu.vector_load %arg6[%swap3A_1409] {strides = array<i32>} : memref<1024xi32, #tpu.memory_space<vmem>>, vector<16xi32>,
      tpu.vector_store %arg6[%swap3A_1409], %gather3A_1408 {strides = array<i32>} : memref<1024xi32, #tpu.memory_space<vmem>>, vector<16xi32>,
      %add3A_1411 = arith.constant 40 : i32
      %add3A_1412 = vector.broadcast %add3A_1411 : i32 to vector<16xi32>
      %add3A_1413 = arith.addi %add3A_7, %add3A_1412 : vector<16xi32>
      %gather3A_1414 = tpu.vector_load_idx %arg5[%add3A_1413] : memref<1024xi32, #tpu.memory_space<vmem>>[vector<16xi32>], vector<16xi32>,
      %swap3A_1415 = arith.constant 160 : index
      %swap3A_1416 = tpu.vector_load %arg6[%swap3A_1415] {strides = array<i32>} : memref<1024xi32, #tpu.memory_space<vmem>>, vector<16xi32>,
      tpu.vector_store %arg6[%swap3A_1415], %gather3A_1414 {strides = array<i32>} : memref<1024xi32, #tpu.memory_space<vmem>>, vector<16xi32>,
      %add3A_1417 = arith.constant 44 : i32
      %add3A_1418 = vector.broadcast %add3A_1417 : i32 to vector<16xi32>
      %add3A_1419 = arith.addi %add3A_7, %add3A_1418 : vector<16xi32>
      %gather3A_1420 = tpu.vector_load_idx %arg5[%add3A_1419] : memref<1024xi32, #tpu.memory_space<vmem>>[vector<16xi32>], vector<16xi32>,
      %swap3A_1421 = arith.constant 176 : index
      %swap3A_1422 = tpu.vector_load %arg6[%swap3A_1421] {strides = array<i32>} : memref<1024xi32, #tpu.memory_space<vmem>>, vector<16xi32>,
      tpu.vector_store %arg6[%swap3A_1421], %gather3A_1420 {strides = array<i32>} : memref<1024xi32, #tpu.memory_space<vmem>>, vector<16xi32>,
      %add3A_1423 = arith.constant 48 : i32
      %add3A_1424 = vector.broadcast %add3A_1423 : i32 to vector<16xi32>
      %add3A_1425 = arith.addi %add3A_7, %add3A_1424 : vector<16xi32>
      %gather3A_1426 = tpu.vector_load_idx %arg5[%add3A_1425] : memref<1024xi32, #tpu.memory_space<vmem>>[vector<16xi32>], vector<16xi32>,
      %swap3A_1427 = arith.constant 192 : index
      %swap3A_1428 = tpu.vector_load %arg6[%swap3A_1427] {strides = array<i32>} : memref<1024xi32, #tpu.memory_space<vmem>>, vector<16xi32>,
      tpu.vector_store %arg6[%swap3A_1427], %gather3A_1426 {strides = array<i32>} : memref<1024xi32, #tpu.memory_space<vmem>>, vector<16xi32>,
      %add3A_1429 = arith.constant 52 : i32
      %add3A_1430 = vector.broadcast %add3A_1429 : i32 to vector<16xi32>
      %add3A_1431 = arith.addi %add3A_7, %add3A_1430 : vector<16xi32>
      %gather3A_1432 = tpu.vector_load_idx %arg5[%add3A_1431] : memref<1024xi32, #tpu.memory_space<vmem>>[vector<16xi32>], vector<16xi32>,
      %swap3A_1433 = arith.constant 208 : index
      %swap3A_1434 = tpu.vector_load %arg6[%swap3A_1433] {strides = array<i32>} : memref<1024xi32, #tpu.memory_space<vmem>>, vector<16xi32>,
      tpu.vector_store %arg6[%swap3A_1433], %gather3A_1432 {strides = array<i32>} : memref<1024xi32, #tpu.memory_space<vmem>>, vector<16xi32>,
      %add3A_1435 = arith.constant 56 : i32
      %add3A_1436 = vector.broadcast %add3A_1435 : i32 to vector<16xi32>
      %add3A_1437 = arith.addi %add3A_7, %add3A_1436 : vector<16xi32>
      %gather3A_1438 = tpu.vector_load_idx %arg5[%add3A_1437] : memref<1024xi32, #tpu.memory_space<vmem>>[vector<16xi32>], vector<16xi32>,
      %swap3A_1439 = arith.constant 224 : index
      %swap3A_1440 = tpu.vector_load %arg6[%swap3A_1439] {strides = array<i32>} : memref<1024xi32, #tpu.memory_space<vmem>>, vector<16xi32>,
      tpu.vector_store %arg6[%swap3A_1439], %gather3A_1438 {strides = array<i32>} : memref<1024xi32, #tpu.memory_space<vmem>>, vector<16xi32>,
      %add3A_1441 = arith.constant 60 : i32
      %add3A_1442 = vector.broadcast %add3A_1441 : i32 to vector<16xi32>
      %add3A_1443 = arith.addi %add3A_7, %add3A_1442 : vector<16xi32>
      %gather3A_1444 = tpu.vector_load_idx %arg5[%add3A_1443] : memref<1024xi32, #tpu.memory_space<vmem>>[vector<16xi32>], vector<16xi32>,
      %swap3A_1445 = arith.constant 240 : index
      %swap3A_1446 = tpu.vector_load %arg6[%swap3A_1445] {strides = array<i32>} : memref<1024xi32, #tpu.memory_space<vmem>>, vector<16xi32>,
      tpu.vector_store %arg6[%swap3A_1445], %gather3A_1444 {strides = array<i32>} : memref<1024xi32, #tpu.memory_space<vmem>>, vector<16xi32>,
      %add3A_1447 = arith.constant 64 : i32
      %add3A_1448 = vector.broadcast %add3A_1447 : i32 to vector<16xi32>
      %add3A_1449 = arith.addi %add3A_7, %add3A_1448 : vector<16xi32>
      %gather3A_1450 = tpu.vector_load_idx %arg5[%add3A_1449] : memref<1024xi32, #tpu.memory_space<vmem>>[vector<16xi32>], vector<16xi32>,
      %swap3A_1451 = arith.constant 256 : index
      %swap3A_1452 = tpu.vector_load %arg6[%swap3A_1451] {strides = array<i32>} : memref<1024xi32, #tpu.memory_space<vmem>>, vector<16xi32>,
      tpu.vector_store %arg6[%swap3A_1451], %gather3A_1450 {strides = array<i32>} : memref<1024xi32, #tpu.memory_space<vmem>>, vector<16xi32>,
      %add3A_1453 = arith.constant 68 : i32
      %add3A_1454 = vector.broadcast %add3A_1453 : i32 to vector<16xi32>
      %add3A_1455 = arith.addi %add3A_7, %add3A_1454 : vector<16xi32>
      %gather3A_1456 = tpu.vector_load_idx %arg5[%add3A_1455] : memref<1024xi32, #tpu.memory_space<vmem>>[vector<16xi32>], vector<16xi32>,
      %swap3A_1457 = arith.constant 272 : index
      %swap3A_1458 = tpu.vector_load %arg6[%swap3A_1457] {strides = array<i32>} : memref<1024xi32, #tpu.memory_space<vmem>>, vector<16xi32>,
      tpu.vector_store %arg6[%swap3A_1457], %gather3A_1456 {strides = array<i32>} : memref<1024xi32, #tpu.memory_space<vmem>>, vector<16xi32>,
      %add3A_1459 = arith.constant 72 : i32
      %add3A_1460 = vector.broadcast %add3A_1459 : i32 to vector<16xi32>
      %add3A_1461 = arith.addi %add3A_7, %add3A_1460 : vector<16xi32>
      %gather3A_1462 = tpu.vector_load_idx %arg5[%add3A_1461] : memref<1024xi32, #tpu.memory_space<vmem>>[vector<16xi32>], vector<16xi32>,
      %swap3A_1463 = arith.constant 288 : index
      %swap3A_1464 = tpu.vector_load %arg6[%swap3A_1463] {strides = array<i32>} : memref<1024xi32, #tpu.memory_space<vmem>>, vector<16xi32>,
      tpu.vector_store %arg6[%swap3A_1463], %gather3A_1462 {strides = array<i32>} : memref<1024xi32, #tpu.memory_space<vmem>>, vector<16xi32>,
      %add3A_1465 = arith.constant 76 : i32
      %add3A_1466 = vector.broadcast %add3A_1465 : i32 to vector<16xi32>
      %add3A_1467 = arith.addi %add3A_7, %add3A_1466 : vector<16xi32>
      %gather3A_1468 = tpu.vector_load_idx %arg5[%add3A_1467] : memref<1024xi32, #tpu.memory_space<vmem>>[vector<16xi32>], vector<16xi32>,
      %swap3A_1469 = arith.constant 304 : index
      %swap3A_1470 = tpu.vector_load %arg6[%swap3A_1469] {strides = array<i32>} : memref<1024xi32, #tpu.memory_space<vmem>>, vector<16xi32>,
      tpu.vector_store %arg6[%swap3A_1469], %gather3A_1468 {strides = array<i32>} : memref<1024xi32, #tpu.memory_space<vmem>>, vector<16xi32>,
      %add3A_1471 = arith.constant 80 : i32
      %add3A_1472 = vector.broadcast %add3A_1471 : i32 to vector<16xi32>
      %add3A_1473 = arith.addi %add3A_7, %add3A_1472 : vector<16xi32>
      %gather3A_1474 = tpu.vector_load_idx %arg5[%add3A_1473] : memref<1024xi32, #tpu.memory_space<vmem>>[vector<16xi32>], vector<16xi32>,
      %swap3A_1475 = arith.constant 320 : index
      %swap3A_1476 = tpu.vector_load %arg6[%swap3A_1475] {strides = array<i32>} : memref<1024xi32, #tpu.memory_space<vmem>>, vector<16xi32>,
      tpu.vector_store %arg6[%swap3A_1475], %gather3A_1474 {strides = array<i32>} : memref<1024xi32, #tpu.memory_space<vmem>>, vector<16xi32>,
      %add3A_1477 = arith.constant 84 : i32
      %add3A_1478 = vector.broadcast %add3A_1477 : i32 to vector<16xi32>
      %add3A_1479 = arith.addi %add3A_7, %add3A_1478 : vector<16xi32>
      %gather3A_1480 = tpu.vector_load_idx %arg5[%add3A_1479] : memref<1024xi32, #tpu.memory_space<vmem>>[vector<16xi32>], vector<16xi32>,
      %swap3A_1481 = arith.constant 336 : index
      %swap3A_1482 = tpu.vector_load %arg6[%swap3A_1481] {strides = array<i32>} : memref<1024xi32, #tpu.memory_space<vmem>>, vector<16xi32>,
      tpu.vector_store %arg6[%swap3A_1481], %gather3A_1480 {strides = array<i32>} : memref<1024xi32, #tpu.memory_space<vmem>>, vector<16xi32>,
      %add3A_1483 = arith.constant 88 : i32
      %add3A_1484 = vector.broadcast %add3A_1483 : i32 to vector<16xi32>
      %add3A_1485 = arith.addi %add3A_7, %add3A_1484 : vector<16xi32>
      %gather3A_1486 = tpu.vector_load_idx %arg5[%add3A_1485] : memref<1024xi32, #tpu.memory_space<vmem>>[vector<16xi32>], vector<16xi32>,
      %swap3A_1487 = arith.constant 352 : index
      %swap3A_1488 = tpu.vector_load %arg6[%swap3A_1487] {strides = array<i32>} : memref<1024xi32, #tpu.memory_space<vmem>>, vector<16xi32>,
      tpu.vector_store %arg6[%swap3A_1487], %gather3A_1486 {strides = array<i32>} : memref<1024xi32, #tpu.memory_space<vmem>>, vector<16xi32>,
      %add3A_1489 = arith.constant 92 : i32
      %add3A_1490 = vector.broadcast %add3A_1489 : i32 to vector<16xi32>
      %add3A_1491 = arith.addi %add3A_7, %add3A_1490 : vector<16xi32>
      %gather3A_1492 = tpu.vector_load_idx %arg5[%add3A_1491] : memref<1024xi32, #tpu.memory_space<vmem>>[vector<16xi32>], vector<16xi32>,
      %swap3A_1493 = arith.constant 368 : index
      %swap3A_1494 = tpu.vector_load %arg6[%swap3A_1493] {strides = array<i32>} : memref<1024xi32, #tpu.memory_space<vmem>>, vector<16xi32>,
      tpu.vector_store %arg6[%swap3A_1493], %gather3A_1492 {strides = array<i32>} : memref<1024xi32, #tpu.memory_space<vmem>>, vector<16xi32>,
      %add3A_1495 = arith.constant 96 : i32
      %add3A_1496 = vector.broadcast %add3A_1495 : i32 to vector<16xi32>
      %add3A_1497 = arith.addi %add3A_7, %add3A_1496 : vector<16xi32>
      %gather3A_1498 = tpu.vector_load_idx %arg5[%add3A_1497] : memref<1024xi32, #tpu.memory_space<vmem>>[vector<16xi32>], vector<16xi32>,
      %swap3A_1499 = arith.constant 384 : index
      %swap3A_1500 = tpu.vector_load %arg6[%swap3A_1499] {strides = array<i32>} : memref<1024xi32, #tpu.memory_space<vmem>>, vector<16xi32>,
      tpu.vector_store %arg6[%swap3A_1499], %gather3A_1498 {strides = array<i32>} : memref<1024xi32, #tpu.memory_space<vmem>>, vector<16xi32>,
      %add3A_1501 = arith.constant 100 : i32
      %add3A_1502 = vector.broadcast %add3A_1501 : i32 to vector<16xi32>
      %add3A_1503 = arith.addi %add3A_7, %add3A_1502 : vector<16xi32>
      %gather3A_1504 = tpu.vector_load_idx %arg5[%add3A_1503] : memref<1024xi32, #tpu.memory_space<vmem>>[vector<16xi32>], vector<16xi32>,
      %swap3A_1505 = arith.constant 400 : index
      %swap3A_1506 = tpu.vector_load %arg6[%swap3A_1505] {strides = array<i32>} : memref<1024xi32, #tpu.memory_space<vmem>>, vector<16xi32>,
      tpu.vector_store %arg6[%swap3A_1505], %gather3A_1504 {strides = array<i32>} : memref<1024xi32, #tpu.memory_space<vmem>>, vector<16xi32>,
      %add3A_1507 = arith.constant 104 : i32
      %add3A_1508 = vector.broadcast %add3A_1507 : i32 to vector<16xi32>
      %add3A_1509 = arith.addi %add3A_7, %add3A_1508 : vector<16xi32>
      %gather3A_1510 = tpu.vector_load_idx %arg5[%add3A_1509] : memref<1024xi32, #tpu.memory_space<vmem>>[vector<16xi32>], vector<16xi32>,
      %swap3A_1511 = arith.constant 416 : index
      %swap3A_1512 = tpu.vector_load %arg6[%swap3A_1511] {strides = array<i32>} : memref<1024xi32, #tpu.memory_space<vmem>>, vector<16xi32>,
      tpu.vector_store %arg6[%swap3A_1511], %gather3A_1510 {strides = array<i32>} : memref<1024xi32, #tpu.memory_space<vmem>>, vector<16xi32>,
      %add3A_1513 = arith.constant 108 : i32
      %add3A_1514 = vector.broadcast %add3A_1513 : i32 to vector<16xi32>
      %add3A_1515 = arith.addi %add3A_7, %add3A_1514 : vector<16xi32>
      %gather3A_1516 = tpu.vector_load_idx %arg5[%add3A_1515] : memref<1024xi32, #tpu.memory_space<vmem>>[vector<16xi32>], vector<16xi32>,
      %swap3A_1517 = arith.constant 432 : index
      %swap3A_1518 = tpu.vector_load %arg6[%swap3A_1517] {strides = array<i32>} : memref<1024xi32, #tpu.memory_space<vmem>>, vector<16xi32>,
      tpu.vector_store %arg6[%swap3A_1517], %gather3A_1516 {strides = array<i32>} : memref<1024xi32, #tpu.memory_space<vmem>>, vector<16xi32>,
      %add3A_1519 = arith.constant 112 : i32
      %add3A_1520 = vector.broadcast %add3A_1519 : i32 to vector<16xi32>
      %add3A_1521 = arith.addi %add3A_7, %add3A_1520 : vector<16xi32>
      %gather3A_1522 = tpu.vector_load_idx %arg5[%add3A_1521] : memref<1024xi32, #tpu.memory_space<vmem>>[vector<16xi32>], vector<16xi32>,
      %swap3A_1523 = arith.constant 448 : index
      %swap3A_1524 = tpu.vector_load %arg6[%swap3A_1523] {strides = array<i32>} : memref<1024xi32, #tpu.memory_space<vmem>>, vector<16xi32>,
      tpu.vector_store %arg6[%swap3A_1523], %gather3A_1522 {strides = array<i32>} : memref<1024xi32, #tpu.memory_space<vmem>>, vector<16xi32>,
      %add3A_1525 = arith.constant 116 : i32
      %add3A_1526 = vector.broadcast %add3A_1525 : i32 to vector<16xi32>
      %add3A_1527 = arith.addi %add3A_7, %add3A_1526 : vector<16xi32>
      %gather3A_1528 = tpu.vector_load_idx %arg5[%add3A_1527] : memref<1024xi32, #tpu.memory_space<vmem>>[vector<16xi32>], vector<16xi32>,
      %swap3A_1529 = arith.constant 464 : index
      %swap3A_1530 = tpu.vector_load %arg6[%swap3A_1529] {strides = array<i32>} : memref<1024xi32, #tpu.memory_space<vmem>>, vector<16xi32>,
      tpu.vector_store %arg6[%swap3A_1529], %gather3A_1528 {strides = array<i32>} : memref<1024xi32, #tpu.memory_space<vmem>>, vector<16xi32>,
      %add3A_1531 = arith.constant 120 : i32
      %add3A_1532 = vector.broadcast %add3A_1531 : i32 to vector<16xi32>
      %add3A_1533 = arith.addi %add3A_7, %add3A_1532 : vector<16xi32>
      %gather3A_1534 = tpu.vector_load_idx %arg5[%add3A_1533] : memref<1024xi32, #tpu.memory_space<vmem>>[vector<16xi32>], vector<16xi32>,
      %swap3A_1535 = arith.constant 480 : index
      %swap3A_1536 = tpu.vector_load %arg6[%swap3A_1535] {strides = array<i32>} : memref<1024xi32, #tpu.memory_space<vmem>>, vector<16xi32>,
      tpu.vector_store %arg6[%swap3A_1535], %gather3A_1534 {strides = array<i32>} : memref<1024xi32, #tpu.memory_space<vmem>>, vector<16xi32>,
      %add3A_1537 = arith.constant 124 : i32
      %add3A_1538 = vector.broadcast %add3A_1537 : i32 to vector<16xi32>
      %add3A_1539 = arith.addi %add3A_7, %add3A_1538 : vector<16xi32>
      %gather3A_1540 = tpu.vector_load_idx %arg5[%add3A_1539] : memref<1024xi32, #tpu.memory_space<vmem>>[vector<16xi32>], vector<16xi32>,
      %swap3A_1541 = arith.constant 496 : index
      %swap3A_1542 = tpu.vector_load %arg6[%swap3A_1541] {strides = array<i32>} : memref<1024xi32, #tpu.memory_space<vmem>>, vector<16xi32>,
      tpu.vector_store %arg6[%swap3A_1541], %gather3A_1540 {strides = array<i32>} : memref<1024xi32, #tpu.memory_space<vmem>>, vector<16xi32>,
      %add3A_1543 = arith.constant 128 : i32
      %add3A_1544 = vector.broadcast %add3A_1543 : i32 to vector<16xi32>
      %add3A_1545 = arith.addi %add3A_7, %add3A_1544 : vector<16xi32>
      %gather3A_1546 = tpu.vector_load_idx %arg5[%add3A_1545] : memref<1024xi32, #tpu.memory_space<vmem>>[vector<16xi32>], vector<16xi32>,
      %swap3A_1547 = arith.constant 512 : index
      %swap3A_1548 = tpu.vector_load %arg6[%swap3A_1547] {strides = array<i32>} : memref<1024xi32, #tpu.memory_space<vmem>>, vector<16xi32>,
      tpu.vector_store %arg6[%swap3A_1547], %gather3A_1546 {strides = array<i32>} : memref<1024xi32, #tpu.memory_space<vmem>>, vector<16xi32>,
      %add3A_1549 = arith.constant 132 : i32
      %add3A_1550 = vector.broadcast %add3A_1549 : i32 to vector<16xi32>
      %add3A_1551 = arith.addi %add3A_7, %add3A_1550 : vector<16xi32>
      %gather3A_1552 = tpu.vector_load_idx %arg5[%add3A_1551] : memref<1024xi32, #tpu.memory_space<vmem>>[vector<16xi32>], vector<16xi32>,
      %swap3A_1553 = arith.constant 528 : index
      %swap3A_1554 = tpu.vector_load %arg6[%swap3A_1553] {strides = array<i32>} : memref<1024xi32, #tpu.memory_space<vmem>>, vector<16xi32>,
      tpu.vector_store %arg6[%swap3A_1553], %gather3A_1552 {strides = array<i32>} : memref<1024xi32, #tpu.memory_space<vmem>>, vector<16xi32>,
      %add3A_1555 = arith.constant 136 : i32
      %add3A_1556 = vector.broadcast %add3A_1555 : i32 to vector<16xi32>
      %add3A_1557 = arith.addi %add3A_7, %add3A_1556 : vector<16xi32>
      %gather3A_1558 = tpu.vector_load_idx %arg5[%add3A_1557] : memref<1024xi32, #tpu.memory_space<vmem>>[vector<16xi32>], vector<16xi32>,
      %swap3A_1559 = arith.constant 544 : index
      %swap3A_1560 = tpu.vector_load %arg6[%swap3A_1559] {strides = array<i32>} : memref<1024xi32, #tpu.memory_space<vmem>>, vector<16xi32>,
      tpu.vector_store %arg6[%swap3A_1559], %gather3A_1558 {strides = array<i32>} : memref<1024xi32, #tpu.memory_space<vmem>>, vector<16xi32>,
      %add3A_1561 = arith.constant 140 : i32
      %add3A_1562 = vector.broadcast %add3A_1561 : i32 to vector<16xi32>
      %add3A_1563 = arith.addi %add3A_7, %add3A_1562 : vector<16xi32>
      %gather3A_1564 = tpu.vector_load_idx %arg5[%add3A_1563] : memref<1024xi32, #tpu.memory_space<vmem>>[vector<16xi32>], vector<16xi32>,
      %swap3A_1565 = arith.constant 560 : index
      %swap3A_1566 = tpu.vector_load %arg6[%swap3A_1565] {strides = array<i32>} : memref<1024xi32, #tpu.memory_space<vmem>>, vector<16xi32>,
      tpu.vector_store %arg6[%swap3A_1565], %gather3A_1564 {strides = array<i32>} : memref<1024xi32, #tpu.memory_space<vmem>>, vector<16xi32>,
      %add3A_1567 = arith.constant 144 : i32
      %add3A_1568 = vector.broadcast %add3A_1567 : i32 to vector<16xi32>
      %add3A_1569 = arith.addi %add3A_7, %add3A_1568 : vector<16xi32>
      %gather3A_1570 = tpu.vector_load_idx %arg5[%add3A_1569] : memref<1024xi32, #tpu.memory_space<vmem>>[vector<16xi32>], vector<16xi32>,
      %swap3A_1571 = arith.constant 576 : index
      %swap3A_1572 = tpu.vector_load %arg6[%swap3A_1571] {strides = array<i32>} : memref<1024xi32, #tpu.memory_space<vmem>>, vector<16xi32>,
      tpu.vector_store %arg6[%swap3A_1571], %gather3A_1570 {strides = array<i32>} : memref<1024xi32, #tpu.memory_space<vmem>>, vector<16xi32>,
      %add3A_1573 = arith.constant 148 : i32
      %add3A_1574 = vector.broadcast %add3A_1573 : i32 to vector<16xi32>
      %add3A_1575 = arith.addi %add3A_7, %add3A_1574 : vector<16xi32>
      %gather3A_1576 = tpu.vector_load_idx %arg5[%add3A_1575] : memref<1024xi32, #tpu.memory_space<vmem>>[vector<16xi32>], vector<16xi32>,
      %swap3A_1577 = arith.constant 592 : index
      %swap3A_1578 = tpu.vector_load %arg6[%swap3A_1577] {strides = array<i32>} : memref<1024xi32, #tpu.memory_space<vmem>>, vector<16xi32>,
      tpu.vector_store %arg6[%swap3A_1577], %gather3A_1576 {strides = array<i32>} : memref<1024xi32, #tpu.memory_space<vmem>>, vector<16xi32>,
      %add3A_1579 = arith.constant 152 : i32
      %add3A_1580 = vector.broadcast %add3A_1579 : i32 to vector<16xi32>
      %add3A_1581 = arith.addi %add3A_7, %add3A_1580 : vector<16xi32>
      %gather3A_1582 = tpu.vector_load_idx %arg5[%add3A_1581] : memref<1024xi32, #tpu.memory_space<vmem>>[vector<16xi32>], vector<16xi32>,
      %swap3A_1583 = arith.constant 608 : index
      %swap3A_1584 = tpu.vector_load %arg6[%swap3A_1583] {strides = array<i32>} : memref<1024xi32, #tpu.memory_space<vmem>>, vector<16xi32>,
      tpu.vector_store %arg6[%swap3A_1583], %gather3A_1582 {strides = array<i32>} : memref<1024xi32, #tpu.memory_space<vmem>>, vector<16xi32>,
      %add3A_1585 = arith.constant 156 : i32
      %add3A_1586 = vector.broadcast %add3A_1585 : i32 to vector<16xi32>
      %add3A_1587 = arith.addi %add3A_7, %add3A_1586 : vector<16xi32>
      %gather3A_1588 = tpu.vector_load_idx %arg5[%add3A_1587] : memref<1024xi32, #tpu.memory_space<vmem>>[vector<16xi32>], vector<16xi32>,
      %swap3A_1589 = arith.constant 624 : index
      %swap3A_1590 = tpu.vector_load %arg6[%swap3A_1589] {strides = array<i32>} : memref<1024xi32, #tpu.memory_space<vmem>>, vector<16xi32>,
      tpu.vector_store %arg6[%swap3A_1589], %gather3A_1588 {strides = array<i32>} : memref<1024xi32, #tpu.memory_space<vmem>>, vector<16xi32>,
      %add3A_1591 = arith.constant 160 : i32
      %add3A_1592 = vector.broadcast %add3A_1591 : i32 to vector<16xi32>
      %add3A_1593 = arith.addi %add3A_7, %add3A_1592 : vector<16xi32>
      %gather3A_1594 = tpu.vector_load_idx %arg5[%add3A_1593] : memref<1024xi32, #tpu.memory_space<vmem>>[vector<16xi32>], vector<16xi32>,
      %swap3A_1595 = arith.constant 640 : index
      %swap3A_1596 = tpu.vector_load %arg6[%swap3A_1595] {strides = array<i32>} : memref<1024xi32, #tpu.memory_space<vmem>>, vector<16xi32>,
      tpu.vector_store %arg6[%swap3A_1595], %gather3A_1594 {strides = array<i32>} : memref<1024xi32, #tpu.memory_space<vmem>>, vector<16xi32>,
      %add3A_1597 = arith.constant 164 : i32
      %add3A_1598 = vector.broadcast %add3A_1597 : i32 to vector<16xi32>
      %add3A_1599 = arith.addi %add3A_7, %add3A_1598 : vector<16xi32>
      %gather3A_1600 = tpu.vector_load_idx %arg5[%add3A_1599] : memref<1024xi32, #tpu.memory_space<vmem>>[vector<16xi32>], vector<16xi32>,
      %swap3A_1601 = arith.constant 656 : index
      %swap3A_1602 = tpu.vector_load %arg6[%swap3A_1601] {strides = array<i32>} : memref<1024xi32, #tpu.memory_space<vmem>>, vector<16xi32>,
      tpu.vector_store %arg6[%swap3A_1601], %gather3A_1600 {strides = array<i32>} : memref<1024xi32, #tpu.memory_space<vmem>>, vector<16xi32>,
      %add3A_1603 = arith.constant 168 : i32
      %add3A_1604 = vector.broadcast %add3A_1603 : i32 to vector<16xi32>
      %add3A_1605 = arith.addi %add3A_7, %add3A_1604 : vector<16xi32>
      %gather3A_1606 = tpu.vector_load_idx %arg5[%add3A_1605] : memref<1024xi32, #tpu.memory_space<vmem>>[vector<16xi32>], vector<16xi32>,
      %swap3A_1607 = arith.constant 672 : index
      %swap3A_1608 = tpu.vector_load %arg6[%swap3A_1607] {strides = array<i32>} : memref<1024xi32, #tpu.memory_space<vmem>>, vector<16xi32>,
      tpu.vector_store %arg6[%swap3A_1607], %gather3A_1606 {strides = array<i32>} : memref<1024xi32, #tpu.memory_space<vmem>>, vector<16xi32>,
      %add3A_1609 = arith.constant 172 : i32
      %add3A_1610 = vector.broadcast %add3A_1609 : i32 to vector<16xi32>
      %add3A_1611 = arith.addi %add3A_7, %add3A_1610 : vector<16xi32>
      %gather3A_1612 = tpu.vector_load_idx %arg5[%add3A_1611] : memref<1024xi32, #tpu.memory_space<vmem>>[vector<16xi32>], vector<16xi32>,
      %swap3A_1613 = arith.constant 688 : index
      %swap3A_1614 = tpu.vector_load %arg6[%swap3A_1613] {strides = array<i32>} : memref<1024xi32, #tpu.memory_space<vmem>>, vector<16xi32>,
      tpu.vector_store %arg6[%swap3A_1613], %gather3A_1612 {strides = array<i32>} : memref<1024xi32, #tpu.memory_space<vmem>>, vector<16xi32>,
      %add3A_1615 = arith.constant 176 : i32
      %add3A_1616 = vector.broadcast %add3A_1615 : i32 to vector<16xi32>
      %add3A_1617 = arith.addi %add3A_7, %add3A_1616 : vector<16xi32>
      %gather3A_1618 = tpu.vector_load_idx %arg5[%add3A_1617] : memref<1024xi32, #tpu.memory_space<vmem>>[vector<16xi32>], vector<16xi32>,
      %swap3A_1619 = arith.constant 704 : index
      %swap3A_1620 = tpu.vector_load %arg6[%swap3A_1619] {strides = array<i32>} : memref<1024xi32, #tpu.memory_space<vmem>>, vector<16xi32>,
      tpu.vector_store %arg6[%swap3A_1619], %gather3A_1618 {strides = array<i32>} : memref<1024xi32, #tpu.memory_space<vmem>>, vector<16xi32>,
      %add3A_1621 = arith.constant 180 : i32
      %add3A_1622 = vector.broadcast %add3A_1621 : i32 to vector<16xi32>
      %add3A_1623 = arith.addi %add3A_7, %add3A_1622 : vector<16xi32>
      %gather3A_1624 = tpu.vector_load_idx %arg5[%add3A_1623] : memref<1024xi32, #tpu.memory_space<vmem>>[vector<16xi32>], vector<16xi32>,
      %swap3A_1625 = arith.constant 720 : index
      %swap3A_1626 = tpu.vector_load %arg6[%swap3A_1625] {strides = array<i32>} : memref<1024xi32, #tpu.memory_space<vmem>>, vector<16xi32>,
      tpu.vector_store %arg6[%swap3A_1625], %gather3A_1624 {strides = array<i32>} : memref<1024xi32, #tpu.memory_space<vmem>>, vector<16xi32>,
      %add3A_1627 = arith.constant 184 : i32
      %add3A_1628 = vector.broadcast %add3A_1627 : i32 to vector<16xi32>
      %add3A_1629 = arith.addi %add3A_7, %add3A_1628 : vector<16xi32>
      %gather3A_1630 = tpu.vector_load_idx %arg5[%add3A_1629] : memref<1024xi32, #tpu.memory_space<vmem>>[vector<16xi32>], vector<16xi32>,
      %swap3A_1631 = arith.constant 736 : index
      %swap3A_1632 = tpu.vector_load %arg6[%swap3A_1631] {strides = array<i32>} : memref<1024xi32, #tpu.memory_space<vmem>>, vector<16xi32>,
      tpu.vector_store %arg6[%swap3A_1631], %gather3A_1630 {strides = array<i32>} : memref<1024xi32, #tpu.memory_space<vmem>>, vector<16xi32>,
      %add3A_1633 = arith.constant 188 : i32
      %add3A_1634 = vector.broadcast %add3A_1633 : i32 to vector<16xi32>
      %add3A_1635 = arith.addi %add3A_7, %add3A_1634 : vector<16xi32>
      %gather3A_1636 = tpu.vector_load_idx %arg5[%add3A_1635] : memref<1024xi32, #tpu.memory_space<vmem>>[vector<16xi32>], vector<16xi32>,
      %swap3A_1637 = arith.constant 752 : index
      %swap3A_1638 = tpu.vector_load %arg6[%swap3A_1637] {strides = array<i32>} : memref<1024xi32, #tpu.memory_space<vmem>>, vector<16xi32>,
      tpu.vector_store %arg6[%swap3A_1637], %gather3A_1636 {strides = array<i32>} : memref<1024xi32, #tpu.memory_space<vmem>>, vector<16xi32>,
      %add3A_1639 = arith.constant 192 : i32
      %add3A_1640 = vector.broadcast %add3A_1639 : i32 to vector<16xi32>
      %add3A_1641 = arith.addi %add3A_7, %add3A_1640 : vector<16xi32>
      %gather3A_1642 = tpu.vector_load_idx %arg5[%add3A_1641] : memref<1024xi32, #tpu.memory_space<vmem>>[vector<16xi32>], vector<16xi32>,
      %swap3A_1643 = arith.constant 768 : index
      %swap3A_1644 = tpu.vector_load %arg6[%swap3A_1643] {strides = array<i32>} : memref<1024xi32, #tpu.memory_space<vmem>>, vector<16xi32>,
      tpu.vector_store %arg6[%swap3A_1643], %gather3A_1642 {strides = array<i32>} : memref<1024xi32, #tpu.memory_space<vmem>>, vector<16xi32>,
      %add3A_1645 = arith.constant 196 : i32
      %add3A_1646 = vector.broadcast %add3A_1645 : i32 to vector<16xi32>
      %add3A_1647 = arith.addi %add3A_7, %add3A_1646 : vector<16xi32>
      %gather3A_1648 = tpu.vector_load_idx %arg5[%add3A_1647] : memref<1024xi32, #tpu.memory_space<vmem>>[vector<16xi32>], vector<16xi32>,
      %swap3A_1649 = arith.constant 784 : index
      %swap3A_1650 = tpu.vector_load %arg6[%swap3A_1649] {strides = array<i32>} : memref<1024xi32, #tpu.memory_space<vmem>>, vector<16xi32>,
      tpu.vector_store %arg6[%swap3A_1649], %gather3A_1648 {strides = array<i32>} : memref<1024xi32, #tpu.memory_space<vmem>>, vector<16xi32>,
      %add3A_1651 = arith.constant 200 : i32
      %add3A_1652 = vector.broadcast %add3A_1651 : i32 to vector<16xi32>
      %add3A_1653 = arith.addi %add3A_7, %add3A_1652 : vector<16xi32>
      %gather3A_1654 = tpu.vector_load_idx %arg5[%add3A_1653] : memref<1024xi32, #tpu.memory_space<vmem>>[vector<16xi32>], vector<16xi32>,
      %swap3A_1655 = arith.constant 800 : index
      %swap3A_1656 = tpu.vector_load %arg6[%swap3A_1655] {strides = array<i32>} : memref<1024xi32, #tpu.memory_space<vmem>>, vector<16xi32>,
      tpu.vector_store %arg6[%swap3A_1655], %gather3A_1654 {strides = array<i32>} : memref<1024xi32, #tpu.memory_space<vmem>>, vector<16xi32>,
      %add3A_1657 = arith.constant 204 : i32
      %add3A_1658 = vector.broadcast %add3A_1657 : i32 to vector<16xi32>
      %add3A_1659 = arith.addi %add3A_7, %add3A_1658 : vector<16xi32>
      %gather3A_1660 = tpu.vector_load_idx %arg5[%add3A_1659] : memref<1024xi32, #tpu.memory_space<vmem>>[vector<16xi32>], vector<16xi32>,
      %swap3A_1661 = arith.constant 816 : index
      %swap3A_1662 = tpu.vector_load %arg6[%swap3A_1661] {strides = array<i32>} : memref<1024xi32, #tpu.memory_space<vmem>>, vector<16xi32>,
      tpu.vector_store %arg6[%swap3A_1661], %gather3A_1660 {strides = array<i32>} : memref<1024xi32, #tpu.memory_space<vmem>>, vector<16xi32>,
      %add3A_1663 = arith.constant 208 : i32
      %add3A_1664 = vector.broadcast %add3A_1663 : i32 to vector<16xi32>
      %add3A_1665 = arith.addi %add3A_7, %add3A_1664 : vector<16xi32>
      %gather3A_1666 = tpu.vector_load_idx %arg5[%add3A_1665] : memref<1024xi32, #tpu.memory_space<vmem>>[vector<16xi32>], vector<16xi32>,
      %swap3A_1667 = arith.constant 832 : index
      %swap3A_1668 = tpu.vector_load %arg6[%swap3A_1667] {strides = array<i32>} : memref<1024xi32, #tpu.memory_space<vmem>>, vector<16xi32>,
      tpu.vector_store %arg6[%swap3A_1667], %gather3A_1666 {strides = array<i32>} : memref<1024xi32, #tpu.memory_space<vmem>>, vector<16xi32>,
      %add3A_1669 = arith.constant 212 : i32
      %add3A_1670 = vector.broadcast %add3A_1669 : i32 to vector<16xi32>
      %add3A_1671 = arith.addi %add3A_7, %add3A_1670 : vector<16xi32>
      %gather3A_1672 = tpu.vector_load_idx %arg5[%add3A_1671] : memref<1024xi32, #tpu.memory_space<vmem>>[vector<16xi32>], vector<16xi32>,
      %swap3A_1673 = arith.constant 848 : index
      %swap3A_1674 = tpu.vector_load %arg6[%swap3A_1673] {strides = array<i32>} : memref<1024xi32, #tpu.memory_space<vmem>>, vector<16xi32>,
      tpu.vector_store %arg6[%swap3A_1673], %gather3A_1672 {strides = array<i32>} : memref<1024xi32, #tpu.memory_space<vmem>>, vector<16xi32>,
      %add3A_1675 = arith.constant 216 : i32
      %add3A_1676 = vector.broadcast %add3A_1675 : i32 to vector<16xi32>
      %add3A_1677 = arith.addi %add3A_7, %add3A_1676 : vector<16xi32>
      %gather3A_1678 = tpu.vector_load_idx %arg5[%add3A_1677] : memref<1024xi32, #tpu.memory_space<vmem>>[vector<16xi32>], vector<16xi32>,
      %swap3A_1679 = arith.constant 864 : index
      %swap3A_1680 = tpu.vector_load %arg6[%swap3A_1679] {strides = array<i32>} : memref<1024xi32, #tpu.memory_space<vmem>>, vector<16xi32>,
      tpu.vector_store %arg6[%swap3A_1679], %gather3A_1678 {strides = array<i32>} : memref<1024xi32, #tpu.memory_space<vmem>>, vector<16xi32>,
      %add3A_1681 = arith.constant 220 : i32
      %add3A_1682 = vector.broadcast %add3A_1681 : i32 to vector<16xi32>
      %add3A_1683 = arith.addi %add3A_7, %add3A_1682 : vector<16xi32>
      %gather3A_1684 = tpu.vector_load_idx %arg5[%add3A_1683] : memref<1024xi32, #tpu.memory_space<vmem>>[vector<16xi32>], vector<16xi32>,
      %swap3A_1685 = arith.constant 880 : index
      %swap3A_1686 = tpu.vector_load %arg6[%swap3A_1685] {strides = array<i32>} : memref<1024xi32, #tpu.memory_space<vmem>>, vector<16xi32>,
      tpu.vector_store %arg6[%swap3A_1685], %gather3A_1684 {strides = array<i32>} : memref<1024xi32, #tpu.memory_space<vmem>>, vector<16xi32>,
      %add3A_1687 = arith.constant 224 : i32
      %add3A_1688 = vector.broadcast %add3A_1687 : i32 to vector<16xi32>
      %add3A_1689 = arith.addi %add3A_7, %add3A_1688 : vector<16xi32>
      %gather3A_1690 = tpu.vector_load_idx %arg5[%add3A_1689] : memref<1024xi32, #tpu.memory_space<vmem>>[vector<16xi32>], vector<16xi32>,
      %swap3A_1691 = arith.constant 896 : index
      %swap3A_1692 = tpu.vector_load %arg6[%swap3A_1691] {strides = array<i32>} : memref<1024xi32, #tpu.memory_space<vmem>>, vector<16xi32>,
      tpu.vector_store %arg6[%swap3A_1691], %gather3A_1690 {strides = array<i32>} : memref<1024xi32, #tpu.memory_space<vmem>>, vector<16xi32>,
      %add3A_1693 = arith.constant 228 : i32
      %add3A_1694 = vector.broadcast %add3A_1693 : i32 to vector<16xi32>
      %add3A_1695 = arith.addi %add3A_7, %add3A_1694 : vector<16xi32>
      %gather3A_1696 = tpu.vector_load_idx %arg5[%add3A_1695] : memref<1024xi32, #tpu.memory_space<vmem>>[vector<16xi32>], vector<16xi32>,
      %swap3A_1697 = arith.constant 912 : index
      %swap3A_1698 = tpu.vector_load %arg6[%swap3A_1697] {strides = array<i32>} : memref<1024xi32, #tpu.memory_space<vmem>>, vector<16xi32>,
      tpu.vector_store %arg6[%swap3A_1697], %gather3A_1696 {strides = array<i32>} : memref<1024xi32, #tpu.memory_space<vmem>>, vector<16xi32>,
      %add3A_1699 = arith.constant 232 : i32
      %add3A_1700 = vector.broadcast %add3A_1699 : i32 to vector<16xi32>
      %add3A_1701 = arith.addi %add3A_7, %add3A_1700 : vector<16xi32>
      %gather3A_1702 = tpu.vector_load_idx %arg5[%add3A_1701] : memref<1024xi32, #tpu.memory_space<vmem>>[vector<16xi32>], vector<16xi32>,
      %swap3A_1703 = arith.constant 928 : index
      %swap3A_1704 = tpu.vector_load %arg6[%swap3A_1703] {strides = array<i32>} : memref<1024xi32, #tpu.memory_space<vmem>>, vector<16xi32>,
      tpu.vector_store %arg6[%swap3A_1703], %gather3A_1702 {strides = array<i32>} : memref<1024xi32, #tpu.memory_space<vmem>>, vector<16xi32>,
      %add3A_1705 = arith.constant 236 : i32
      %add3A_1706 = vector.broadcast %add3A_1705 : i32 to vector<16xi32>
      %add3A_1707 = arith.addi %add3A_7, %add3A_1706 : vector<16xi32>
      %gather3A_1708 = tpu.vector_load_idx %arg5[%add3A_1707] : memref<1024xi32, #tpu.memory_space<vmem>>[vector<16xi32>], vector<16xi32>,
      %swap3A_1709 = arith.constant 944 : index
      %swap3A_1710 = tpu.vector_load %arg6[%swap3A_1709] {strides = array<i32>} : memref<1024xi32, #tpu.memory_space<vmem>>, vector<16xi32>,
      tpu.vector_store %arg6[%swap3A_1709], %gather3A_1708 {strides = array<i32>} : memref<1024xi32, #tpu.memory_space<vmem>>, vector<16xi32>,
      %add3A_1711 = arith.constant 240 : i32
      %add3A_1712 = vector.broadcast %add3A_1711 : i32 to vector<16xi32>
      %add3A_1713 = arith.addi %add3A_7, %add3A_1712 : vector<16xi32>
      %gather3A_1714 = tpu.vector_load_idx %arg5[%add3A_1713] : memref<1024xi32, #tpu.memory_space<vmem>>[vector<16xi32>], vector<16xi32>,
      %swap3A_1715 = arith.constant 960 : index
      %swap3A_1716 = tpu.vector_load %arg6[%swap3A_1715] {strides = array<i32>} : memref<1024xi32, #tpu.memory_space<vmem>>, vector<16xi32>,
      tpu.vector_store %arg6[%swap3A_1715], %gather3A_1714 {strides = array<i32>} : memref<1024xi32, #tpu.memory_space<vmem>>, vector<16xi32>,
      %add3A_1717 = arith.constant 244 : i32
      %add3A_1718 = vector.broadcast %add3A_1717 : i32 to vector<16xi32>
      %add3A_1719 = arith.addi %add3A_7, %add3A_1718 : vector<16xi32>
      %gather3A_1720 = tpu.vector_load_idx %arg5[%add3A_1719] : memref<1024xi32, #tpu.memory_space<vmem>>[vector<16xi32>], vector<16xi32>,
      %swap3A_1721 = arith.constant 976 : index
      %swap3A_1722 = tpu.vector_load %arg6[%swap3A_1721] {strides = array<i32>} : memref<1024xi32, #tpu.memory_space<vmem>>, vector<16xi32>,
      tpu.vector_store %arg6[%swap3A_1721], %gather3A_1720 {strides = array<i32>} : memref<1024xi32, #tpu.memory_space<vmem>>, vector<16xi32>,
      %add3A_1723 = arith.constant 248 : i32
      %add3A_1724 = vector.broadcast %add3A_1723 : i32 to vector<16xi32>
      %add3A_1725 = arith.addi %add3A_7, %add3A_1724 : vector<16xi32>
      %gather3A_1726 = tpu.vector_load_idx %arg5[%add3A_1725] : memref<1024xi32, #tpu.memory_space<vmem>>[vector<16xi32>], vector<16xi32>,
      %swap3A_1727 = arith.constant 992 : index
      %swap3A_1728 = tpu.vector_load %arg6[%swap3A_1727] {strides = array<i32>} : memref<1024xi32, #tpu.memory_space<vmem>>, vector<16xi32>,
      tpu.vector_store %arg6[%swap3A_1727], %gather3A_1726 {strides = array<i32>} : memref<1024xi32, #tpu.memory_space<vmem>>, vector<16xi32>,
      %add3A_1729 = arith.constant 252 : i32
      %add3A_1730 = vector.broadcast %add3A_1729 : i32 to vector<16xi32>
      %add3A_1731 = arith.addi %add3A_7, %add3A_1730 : vector<16xi32>
      %gather3A_1732 = tpu.vector_load_idx %arg5[%add3A_1731] : memref<1024xi32, #tpu.memory_space<vmem>>[vector<16xi32>], vector<16xi32>,
      %swap3A_1733 = arith.constant 1008 : index
      %swap3A_1734 = tpu.vector_load %arg6[%swap3A_1733] {strides = array<i32>} : memref<1024xi32, #tpu.memory_space<vmem>>, vector<16xi32>,
      tpu.vector_store %arg6[%swap3A_1733], %gather3A_1732 {strides = array<i32>} : memref<1024xi32, #tpu.memory_space<vmem>>, vector<16xi32>,
      "tpu.region"() ({
        %run_scoped3A = tpu.sem_alloc : memref<!tpu.dma_semaphore, #tpu.memory_space<semaphore_mem>>
        %dma_start3A = tpu.memref_slice %arg3[%add3A_97] : memref<819200xi32, #tpu.memory_space<hbm>> -> memref<1024xi32, #tpu.memory_space<hbm>>
        %dma_start3A_1736 = tpu.memref_slice %arg3[%add3A_97] : memref<819200xi32, #tpu.memory_space<hbm>> -> memref<1024xi32, #tpu.memory_space<hbm>>
        tpu.enqueue_dma source(%arg6 : memref<1024xi32, #tpu.memory_space<vmem>>) target(%dma_start3A_1736 : memref<1024xi32, #tpu.memory_space<hbm>>) target_semaphore(%run_scoped3A : memref<!tpu.dma_semaphore, #tpu.memory_space<semaphore_mem>>)
        %dma_wait3A = tpu.memref_slice %arg3[%add3A_97] : memref<819200xi32, #tpu.memory_space<hbm>> -> memref<1024xi32, #tpu.memory_space<hbm>>
        %dma_wait3A_1737 = tpu.memref_slice %arg3[%add3A_97] : memref<819200xi32, #tpu.memory_space<hbm>> -> memref<1024xi32, #tpu.memory_space<hbm>>
        tpu.wait_dma2 semaphore(%run_scoped3A : memref<!tpu.dma_semaphore, #tpu.memory_space<semaphore_mem>>) src(%arg6 : memref<1024xi32, #tpu.memory_space<vmem>>) dst(%dma_wait3A_1737 : memref<1024xi32, #tpu.memory_space<hbm>>)
        tpu.yield
      }) : () -> ()
      %scan3A_1735 = arith.constant 0 : i32
      scf.yield %scan3A_1735 : i32
    }
    %scan3A_13 = arith.constant 25 : i32
    return
  }
}

#map = affine_map<(d0, d1) -> (0, 0)>
#map1 = affine_map<(d0, d1) -> (0)>
module attributes {stable_mosaic.version = 14 : i64} {
  func.func @k(%arg0: i32, %arg1: i32, %arg2: memref<1015808x32xf32, #tpu.memory_space<hbm>>, %arg3: memref<819200xi32, #tpu.memory_space<hbm>>, %arg4: memref<614400x32xf32, #tpu.memory_space<hbm>>, %arg5: memref<1600xi32, #tpu.memory_space<vmem>>, %arg6: memref<1600xi32, #tpu.memory_space<vmem>>, %arg7: memref<1600x32xf32, #tpu.memory_space<vmem>>, %arg8: memref<1600x32xf32, #tpu.memory_space<vmem>>, %arg9: memref<!tpu.dma_semaphore, #tpu.memory_space<semaphore_mem>>, %arg10: memref<!tpu.dma_semaphore, #tpu.memory_space<semaphore_mem>>, %arg11: memref<!tpu.dma_semaphore, #tpu.memory_space<semaphore_mem>>) attributes {dimension_semantics = [#tpu.dimension_semantics<core_parallel>, #tpu.dimension_semantics<subcore_parallel>], iteration_bounds = array<i64: 2, 16>, scalar_prefetch = 0 : i64, scratch_operands = 7 : i64, tpu.core_type = #tpu.core_type<sc_vector_subcore>, window_params = [{transform_indices = #map}, {transform_indices = #map1}, {transform_indices = #map}]} {
    %mul3A = arith.constant 2 : i32
    %mul3A_0 = arith.muli %arg1, %mul3A : i32
    %add3A = arith.addi %mul3A_0, %arg0 : i32
    %mul3A_1 = arith.constant 19200 : i32
    %mul3A_2 = arith.muli %add3A, %mul3A_1 : i32
    %add3A_3 = arith.constant 0 : i32
    %add3A_4 = arith.addi %mul3A_2, %add3A_3 : i32
    %add3A_5 = arith.constant 204800 : i32
    %add3A_6 = arith.addi %add3A_5, %add3A_4 : i32
    "tpu.region"() ({
      %run_scoped3A = tpu.sem_alloc : memref<!tpu.dma_semaphore, #tpu.memory_space<semaphore_mem>>
      %dma_start3A_239 = tpu.memref_slice %arg3[%add3A_6] : memref<819200xi32, #tpu.memory_space<hbm>> -> memref<1600xi32, #tpu.memory_space<hbm>>
      %dma_start3A_240 = tpu.memref_slice %arg3[%add3A_6] : memref<819200xi32, #tpu.memory_space<hbm>> -> memref<1600xi32, #tpu.memory_space<hbm>>
      tpu.enqueue_dma source(%dma_start3A_240 : memref<1600xi32, #tpu.memory_space<hbm>>) target(%arg5 : memref<1600xi32, #tpu.memory_space<vmem>>) target_semaphore(%run_scoped3A : memref<!tpu.dma_semaphore, #tpu.memory_space<semaphore_mem>>)
      %dma_wait3A_241 = tpu.memref_slice %arg3[%add3A_6] : memref<819200xi32, #tpu.memory_space<hbm>> -> memref<1600xi32, #tpu.memory_space<hbm>>
      %dma_wait3A_242 = tpu.memref_slice %arg3[%add3A_6] : memref<819200xi32, #tpu.memory_space<hbm>> -> memref<1600xi32, #tpu.memory_space<hbm>>
      tpu.wait_dma2 semaphore(%run_scoped3A : memref<!tpu.dma_semaphore, #tpu.memory_space<semaphore_mem>>) src(%dma_wait3A_242 : memref<1600xi32, #tpu.memory_space<hbm>>) dst(%arg5 : memref<1600xi32, #tpu.memory_space<vmem>>)
      tpu.yield
    }) : () -> ()
    %dma_start3A = arith.constant 0 : i32
    %dma_start3A_7 = arith.constant 0 : i32
    %dma_start3A_8 = tpu.memref_slice %arg2[%dma_start3A, %dma_start3A_7] : memref<1015808x32xf32, #tpu.memory_space<hbm>> -> memref<1015808x32xf32, #tpu.memory_space<hbm>>
    tpu.enqueue_indirect_dma source(%dma_start3A_8 : memref<1015808x32xf32, #tpu.memory_space<hbm>>) target(%arg7 : memref<1600x32xf32, #tpu.memory_space<vmem>>) offsets(%arg5 : memref<1600xi32, #tpu.memory_space<vmem>>) semaphore(%arg9 : memref<!tpu.dma_semaphore, #tpu.memory_space<semaphore_mem>>)
    %dma_wait3A = arith.constant 0 : i32
    %dma_wait3A_9 = arith.constant 0 : i32
    %dma_wait3A_10 = tpu.memref_slice %arg2[%dma_wait3A, %dma_wait3A_9] : memref<1015808x32xf32, #tpu.memory_space<hbm>> -> memref<1015808x32xf32, #tpu.memory_space<hbm>>
    tpu.wait_indirect_dma semaphore(%arg9 : memref<!tpu.dma_semaphore, #tpu.memory_space<semaphore_mem>>) src(%dma_wait3A_10 : memref<1015808x32xf32, #tpu.memory_space<hbm>>) dst(%arg7 : memref<1600x32xf32, #tpu.memory_space<vmem>>)
    %dma_start3A_11 = arith.constant 0 : i32
    %dma_start3A_12 = tpu.memref_slice %arg4[%add3A_4, %dma_start3A_11] : memref<614400x32xf32, #tpu.memory_space<hbm>> -> memref<1600x32xf32, #tpu.memory_space<hbm>>
    %dma_start3A_13 = arith.constant 0 : i32
    %dma_start3A_14 = tpu.memref_slice %arg4[%add3A_4, %dma_start3A_13] : memref<614400x32xf32, #tpu.memory_space<hbm>> -> memref<1600x32xf32, #tpu.memory_space<hbm>>
    tpu.enqueue_dma source(%arg7 : memref<1600x32xf32, #tpu.memory_space<vmem>>) target(%dma_start3A_14 : memref<1600x32xf32, #tpu.memory_space<hbm>>) target_semaphore(%arg10 : memref<!tpu.dma_semaphore, #tpu.memory_space<semaphore_mem>>)
    %mul3A_15 = arith.constant 19200 : i32
    %mul3A_16 = arith.muli %add3A, %mul3A_15 : i32
    %add3A_17 = arith.constant 1600 : i32
    %add3A_18 = arith.addi %mul3A_16, %add3A_17 : i32
    %add3A_19 = arith.constant 204800 : i32
    %add3A_20 = arith.addi %add3A_19, %add3A_18 : i32
    "tpu.region"() ({
      %run_scoped3A = tpu.sem_alloc : memref<!tpu.dma_semaphore, #tpu.memory_space<semaphore_mem>>
      %dma_start3A_239 = tpu.memref_slice %arg3[%add3A_20] : memref<819200xi32, #tpu.memory_space<hbm>> -> memref<1600xi32, #tpu.memory_space<hbm>>
      %dma_start3A_240 = tpu.memref_slice %arg3[%add3A_20] : memref<819200xi32, #tpu.memory_space<hbm>> -> memref<1600xi32, #tpu.memory_space<hbm>>
      tpu.enqueue_dma source(%dma_start3A_240 : memref<1600xi32, #tpu.memory_space<hbm>>) target(%arg6 : memref<1600xi32, #tpu.memory_space<vmem>>) target_semaphore(%run_scoped3A : memref<!tpu.dma_semaphore, #tpu.memory_space<semaphore_mem>>)
      %dma_wait3A_241 = tpu.memref_slice %arg3[%add3A_20] : memref<819200xi32, #tpu.memory_space<hbm>> -> memref<1600xi32, #tpu.memory_space<hbm>>
      %dma_wait3A_242 = tpu.memref_slice %arg3[%add3A_20] : memref<819200xi32, #tpu.memory_space<hbm>> -> memref<1600xi32, #tpu.memory_space<hbm>>
      tpu.wait_dma2 semaphore(%run_scoped3A : memref<!tpu.dma_semaphore, #tpu.memory_space<semaphore_mem>>) src(%dma_wait3A_242 : memref<1600xi32, #tpu.memory_space<hbm>>) dst(%arg6 : memref<1600xi32, #tpu.memory_space<vmem>>)
      tpu.yield
    }) : () -> ()
    %dma_start3A_21 = arith.constant 0 : i32
    %dma_start3A_22 = arith.constant 0 : i32
    %dma_start3A_23 = tpu.memref_slice %arg2[%dma_start3A_21, %dma_start3A_22] : memref<1015808x32xf32, #tpu.memory_space<hbm>> -> memref<1015808x32xf32, #tpu.memory_space<hbm>>
    tpu.enqueue_indirect_dma source(%dma_start3A_23 : memref<1015808x32xf32, #tpu.memory_space<hbm>>) target(%arg8 : memref<1600x32xf32, #tpu.memory_space<vmem>>) offsets(%arg6 : memref<1600xi32, #tpu.memory_space<vmem>>) semaphore(%arg9 : memref<!tpu.dma_semaphore, #tpu.memory_space<semaphore_mem>>)
    %dma_wait3A_24 = arith.constant 0 : i32
    %dma_wait3A_25 = arith.constant 0 : i32
    %dma_wait3A_26 = tpu.memref_slice %arg2[%dma_wait3A_24, %dma_wait3A_25] : memref<1015808x32xf32, #tpu.memory_space<hbm>> -> memref<1015808x32xf32, #tpu.memory_space<hbm>>
    tpu.wait_indirect_dma semaphore(%arg9 : memref<!tpu.dma_semaphore, #tpu.memory_space<semaphore_mem>>) src(%dma_wait3A_26 : memref<1015808x32xf32, #tpu.memory_space<hbm>>) dst(%arg8 : memref<1600x32xf32, #tpu.memory_space<vmem>>)
    %dma_start3A_27 = arith.constant 0 : i32
    %dma_start3A_28 = tpu.memref_slice %arg4[%add3A_18, %dma_start3A_27] : memref<614400x32xf32, #tpu.memory_space<hbm>> -> memref<1600x32xf32, #tpu.memory_space<hbm>>
    %dma_start3A_29 = arith.constant 0 : i32
    %dma_start3A_30 = tpu.memref_slice %arg4[%add3A_18, %dma_start3A_29] : memref<614400x32xf32, #tpu.memory_space<hbm>> -> memref<1600x32xf32, #tpu.memory_space<hbm>>
    tpu.enqueue_dma source(%arg8 : memref<1600x32xf32, #tpu.memory_space<vmem>>) target(%dma_start3A_30 : memref<1600x32xf32, #tpu.memory_space<hbm>>) target_semaphore(%arg11 : memref<!tpu.dma_semaphore, #tpu.memory_space<semaphore_mem>>)
    %mul3A_31 = arith.constant 19200 : i32
    %mul3A_32 = arith.muli %add3A, %mul3A_31 : i32
    %add3A_33 = arith.constant 3200 : i32
    %add3A_34 = arith.addi %mul3A_32, %add3A_33 : i32
    %dma_wait3A_35 = arith.constant 0 : i32
    %dma_wait3A_36 = tpu.memref_slice %arg4[%add3A_4, %dma_wait3A_35] : memref<614400x32xf32, #tpu.memory_space<hbm>> -> memref<1600x32xf32, #tpu.memory_space<hbm>>
    %dma_wait3A_37 = arith.constant 0 : i32
    %dma_wait3A_38 = tpu.memref_slice %arg4[%add3A_4, %dma_wait3A_37] : memref<614400x32xf32, #tpu.memory_space<hbm>> -> memref<1600x32xf32, #tpu.memory_space<hbm>>
    tpu.wait_dma2 semaphore(%arg10 : memref<!tpu.dma_semaphore, #tpu.memory_space<semaphore_mem>>) src(%arg7 : memref<1600x32xf32, #tpu.memory_space<vmem>>) dst(%dma_wait3A_38 : memref<1600x32xf32, #tpu.memory_space<hbm>>)
    %add3A_39 = arith.constant 204800 : i32
    %add3A_40 = arith.addi %add3A_39, %add3A_34 : i32
    "tpu.region"() ({
      %run_scoped3A = tpu.sem_alloc : memref<!tpu.dma_semaphore, #tpu.memory_space<semaphore_mem>>
      %dma_start3A_239 = tpu.memref_slice %arg3[%add3A_40] : memref<819200xi32, #tpu.memory_space<hbm>> -> memref<1600xi32, #tpu.memory_space<hbm>>
      %dma_start3A_240 = tpu.memref_slice %arg3[%add3A_40] : memref<819200xi32, #tpu.memory_space<hbm>> -> memref<1600xi32, #tpu.memory_space<hbm>>
      tpu.enqueue_dma source(%dma_start3A_240 : memref<1600xi32, #tpu.memory_space<hbm>>) target(%arg5 : memref<1600xi32, #tpu.memory_space<vmem>>) target_semaphore(%run_scoped3A : memref<!tpu.dma_semaphore, #tpu.memory_space<semaphore_mem>>)
      %dma_wait3A_241 = tpu.memref_slice %arg3[%add3A_40] : memref<819200xi32, #tpu.memory_space<hbm>> -> memref<1600xi32, #tpu.memory_space<hbm>>
      %dma_wait3A_242 = tpu.memref_slice %arg3[%add3A_40] : memref<819200xi32, #tpu.memory_space<hbm>> -> memref<1600xi32, #tpu.memory_space<hbm>>
      tpu.wait_dma2 semaphore(%run_scoped3A : memref<!tpu.dma_semaphore, #tpu.memory_space<semaphore_mem>>) src(%dma_wait3A_242 : memref<1600xi32, #tpu.memory_space<hbm>>) dst(%arg5 : memref<1600xi32, #tpu.memory_space<vmem>>)
      tpu.yield
    }) : () -> ()
    %dma_start3A_41 = arith.constant 0 : i32
    %dma_start3A_42 = arith.constant 0 : i32
    %dma_start3A_43 = tpu.memref_slice %arg2[%dma_start3A_41, %dma_start3A_42] : memref<1015808x32xf32, #tpu.memory_space<hbm>> -> memref<1015808x32xf32, #tpu.memory_space<hbm>>
    tpu.enqueue_indirect_dma source(%dma_start3A_43 : memref<1015808x32xf32, #tpu.memory_space<hbm>>) target(%arg7 : memref<1600x32xf32, #tpu.memory_space<vmem>>) offsets(%arg5 : memref<1600xi32, #tpu.memory_space<vmem>>) semaphore(%arg9 : memref<!tpu.dma_semaphore, #tpu.memory_space<semaphore_mem>>)
    %dma_wait3A_44 = arith.constant 0 : i32
    %dma_wait3A_45 = arith.constant 0 : i32
    %dma_wait3A_46 = tpu.memref_slice %arg2[%dma_wait3A_44, %dma_wait3A_45] : memref<1015808x32xf32, #tpu.memory_space<hbm>> -> memref<1015808x32xf32, #tpu.memory_space<hbm>>
    tpu.wait_indirect_dma semaphore(%arg9 : memref<!tpu.dma_semaphore, #tpu.memory_space<semaphore_mem>>) src(%dma_wait3A_46 : memref<1015808x32xf32, #tpu.memory_space<hbm>>) dst(%arg7 : memref<1600x32xf32, #tpu.memory_space<vmem>>)
    %dma_start3A_47 = arith.constant 0 : i32
    %dma_start3A_48 = tpu.memref_slice %arg4[%add3A_34, %dma_start3A_47] : memref<614400x32xf32, #tpu.memory_space<hbm>> -> memref<1600x32xf32, #tpu.memory_space<hbm>>
    %dma_start3A_49 = arith.constant 0 : i32
    %dma_start3A_50 = tpu.memref_slice %arg4[%add3A_34, %dma_start3A_49] : memref<614400x32xf32, #tpu.memory_space<hbm>> -> memref<1600x32xf32, #tpu.memory_space<hbm>>
    tpu.enqueue_dma source(%arg7 : memref<1600x32xf32, #tpu.memory_space<vmem>>) target(%dma_start3A_50 : memref<1600x32xf32, #tpu.memory_space<hbm>>) target_semaphore(%arg10 : memref<!tpu.dma_semaphore, #tpu.memory_space<semaphore_mem>>)
    %mul3A_51 = arith.constant 19200 : i32
    %mul3A_52 = arith.muli %add3A, %mul3A_51 : i32
    %add3A_53 = arith.constant 4800 : i32
    %add3A_54 = arith.addi %mul3A_52, %add3A_53 : i32
    %dma_wait3A_55 = arith.constant 0 : i32
    %dma_wait3A_56 = tpu.memref_slice %arg4[%add3A_18, %dma_wait3A_55] : memref<614400x32xf32, #tpu.memory_space<hbm>> -> memref<1600x32xf32, #tpu.memory_space<hbm>>
    %dma_wait3A_57 = arith.constant 0 : i32
    %dma_wait3A_58 = tpu.memref_slice %arg4[%add3A_18, %dma_wait3A_57] : memref<614400x32xf32, #tpu.memory_space<hbm>> -> memref<1600x32xf32, #tpu.memory_space<hbm>>
    tpu.wait_dma2 semaphore(%arg11 : memref<!tpu.dma_semaphore, #tpu.memory_space<semaphore_mem>>) src(%arg8 : memref<1600x32xf32, #tpu.memory_space<vmem>>) dst(%dma_wait3A_58 : memref<1600x32xf32, #tpu.memory_space<hbm>>)
    %add3A_59 = arith.constant 204800 : i32
    %add3A_60 = arith.addi %add3A_59, %add3A_54 : i32
    "tpu.region"() ({
      %run_scoped3A = tpu.sem_alloc : memref<!tpu.dma_semaphore, #tpu.memory_space<semaphore_mem>>
      %dma_start3A_239 = tpu.memref_slice %arg3[%add3A_60] : memref<819200xi32, #tpu.memory_space<hbm>> -> memref<1600xi32, #tpu.memory_space<hbm>>
      %dma_start3A_240 = tpu.memref_slice %arg3[%add3A_60] : memref<819200xi32, #tpu.memory_space<hbm>> -> memref<1600xi32, #tpu.memory_space<hbm>>
      tpu.enqueue_dma source(%dma_start3A_240 : memref<1600xi32, #tpu.memory_space<hbm>>) target(%arg6 : memref<1600xi32, #tpu.memory_space<vmem>>) target_semaphore(%run_scoped3A : memref<!tpu.dma_semaphore, #tpu.memory_space<semaphore_mem>>)
      %dma_wait3A_241 = tpu.memref_slice %arg3[%add3A_60] : memref<819200xi32, #tpu.memory_space<hbm>> -> memref<1600xi32, #tpu.memory_space<hbm>>
      %dma_wait3A_242 = tpu.memref_slice %arg3[%add3A_60] : memref<819200xi32, #tpu.memory_space<hbm>> -> memref<1600xi32, #tpu.memory_space<hbm>>
      tpu.wait_dma2 semaphore(%run_scoped3A : memref<!tpu.dma_semaphore, #tpu.memory_space<semaphore_mem>>) src(%dma_wait3A_242 : memref<1600xi32, #tpu.memory_space<hbm>>) dst(%arg6 : memref<1600xi32, #tpu.memory_space<vmem>>)
      tpu.yield
    }) : () -> ()
    %dma_start3A_61 = arith.constant 0 : i32
    %dma_start3A_62 = arith.constant 0 : i32
    %dma_start3A_63 = tpu.memref_slice %arg2[%dma_start3A_61, %dma_start3A_62] : memref<1015808x32xf32, #tpu.memory_space<hbm>> -> memref<1015808x32xf32, #tpu.memory_space<hbm>>
    tpu.enqueue_indirect_dma source(%dma_start3A_63 : memref<1015808x32xf32, #tpu.memory_space<hbm>>) target(%arg8 : memref<1600x32xf32, #tpu.memory_space<vmem>>) offsets(%arg6 : memref<1600xi32, #tpu.memory_space<vmem>>) semaphore(%arg9 : memref<!tpu.dma_semaphore, #tpu.memory_space<semaphore_mem>>)
    %dma_wait3A_64 = arith.constant 0 : i32
    %dma_wait3A_65 = arith.constant 0 : i32
    %dma_wait3A_66 = tpu.memref_slice %arg2[%dma_wait3A_64, %dma_wait3A_65] : memref<1015808x32xf32, #tpu.memory_space<hbm>> -> memref<1015808x32xf32, #tpu.memory_space<hbm>>
    tpu.wait_indirect_dma semaphore(%arg9 : memref<!tpu.dma_semaphore, #tpu.memory_space<semaphore_mem>>) src(%dma_wait3A_66 : memref<1015808x32xf32, #tpu.memory_space<hbm>>) dst(%arg8 : memref<1600x32xf32, #tpu.memory_space<vmem>>)
    %dma_start3A_67 = arith.constant 0 : i32
    %dma_start3A_68 = tpu.memref_slice %arg4[%add3A_54, %dma_start3A_67] : memref<614400x32xf32, #tpu.memory_space<hbm>> -> memref<1600x32xf32, #tpu.memory_space<hbm>>
    %dma_start3A_69 = arith.constant 0 : i32
    %dma_start3A_70 = tpu.memref_slice %arg4[%add3A_54, %dma_start3A_69] : memref<614400x32xf32, #tpu.memory_space<hbm>> -> memref<1600x32xf32, #tpu.memory_space<hbm>>
    tpu.enqueue_dma source(%arg8 : memref<1600x32xf32, #tpu.memory_space<vmem>>) target(%dma_start3A_70 : memref<1600x32xf32, #tpu.memory_space<hbm>>) target_semaphore(%arg11 : memref<!tpu.dma_semaphore, #tpu.memory_space<semaphore_mem>>)
    %mul3A_71 = arith.constant 19200 : i32
    %mul3A_72 = arith.muli %add3A, %mul3A_71 : i32
    %add3A_73 = arith.constant 6400 : i32
    %add3A_74 = arith.addi %mul3A_72, %add3A_73 : i32
    %dma_wait3A_75 = arith.constant 0 : i32
    %dma_wait3A_76 = tpu.memref_slice %arg4[%add3A_34, %dma_wait3A_75] : memref<614400x32xf32, #tpu.memory_space<hbm>> -> memref<1600x32xf32, #tpu.memory_space<hbm>>
    %dma_wait3A_77 = arith.constant 0 : i32
    %dma_wait3A_78 = tpu.memref_slice %arg4[%add3A_34, %dma_wait3A_77] : memref<614400x32xf32, #tpu.memory_space<hbm>> -> memref<1600x32xf32, #tpu.memory_space<hbm>>
    tpu.wait_dma2 semaphore(%arg10 : memref<!tpu.dma_semaphore, #tpu.memory_space<semaphore_mem>>) src(%arg7 : memref<1600x32xf32, #tpu.memory_space<vmem>>) dst(%dma_wait3A_78 : memref<1600x32xf32, #tpu.memory_space<hbm>>)
    %add3A_79 = arith.constant 204800 : i32
    %add3A_80 = arith.addi %add3A_79, %add3A_74 : i32
    "tpu.region"() ({
      %run_scoped3A = tpu.sem_alloc : memref<!tpu.dma_semaphore, #tpu.memory_space<semaphore_mem>>
      %dma_start3A_239 = tpu.memref_slice %arg3[%add3A_80] : memref<819200xi32, #tpu.memory_space<hbm>> -> memref<1600xi32, #tpu.memory_space<hbm>>
      %dma_start3A_240 = tpu.memref_slice %arg3[%add3A_80] : memref<819200xi32, #tpu.memory_space<hbm>> -> memref<1600xi32, #tpu.memory_space<hbm>>
      tpu.enqueue_dma source(%dma_start3A_240 : memref<1600xi32, #tpu.memory_space<hbm>>) target(%arg5 : memref<1600xi32, #tpu.memory_space<vmem>>) target_semaphore(%run_scoped3A : memref<!tpu.dma_semaphore, #tpu.memory_space<semaphore_mem>>)
      %dma_wait3A_241 = tpu.memref_slice %arg3[%add3A_80] : memref<819200xi32, #tpu.memory_space<hbm>> -> memref<1600xi32, #tpu.memory_space<hbm>>
      %dma_wait3A_242 = tpu.memref_slice %arg3[%add3A_80] : memref<819200xi32, #tpu.memory_space<hbm>> -> memref<1600xi32, #tpu.memory_space<hbm>>
      tpu.wait_dma2 semaphore(%run_scoped3A : memref<!tpu.dma_semaphore, #tpu.memory_space<semaphore_mem>>) src(%dma_wait3A_242 : memref<1600xi32, #tpu.memory_space<hbm>>) dst(%arg5 : memref<1600xi32, #tpu.memory_space<vmem>>)
      tpu.yield
    }) : () -> ()
    %dma_start3A_81 = arith.constant 0 : i32
    %dma_start3A_82 = arith.constant 0 : i32
    %dma_start3A_83 = tpu.memref_slice %arg2[%dma_start3A_81, %dma_start3A_82] : memref<1015808x32xf32, #tpu.memory_space<hbm>> -> memref<1015808x32xf32, #tpu.memory_space<hbm>>
    tpu.enqueue_indirect_dma source(%dma_start3A_83 : memref<1015808x32xf32, #tpu.memory_space<hbm>>) target(%arg7 : memref<1600x32xf32, #tpu.memory_space<vmem>>) offsets(%arg5 : memref<1600xi32, #tpu.memory_space<vmem>>) semaphore(%arg9 : memref<!tpu.dma_semaphore, #tpu.memory_space<semaphore_mem>>)
    %dma_wait3A_84 = arith.constant 0 : i32
    %dma_wait3A_85 = arith.constant 0 : i32
    %dma_wait3A_86 = tpu.memref_slice %arg2[%dma_wait3A_84, %dma_wait3A_85] : memref<1015808x32xf32, #tpu.memory_space<hbm>> -> memref<1015808x32xf32, #tpu.memory_space<hbm>>
    tpu.wait_indirect_dma semaphore(%arg9 : memref<!tpu.dma_semaphore, #tpu.memory_space<semaphore_mem>>) src(%dma_wait3A_86 : memref<1015808x32xf32, #tpu.memory_space<hbm>>) dst(%arg7 : memref<1600x32xf32, #tpu.memory_space<vmem>>)
    %dma_start3A_87 = arith.constant 0 : i32
    %dma_start3A_88 = tpu.memref_slice %arg4[%add3A_74, %dma_start3A_87] : memref<614400x32xf32, #tpu.memory_space<hbm>> -> memref<1600x32xf32, #tpu.memory_space<hbm>>
    %dma_start3A_89 = arith.constant 0 : i32
    %dma_start3A_90 = tpu.memref_slice %arg4[%add3A_74, %dma_start3A_89] : memref<614400x32xf32, #tpu.memory_space<hbm>> -> memref<1600x32xf32, #tpu.memory_space<hbm>>
    tpu.enqueue_dma source(%arg7 : memref<1600x32xf32, #tpu.memory_space<vmem>>) target(%dma_start3A_90 : memref<1600x32xf32, #tpu.memory_space<hbm>>) target_semaphore(%arg10 : memref<!tpu.dma_semaphore, #tpu.memory_space<semaphore_mem>>)
    %mul3A_91 = arith.constant 19200 : i32
    %mul3A_92 = arith.muli %add3A, %mul3A_91 : i32
    %add3A_93 = arith.constant 8000 : i32
    %add3A_94 = arith.addi %mul3A_92, %add3A_93 : i32
    %dma_wait3A_95 = arith.constant 0 : i32
    %dma_wait3A_96 = tpu.memref_slice %arg4[%add3A_54, %dma_wait3A_95] : memref<614400x32xf32, #tpu.memory_space<hbm>> -> memref<1600x32xf32, #tpu.memory_space<hbm>>
    %dma_wait3A_97 = arith.constant 0 : i32
    %dma_wait3A_98 = tpu.memref_slice %arg4[%add3A_54, %dma_wait3A_97] : memref<614400x32xf32, #tpu.memory_space<hbm>> -> memref<1600x32xf32, #tpu.memory_space<hbm>>
    tpu.wait_dma2 semaphore(%arg11 : memref<!tpu.dma_semaphore, #tpu.memory_space<semaphore_mem>>) src(%arg8 : memref<1600x32xf32, #tpu.memory_space<vmem>>) dst(%dma_wait3A_98 : memref<1600x32xf32, #tpu.memory_space<hbm>>)
    %add3A_99 = arith.constant 204800 : i32
    %add3A_100 = arith.addi %add3A_99, %add3A_94 : i32
    "tpu.region"() ({
      %run_scoped3A = tpu.sem_alloc : memref<!tpu.dma_semaphore, #tpu.memory_space<semaphore_mem>>
      %dma_start3A_239 = tpu.memref_slice %arg3[%add3A_100] : memref<819200xi32, #tpu.memory_space<hbm>> -> memref<1600xi32, #tpu.memory_space<hbm>>
      %dma_start3A_240 = tpu.memref_slice %arg3[%add3A_100] : memref<819200xi32, #tpu.memory_space<hbm>> -> memref<1600xi32, #tpu.memory_space<hbm>>
      tpu.enqueue_dma source(%dma_start3A_240 : memref<1600xi32, #tpu.memory_space<hbm>>) target(%arg6 : memref<1600xi32, #tpu.memory_space<vmem>>) target_semaphore(%run_scoped3A : memref<!tpu.dma_semaphore, #tpu.memory_space<semaphore_mem>>)
      %dma_wait3A_241 = tpu.memref_slice %arg3[%add3A_100] : memref<819200xi32, #tpu.memory_space<hbm>> -> memref<1600xi32, #tpu.memory_space<hbm>>
      %dma_wait3A_242 = tpu.memref_slice %arg3[%add3A_100] : memref<819200xi32, #tpu.memory_space<hbm>> -> memref<1600xi32, #tpu.memory_space<hbm>>
      tpu.wait_dma2 semaphore(%run_scoped3A : memref<!tpu.dma_semaphore, #tpu.memory_space<semaphore_mem>>) src(%dma_wait3A_242 : memref<1600xi32, #tpu.memory_space<hbm>>) dst(%arg6 : memref<1600xi32, #tpu.memory_space<vmem>>)
      tpu.yield
    }) : () -> ()
    %dma_start3A_101 = arith.constant 0 : i32
    %dma_start3A_102 = arith.constant 0 : i32
    %dma_start3A_103 = tpu.memref_slice %arg2[%dma_start3A_101, %dma_start3A_102] : memref<1015808x32xf32, #tpu.memory_space<hbm>> -> memref<1015808x32xf32, #tpu.memory_space<hbm>>
    tpu.enqueue_indirect_dma source(%dma_start3A_103 : memref<1015808x32xf32, #tpu.memory_space<hbm>>) target(%arg8 : memref<1600x32xf32, #tpu.memory_space<vmem>>) offsets(%arg6 : memref<1600xi32, #tpu.memory_space<vmem>>) semaphore(%arg9 : memref<!tpu.dma_semaphore, #tpu.memory_space<semaphore_mem>>)
    %dma_wait3A_104 = arith.constant 0 : i32
    %dma_wait3A_105 = arith.constant 0 : i32
    %dma_wait3A_106 = tpu.memref_slice %arg2[%dma_wait3A_104, %dma_wait3A_105] : memref<1015808x32xf32, #tpu.memory_space<hbm>> -> memref<1015808x32xf32, #tpu.memory_space<hbm>>
    tpu.wait_indirect_dma semaphore(%arg9 : memref<!tpu.dma_semaphore, #tpu.memory_space<semaphore_mem>>) src(%dma_wait3A_106 : memref<1015808x32xf32, #tpu.memory_space<hbm>>) dst(%arg8 : memref<1600x32xf32, #tpu.memory_space<vmem>>)
    %dma_start3A_107 = arith.constant 0 : i32
    %dma_start3A_108 = tpu.memref_slice %arg4[%add3A_94, %dma_start3A_107] : memref<614400x32xf32, #tpu.memory_space<hbm>> -> memref<1600x32xf32, #tpu.memory_space<hbm>>
    %dma_start3A_109 = arith.constant 0 : i32
    %dma_start3A_110 = tpu.memref_slice %arg4[%add3A_94, %dma_start3A_109] : memref<614400x32xf32, #tpu.memory_space<hbm>> -> memref<1600x32xf32, #tpu.memory_space<hbm>>
    tpu.enqueue_dma source(%arg8 : memref<1600x32xf32, #tpu.memory_space<vmem>>) target(%dma_start3A_110 : memref<1600x32xf32, #tpu.memory_space<hbm>>) target_semaphore(%arg11 : memref<!tpu.dma_semaphore, #tpu.memory_space<semaphore_mem>>)
    %mul3A_111 = arith.constant 19200 : i32
    %mul3A_112 = arith.muli %add3A, %mul3A_111 : i32
    %add3A_113 = arith.constant 9600 : i32
    %add3A_114 = arith.addi %mul3A_112, %add3A_113 : i32
    %dma_wait3A_115 = arith.constant 0 : i32
    %dma_wait3A_116 = tpu.memref_slice %arg4[%add3A_74, %dma_wait3A_115] : memref<614400x32xf32, #tpu.memory_space<hbm>> -> memref<1600x32xf32, #tpu.memory_space<hbm>>
    %dma_wait3A_117 = arith.constant 0 : i32
    %dma_wait3A_118 = tpu.memref_slice %arg4[%add3A_74, %dma_wait3A_117] : memref<614400x32xf32, #tpu.memory_space<hbm>> -> memref<1600x32xf32, #tpu.memory_space<hbm>>
    tpu.wait_dma2 semaphore(%arg10 : memref<!tpu.dma_semaphore, #tpu.memory_space<semaphore_mem>>) src(%arg7 : memref<1600x32xf32, #tpu.memory_space<vmem>>) dst(%dma_wait3A_118 : memref<1600x32xf32, #tpu.memory_space<hbm>>)
    %add3A_119 = arith.constant 204800 : i32
    %add3A_120 = arith.addi %add3A_119, %add3A_114 : i32
    "tpu.region"() ({
      %run_scoped3A = tpu.sem_alloc : memref<!tpu.dma_semaphore, #tpu.memory_space<semaphore_mem>>
      %dma_start3A_239 = tpu.memref_slice %arg3[%add3A_120] : memref<819200xi32, #tpu.memory_space<hbm>> -> memref<1600xi32, #tpu.memory_space<hbm>>
      %dma_start3A_240 = tpu.memref_slice %arg3[%add3A_120] : memref<819200xi32, #tpu.memory_space<hbm>> -> memref<1600xi32, #tpu.memory_space<hbm>>
      tpu.enqueue_dma source(%dma_start3A_240 : memref<1600xi32, #tpu.memory_space<hbm>>) target(%arg5 : memref<1600xi32, #tpu.memory_space<vmem>>) target_semaphore(%run_scoped3A : memref<!tpu.dma_semaphore, #tpu.memory_space<semaphore_mem>>)
      %dma_wait3A_241 = tpu.memref_slice %arg3[%add3A_120] : memref<819200xi32, #tpu.memory_space<hbm>> -> memref<1600xi32, #tpu.memory_space<hbm>>
      %dma_wait3A_242 = tpu.memref_slice %arg3[%add3A_120] : memref<819200xi32, #tpu.memory_space<hbm>> -> memref<1600xi32, #tpu.memory_space<hbm>>
      tpu.wait_dma2 semaphore(%run_scoped3A : memref<!tpu.dma_semaphore, #tpu.memory_space<semaphore_mem>>) src(%dma_wait3A_242 : memref<1600xi32, #tpu.memory_space<hbm>>) dst(%arg5 : memref<1600xi32, #tpu.memory_space<vmem>>)
      tpu.yield
    }) : () -> ()
    %dma_start3A_121 = arith.constant 0 : i32
    %dma_start3A_122 = arith.constant 0 : i32
    %dma_start3A_123 = tpu.memref_slice %arg2[%dma_start3A_121, %dma_start3A_122] : memref<1015808x32xf32, #tpu.memory_space<hbm>> -> memref<1015808x32xf32, #tpu.memory_space<hbm>>
    tpu.enqueue_indirect_dma source(%dma_start3A_123 : memref<1015808x32xf32, #tpu.memory_space<hbm>>) target(%arg7 : memref<1600x32xf32, #tpu.memory_space<vmem>>) offsets(%arg5 : memref<1600xi32, #tpu.memory_space<vmem>>) semaphore(%arg9 : memref<!tpu.dma_semaphore, #tpu.memory_space<semaphore_mem>>)
    %dma_wait3A_124 = arith.constant 0 : i32
    %dma_wait3A_125 = arith.constant 0 : i32
    %dma_wait3A_126 = tpu.memref_slice %arg2[%dma_wait3A_124, %dma_wait3A_125] : memref<1015808x32xf32, #tpu.memory_space<hbm>> -> memref<1015808x32xf32, #tpu.memory_space<hbm>>
    tpu.wait_indirect_dma semaphore(%arg9 : memref<!tpu.dma_semaphore, #tpu.memory_space<semaphore_mem>>) src(%dma_wait3A_126 : memref<1015808x32xf32, #tpu.memory_space<hbm>>) dst(%arg7 : memref<1600x32xf32, #tpu.memory_space<vmem>>)
    %dma_start3A_127 = arith.constant 0 : i32
    %dma_start3A_128 = tpu.memref_slice %arg4[%add3A_114, %dma_start3A_127] : memref<614400x32xf32, #tpu.memory_space<hbm>> -> memref<1600x32xf32, #tpu.memory_space<hbm>>
    %dma_start3A_129 = arith.constant 0 : i32
    %dma_start3A_130 = tpu.memref_slice %arg4[%add3A_114, %dma_start3A_129] : memref<614400x32xf32, #tpu.memory_space<hbm>> -> memref<1600x32xf32, #tpu.memory_space<hbm>>
    tpu.enqueue_dma source(%arg7 : memref<1600x32xf32, #tpu.memory_space<vmem>>) target(%dma_start3A_130 : memref<1600x32xf32, #tpu.memory_space<hbm>>) target_semaphore(%arg10 : memref<!tpu.dma_semaphore, #tpu.memory_space<semaphore_mem>>)
    %mul3A_131 = arith.constant 19200 : i32
    %mul3A_132 = arith.muli %add3A, %mul3A_131 : i32
    %add3A_133 = arith.constant 11200 : i32
    %add3A_134 = arith.addi %mul3A_132, %add3A_133 : i32
    %dma_wait3A_135 = arith.constant 0 : i32
    %dma_wait3A_136 = tpu.memref_slice %arg4[%add3A_94, %dma_wait3A_135] : memref<614400x32xf32, #tpu.memory_space<hbm>> -> memref<1600x32xf32, #tpu.memory_space<hbm>>
    %dma_wait3A_137 = arith.constant 0 : i32
    %dma_wait3A_138 = tpu.memref_slice %arg4[%add3A_94, %dma_wait3A_137] : memref<614400x32xf32, #tpu.memory_space<hbm>> -> memref<1600x32xf32, #tpu.memory_space<hbm>>
    tpu.wait_dma2 semaphore(%arg11 : memref<!tpu.dma_semaphore, #tpu.memory_space<semaphore_mem>>) src(%arg8 : memref<1600x32xf32, #tpu.memory_space<vmem>>) dst(%dma_wait3A_138 : memref<1600x32xf32, #tpu.memory_space<hbm>>)
    %add3A_139 = arith.constant 204800 : i32
    %add3A_140 = arith.addi %add3A_139, %add3A_134 : i32
    "tpu.region"() ({
      %run_scoped3A = tpu.sem_alloc : memref<!tpu.dma_semaphore, #tpu.memory_space<semaphore_mem>>
      %dma_start3A_239 = tpu.memref_slice %arg3[%add3A_140] : memref<819200xi32, #tpu.memory_space<hbm>> -> memref<1600xi32, #tpu.memory_space<hbm>>
      %dma_start3A_240 = tpu.memref_slice %arg3[%add3A_140] : memref<819200xi32, #tpu.memory_space<hbm>> -> memref<1600xi32, #tpu.memory_space<hbm>>
      tpu.enqueue_dma source(%dma_start3A_240 : memref<1600xi32, #tpu.memory_space<hbm>>) target(%arg6 : memref<1600xi32, #tpu.memory_space<vmem>>) target_semaphore(%run_scoped3A : memref<!tpu.dma_semaphore, #tpu.memory_space<semaphore_mem>>)
      %dma_wait3A_241 = tpu.memref_slice %arg3[%add3A_140] : memref<819200xi32, #tpu.memory_space<hbm>> -> memref<1600xi32, #tpu.memory_space<hbm>>
      %dma_wait3A_242 = tpu.memref_slice %arg3[%add3A_140] : memref<819200xi32, #tpu.memory_space<hbm>> -> memref<1600xi32, #tpu.memory_space<hbm>>
      tpu.wait_dma2 semaphore(%run_scoped3A : memref<!tpu.dma_semaphore, #tpu.memory_space<semaphore_mem>>) src(%dma_wait3A_242 : memref<1600xi32, #tpu.memory_space<hbm>>) dst(%arg6 : memref<1600xi32, #tpu.memory_space<vmem>>)
      tpu.yield
    }) : () -> ()
    %dma_start3A_141 = arith.constant 0 : i32
    %dma_start3A_142 = arith.constant 0 : i32
    %dma_start3A_143 = tpu.memref_slice %arg2[%dma_start3A_141, %dma_start3A_142] : memref<1015808x32xf32, #tpu.memory_space<hbm>> -> memref<1015808x32xf32, #tpu.memory_space<hbm>>
    tpu.enqueue_indirect_dma source(%dma_start3A_143 : memref<1015808x32xf32, #tpu.memory_space<hbm>>) target(%arg8 : memref<1600x32xf32, #tpu.memory_space<vmem>>) offsets(%arg6 : memref<1600xi32, #tpu.memory_space<vmem>>) semaphore(%arg9 : memref<!tpu.dma_semaphore, #tpu.memory_space<semaphore_mem>>)
    %dma_wait3A_144 = arith.constant 0 : i32
    %dma_wait3A_145 = arith.constant 0 : i32
    %dma_wait3A_146 = tpu.memref_slice %arg2[%dma_wait3A_144, %dma_wait3A_145] : memref<1015808x32xf32, #tpu.memory_space<hbm>> -> memref<1015808x32xf32, #tpu.memory_space<hbm>>
    tpu.wait_indirect_dma semaphore(%arg9 : memref<!tpu.dma_semaphore, #tpu.memory_space<semaphore_mem>>) src(%dma_wait3A_146 : memref<1015808x32xf32, #tpu.memory_space<hbm>>) dst(%arg8 : memref<1600x32xf32, #tpu.memory_space<vmem>>)
    %dma_start3A_147 = arith.constant 0 : i32
    %dma_start3A_148 = tpu.memref_slice %arg4[%add3A_134, %dma_start3A_147] : memref<614400x32xf32, #tpu.memory_space<hbm>> -> memref<1600x32xf32, #tpu.memory_space<hbm>>
    %dma_start3A_149 = arith.constant 0 : i32
    %dma_start3A_150 = tpu.memref_slice %arg4[%add3A_134, %dma_start3A_149] : memref<614400x32xf32, #tpu.memory_space<hbm>> -> memref<1600x32xf32, #tpu.memory_space<hbm>>
    tpu.enqueue_dma source(%arg8 : memref<1600x32xf32, #tpu.memory_space<vmem>>) target(%dma_start3A_150 : memref<1600x32xf32, #tpu.memory_space<hbm>>) target_semaphore(%arg11 : memref<!tpu.dma_semaphore, #tpu.memory_space<semaphore_mem>>)
    %mul3A_151 = arith.constant 19200 : i32
    %mul3A_152 = arith.muli %add3A, %mul3A_151 : i32
    %add3A_153 = arith.constant 12800 : i32
    %add3A_154 = arith.addi %mul3A_152, %add3A_153 : i32
    %dma_wait3A_155 = arith.constant 0 : i32
    %dma_wait3A_156 = tpu.memref_slice %arg4[%add3A_114, %dma_wait3A_155] : memref<614400x32xf32, #tpu.memory_space<hbm>> -> memref<1600x32xf32, #tpu.memory_space<hbm>>
    %dma_wait3A_157 = arith.constant 0 : i32
    %dma_wait3A_158 = tpu.memref_slice %arg4[%add3A_114, %dma_wait3A_157] : memref<614400x32xf32, #tpu.memory_space<hbm>> -> memref<1600x32xf32, #tpu.memory_space<hbm>>
    tpu.wait_dma2 semaphore(%arg10 : memref<!tpu.dma_semaphore, #tpu.memory_space<semaphore_mem>>) src(%arg7 : memref<1600x32xf32, #tpu.memory_space<vmem>>) dst(%dma_wait3A_158 : memref<1600x32xf32, #tpu.memory_space<hbm>>)
    %add3A_159 = arith.constant 204800 : i32
    %add3A_160 = arith.addi %add3A_159, %add3A_154 : i32
    "tpu.region"() ({
      %run_scoped3A = tpu.sem_alloc : memref<!tpu.dma_semaphore, #tpu.memory_space<semaphore_mem>>
      %dma_start3A_239 = tpu.memref_slice %arg3[%add3A_160] : memref<819200xi32, #tpu.memory_space<hbm>> -> memref<1600xi32, #tpu.memory_space<hbm>>
      %dma_start3A_240 = tpu.memref_slice %arg3[%add3A_160] : memref<819200xi32, #tpu.memory_space<hbm>> -> memref<1600xi32, #tpu.memory_space<hbm>>
      tpu.enqueue_dma source(%dma_start3A_240 : memref<1600xi32, #tpu.memory_space<hbm>>) target(%arg5 : memref<1600xi32, #tpu.memory_space<vmem>>) target_semaphore(%run_scoped3A : memref<!tpu.dma_semaphore, #tpu.memory_space<semaphore_mem>>)
      %dma_wait3A_241 = tpu.memref_slice %arg3[%add3A_160] : memref<819200xi32, #tpu.memory_space<hbm>> -> memref<1600xi32, #tpu.memory_space<hbm>>
      %dma_wait3A_242 = tpu.memref_slice %arg3[%add3A_160] : memref<819200xi32, #tpu.memory_space<hbm>> -> memref<1600xi32, #tpu.memory_space<hbm>>
      tpu.wait_dma2 semaphore(%run_scoped3A : memref<!tpu.dma_semaphore, #tpu.memory_space<semaphore_mem>>) src(%dma_wait3A_242 : memref<1600xi32, #tpu.memory_space<hbm>>) dst(%arg5 : memref<1600xi32, #tpu.memory_space<vmem>>)
      tpu.yield
    }) : () -> ()
    %dma_start3A_161 = arith.constant 0 : i32
    %dma_start3A_162 = arith.constant 0 : i32
    %dma_start3A_163 = tpu.memref_slice %arg2[%dma_start3A_161, %dma_start3A_162] : memref<1015808x32xf32, #tpu.memory_space<hbm>> -> memref<1015808x32xf32, #tpu.memory_space<hbm>>
    tpu.enqueue_indirect_dma source(%dma_start3A_163 : memref<1015808x32xf32, #tpu.memory_space<hbm>>) target(%arg7 : memref<1600x32xf32, #tpu.memory_space<vmem>>) offsets(%arg5 : memref<1600xi32, #tpu.memory_space<vmem>>) semaphore(%arg9 : memref<!tpu.dma_semaphore, #tpu.memory_space<semaphore_mem>>)
    %dma_wait3A_164 = arith.constant 0 : i32
    %dma_wait3A_165 = arith.constant 0 : i32
    %dma_wait3A_166 = tpu.memref_slice %arg2[%dma_wait3A_164, %dma_wait3A_165] : memref<1015808x32xf32, #tpu.memory_space<hbm>> -> memref<1015808x32xf32, #tpu.memory_space<hbm>>
    tpu.wait_indirect_dma semaphore(%arg9 : memref<!tpu.dma_semaphore, #tpu.memory_space<semaphore_mem>>) src(%dma_wait3A_166 : memref<1015808x32xf32, #tpu.memory_space<hbm>>) dst(%arg7 : memref<1600x32xf32, #tpu.memory_space<vmem>>)
    %dma_start3A_167 = arith.constant 0 : i32
    %dma_start3A_168 = tpu.memref_slice %arg4[%add3A_154, %dma_start3A_167] : memref<614400x32xf32, #tpu.memory_space<hbm>> -> memref<1600x32xf32, #tpu.memory_space<hbm>>
    %dma_start3A_169 = arith.constant 0 : i32
    %dma_start3A_170 = tpu.memref_slice %arg4[%add3A_154, %dma_start3A_169] : memref<614400x32xf32, #tpu.memory_space<hbm>> -> memref<1600x32xf32, #tpu.memory_space<hbm>>
    tpu.enqueue_dma source(%arg7 : memref<1600x32xf32, #tpu.memory_space<vmem>>) target(%dma_start3A_170 : memref<1600x32xf32, #tpu.memory_space<hbm>>) target_semaphore(%arg10 : memref<!tpu.dma_semaphore, #tpu.memory_space<semaphore_mem>>)
    %mul3A_171 = arith.constant 19200 : i32
    %mul3A_172 = arith.muli %add3A, %mul3A_171 : i32
    %add3A_173 = arith.constant 14400 : i32
    %add3A_174 = arith.addi %mul3A_172, %add3A_173 : i32
    %dma_wait3A_175 = arith.constant 0 : i32
    %dma_wait3A_176 = tpu.memref_slice %arg4[%add3A_134, %dma_wait3A_175] : memref<614400x32xf32, #tpu.memory_space<hbm>> -> memref<1600x32xf32, #tpu.memory_space<hbm>>
    %dma_wait3A_177 = arith.constant 0 : i32
    %dma_wait3A_178 = tpu.memref_slice %arg4[%add3A_134, %dma_wait3A_177] : memref<614400x32xf32, #tpu.memory_space<hbm>> -> memref<1600x32xf32, #tpu.memory_space<hbm>>
    tpu.wait_dma2 semaphore(%arg11 : memref<!tpu.dma_semaphore, #tpu.memory_space<semaphore_mem>>) src(%arg8 : memref<1600x32xf32, #tpu.memory_space<vmem>>) dst(%dma_wait3A_178 : memref<1600x32xf32, #tpu.memory_space<hbm>>)
    %add3A_179 = arith.constant 204800 : i32
    %add3A_180 = arith.addi %add3A_179, %add3A_174 : i32
    "tpu.region"() ({
      %run_scoped3A = tpu.sem_alloc : memref<!tpu.dma_semaphore, #tpu.memory_space<semaphore_mem>>
      %dma_start3A_239 = tpu.memref_slice %arg3[%add3A_180] : memref<819200xi32, #tpu.memory_space<hbm>> -> memref<1600xi32, #tpu.memory_space<hbm>>
      %dma_start3A_240 = tpu.memref_slice %arg3[%add3A_180] : memref<819200xi32, #tpu.memory_space<hbm>> -> memref<1600xi32, #tpu.memory_space<hbm>>
      tpu.enqueue_dma source(%dma_start3A_240 : memref<1600xi32, #tpu.memory_space<hbm>>) target(%arg6 : memref<1600xi32, #tpu.memory_space<vmem>>) target_semaphore(%run_scoped3A : memref<!tpu.dma_semaphore, #tpu.memory_space<semaphore_mem>>)
      %dma_wait3A_241 = tpu.memref_slice %arg3[%add3A_180] : memref<819200xi32, #tpu.memory_space<hbm>> -> memref<1600xi32, #tpu.memory_space<hbm>>
      %dma_wait3A_242 = tpu.memref_slice %arg3[%add3A_180] : memref<819200xi32, #tpu.memory_space<hbm>> -> memref<1600xi32, #tpu.memory_space<hbm>>
      tpu.wait_dma2 semaphore(%run_scoped3A : memref<!tpu.dma_semaphore, #tpu.memory_space<semaphore_mem>>) src(%dma_wait3A_242 : memref<1600xi32, #tpu.memory_space<hbm>>) dst(%arg6 : memref<1600xi32, #tpu.memory_space<vmem>>)
      tpu.yield
    }) : () -> ()
    %dma_start3A_181 = arith.constant 0 : i32
    %dma_start3A_182 = arith.constant 0 : i32
    %dma_start3A_183 = tpu.memref_slice %arg2[%dma_start3A_181, %dma_start3A_182] : memref<1015808x32xf32, #tpu.memory_space<hbm>> -> memref<1015808x32xf32, #tpu.memory_space<hbm>>
    tpu.enqueue_indirect_dma source(%dma_start3A_183 : memref<1015808x32xf32, #tpu.memory_space<hbm>>) target(%arg8 : memref<1600x32xf32, #tpu.memory_space<vmem>>) offsets(%arg6 : memref<1600xi32, #tpu.memory_space<vmem>>) semaphore(%arg9 : memref<!tpu.dma_semaphore, #tpu.memory_space<semaphore_mem>>)
    %dma_wait3A_184 = arith.constant 0 : i32
    %dma_wait3A_185 = arith.constant 0 : i32
    %dma_wait3A_186 = tpu.memref_slice %arg2[%dma_wait3A_184, %dma_wait3A_185] : memref<1015808x32xf32, #tpu.memory_space<hbm>> -> memref<1015808x32xf32, #tpu.memory_space<hbm>>
    tpu.wait_indirect_dma semaphore(%arg9 : memref<!tpu.dma_semaphore, #tpu.memory_space<semaphore_mem>>) src(%dma_wait3A_186 : memref<1015808x32xf32, #tpu.memory_space<hbm>>) dst(%arg8 : memref<1600x32xf32, #tpu.memory_space<vmem>>)
    %dma_start3A_187 = arith.constant 0 : i32
    %dma_start3A_188 = tpu.memref_slice %arg4[%add3A_174, %dma_start3A_187] : memref<614400x32xf32, #tpu.memory_space<hbm>> -> memref<1600x32xf32, #tpu.memory_space<hbm>>
    %dma_start3A_189 = arith.constant 0 : i32
    %dma_start3A_190 = tpu.memref_slice %arg4[%add3A_174, %dma_start3A_189] : memref<614400x32xf32, #tpu.memory_space<hbm>> -> memref<1600x32xf32, #tpu.memory_space<hbm>>
    tpu.enqueue_dma source(%arg8 : memref<1600x32xf32, #tpu.memory_space<vmem>>) target(%dma_start3A_190 : memref<1600x32xf32, #tpu.memory_space<hbm>>) target_semaphore(%arg11 : memref<!tpu.dma_semaphore, #tpu.memory_space<semaphore_mem>>)
    %mul3A_191 = arith.constant 19200 : i32
    %mul3A_192 = arith.muli %add3A, %mul3A_191 : i32
    %add3A_193 = arith.constant 16000 : i32
    %add3A_194 = arith.addi %mul3A_192, %add3A_193 : i32
    %dma_wait3A_195 = arith.constant 0 : i32
    %dma_wait3A_196 = tpu.memref_slice %arg4[%add3A_154, %dma_wait3A_195] : memref<614400x32xf32, #tpu.memory_space<hbm>> -> memref<1600x32xf32, #tpu.memory_space<hbm>>
    %dma_wait3A_197 = arith.constant 0 : i32
    %dma_wait3A_198 = tpu.memref_slice %arg4[%add3A_154, %dma_wait3A_197] : memref<614400x32xf32, #tpu.memory_space<hbm>> -> memref<1600x32xf32, #tpu.memory_space<hbm>>
    tpu.wait_dma2 semaphore(%arg10 : memref<!tpu.dma_semaphore, #tpu.memory_space<semaphore_mem>>) src(%arg7 : memref<1600x32xf32, #tpu.memory_space<vmem>>) dst(%dma_wait3A_198 : memref<1600x32xf32, #tpu.memory_space<hbm>>)
    %add3A_199 = arith.constant 204800 : i32
    %add3A_200 = arith.addi %add3A_199, %add3A_194 : i32
    "tpu.region"() ({
      %run_scoped3A = tpu.sem_alloc : memref<!tpu.dma_semaphore, #tpu.memory_space<semaphore_mem>>
      %dma_start3A_239 = tpu.memref_slice %arg3[%add3A_200] : memref<819200xi32, #tpu.memory_space<hbm>> -> memref<1600xi32, #tpu.memory_space<hbm>>
      %dma_start3A_240 = tpu.memref_slice %arg3[%add3A_200] : memref<819200xi32, #tpu.memory_space<hbm>> -> memref<1600xi32, #tpu.memory_space<hbm>>
      tpu.enqueue_dma source(%dma_start3A_240 : memref<1600xi32, #tpu.memory_space<hbm>>) target(%arg5 : memref<1600xi32, #tpu.memory_space<vmem>>) target_semaphore(%run_scoped3A : memref<!tpu.dma_semaphore, #tpu.memory_space<semaphore_mem>>)
      %dma_wait3A_241 = tpu.memref_slice %arg3[%add3A_200] : memref<819200xi32, #tpu.memory_space<hbm>> -> memref<1600xi32, #tpu.memory_space<hbm>>
      %dma_wait3A_242 = tpu.memref_slice %arg3[%add3A_200] : memref<819200xi32, #tpu.memory_space<hbm>> -> memref<1600xi32, #tpu.memory_space<hbm>>
      tpu.wait_dma2 semaphore(%run_scoped3A : memref<!tpu.dma_semaphore, #tpu.memory_space<semaphore_mem>>) src(%dma_wait3A_242 : memref<1600xi32, #tpu.memory_space<hbm>>) dst(%arg5 : memref<1600xi32, #tpu.memory_space<vmem>>)
      tpu.yield
    }) : () -> ()
    %dma_start3A_201 = arith.constant 0 : i32
    %dma_start3A_202 = arith.constant 0 : i32
    %dma_start3A_203 = tpu.memref_slice %arg2[%dma_start3A_201, %dma_start3A_202] : memref<1015808x32xf32, #tpu.memory_space<hbm>> -> memref<1015808x32xf32, #tpu.memory_space<hbm>>
    tpu.enqueue_indirect_dma source(%dma_start3A_203 : memref<1015808x32xf32, #tpu.memory_space<hbm>>) target(%arg7 : memref<1600x32xf32, #tpu.memory_space<vmem>>) offsets(%arg5 : memref<1600xi32, #tpu.memory_space<vmem>>) semaphore(%arg9 : memref<!tpu.dma_semaphore, #tpu.memory_space<semaphore_mem>>)
    %dma_wait3A_204 = arith.constant 0 : i32
    %dma_wait3A_205 = arith.constant 0 : i32
    %dma_wait3A_206 = tpu.memref_slice %arg2[%dma_wait3A_204, %dma_wait3A_205] : memref<1015808x32xf32, #tpu.memory_space<hbm>> -> memref<1015808x32xf32, #tpu.memory_space<hbm>>
    tpu.wait_indirect_dma semaphore(%arg9 : memref<!tpu.dma_semaphore, #tpu.memory_space<semaphore_mem>>) src(%dma_wait3A_206 : memref<1015808x32xf32, #tpu.memory_space<hbm>>) dst(%arg7 : memref<1600x32xf32, #tpu.memory_space<vmem>>)
    %dma_start3A_207 = arith.constant 0 : i32
    %dma_start3A_208 = tpu.memref_slice %arg4[%add3A_194, %dma_start3A_207] : memref<614400x32xf32, #tpu.memory_space<hbm>> -> memref<1600x32xf32, #tpu.memory_space<hbm>>
    %dma_start3A_209 = arith.constant 0 : i32
    %dma_start3A_210 = tpu.memref_slice %arg4[%add3A_194, %dma_start3A_209] : memref<614400x32xf32, #tpu.memory_space<hbm>> -> memref<1600x32xf32, #tpu.memory_space<hbm>>
    tpu.enqueue_dma source(%arg7 : memref<1600x32xf32, #tpu.memory_space<vmem>>) target(%dma_start3A_210 : memref<1600x32xf32, #tpu.memory_space<hbm>>) target_semaphore(%arg10 : memref<!tpu.dma_semaphore, #tpu.memory_space<semaphore_mem>>)
    %mul3A_211 = arith.constant 19200 : i32
    %mul3A_212 = arith.muli %add3A, %mul3A_211 : i32
    %add3A_213 = arith.constant 17600 : i32
    %add3A_214 = arith.addi %mul3A_212, %add3A_213 : i32
    %dma_wait3A_215 = arith.constant 0 : i32
    %dma_wait3A_216 = tpu.memref_slice %arg4[%add3A_174, %dma_wait3A_215] : memref<614400x32xf32, #tpu.memory_space<hbm>> -> memref<1600x32xf32, #tpu.memory_space<hbm>>
    %dma_wait3A_217 = arith.constant 0 : i32
    %dma_wait3A_218 = tpu.memref_slice %arg4[%add3A_174, %dma_wait3A_217] : memref<614400x32xf32, #tpu.memory_space<hbm>> -> memref<1600x32xf32, #tpu.memory_space<hbm>>
    tpu.wait_dma2 semaphore(%arg11 : memref<!tpu.dma_semaphore, #tpu.memory_space<semaphore_mem>>) src(%arg8 : memref<1600x32xf32, #tpu.memory_space<vmem>>) dst(%dma_wait3A_218 : memref<1600x32xf32, #tpu.memory_space<hbm>>)
    %add3A_219 = arith.constant 204800 : i32
    %add3A_220 = arith.addi %add3A_219, %add3A_214 : i32
    "tpu.region"() ({
      %run_scoped3A = tpu.sem_alloc : memref<!tpu.dma_semaphore, #tpu.memory_space<semaphore_mem>>
      %dma_start3A_239 = tpu.memref_slice %arg3[%add3A_220] : memref<819200xi32, #tpu.memory_space<hbm>> -> memref<1600xi32, #tpu.memory_space<hbm>>
      %dma_start3A_240 = tpu.memref_slice %arg3[%add3A_220] : memref<819200xi32, #tpu.memory_space<hbm>> -> memref<1600xi32, #tpu.memory_space<hbm>>
      tpu.enqueue_dma source(%dma_start3A_240 : memref<1600xi32, #tpu.memory_space<hbm>>) target(%arg6 : memref<1600xi32, #tpu.memory_space<vmem>>) target_semaphore(%run_scoped3A : memref<!tpu.dma_semaphore, #tpu.memory_space<semaphore_mem>>)
      %dma_wait3A_241 = tpu.memref_slice %arg3[%add3A_220] : memref<819200xi32, #tpu.memory_space<hbm>> -> memref<1600xi32, #tpu.memory_space<hbm>>
      %dma_wait3A_242 = tpu.memref_slice %arg3[%add3A_220] : memref<819200xi32, #tpu.memory_space<hbm>> -> memref<1600xi32, #tpu.memory_space<hbm>>
      tpu.wait_dma2 semaphore(%run_scoped3A : memref<!tpu.dma_semaphore, #tpu.memory_space<semaphore_mem>>) src(%dma_wait3A_242 : memref<1600xi32, #tpu.memory_space<hbm>>) dst(%arg6 : memref<1600xi32, #tpu.memory_space<vmem>>)
      tpu.yield
    }) : () -> ()
    %dma_start3A_221 = arith.constant 0 : i32
    %dma_start3A_222 = arith.constant 0 : i32
    %dma_start3A_223 = tpu.memref_slice %arg2[%dma_start3A_221, %dma_start3A_222] : memref<1015808x32xf32, #tpu.memory_space<hbm>> -> memref<1015808x32xf32, #tpu.memory_space<hbm>>
    tpu.enqueue_indirect_dma source(%dma_start3A_223 : memref<1015808x32xf32, #tpu.memory_space<hbm>>) target(%arg8 : memref<1600x32xf32, #tpu.memory_space<vmem>>) offsets(%arg6 : memref<1600xi32, #tpu.memory_space<vmem>>) semaphore(%arg9 : memref<!tpu.dma_semaphore, #tpu.memory_space<semaphore_mem>>)
    %dma_wait3A_224 = arith.constant 0 : i32
    %dma_wait3A_225 = arith.constant 0 : i32
    %dma_wait3A_226 = tpu.memref_slice %arg2[%dma_wait3A_224, %dma_wait3A_225] : memref<1015808x32xf32, #tpu.memory_space<hbm>> -> memref<1015808x32xf32, #tpu.memory_space<hbm>>
    tpu.wait_indirect_dma semaphore(%arg9 : memref<!tpu.dma_semaphore, #tpu.memory_space<semaphore_mem>>) src(%dma_wait3A_226 : memref<1015808x32xf32, #tpu.memory_space<hbm>>) dst(%arg8 : memref<1600x32xf32, #tpu.memory_space<vmem>>)
    %dma_start3A_227 = arith.constant 0 : i32
    %dma_start3A_228 = tpu.memref_slice %arg4[%add3A_214, %dma_start3A_227] : memref<614400x32xf32, #tpu.memory_space<hbm>> -> memref<1600x32xf32, #tpu.memory_space<hbm>>
    %dma_start3A_229 = arith.constant 0 : i32
    %dma_start3A_230 = tpu.memref_slice %arg4[%add3A_214, %dma_start3A_229] : memref<614400x32xf32, #tpu.memory_space<hbm>> -> memref<1600x32xf32, #tpu.memory_space<hbm>>
    tpu.enqueue_dma source(%arg8 : memref<1600x32xf32, #tpu.memory_space<vmem>>) target(%dma_start3A_230 : memref<1600x32xf32, #tpu.memory_space<hbm>>) target_semaphore(%arg11 : memref<!tpu.dma_semaphore, #tpu.memory_space<semaphore_mem>>)
    %dma_wait3A_231 = arith.constant 0 : i32
    %dma_wait3A_232 = tpu.memref_slice %arg4[%add3A_194, %dma_wait3A_231] : memref<614400x32xf32, #tpu.memory_space<hbm>> -> memref<1600x32xf32, #tpu.memory_space<hbm>>
    %dma_wait3A_233 = arith.constant 0 : i32
    %dma_wait3A_234 = tpu.memref_slice %arg4[%add3A_194, %dma_wait3A_233] : memref<614400x32xf32, #tpu.memory_space<hbm>> -> memref<1600x32xf32, #tpu.memory_space<hbm>>
    tpu.wait_dma2 semaphore(%arg10 : memref<!tpu.dma_semaphore, #tpu.memory_space<semaphore_mem>>) src(%arg7 : memref<1600x32xf32, #tpu.memory_space<vmem>>) dst(%dma_wait3A_234 : memref<1600x32xf32, #tpu.memory_space<hbm>>)
    %dma_wait3A_235 = arith.constant 0 : i32
    %dma_wait3A_236 = tpu.memref_slice %arg4[%add3A_214, %dma_wait3A_235] : memref<614400x32xf32, #tpu.memory_space<hbm>> -> memref<1600x32xf32, #tpu.memory_space<hbm>>
    %dma_wait3A_237 = arith.constant 0 : i32
    %dma_wait3A_238 = tpu.memref_slice %arg4[%add3A_214, %dma_wait3A_237] : memref<614400x32xf32, #tpu.memory_space<hbm>> -> memref<1600x32xf32, #tpu.memory_space<hbm>>
    tpu.wait_dma2 semaphore(%arg11 : memref<!tpu.dma_semaphore, #tpu.memory_space<semaphore_mem>>) src(%arg8 : memref<1600x32xf32, #tpu.memory_space<vmem>>) dst(%dma_wait3A_238 : memref<1600x32xf32, #tpu.memory_space<hbm>>)
    return
  }
}

#map = affine_map<(d0, d1) -> (0, 0)>
#map1 = affine_map<(d0, d1) -> (0)>
module attributes {stable_mosaic.version = 14 : i64} {
  func.func @k(%arg0: i32, %arg1: i32, %arg2: memref<1015808x32xf32, #tpu.memory_space<hbm>>, %arg3: memref<819200xi32, #tpu.memory_space<hbm>>, %arg4: memref<204800x32xf32, #tpu.memory_space<hbm>>, %arg5: memref<1600xi32, #tpu.memory_space<vmem>>, %arg6: memref<1600xi32, #tpu.memory_space<vmem>>, %arg7: memref<1600x32xf32, #tpu.memory_space<vmem>>, %arg8: memref<1600x32xf32, #tpu.memory_space<vmem>>, %arg9: memref<!tpu.dma_semaphore, #tpu.memory_space<semaphore_mem>>, %arg10: memref<!tpu.dma_semaphore, #tpu.memory_space<semaphore_mem>>, %arg11: memref<!tpu.dma_semaphore, #tpu.memory_space<semaphore_mem>>) attributes {dimension_semantics = [#tpu.dimension_semantics<core_parallel>, #tpu.dimension_semantics<subcore_parallel>], iteration_bounds = array<i64: 2, 16>, scalar_prefetch = 0 : i64, scratch_operands = 7 : i64, tpu.core_type = #tpu.core_type<sc_vector_subcore>, window_params = [{transform_indices = #map}, {transform_indices = #map1}, {transform_indices = #map}]} {
    %mul3A = arith.constant 2 : i32
    %mul3A_0 = arith.muli %arg1, %mul3A : i32
    %add3A = arith.addi %mul3A_0, %arg0 : i32
    %mul3A_1 = arith.constant 6400 : i32
    %mul3A_2 = arith.muli %add3A, %mul3A_1 : i32
    %add3A_3 = arith.constant 0 : i32
    %add3A_4 = arith.addi %mul3A_2, %add3A_3 : i32
    %add3A_5 = arith.constant 0 : i32
    %add3A_6 = arith.addi %add3A_5, %add3A_4 : i32
    "tpu.region"() ({
      %run_scoped3A = tpu.sem_alloc : memref<!tpu.dma_semaphore, #tpu.memory_space<semaphore_mem>>
      %dma_start3A_79 = tpu.memref_slice %arg3[%add3A_6] : memref<819200xi32, #tpu.memory_space<hbm>> -> memref<1600xi32, #tpu.memory_space<hbm>>
      %dma_start3A_80 = tpu.memref_slice %arg3[%add3A_6] : memref<819200xi32, #tpu.memory_space<hbm>> -> memref<1600xi32, #tpu.memory_space<hbm>>
      tpu.enqueue_dma source(%dma_start3A_80 : memref<1600xi32, #tpu.memory_space<hbm>>) target(%arg5 : memref<1600xi32, #tpu.memory_space<vmem>>) target_semaphore(%run_scoped3A : memref<!tpu.dma_semaphore, #tpu.memory_space<semaphore_mem>>)
      %dma_wait3A_81 = tpu.memref_slice %arg3[%add3A_6] : memref<819200xi32, #tpu.memory_space<hbm>> -> memref<1600xi32, #tpu.memory_space<hbm>>
      %dma_wait3A_82 = tpu.memref_slice %arg3[%add3A_6] : memref<819200xi32, #tpu.memory_space<hbm>> -> memref<1600xi32, #tpu.memory_space<hbm>>
      tpu.wait_dma2 semaphore(%run_scoped3A : memref<!tpu.dma_semaphore, #tpu.memory_space<semaphore_mem>>) src(%dma_wait3A_82 : memref<1600xi32, #tpu.memory_space<hbm>>) dst(%arg5 : memref<1600xi32, #tpu.memory_space<vmem>>)
      tpu.yield
    }) : () -> ()
    %dma_start3A = arith.constant 0 : i32
    %dma_start3A_7 = arith.constant 0 : i32
    %dma_start3A_8 = tpu.memref_slice %arg2[%dma_start3A, %dma_start3A_7] : memref<1015808x32xf32, #tpu.memory_space<hbm>> -> memref<1015808x32xf32, #tpu.memory_space<hbm>>
    tpu.enqueue_indirect_dma source(%dma_start3A_8 : memref<1015808x32xf32, #tpu.memory_space<hbm>>) target(%arg7 : memref<1600x32xf32, #tpu.memory_space<vmem>>) offsets(%arg5 : memref<1600xi32, #tpu.memory_space<vmem>>) semaphore(%arg9 : memref<!tpu.dma_semaphore, #tpu.memory_space<semaphore_mem>>)
    %dma_wait3A = arith.constant 0 : i32
    %dma_wait3A_9 = arith.constant 0 : i32
    %dma_wait3A_10 = tpu.memref_slice %arg2[%dma_wait3A, %dma_wait3A_9] : memref<1015808x32xf32, #tpu.memory_space<hbm>> -> memref<1015808x32xf32, #tpu.memory_space<hbm>>
    tpu.wait_indirect_dma semaphore(%arg9 : memref<!tpu.dma_semaphore, #tpu.memory_space<semaphore_mem>>) src(%dma_wait3A_10 : memref<1015808x32xf32, #tpu.memory_space<hbm>>) dst(%arg7 : memref<1600x32xf32, #tpu.memory_space<vmem>>)
    %dma_start3A_11 = arith.constant 0 : i32
    %dma_start3A_12 = tpu.memref_slice %arg4[%add3A_4, %dma_start3A_11] : memref<204800x32xf32, #tpu.memory_space<hbm>> -> memref<1600x32xf32, #tpu.memory_space<hbm>>
    %dma_start3A_13 = arith.constant 0 : i32
    %dma_start3A_14 = tpu.memref_slice %arg4[%add3A_4, %dma_start3A_13] : memref<204800x32xf32, #tpu.memory_space<hbm>> -> memref<1600x32xf32, #tpu.memory_space<hbm>>
    tpu.enqueue_dma source(%arg7 : memref<1600x32xf32, #tpu.memory_space<vmem>>) target(%dma_start3A_14 : memref<1600x32xf32, #tpu.memory_space<hbm>>) target_semaphore(%arg10 : memref<!tpu.dma_semaphore, #tpu.memory_space<semaphore_mem>>)
    %mul3A_15 = arith.constant 6400 : i32
    %mul3A_16 = arith.muli %add3A, %mul3A_15 : i32
    %add3A_17 = arith.constant 1600 : i32
    %add3A_18 = arith.addi %mul3A_16, %add3A_17 : i32
    %add3A_19 = arith.constant 0 : i32
    %add3A_20 = arith.addi %add3A_19, %add3A_18 : i32
    "tpu.region"() ({
      %run_scoped3A = tpu.sem_alloc : memref<!tpu.dma_semaphore, #tpu.memory_space<semaphore_mem>>
      %dma_start3A_79 = tpu.memref_slice %arg3[%add3A_20] : memref<819200xi32, #tpu.memory_space<hbm>> -> memref<1600xi32, #tpu.memory_space<hbm>>
      %dma_start3A_80 = tpu.memref_slice %arg3[%add3A_20] : memref<819200xi32, #tpu.memory_space<hbm>> -> memref<1600xi32, #tpu.memory_space<hbm>>
      tpu.enqueue_dma source(%dma_start3A_80 : memref<1600xi32, #tpu.memory_space<hbm>>) target(%arg6 : memref<1600xi32, #tpu.memory_space<vmem>>) target_semaphore(%run_scoped3A : memref<!tpu.dma_semaphore, #tpu.memory_space<semaphore_mem>>)
      %dma_wait3A_81 = tpu.memref_slice %arg3[%add3A_20] : memref<819200xi32, #tpu.memory_space<hbm>> -> memref<1600xi32, #tpu.memory_space<hbm>>
      %dma_wait3A_82 = tpu.memref_slice %arg3[%add3A_20] : memref<819200xi32, #tpu.memory_space<hbm>> -> memref<1600xi32, #tpu.memory_space<hbm>>
      tpu.wait_dma2 semaphore(%run_scoped3A : memref<!tpu.dma_semaphore, #tpu.memory_space<semaphore_mem>>) src(%dma_wait3A_82 : memref<1600xi32, #tpu.memory_space<hbm>>) dst(%arg6 : memref<1600xi32, #tpu.memory_space<vmem>>)
      tpu.yield
    }) : () -> ()
    %dma_start3A_21 = arith.constant 0 : i32
    %dma_start3A_22 = arith.constant 0 : i32
    %dma_start3A_23 = tpu.memref_slice %arg2[%dma_start3A_21, %dma_start3A_22] : memref<1015808x32xf32, #tpu.memory_space<hbm>> -> memref<1015808x32xf32, #tpu.memory_space<hbm>>
    tpu.enqueue_indirect_dma source(%dma_start3A_23 : memref<1015808x32xf32, #tpu.memory_space<hbm>>) target(%arg8 : memref<1600x32xf32, #tpu.memory_space<vmem>>) offsets(%arg6 : memref<1600xi32, #tpu.memory_space<vmem>>) semaphore(%arg9 : memref<!tpu.dma_semaphore, #tpu.memory_space<semaphore_mem>>)
    %dma_wait3A_24 = arith.constant 0 : i32
    %dma_wait3A_25 = arith.constant 0 : i32
    %dma_wait3A_26 = tpu.memref_slice %arg2[%dma_wait3A_24, %dma_wait3A_25] : memref<1015808x32xf32, #tpu.memory_space<hbm>> -> memref<1015808x32xf32, #tpu.memory_space<hbm>>
    tpu.wait_indirect_dma semaphore(%arg9 : memref<!tpu.dma_semaphore, #tpu.memory_space<semaphore_mem>>) src(%dma_wait3A_26 : memref<1015808x32xf32, #tpu.memory_space<hbm>>) dst(%arg8 : memref<1600x32xf32, #tpu.memory_space<vmem>>)
    %dma_start3A_27 = arith.constant 0 : i32
    %dma_start3A_28 = tpu.memref_slice %arg4[%add3A_18, %dma_start3A_27] : memref<204800x32xf32, #tpu.memory_space<hbm>> -> memref<1600x32xf32, #tpu.memory_space<hbm>>
    %dma_start3A_29 = arith.constant 0 : i32
    %dma_start3A_30 = tpu.memref_slice %arg4[%add3A_18, %dma_start3A_29] : memref<204800x32xf32, #tpu.memory_space<hbm>> -> memref<1600x32xf32, #tpu.memory_space<hbm>>
    tpu.enqueue_dma source(%arg8 : memref<1600x32xf32, #tpu.memory_space<vmem>>) target(%dma_start3A_30 : memref<1600x32xf32, #tpu.memory_space<hbm>>) target_semaphore(%arg11 : memref<!tpu.dma_semaphore, #tpu.memory_space<semaphore_mem>>)
    %mul3A_31 = arith.constant 6400 : i32
    %mul3A_32 = arith.muli %add3A, %mul3A_31 : i32
    %add3A_33 = arith.constant 3200 : i32
    %add3A_34 = arith.addi %mul3A_32, %add3A_33 : i32
    %dma_wait3A_35 = arith.constant 0 : i32
    %dma_wait3A_36 = tpu.memref_slice %arg4[%add3A_4, %dma_wait3A_35] : memref<204800x32xf32, #tpu.memory_space<hbm>> -> memref<1600x32xf32, #tpu.memory_space<hbm>>
    %dma_wait3A_37 = arith.constant 0 : i32
    %dma_wait3A_38 = tpu.memref_slice %arg4[%add3A_4, %dma_wait3A_37] : memref<204800x32xf32, #tpu.memory_space<hbm>> -> memref<1600x32xf32, #tpu.memory_space<hbm>>
    tpu.wait_dma2 semaphore(%arg10 : memref<!tpu.dma_semaphore, #tpu.memory_space<semaphore_mem>>) src(%arg7 : memref<1600x32xf32, #tpu.memory_space<vmem>>) dst(%dma_wait3A_38 : memref<1600x32xf32, #tpu.memory_space<hbm>>)
    %add3A_39 = arith.constant 0 : i32
    %add3A_40 = arith.addi %add3A_39, %add3A_34 : i32
    "tpu.region"() ({
      %run_scoped3A = tpu.sem_alloc : memref<!tpu.dma_semaphore, #tpu.memory_space<semaphore_mem>>
      %dma_start3A_79 = tpu.memref_slice %arg3[%add3A_40] : memref<819200xi32, #tpu.memory_space<hbm>> -> memref<1600xi32, #tpu.memory_space<hbm>>
      %dma_start3A_80 = tpu.memref_slice %arg3[%add3A_40] : memref<819200xi32, #tpu.memory_space<hbm>> -> memref<1600xi32, #tpu.memory_space<hbm>>
      tpu.enqueue_dma source(%dma_start3A_80 : memref<1600xi32, #tpu.memory_space<hbm>>) target(%arg5 : memref<1600xi32, #tpu.memory_space<vmem>>) target_semaphore(%run_scoped3A : memref<!tpu.dma_semaphore, #tpu.memory_space<semaphore_mem>>)
      %dma_wait3A_81 = tpu.memref_slice %arg3[%add3A_40] : memref<819200xi32, #tpu.memory_space<hbm>> -> memref<1600xi32, #tpu.memory_space<hbm>>
      %dma_wait3A_82 = tpu.memref_slice %arg3[%add3A_40] : memref<819200xi32, #tpu.memory_space<hbm>> -> memref<1600xi32, #tpu.memory_space<hbm>>
      tpu.wait_dma2 semaphore(%run_scoped3A : memref<!tpu.dma_semaphore, #tpu.memory_space<semaphore_mem>>) src(%dma_wait3A_82 : memref<1600xi32, #tpu.memory_space<hbm>>) dst(%arg5 : memref<1600xi32, #tpu.memory_space<vmem>>)
      tpu.yield
    }) : () -> ()
    %dma_start3A_41 = arith.constant 0 : i32
    %dma_start3A_42 = arith.constant 0 : i32
    %dma_start3A_43 = tpu.memref_slice %arg2[%dma_start3A_41, %dma_start3A_42] : memref<1015808x32xf32, #tpu.memory_space<hbm>> -> memref<1015808x32xf32, #tpu.memory_space<hbm>>
    tpu.enqueue_indirect_dma source(%dma_start3A_43 : memref<1015808x32xf32, #tpu.memory_space<hbm>>) target(%arg7 : memref<1600x32xf32, #tpu.memory_space<vmem>>) offsets(%arg5 : memref<1600xi32, #tpu.memory_space<vmem>>) semaphore(%arg9 : memref<!tpu.dma_semaphore, #tpu.memory_space<semaphore_mem>>)
    %dma_wait3A_44 = arith.constant 0 : i32
    %dma_wait3A_45 = arith.constant 0 : i32
    %dma_wait3A_46 = tpu.memref_slice %arg2[%dma_wait3A_44, %dma_wait3A_45] : memref<1015808x32xf32, #tpu.memory_space<hbm>> -> memref<1015808x32xf32, #tpu.memory_space<hbm>>
    tpu.wait_indirect_dma semaphore(%arg9 : memref<!tpu.dma_semaphore, #tpu.memory_space<semaphore_mem>>) src(%dma_wait3A_46 : memref<1015808x32xf32, #tpu.memory_space<hbm>>) dst(%arg7 : memref<1600x32xf32, #tpu.memory_space<vmem>>)
    %dma_start3A_47 = arith.constant 0 : i32
    %dma_start3A_48 = tpu.memref_slice %arg4[%add3A_34, %dma_start3A_47] : memref<204800x32xf32, #tpu.memory_space<hbm>> -> memref<1600x32xf32, #tpu.memory_space<hbm>>
    %dma_start3A_49 = arith.constant 0 : i32
    %dma_start3A_50 = tpu.memref_slice %arg4[%add3A_34, %dma_start3A_49] : memref<204800x32xf32, #tpu.memory_space<hbm>> -> memref<1600x32xf32, #tpu.memory_space<hbm>>
    tpu.enqueue_dma source(%arg7 : memref<1600x32xf32, #tpu.memory_space<vmem>>) target(%dma_start3A_50 : memref<1600x32xf32, #tpu.memory_space<hbm>>) target_semaphore(%arg10 : memref<!tpu.dma_semaphore, #tpu.memory_space<semaphore_mem>>)
    %mul3A_51 = arith.constant 6400 : i32
    %mul3A_52 = arith.muli %add3A, %mul3A_51 : i32
    %add3A_53 = arith.constant 4800 : i32
    %add3A_54 = arith.addi %mul3A_52, %add3A_53 : i32
    %dma_wait3A_55 = arith.constant 0 : i32
    %dma_wait3A_56 = tpu.memref_slice %arg4[%add3A_18, %dma_wait3A_55] : memref<204800x32xf32, #tpu.memory_space<hbm>> -> memref<1600x32xf32, #tpu.memory_space<hbm>>
    %dma_wait3A_57 = arith.constant 0 : i32
    %dma_wait3A_58 = tpu.memref_slice %arg4[%add3A_18, %dma_wait3A_57] : memref<204800x32xf32, #tpu.memory_space<hbm>> -> memref<1600x32xf32, #tpu.memory_space<hbm>>
    tpu.wait_dma2 semaphore(%arg11 : memref<!tpu.dma_semaphore, #tpu.memory_space<semaphore_mem>>) src(%arg8 : memref<1600x32xf32, #tpu.memory_space<vmem>>) dst(%dma_wait3A_58 : memref<1600x32xf32, #tpu.memory_space<hbm>>)
    %add3A_59 = arith.constant 0 : i32
    %add3A_60 = arith.addi %add3A_59, %add3A_54 : i32
    "tpu.region"() ({
      %run_scoped3A = tpu.sem_alloc : memref<!tpu.dma_semaphore, #tpu.memory_space<semaphore_mem>>
      %dma_start3A_79 = tpu.memref_slice %arg3[%add3A_60] : memref<819200xi32, #tpu.memory_space<hbm>> -> memref<1600xi32, #tpu.memory_space<hbm>>
      %dma_start3A_80 = tpu.memref_slice %arg3[%add3A_60] : memref<819200xi32, #tpu.memory_space<hbm>> -> memref<1600xi32, #tpu.memory_space<hbm>>
      tpu.enqueue_dma source(%dma_start3A_80 : memref<1600xi32, #tpu.memory_space<hbm>>) target(%arg6 : memref<1600xi32, #tpu.memory_space<vmem>>) target_semaphore(%run_scoped3A : memref<!tpu.dma_semaphore, #tpu.memory_space<semaphore_mem>>)
      %dma_wait3A_81 = tpu.memref_slice %arg3[%add3A_60] : memref<819200xi32, #tpu.memory_space<hbm>> -> memref<1600xi32, #tpu.memory_space<hbm>>
      %dma_wait3A_82 = tpu.memref_slice %arg3[%add3A_60] : memref<819200xi32, #tpu.memory_space<hbm>> -> memref<1600xi32, #tpu.memory_space<hbm>>
      tpu.wait_dma2 semaphore(%run_scoped3A : memref<!tpu.dma_semaphore, #tpu.memory_space<semaphore_mem>>) src(%dma_wait3A_82 : memref<1600xi32, #tpu.memory_space<hbm>>) dst(%arg6 : memref<1600xi32, #tpu.memory_space<vmem>>)
      tpu.yield
    }) : () -> ()
    %dma_start3A_61 = arith.constant 0 : i32
    %dma_start3A_62 = arith.constant 0 : i32
    %dma_start3A_63 = tpu.memref_slice %arg2[%dma_start3A_61, %dma_start3A_62] : memref<1015808x32xf32, #tpu.memory_space<hbm>> -> memref<1015808x32xf32, #tpu.memory_space<hbm>>
    tpu.enqueue_indirect_dma source(%dma_start3A_63 : memref<1015808x32xf32, #tpu.memory_space<hbm>>) target(%arg8 : memref<1600x32xf32, #tpu.memory_space<vmem>>) offsets(%arg6 : memref<1600xi32, #tpu.memory_space<vmem>>) semaphore(%arg9 : memref<!tpu.dma_semaphore, #tpu.memory_space<semaphore_mem>>)
    %dma_wait3A_64 = arith.constant 0 : i32
    %dma_wait3A_65 = arith.constant 0 : i32
    %dma_wait3A_66 = tpu.memref_slice %arg2[%dma_wait3A_64, %dma_wait3A_65] : memref<1015808x32xf32, #tpu.memory_space<hbm>> -> memref<1015808x32xf32, #tpu.memory_space<hbm>>
    tpu.wait_indirect_dma semaphore(%arg9 : memref<!tpu.dma_semaphore, #tpu.memory_space<semaphore_mem>>) src(%dma_wait3A_66 : memref<1015808x32xf32, #tpu.memory_space<hbm>>) dst(%arg8 : memref<1600x32xf32, #tpu.memory_space<vmem>>)
    %dma_start3A_67 = arith.constant 0 : i32
    %dma_start3A_68 = tpu.memref_slice %arg4[%add3A_54, %dma_start3A_67] : memref<204800x32xf32, #tpu.memory_space<hbm>> -> memref<1600x32xf32, #tpu.memory_space<hbm>>
    %dma_start3A_69 = arith.constant 0 : i32
    %dma_start3A_70 = tpu.memref_slice %arg4[%add3A_54, %dma_start3A_69] : memref<204800x32xf32, #tpu.memory_space<hbm>> -> memref<1600x32xf32, #tpu.memory_space<hbm>>
    tpu.enqueue_dma source(%arg8 : memref<1600x32xf32, #tpu.memory_space<vmem>>) target(%dma_start3A_70 : memref<1600x32xf32, #tpu.memory_space<hbm>>) target_semaphore(%arg11 : memref<!tpu.dma_semaphore, #tpu.memory_space<semaphore_mem>>)
    %dma_wait3A_71 = arith.constant 0 : i32
    %dma_wait3A_72 = tpu.memref_slice %arg4[%add3A_34, %dma_wait3A_71] : memref<204800x32xf32, #tpu.memory_space<hbm>> -> memref<1600x32xf32, #tpu.memory_space<hbm>>
    %dma_wait3A_73 = arith.constant 0 : i32
    %dma_wait3A_74 = tpu.memref_slice %arg4[%add3A_34, %dma_wait3A_73] : memref<204800x32xf32, #tpu.memory_space<hbm>> -> memref<1600x32xf32, #tpu.memory_space<hbm>>
    tpu.wait_dma2 semaphore(%arg10 : memref<!tpu.dma_semaphore, #tpu.memory_space<semaphore_mem>>) src(%arg7 : memref<1600x32xf32, #tpu.memory_space<vmem>>) dst(%dma_wait3A_74 : memref<1600x32xf32, #tpu.memory_space<hbm>>)
    %dma_wait3A_75 = arith.constant 0 : i32
    %dma_wait3A_76 = tpu.memref_slice %arg4[%add3A_54, %dma_wait3A_75] : memref<204800x32xf32, #tpu.memory_space<hbm>> -> memref<1600x32xf32, #tpu.memory_space<hbm>>
    %dma_wait3A_77 = arith.constant 0 : i32
    %dma_wait3A_78 = tpu.memref_slice %arg4[%add3A_54, %dma_wait3A_77] : memref<204800x32xf32, #tpu.memory_space<hbm>> -> memref<1600x32xf32, #tpu.memory_space<hbm>>
    tpu.wait_dma2 semaphore(%arg11 : memref<!tpu.dma_semaphore, #tpu.memory_space<semaphore_mem>>) src(%arg8 : memref<1600x32xf32, #tpu.memory_space<vmem>>) dst(%dma_wait3A_78 : memref<1600x32xf32, #tpu.memory_space<hbm>>)
    return
  }
}

module attributes {stable_mosaic.version = 14 : i64} {
  func.func @_table_t_body(%arg0: i32, %arg1: memref<32x32768xf32, #tpu.memory_space<vmem>>, %arg2: memref<8192x128xf32, #tpu.memory_space<vmem>>) attributes {dimension_semantics = [#tpu.dimension_semantics<arbitrary>], iteration_bounds = array<i64: 31>, scalar_prefetch = 0 : i64, scratch_operands = 0 : i64, tpu.core_type = #tpu.core_type<tc>, window_params = [{transform_indices = @transform_0, window_bounds = array<i64: 32, 32768>}, {transform_indices = @transform_1, window_bounds = array<i64: 8192, 128>}]} {
    %iota3A = tpu.iota {dimensions = array<i32: 0>} : vector<32x32xi32>
    %iota3A_0 = tpu.iota {dimensions = array<i32: 1>} : vector<32x32xi32>
    %add3A = arith.constant 0 : i32
    %add3A_1 = vector.broadcast %add3A : i32 to vector<32x32xi32>
    %add3A_2 = arith.addi %iota3A, %add3A_1 : vector<32x32xi32>
    %eq3A = arith.cmpi eq, %add3A_2, %iota3A_0 : vector<32x32xi32>
    %convert_element_type3A = arith.extui %eq3A : vector<32x32xi1> to vector<32x32xi32>
    %convert_element_type3A_3 = arith.sitofp %convert_element_type3A : vector<32x32xi32> to vector<32x32xf32>
    %get3A = arith.constant 0 : index
    %get3A_4 = arith.constant 0 : index
    %get3A_5 = vector.load %arg1[%get3A, %get3A_4] : memref<32x32768xf32, #tpu.memory_space<vmem>>, vector<32x8192xf32>
    %dot_general3A = arith.constant dense<0.000000e+00> : vector<8192x32xf32>
    %dot_general3A_6 = tpu.matmul %get3A_5, %convert_element_type3A_3, %dot_general3A {dimension_numbers = #tpu.dot_dimension_numbers<[0], [0], [1], [1], [0, 1, 1, 1], [], []>, transpose_lhs_hint = false} : vector<32x8192xf32>, vector<32x32xf32>, vector<8192x32xf32> -> vector<8192x32xf32>
    %get3A_7 = arith.constant 0 : index
    %get3A_8 = arith.constant 8192 : index
    %get3A_9 = vector.load %arg1[%get3A_7, %get3A_8] : memref<32x32768xf32, #tpu.memory_space<vmem>>, vector<32x8192xf32>
    %dot_general3A_10 = arith.constant dense<0.000000e+00> : vector<8192x32xf32>
    %dot_general3A_11 = tpu.matmul %get3A_9, %convert_element_type3A_3, %dot_general3A_10 {dimension_numbers = #tpu.dot_dimension_numbers<[0], [0], [1], [1], [0, 1, 1, 1], [], []>, transpose_lhs_hint = false} : vector<32x8192xf32>, vector<32x32xf32>, vector<8192x32xf32> -> vector<8192x32xf32>
    %get3A_12 = arith.constant 0 : index
    %get3A_13 = arith.constant 16384 : index
    %get3A_14 = vector.load %arg1[%get3A_12, %get3A_13] : memref<32x32768xf32, #tpu.memory_space<vmem>>, vector<32x8192xf32>
    %dot_general3A_15 = arith.constant dense<0.000000e+00> : vector<8192x32xf32>
    %dot_general3A_16 = tpu.matmul %get3A_14, %convert_element_type3A_3, %dot_general3A_15 {dimension_numbers = #tpu.dot_dimension_numbers<[0], [0], [1], [1], [0, 1, 1, 1], [], []>, transpose_lhs_hint = false} : vector<32x8192xf32>, vector<32x32xf32>, vector<8192x32xf32> -> vector<8192x32xf32>
    %get3A_17 = arith.constant 0 : index
    %get3A_18 = arith.constant 24576 : index
    %get3A_19 = vector.load %arg1[%get3A_17, %get3A_18] : memref<32x32768xf32, #tpu.memory_space<vmem>>, vector<32x8192xf32>
    %dot_general3A_20 = arith.constant dense<0.000000e+00> : vector<8192x32xf32>
    %dot_general3A_21 = tpu.matmul %get3A_19, %convert_element_type3A_3, %dot_general3A_20 {dimension_numbers = #tpu.dot_dimension_numbers<[0], [0], [1], [1], [0, 1, 1, 1], [], []>, transpose_lhs_hint = false} : vector<32x8192xf32>, vector<32x32xf32>, vector<8192x32xf32> -> vector<8192x32xf32>
    %concatenate3A = tpu.concatenate %dot_general3A_6, %dot_general3A_11, %dot_general3A_16, %dot_general3A_21 in 1 : vector<8192x32xf32>, vector<8192x32xf32>, vector<8192x32xf32>, vector<8192x32xf32> -> vector<8192x128xf32>
    %swap3A = arith.constant 0 : index
    %swap3A_22 = arith.constant 0 : index
    %swap3A_23 = vector.load %arg2[%swap3A, %swap3A_22] : memref<8192x128xf32, #tpu.memory_space<vmem>>, vector<8192x128xf32>
    tpu.vector_store %arg2[%swap3A, %swap3A_22], %concatenate3A {strides = array<i32>} : memref<8192x128xf32, #tpu.memory_space<vmem>>, vector<8192x128xf32>,
    return
  }
  func.func @transform_0(%arg0: i32) -> (i32, i32) {
    %c0_i32 = arith.constant 0 : i32
    %c0_i32_0 = arith.constant 0 : i32
    return %c0_i32, %arg0 : i32, i32
  }
  func.func @transform_1(%arg0: i32) -> (i32, i32) {
    %c0_i32 = arith.constant 0 : i32
    %c0_i32_0 = arith.constant 0 : i32
    return %arg0, %c0_i32 : i32, i32
  }
}

module attributes {stable_mosaic.version = 14 : i64} {
  func.func @_mask_body(%arg0: memref<50x4096xi32, #tpu.memory_space<vmem>>, %arg1: memref<50x4096xi32, #tpu.memory_space<vmem>>, %arg2: memref<50x4096xi32, #tpu.memory_space<vmem>>, %arg3: memref<50x4096xi32, #tpu.memory_space<vmem>>, %arg4: memref<50x4096xi32, #tpu.memory_space<vmem>>, %arg5: memref<50x4096xi32, #tpu.memory_space<vmem>>, %arg6: memref<50x4096xi32, #tpu.memory_space<vmem>>, %arg7: memref<50x4096xi32, #tpu.memory_space<vmem>>) attributes {dimension_semantics = [], scalar_prefetch = 0 : i64, scratch_operands = 0 : i64, tpu.core_type = #tpu.core_type<tc>} {
    %get3A = arith.constant 0 : index
    %get3A_0 = arith.constant 0 : index
    %get3A_1 = vector.load %arg0[%get3A, %get3A_0] : memref<50x4096xi32, #tpu.memory_space<vmem>>, vector<50x4096xi32>
    %eq3A = arith.constant 0 : i32
    %eq3A_2 = vector.broadcast %eq3A : i32 to vector<50x4096xi32>
    %eq3A_3 = arith.cmpi eq, %get3A_1, %eq3A_2 : vector<50x4096xi32>
    %swap3A = arith.constant 0 : index
    %swap3A_4 = arith.constant 0 : index
    %swap3A_5 = vector.load %arg4[%swap3A, %swap3A_4] : memref<50x4096xi32, #tpu.memory_space<vmem>>, vector<50x4096xi32>
    %swap3A_6 = arith.extui %eq3A_3 : vector<50x4096xi1> to vector<50x4096xi32>
    %swap3A_7 = arith.constant dense<0> : vector<50x4096xi32>
    %swap3A_8 = arith.cmpi ne, %swap3A_5, %swap3A_7 : vector<50x4096xi32>
    tpu.vector_store %arg4[%swap3A, %swap3A_4], %swap3A_6 {strides = array<i32>} : memref<50x4096xi32, #tpu.memory_space<vmem>>, vector<50x4096xi32>,
    %get3A_9 = arith.constant 0 : index
    %get3A_10 = arith.constant 0 : index
    %get3A_11 = vector.load %arg1[%get3A_9, %get3A_10] : memref<50x4096xi32, #tpu.memory_space<vmem>>, vector<50x4096xi32>
    %eq3A_12 = arith.constant 0 : i32
    %eq3A_13 = vector.broadcast %eq3A_12 : i32 to vector<50x4096xi32>
    %eq3A_14 = arith.cmpi eq, %get3A_11, %eq3A_13 : vector<50x4096xi32>
    %swap3A_15 = arith.constant 0 : index
    %swap3A_16 = arith.constant 0 : index
    %swap3A_17 = vector.load %arg5[%swap3A_15, %swap3A_16] : memref<50x4096xi32, #tpu.memory_space<vmem>>, vector<50x4096xi32>
    %swap3A_18 = arith.extui %eq3A_14 : vector<50x4096xi1> to vector<50x4096xi32>
    %swap3A_19 = arith.constant dense<0> : vector<50x4096xi32>
    %swap3A_20 = arith.cmpi ne, %swap3A_17, %swap3A_19 : vector<50x4096xi32>
    tpu.vector_store %arg5[%swap3A_15, %swap3A_16], %swap3A_18 {strides = array<i32>} : memref<50x4096xi32, #tpu.memory_space<vmem>>, vector<50x4096xi32>,
    %get3A_21 = arith.constant 0 : index
    %get3A_22 = arith.constant 0 : index
    %get3A_23 = vector.load %arg2[%get3A_21, %get3A_22] : memref<50x4096xi32, #tpu.memory_space<vmem>>, vector<50x4096xi32>
    %eq3A_24 = arith.constant 0 : i32
    %eq3A_25 = vector.broadcast %eq3A_24 : i32 to vector<50x4096xi32>
    %eq3A_26 = arith.cmpi eq, %get3A_23, %eq3A_25 : vector<50x4096xi32>
    %swap3A_27 = arith.constant 0 : index
    %swap3A_28 = arith.constant 0 : index
    %swap3A_29 = vector.load %arg6[%swap3A_27, %swap3A_28] : memref<50x4096xi32, #tpu.memory_space<vmem>>, vector<50x4096xi32>
    %swap3A_30 = arith.extui %eq3A_26 : vector<50x4096xi1> to vector<50x4096xi32>
    %swap3A_31 = arith.constant dense<0> : vector<50x4096xi32>
    %swap3A_32 = arith.cmpi ne, %swap3A_29, %swap3A_31 : vector<50x4096xi32>
    tpu.vector_store %arg6[%swap3A_27, %swap3A_28], %swap3A_30 {strides = array<i32>} : memref<50x4096xi32, #tpu.memory_space<vmem>>, vector<50x4096xi32>,
    %get3A_33 = arith.constant 0 : index
    %get3A_34 = arith.constant 0 : index
    %get3A_35 = vector.load %arg3[%get3A_33, %get3A_34] : memref<50x4096xi32, #tpu.memory_space<vmem>>, vector<50x4096xi32>
    %eq3A_36 = arith.constant 0 : i32
    %eq3A_37 = vector.broadcast %eq3A_36 : i32 to vector<50x4096xi32>
    %eq3A_38 = arith.cmpi eq, %get3A_35, %eq3A_37 : vector<50x4096xi32>
    %swap3A_39 = arith.constant 0 : index
    %swap3A_40 = arith.constant 0 : index
    %swap3A_41 = vector.load %arg7[%swap3A_39, %swap3A_40] : memref<50x4096xi32, #tpu.memory_space<vmem>>, vector<50x4096xi32>
    %swap3A_42 = arith.extui %eq3A_38 : vector<50x4096xi1> to vector<50x4096xi32>
    %swap3A_43 = arith.constant dense<0> : vector<50x4096xi32>
    %swap3A_44 = arith.cmpi ne, %swap3A_41, %swap3A_43 : vector<50x4096xi32>
    tpu.vector_store %arg7[%swap3A_39, %swap3A_40], %swap3A_42 {strides = array<i32>} : memref<50x4096xi32, #tpu.memory_space<vmem>>, vector<50x4096xi32>,
    return
  }
}

module attributes {stable_mosaic.version = 14 : i64} {
  func.func @_out_t_body(%arg0: i32, %arg1: memref<1x1024x128xf32, #tpu.memory_space<vmem>>, %arg2: memref<3x1x1024x128xf32, #tpu.memory_space<vmem>>, %arg3: memref<1x32x4096xf32, #tpu.memory_space<vmem>>, %arg4: memref<1x32x4096xf32, #tpu.memory_space<vmem>>, %arg5: memref<1x32x4096xf32, #tpu.memory_space<vmem>>, %arg6: memref<1x32x4096xf32, #tpu.memory_space<vmem>>) attributes {dimension_semantics = [#tpu.dimension_semantics<arbitrary>], iteration_bounds = array<i64: 50>, scalar_prefetch = 0 : i64, scratch_operands = 0 : i64, tpu.core_type = #tpu.core_type<tc>, window_params = [{transform_indices = @transform_0, window_bounds = array<i64: 1, 1024, 128>}, {transform_indices = @transform_1, window_bounds = array<i64: 3, 1, 1024, 128>}, {transform_indices = @transform_2, window_bounds = array<i64: 1, 32, 4096>}, {transform_indices = @transform_3, window_bounds = array<i64: 1, 32, 4096>}, {transform_indices = @transform_4, window_bounds = array<i64: 1, 32, 4096>}, {transform_indices = @transform_5, window_bounds = array<i64: 1, 32, 4096>}]} {
    %iota3A = tpu.iota {dimensions = array<i32: 0>} : vector<32x32xi32>
    %iota3A_0 = tpu.iota {dimensions = array<i32: 1>} : vector<32x32xi32>
    %add3A = arith.constant 0 : i32
    %add3A_1 = vector.broadcast %add3A : i32 to vector<32x32xi32>
    %add3A_2 = arith.addi %iota3A, %add3A_1 : vector<32x32xi32>
    %eq3A = arith.cmpi eq, %add3A_2, %iota3A_0 : vector<32x32xi32>
    %convert_element_type3A = arith.extui %eq3A : vector<32x32xi1> to vector<32x32xi32>
    %convert_element_type3A_3 = arith.sitofp %convert_element_type3A : vector<32x32xi32> to vector<32x32xf32>
    %get3A = arith.constant 0 : index
    %get3A_4 = arith.constant 0 : index
    %get3A_5 = arith.constant 0 : index
    %get3A_6 = vector.load %arg1[%get3A, %get3A_4, %get3A_5] : memref<1x1024x128xf32, #tpu.memory_space<vmem>>, vector<1x1024x128xf32>
    %get3A_7 = vector.shape_cast %get3A_6 : vector<1x1024x128xf32> to vector<1024x128xf32>
    %get3A_8 = arith.constant 0 : index
    %get3A_9 = arith.constant 0 : index
    %get3A_10 = arith.constant 0 : index
    %get3A_11 = arith.constant 0 : index
    %get3A_12 = vector.load %arg2[%get3A_8, %get3A_9, %get3A_10, %get3A_11] : memref<3x1x1024x128xf32, #tpu.memory_space<vmem>>, vector<1x1x1024x128xf32>
    %get3A_13 = vector.shape_cast %get3A_12 : vector<1x1x1024x128xf32> to vector<1024x128xf32>
    %get3A_14 = arith.constant 1 : index
    %get3A_15 = arith.constant 0 : index
    %get3A_16 = arith.constant 0 : index
    %get3A_17 = arith.constant 0 : index
    %get3A_18 = vector.load %arg2[%get3A_14, %get3A_15, %get3A_16, %get3A_17] : memref<3x1x1024x128xf32, #tpu.memory_space<vmem>>, vector<1x1x1024x128xf32>
    %get3A_19 = vector.shape_cast %get3A_18 : vector<1x1x1024x128xf32> to vector<1024x128xf32>
    %get3A_20 = arith.constant 2 : index
    %get3A_21 = arith.constant 0 : index
    %get3A_22 = arith.constant 0 : index
    %get3A_23 = arith.constant 0 : index
    %get3A_24 = vector.load %arg2[%get3A_20, %get3A_21, %get3A_22, %get3A_23] : memref<3x1x1024x128xf32, #tpu.memory_space<vmem>>, vector<1x1x1024x128xf32>
    %get3A_25 = vector.shape_cast %get3A_24 : vector<1x1x1024x128xf32> to vector<1024x128xf32>
    %slice3A = vector.extract_strided_slice %get3A_7 {offsets = [0, 0], sizes = [1024, 32], strides = [1, 1]} : vector<1024x128xf32> to vector<1024x32xf32>
    %dot_general3A = arith.constant dense<0.000000e+00> : vector<32x1024xf32>
    %dot_general3A_26 = tpu.matmul %convert_element_type3A_3, %slice3A, %dot_general3A {dimension_numbers = #tpu.dot_dimension_numbers<[1], [1], [0], [0], [0, 0, 1, 0], [], []>, transpose_lhs_hint = false} : vector<32x32xf32>, vector<1024x32xf32>, vector<32x1024xf32> -> vector<32x1024xf32>
    %slice3A_27 = vector.extract_strided_slice %get3A_7 {offsets = [0, 32], sizes = [1024, 32], strides = [1, 1]} : vector<1024x128xf32> to vector<1024x32xf32>
    %dot_general3A_28 = arith.constant dense<0.000000e+00> : vector<32x1024xf32>
    %dot_general3A_29 = tpu.matmul %convert_element_type3A_3, %slice3A_27, %dot_general3A_28 {dimension_numbers = #tpu.dot_dimension_numbers<[1], [1], [0], [0], [0, 0, 1, 0], [], []>, transpose_lhs_hint = false} : vector<32x32xf32>, vector<1024x32xf32>, vector<32x1024xf32> -> vector<32x1024xf32>
    %slice3A_30 = vector.extract_strided_slice %get3A_7 {offsets = [0, 64], sizes = [1024, 32], strides = [1, 1]} : vector<1024x128xf32> to vector<1024x32xf32>
    %dot_general3A_31 = arith.constant dense<0.000000e+00> : vector<32x1024xf32>
    %dot_general3A_32 = tpu.matmul %convert_element_type3A_3, %slice3A_30, %dot_general3A_31 {dimension_numbers = #tpu.dot_dimension_numbers<[1], [1], [0], [0], [0, 0, 1, 0], [], []>, transpose_lhs_hint = false} : vector<32x32xf32>, vector<1024x32xf32>, vector<32x1024xf32> -> vector<32x1024xf32>
    %slice3A_33 = vector.extract_strided_slice %get3A_7 {offsets = [0, 96], sizes = [1024, 32], strides = [1, 1]} : vector<1024x128xf32> to vector<1024x32xf32>
    %dot_general3A_34 = arith.constant dense<0.000000e+00> : vector<32x1024xf32>
    %dot_general3A_35 = tpu.matmul %convert_element_type3A_3, %slice3A_33, %dot_general3A_34 {dimension_numbers = #tpu.dot_dimension_numbers<[1], [1], [0], [0], [0, 0, 1, 0], [], []>, transpose_lhs_hint = false} : vector<32x32xf32>, vector<1024x32xf32>, vector<32x1024xf32> -> vector<32x1024xf32>
    %concatenate3A = tpu.concatenate %dot_general3A_26, %dot_general3A_29, %dot_general3A_32, %dot_general3A_35 in 1 : vector<32x1024xf32>, vector<32x1024xf32>, vector<32x1024xf32>, vector<32x1024xf32> -> vector<32x4096xf32>
    %swap3A = arith.constant 0 : index
    %swap3A_36 = arith.constant 0 : index
    %swap3A_37 = arith.constant 0 : index
    %swap3A_38 = vector.load %arg3[%swap3A, %swap3A_36, %swap3A_37] : memref<1x32x4096xf32, #tpu.memory_space<vmem>>, vector<1x32x4096xf32>
    %swap3A_39 = vector.shape_cast %swap3A_38 : vector<1x32x4096xf32> to vector<32x4096xf32>
    %swap3A_40 = vector.shape_cast %concatenate3A : vector<32x4096xf32> to vector<1x32x4096xf32>
    tpu.vector_store %arg3[%swap3A, %swap3A_36, %swap3A_37], %swap3A_40 {strides = array<i32>} : memref<1x32x4096xf32, #tpu.memory_space<vmem>>, vector<1x32x4096xf32>,
    %slice3A_41 = vector.extract_strided_slice %get3A_13 {offsets = [0, 0], sizes = [1024, 32], strides = [1, 1]} : vector<1024x128xf32> to vector<1024x32xf32>
    %dot_general3A_42 = arith.constant dense<0.000000e+00> : vector<32x1024xf32>
    %dot_general3A_43 = tpu.matmul %convert_element_type3A_3, %slice3A_41, %dot_general3A_42 {dimension_numbers = #tpu.dot_dimension_numbers<[1], [1], [0], [0], [0, 0, 1, 0], [], []>, transpose_lhs_hint = false} : vector<32x32xf32>, vector<1024x32xf32>, vector<32x1024xf32> -> vector<32x1024xf32>
    %slice3A_44 = vector.extract_strided_slice %get3A_13 {offsets = [0, 32], sizes = [1024, 32], strides = [1, 1]} : vector<1024x128xf32> to vector<1024x32xf32>
    %dot_general3A_45 = arith.constant dense<0.000000e+00> : vector<32x1024xf32>
    %dot_general3A_46 = tpu.matmul %convert_element_type3A_3, %slice3A_44, %dot_general3A_45 {dimension_numbers = #tpu.dot_dimension_numbers<[1], [1], [0], [0], [0, 0, 1, 0], [], []>, transpose_lhs_hint = false} : vector<32x32xf32>, vector<1024x32xf32>, vector<32x1024xf32> -> vector<32x1024xf32>
    %slice3A_47 = vector.extract_strided_slice %get3A_13 {offsets = [0, 64], sizes = [1024, 32], strides = [1, 1]} : vector<1024x128xf32> to vector<1024x32xf32>
    %dot_general3A_48 = arith.constant dense<0.000000e+00> : vector<32x1024xf32>
    %dot_general3A_49 = tpu.matmul %convert_element_type3A_3, %slice3A_47, %dot_general3A_48 {dimension_numbers = #tpu.dot_dimension_numbers<[1], [1], [0], [0], [0, 0, 1, 0], [], []>, transpose_lhs_hint = false} : vector<32x32xf32>, vector<1024x32xf32>, vector<32x1024xf32> -> vector<32x1024xf32>
    %slice3A_50 = vector.extract_strided_slice %get3A_13 {offsets = [0, 96], sizes = [1024, 32], strides = [1, 1]} : vector<1024x128xf32> to vector<1024x32xf32>
    %dot_general3A_51 = arith.constant dense<0.000000e+00> : vector<32x1024xf32>
    %dot_general3A_52 = tpu.matmul %convert_element_type3A_3, %slice3A_50, %dot_general3A_51 {dimension_numbers = #tpu.dot_dimension_numbers<[1], [1], [0], [0], [0, 0, 1, 0], [], []>, transpose_lhs_hint = false} : vector<32x32xf32>, vector<1024x32xf32>, vector<32x1024xf32> -> vector<32x1024xf32>
    %concatenate3A_53 = tpu.concatenate %dot_general3A_43, %dot_general3A_46, %dot_general3A_49, %dot_general3A_52 in 1 : vector<32x1024xf32>, vector<32x1024xf32>, vector<32x1024xf32>, vector<32x1024xf32> -> vector<32x4096xf32>
    %swap3A_54 = arith.constant 0 : index
    %swap3A_55 = arith.constant 0 : index
    %swap3A_56 = arith.constant 0 : index
    %swap3A_57 = vector.load %arg4[%swap3A_54, %swap3A_55, %swap3A_56] : memref<1x32x4096xf32, #tpu.memory_space<vmem>>, vector<1x32x4096xf32>
    %swap3A_58 = vector.shape_cast %swap3A_57 : vector<1x32x4096xf32> to vector<32x4096xf32>
    %swap3A_59 = vector.shape_cast %concatenate3A_53 : vector<32x4096xf32> to vector<1x32x4096xf32>
    tpu.vector_store %arg4[%swap3A_54, %swap3A_55, %swap3A_56], %swap3A_59 {strides = array<i32>} : memref<1x32x4096xf32, #tpu.memory_space<vmem>>, vector<1x32x4096xf32>,
    %slice3A_60 = vector.extract_strided_slice %get3A_19 {offsets = [0, 0], sizes = [1024, 32], strides = [1, 1]} : vector<1024x128xf32> to vector<1024x32xf32>
    %dot_general3A_61 = arith.constant dense<0.000000e+00> : vector<32x1024xf32>
    %dot_general3A_62 = tpu.matmul %convert_element_type3A_3, %slice3A_60, %dot_general3A_61 {dimension_numbers = #tpu.dot_dimension_numbers<[1], [1], [0], [0], [0, 0, 1, 0], [], []>, transpose_lhs_hint = false} : vector<32x32xf32>, vector<1024x32xf32>, vector<32x1024xf32> -> vector<32x1024xf32>
    %slice3A_63 = vector.extract_strided_slice %get3A_19 {offsets = [0, 32], sizes = [1024, 32], strides = [1, 1]} : vector<1024x128xf32> to vector<1024x32xf32>
    %dot_general3A_64 = arith.constant dense<0.000000e+00> : vector<32x1024xf32>
    %dot_general3A_65 = tpu.matmul %convert_element_type3A_3, %slice3A_63, %dot_general3A_64 {dimension_numbers = #tpu.dot_dimension_numbers<[1], [1], [0], [0], [0, 0, 1, 0], [], []>, transpose_lhs_hint = false} : vector<32x32xf32>, vector<1024x32xf32>, vector<32x1024xf32> -> vector<32x1024xf32>
    %slice3A_66 = vector.extract_strided_slice %get3A_19 {offsets = [0, 64], sizes = [1024, 32], strides = [1, 1]} : vector<1024x128xf32> to vector<1024x32xf32>
    %dot_general3A_67 = arith.constant dense<0.000000e+00> : vector<32x1024xf32>
    %dot_general3A_68 = tpu.matmul %convert_element_type3A_3, %slice3A_66, %dot_general3A_67 {dimension_numbers = #tpu.dot_dimension_numbers<[1], [1], [0], [0], [0, 0, 1, 0], [], []>, transpose_lhs_hint = false} : vector<32x32xf32>, vector<1024x32xf32>, vector<32x1024xf32> -> vector<32x1024xf32>
    %slice3A_69 = vector.extract_strided_slice %get3A_19 {offsets = [0, 96], sizes = [1024, 32], strides = [1, 1]} : vector<1024x128xf32> to vector<1024x32xf32>
    %dot_general3A_70 = arith.constant dense<0.000000e+00> : vector<32x1024xf32>
    %dot_general3A_71 = tpu.matmul %convert_element_type3A_3, %slice3A_69, %dot_general3A_70 {dimension_numbers = #tpu.dot_dimension_numbers<[1], [1], [0], [0], [0, 0, 1, 0], [], []>, transpose_lhs_hint = false} : vector<32x32xf32>, vector<1024x32xf32>, vector<32x1024xf32> -> vector<32x1024xf32>
    %concatenate3A_72 = tpu.concatenate %dot_general3A_62, %dot_general3A_65, %dot_general3A_68, %dot_general3A_71 in 1 : vector<32x1024xf32>, vector<32x1024xf32>, vector<32x1024xf32>, vector<32x1024xf32> -> vector<32x4096xf32>
    %swap3A_73 = arith.constant 0 : index
    %swap3A_74 = arith.constant 0 : index
    %swap3A_75 = arith.constant 0 : index
    %swap3A_76 = vector.load %arg5[%swap3A_73, %swap3A_74, %swap3A_75] : memref<1x32x4096xf32, #tpu.memory_space<vmem>>, vector<1x32x4096xf32>
    %swap3A_77 = vector.shape_cast %swap3A_76 : vector<1x32x4096xf32> to vector<32x4096xf32>
    %swap3A_78 = vector.shape_cast %concatenate3A_72 : vector<32x4096xf32> to vector<1x32x4096xf32>
    tpu.vector_store %arg5[%swap3A_73, %swap3A_74, %swap3A_75], %swap3A_78 {strides = array<i32>} : memref<1x32x4096xf32, #tpu.memory_space<vmem>>, vector<1x32x4096xf32>,
    %slice3A_79 = vector.extract_strided_slice %get3A_25 {offsets = [0, 0], sizes = [1024, 32], strides = [1, 1]} : vector<1024x128xf32> to vector<1024x32xf32>
    %dot_general3A_80 = arith.constant dense<0.000000e+00> : vector<32x1024xf32>
    %dot_general3A_81 = tpu.matmul %convert_element_type3A_3, %slice3A_79, %dot_general3A_80 {dimension_numbers = #tpu.dot_dimension_numbers<[1], [1], [0], [0], [0, 0, 1, 0], [], []>, transpose_lhs_hint = false} : vector<32x32xf32>, vector<1024x32xf32>, vector<32x1024xf32> -> vector<32x1024xf32>
    %slice3A_82 = vector.extract_strided_slice %get3A_25 {offsets = [0, 32], sizes = [1024, 32], strides = [1, 1]} : vector<1024x128xf32> to vector<1024x32xf32>
    %dot_general3A_83 = arith.constant dense<0.000000e+00> : vector<32x1024xf32>
    %dot_general3A_84 = tpu.matmul %convert_element_type3A_3, %slice3A_82, %dot_general3A_83 {dimension_numbers = #tpu.dot_dimension_numbers<[1], [1], [0], [0], [0, 0, 1, 0], [], []>, transpose_lhs_hint = false} : vector<32x32xf32>, vector<1024x32xf32>, vector<32x1024xf32> -> vector<32x1024xf32>
    %slice3A_85 = vector.extract_strided_slice %get3A_25 {offsets = [0, 64], sizes = [1024, 32], strides = [1, 1]} : vector<1024x128xf32> to vector<1024x32xf32>
    %dot_general3A_86 = arith.constant dense<0.000000e+00> : vector<32x1024xf32>
    %dot_general3A_87 = tpu.matmul %convert_element_type3A_3, %slice3A_85, %dot_general3A_86 {dimension_numbers = #tpu.dot_dimension_numbers<[1], [1], [0], [0], [0, 0, 1, 0], [], []>, transpose_lhs_hint = false} : vector<32x32xf32>, vector<1024x32xf32>, vector<32x1024xf32> -> vector<32x1024xf32>
    %slice3A_88 = vector.extract_strided_slice %get3A_25 {offsets = [0, 96], sizes = [1024, 32], strides = [1, 1]} : vector<1024x128xf32> to vector<1024x32xf32>
    %dot_general3A_89 = arith.constant dense<0.000000e+00> : vector<32x1024xf32>
    %dot_general3A_90 = tpu.matmul %convert_element_type3A_3, %slice3A_88, %dot_general3A_89 {dimension_numbers = #tpu.dot_dimension_numbers<[1], [1], [0], [0], [0, 0, 1, 0], [], []>, transpose_lhs_hint = false} : vector<32x32xf32>, vector<1024x32xf32>, vector<32x1024xf32> -> vector<32x1024xf32>
    %concatenate3A_91 = tpu.concatenate %dot_general3A_81, %dot_general3A_84, %dot_general3A_87, %dot_general3A_90 in 1 : vector<32x1024xf32>, vector<32x1024xf32>, vector<32x1024xf32>, vector<32x1024xf32> -> vector<32x4096xf32>
    %swap3A_92 = arith.constant 0 : index
    %swap3A_93 = arith.constant 0 : index
    %swap3A_94 = arith.constant 0 : index
    %swap3A_95 = vector.load %arg6[%swap3A_92, %swap3A_93, %swap3A_94] : memref<1x32x4096xf32, #tpu.memory_space<vmem>>, vector<1x32x4096xf32>
    %swap3A_96 = vector.shape_cast %swap3A_95 : vector<1x32x4096xf32> to vector<32x4096xf32>
    %swap3A_97 = vector.shape_cast %concatenate3A_91 : vector<32x4096xf32> to vector<1x32x4096xf32>
    tpu.vector_store %arg6[%swap3A_92, %swap3A_93, %swap3A_94], %swap3A_97 {strides = array<i32>} : memref<1x32x4096xf32, #tpu.memory_space<vmem>>, vector<1x32x4096xf32>,
    return
  }
  func.func @transform_0(%arg0: i32) -> (i32, i32, i32) {
    %c0_i32 = arith.constant 0 : i32
    %c0_i32_0 = arith.constant 0 : i32
    %c0_i32_1 = arith.constant 0 : i32
    return %arg0, %c0_i32, %c0_i32_0 : i32, i32, i32
  }
  func.func @transform_1(%arg0: i32) -> (i32, i32, i32, i32) {
    %c0_i32 = arith.constant 0 : i32
    %c0_i32_0 = arith.constant 0 : i32
    %c0_i32_1 = arith.constant 0 : i32
    %c0_i32_2 = arith.constant 0 : i32
    return %c0_i32, %arg0, %c0_i32_0, %c0_i32_1 : i32, i32, i32, i32
  }
  func.func @transform_2(%arg0: i32) -> (i32, i32, i32) {
    %c0_i32 = arith.constant 0 : i32
    %c0_i32_0 = arith.constant 0 : i32
    %c0_i32_1 = arith.constant 0 : i32
    return %arg0, %c0_i32, %c0_i32_0 : i32, i32, i32
  }
  func.func @transform_3(%arg0: i32) -> (i32, i32, i32) {
    %c0_i32 = arith.constant 0 : i32
    %c0_i32_0 = arith.constant 0 : i32
    %c0_i32_1 = arith.constant 0 : i32
    return %arg0, %c0_i32, %c0_i32_0 : i32, i32, i32
  }
  func.func @transform_4(%arg0: i32) -> (i32, i32, i32) {
    %c0_i32 = arith.constant 0 : i32
    %c0_i32_0 = arith.constant 0 : i32
    %c0_i32_1 = arith.constant 0 : i32
    return %arg0, %c0_i32, %c0_i32_0 : i32, i32, i32
  }
  func.func @transform_5(%arg0: i32) -> (i32, i32, i32) {
    %c0_i32 = arith.constant 0 : i32
    %c0_i32_0 = arith.constant 0 : i32
    %c0_i32_1 = arith.constant 0 : i32
    return %arg0, %c0_i32, %c0_i32_0 : i32, i32, i32
  }
}

</mosaic_0001>

<sc_bundles>
// kernel: kernel.12.cloned.1.call-start
scs
__scs_entry_jumppad:
0x0: {  	(pc) =	sbr.rel $0x88, $3  }
0x1: {  	(tag) =	ssettag $0x0;
	lr =	simm.s32 $0x1  }
0x2: {  	[smem:$0x3F97] =	sst lr;
	_ =	strace $0xD0000000  }
0x3: {  	_ = 	snop  }
0x4: {  	_ = 	snop  }
0x5: {  	_ = 	snop  }
0x6: {  	_ = 	snop  }
0x7: {  	_ = 	snop  }
__scs_overlays_trampoline_lowered:
0x8: {  	[smem:$0x3FA6] =	sst s0  }
0x9: {  	[smem:$0x3FA7] =	sst s1  }
0xa: {  	[smem:$0x3FA8] =	sst s2  }
0xb: {  	[smem:$0x3FA9] =	sst s3  }
0xc: {  	[smem:$0x3FAA] =	sst s4  }
0xd: {  	[smem:$0x3FAB] =	sst s5  }
0xe: {  	[smem:$0x3FAC] =	sst s6  }
0xf: {  	[smem:$0x3FAD] =	sst s7  }
0x10: {  	[smem:$0x3FAE] =	sst s8  }
0x11: {  	[smem:$0x3FAF] =	sst s9;
	s0 =	simm.s32 @!p0 $0x0  }
0x12: {  	s1 =	sld [smem:$0x3F95];
	s0 =	simm.s32 @p0 $0x1  }
0x13: {  	[smem:$0x3FB0] =	sst s0;
	s0 =	simm.s32 @!p1 $0x0  }
0x14: {  	s2 =	sld [smem:$0x3F94];
	s0 =	simm.s32 @p1 $0x1  }
0x15: {  	[smem:$0x3FB1] =	sst s0;
	s0 =	simm.s32 @!p2 $0x0  }
0x16: {  	s3 =	sld [smem:$0x3FDB];
	s0 =	simm.s32 @p2 $0x1  }
0x17: {  	s4 =	simm.s32 $0x1BF5;
	[smem:$0x3FB3] =	sst s0  }
0x18: {  	s0 =	sld [smem:$0x3F96];
	_ =	swait.ge [sflag:s4], $0x0  }
0x19: {  	s7 =	sld [smem:$0x3F97]  }
0x1a: {  	s8 =	sadd.s32 $0xFFFFE003, lr  }
0x1b: {  	s9 =	sadd.s32 $0xFFFFFEF7, lr;
	s5 =	simm.s32 $0xFFFFFFFF;
	p2 =	slt.u32 s8, $0xFFFFF086  }
0x1c: {  	p1 =	slt.u32 s9, $0xF7A;
	s5 =	simm.s32 @!p2 $0x0  }
0x1d: {  	s5 =	simm.s32 @p1 $0x1;
	p0 =	seq.s32 s7, s2  }
0x1e: {  	s7 =	smul.u32 @!p0 $0xF7A, s2;
	p2 =	seq.s32 @!p0 s5, $0x0  }
0x1f: {  	s9 =	smul.u32 $0xF7A, s1;
	s8 =	simm.s32 @!p0 $0x1BF5;
	p2 =	por !p2, p0  }
0x20: {  	[sflag:s8] =	ssyncset.s32 @!p0 $0xFFFFF086;
	s6 =	sadd.s32 @!p0 s3, s7;
	s7 =	simm.s32 @!p0 $0x108  }
0x21: {  	s3 =	sadd.s32 s3, s9;
	s6 =	sadd.s32 @!p0 $0x88, s6;
	s7 =	simm.s32 @p2 $0x1082  }
0x22: {  	[simem:s7], [sflag:s8] =	dma.local @!p0 [hbm:s6], $0xF7A  }
0x23: {  	s9 =	sor.u32 $0xD0000000, s2;
	s6 =	simm.s32 $0x108;
	_ =	swait.ge @!p0 [sflag:s8], $0x0  }
0x24: {  	s3 =	sadd.s32 $0x88, s3;
	s6 =	simm.s32 @!p1 $0x1082;
	[sflag:s4] =	ssyncset.s32 $0xFFFFF086  }
0x25: {  	[simem:s6], [sflag:s4] =	dma.local [hbm:s3], $0xF7A  }
0x26: {  	[smem:$0x3F97] =	sst s1;
	(tag) =	ssettag s2;
	_ =	strace s9  }
0x27: {  	s1 =	sld [smem:$0x3FA7]  }
0x28: {  	s2 =	sld [smem:$0x3FA8]  }
0x29: {  	s4 =	sld [smem:$0x3FAA]  }
0x2a: {  	p0 =	seq.s32 s5, $0x0;
	s5 =	sld [smem:$0x3FAB]  }
0x2b: {  	s6 =	sld [smem:$0x3FAC]  }
0x2c: {  	s7 =	sld [smem:$0x3FAD]  }
0x2d: {  	s3 =	simm.s32 $0x108;
	s8 =	sld [smem:$0x3FAE]  }
0x2e: {  	s3 =	simm.s32 @!p0 $0x1082;
	s9 =	sld [smem:$0x3FAF]  }
0x2f: {  	lr =	sadd.s32 s0, s3;
	s0 =	sld [smem:$0x3FA6]  }
0x30: {  	s3 =	sld [smem:$0x3FA9]  }
0x31: {  	[smem:$0x3FB2] =	sst s10  }
0x32: {  	s10 =	sld [smem:$0x3FB0];
	_ =	sdelay $0x3  }
0x33: {  	p0 =	seq.s32 s10, $0x1;
	s10 =	sld [smem:$0x3FB2];
	_ =	sdelay $0x3  }
0x34: {  	[smem:$0x3FB2] =	sst s10  }
0x35: {  	s10 =	sld [smem:$0x3FB1];
	_ =	sdelay $0x3  }
0x36: {  	p1 =	seq.s32 s10, $0x1;
	s10 =	sld [smem:$0x3FB2];
	_ =	sdelay $0x3  }
0x37: {  	[smem:$0x3FB2] =	sst s10  }
0x38: {  	s10 =	sld [smem:$0x3FB3]  }
0x39: {  	_ = 	snop;
	(pc) =	sbr.ind lr, $3  }
0x3a: {  	_ = 	snop  }
0x3b: {  	_ = 	snop  }
0x3c: {  	p2 =	seq.s32 s10, $0x1;
	s10 =	sld [smem:$0x3FB2]  }
0x3d: {  	_ =	shalt  }
0x3e: {  	_ =	shalt  }
0x3f: {  	_ =	shalt  }
0x40: {  	_ =	shalt  }
0x41: {  	_ =	shalt  }
0x42: {  	_ =	shalt  }
0x43: {  	_ =	shalt  }
0x44: {  	_ =	shalt  }
0x45: {  	_ =	shalt  }
0x46: {  	_ =	shalt  }
0x47: {  	_ =	shalt  }
0x48: {  	_ =	shalt  }
0x49: {  	_ =	shalt  }
0x4a: {  	_ =	shalt  }
0x4b: {  	_ =	shalt  }
0x4c: {  	_ =	shalt  }
0x4d: {  	_ =	shalt  }
0x4e: {  	_ =	shalt  }
0x4f: {  	_ =	shalt  }
0x50: {  	_ =	shalt  }
0x51: {  	_ =	shalt  }
0x52: {  	_ =	shalt  }
0x53: {  	_ =	shalt  }
0x54: {  	_ =	shalt  }
0x55: {  	_ =	shalt  }
0x56: {  	_ =	shalt  }
0x57: {  	_ =	shalt  }
0x58: {  	_ =	shalt  }
0x59: {  	_ =	shalt  }
0x5a: {  	_ =	shalt  }
0x5b: {  	_ =	shalt  }
0x5c: {  	_ =	shalt  }
0x5d: {  	_ =	shalt  }
0x5e: {  	_ =	shalt  }
0x5f: {  	_ =	shalt  }
0x60: {  	_ =	shalt  }
0x61: {  	_ =	shalt  }
0x62: {  	_ =	shalt  }
0x63: {  	_ =	shalt  }
0x64: {  	_ =	shalt  }
0x65: {  	_ =	shalt  }
0x66: {  	_ =	shalt  }
0x67: {  	_ =	shalt  }
0x68: {  	_ =	shalt  }
0x69: {  	_ =	shalt  }
0x6a: {  	_ =	shalt  }
0x6b: {  	_ =	shalt  }
0x6c: {  	_ =	shalt  }
0x6d: {  	_ =	shalt  }
0x6e: {  	_ =	shalt  }
0x6f: {  	_ =	shalt  }
0x70: {  	_ =	shalt  }
0x71: {  	_ =	shalt  }
0x72: {  	_ =	shalt  }
0x73: {  	_ =	shalt  }
0x74: {  	_ =	shalt  }
0x75: {  	_ =	shalt  }
0x76: {  	_ =	shalt  }
0x77: {  	_ =	shalt  }
0x78: {  	_ =	shalt  }
0x79: {  	_ =	shalt  }
0x7a: {  	_ =	shalt  }
0x7b: {  	_ =	shalt  }
0x7c: {  	_ =	shalt  }
0x7d: {  	_ =	shalt  }
0x7e: {  	_ =	shalt  }
0x7f: {  	_ =	shalt  }
0x80: {  	_ =	shalt  }
0x81: {  	_ =	shalt  }
0x82: {  	_ =	shalt  }
0x83: {  	_ =	shalt  }
0x84: {  	_ =	shalt  }
0x85: {  	_ =	shalt  }
0x86: {  	_ =	shalt  }
0x87: {  	_ =	shalt  }
.Lfunc_end0:
.L_simem_size_0:
called_computation.1_lowered:
.L_overlay_start_0:
0x88: {  	s2 =	sld [smem:$0x3FD9]  }
0x89: {  	s3 =	sld [smem:$0x3FFE];
	_ =	sdelay $0x1  }
0x8a: {  	s1 =	srdreg.scid  }
0x8b: {  	s0 =	sand.u32 $0x1, s1  }
0x8c: {  	s15 =	sshll.u32 s0, $0xA;
	s2 =	sadd.s32 s3, s2  }
0x8d: {  	s2 =	sadd.s32 s2, s15  }
0x8e: {  	[smem:$0x3FBE] =	sst s2  }
0x8f: {  	_ = 	snop  }
0x90: {  	s2 =	sld [smem:$0x3FD0];
	_ =	sdelay $0x2  }
0x91: {  	s16 =	simm.s32 $0xB;
	s4 =	simm.s32 $0x10  }
0x92: {  	[smem:s4], [sflag:s16] =	dma.local [hbm:s2], $0x1  }
0x93: {  	_ =	swait.eq [sflag:s16], $0x1  }
0x94: {  	[sflag:s16] =	ssyncset.done $0x0  }
0x95: {  	[sflag:s16] =	ssyncadd.s32 $0xFFFFFFFF  }
0x96: {  	s17 =	sld [smem:$0x12];
	(tm) =	ssettm $0x1  }
0x97: {  	s18 =	sld [smem:$0x3FFB];
	_ =	sdelay $0x3  }
0x98: {  	_ =	strace s18  }
0x99: {  	s2 =	sld [smem:$0x3FFC];
	_ =	sdelay $0x3  }
0x9a: {  	_ =	strace s2  }
0x9b: {  	s2 =	sld [smem:$0x3FFD];
	_ =	sdelay $0x3  }
0x9c: {  	_ =	strace s2  }
0x9d: {  	_ =	strace $0x8FFFFFFF  }
0x9e: {  	s19 =	sld [smem:$0x3FDB];
	_ =	sdelay $0x1  }
0x9f: {  	s20 =	simm.s32 $_scs_section_size  }
0xa0: {  	s5 =	simm.s32 $_size__tile_overlayer_lowered;
	s6 =	simm.s32 $_tile_overlayer_lowered  }
0xa1: {  	s7 =	simm.s32 $0x1BFF;
	s21 =	sshll.u32 s6, $0x1;
	s4 =	sadd.s32 s20, s19  }
0xa2: {  	s22 =	simm.s32 $0x0;
	s5 =	sshll.u32 s5, $0x1;
	s6 =	sadd.s32 s21, s4  }
0xa3: {  	[timem:s22], [sflag:s7] =	dma.local [hbm:s6], s5  }
0xa4: {  	_ =	swait.ge [sflag:s7], s5  }
0xa5: {  	s5 =	ssub.s32 $0x0, s5;
	[sflag:s7] =	ssyncset.done $0x0  }
0xa6: {  	[sflag:s7] =	ssyncadd.s32 s5;
	_ =	sdelay $0x1  }
0xa7: {  	s23 =	simm.s32 $0x1B8B  }
0xa8: {  	_ =	swait.ge [sflag:s23], $0x1  }
0xa9: {  	[sflag:s23] =	ssyncset.done $0x0  }
0xaa: {  	[sflag:s23] =	ssyncadd.s32 $0xFFFFFFFF  }
0xab: {  	s5 =	sld [smem:$0x0]  }
0xac: {  	s6 =	sand.u32 $0xFFFFFFFE, s1  }
0xad: {  	p0 =	sne.s32 s1, s6  }
0xae: {  	s6 =	sshll.u32 @p0 s6, $0xE  }
0xaf: {  	s6 =	sadd.s32 @p0 $0x11B8D, s6;
	s7 =	sshll.u32 @p0 s5, $0x11  }
0xb0: {  	s6 =	sor.u32 @p0 s7, s6  }
0xb1: {  	[sflag:s6] =	ssyncadd.remote.s32 @p0 $0x1;
	_ =	sdelay $0x1  }
0xb2: {  	s6 =	simm.s32 @p0 $0x1B8D  }
0xb3: {  	_ =	swait.eq @p0 [sflag:s6], $0x1  }
0xb4: {  	[sflag:s6] =	ssyncadd.s32 @p0 $0xFFFFFFFF  }
0xb5: {  	s7 =	sshll.u32 @!p0 s1, $0xE  }
0xb6: {  	s7 =	sor.u32 @!p0 $0x4000, s7;
	s6 =	simm.s32 @!p0 $0x1B8D  }
0xb7: {  	s5 =	sshll.u32 @!p0 s5, $0x11;
	s7 =	sadd.s32 @!p0 $0x11B8D, s7;
	_ =	swait.eq @!p0 [sflag:s6], $0x1  }
0xb8: {  	s5 =	sor.u32 @!p0 s5, s7;
	[sflag:s6] =	ssyncadd.s32 @!p0 $0xFFFFFFFF  }
0xb9: {  	s25 =	simm.s32 $0x1B8E;
	s24 =	sld [smem:$0x3FFE];
	[sflag:s5] =	ssyncadd.remote.s32 @!p0 $0x1  }
0xba: {  	s26 =	simm.s32 $execute0_lowered;
	[smem:$0x3FD2] =	sst s25  }
0xbb: {  	s6 =	sshll.u32 s26, $0x1;
	_ =	strace $0x8000004C;
	[dreg:$0x1] =	wrdreg $0xFFFFFFFF  }
0xbc: {  	s28 =	simm.s32 $_size_execute0_lowered;
	s4 =	sadd.s32 s4, s6;
	[dreg:$0x0] =	wrdreg $0x0  }
0xbd: {  	s6 =	sshll.u32 s28, $0x1;
	[dreg:$0x2] =	wrdreg s4  }
0xbe: {  	[dreg:$0x3] =	wrdreg s6  }
0xbf: {  	[dreg:$0x4] =	wrdreg $0xC0  }
0xc0: {  	_ =	task [dreg:s22], $0x5FFFF  }
0xc1: {  	[dreg:$0x1] =	wrdreg $0xFFFFFFFF  }
0xc2: {  	[dreg:$0x0] =	wrdreg $0x60  }
0xc3: {  	[dreg:$0x2] =	wrdreg s24  }
0xc4: {  	[dreg:$0x3] =	wrdreg s17  }
0xc5: {  	[dreg:$0x4] =	wrdreg $0x9  }
0xc6: {  	_ =	task.clear_ibuf [dreg:s22], $0x5FFFF;
	_ =	strace $0x9000004C  }
0xc7: {  	s29 =	simm.s32 $0x9;
	_ =	strace $0x8000004E  }
0xc8: {  	_ =	swait.ge [sflag:s29], $0x1  }
0xc9: {  	[sflag:s29] =	ssyncadd.s32 $0xFFFFFFFF  }
0xca: {  	_ =	strace $0x9000004E  }
0xcb: {  	_ =	sfence  }
0xcc: {  	s30 =	sld [smem:$0x0];
	_ =	sdelay $0x2  }
0xcd: {  	s31 =	sshll.u32 s1, $0xD;
	s1 =	sshrl.u32 s1, $0x2  }
0xce: {  	s4 =	sand.u32 $0x4000, s31;
	s1 =	sadd.s32 s1, s30  }
0xcf: {  	s0 =	sor.u32 s4, s0;
	s1 =	sshll.u32 s1, $0x11  }
0xd0: {  	s0 =	sor.u32 s1, s0  }
0xd1: {  	s0 =	sadd.s32 $0x8F2B, s0  }
0xd2: {  	[sflag:s0] =	ssyncadd.remote.s32 $0x1  }
0xd3: {  	_ =	sfence.sel $0xFFFF  }
0xd4: {  	[dreg:$0x0] =	wrdreg $0xFFFFFFFF;
	(pc) =	sbr.abs _section_cstart, $3  }
0xd5: {  	[dreg:$0x1] =	wrdreg $0xFFFFFFFF  }
0xd6: {  	_ =	task.clear_ibuf [dreg:s22], $0x2FFFF;
	_ =	strace $0x9FFFFFFF  }
0xd7: {  	(tm) =	ssettm $0x7FFFFFFF  }
tec
execute0_lowered:
.L_overlay_start_1:
0x0: {  	(tag) =	ssettag $0x1  }
0x1: {  	s1 =	srdreg.scid;
	s0 =	stileid.u32  }
0x2: {  	s1 =	sand.u32 $0x1, s1;
	s2 =	sshll.u32 s0, $0x1  }
0x3: {  	s4 =	rddreg [dreg:$0x0];
	s3 =	sor.u32 s1, s2  }
0x4: {  	s5 =	rddreg [dreg:$0x1];
	s6 =	smul.u32 $0x4B00, s3  }
0x5: {  	s23 =	sadd.s32 $0x889C00, s4;
	s2 =	simm.s32 $0x0;
	s22 =	smul.u32 $0x12C00, s3  }
0x6: {  	[smem:$0x7FF] =	sst s2;
	s3 =	smul.u32 $0x96000, s3;
	s6 =	sshrl.u32 s6, $0x3  }
0x7: {  	_ =	strace $0x8000004D;
	s30 =	sadd.s32 s5, s6;
	s5 =	sadd.s32 s23, s22  }
0x8: {  	s3 =	sshrl.u32 s3, $0x3;
	s7 =	sadd.s32 $0x6400, s30;
	[dreg:$0x4] =	wrdreg s5  }
0x9: {  	s31 =	sadd.s32 s23, s3;
	s24 =	sadd.s32 $0x64C8, s30;
	[dreg:$0x3] =	wrdreg s7  }
0xa: {  	s3 =	sadd.s32 $0x1900, s31;
	[dreg:$0x5] =	wrdreg s24  }
0xb: {  	[dreg:$0x6] =	wrdreg s3  }
0xc: {  	s3 =	simm.s32 $0x4;
	s25 =	rddreg [dreg:$0x3]  }
0xd: {  	[tilespmem:s2], [sflag:$0x4] =	stream.linear.gather [hbm4b:s25+s2], $0x640, $0x38;
	[tilespmem:$0x19C80] =	vst v63  }
0xe: {  	_ =	swait.ge [sflag:s3], $0x640  }
0xf: {  	s4 =	sadd.s32 $0x4A9C00, s4;
	s6 =	simm.s32 $0xC80;
	[sflag:s3] =	ssyncset.done $0x0  }
0x10: {  	s5 =	simm.s32 $0x640;
	s7 =	simm.s32 $0x1;
	[sflag:s3] =	ssyncadd.s32 $0xFFFFF9C0  }
0x11: {  	[tilespmem:s6], [sflag:$0x1] =	stream.indirect.gather [hbm4b:s4+s5], $0x20, s2, s5, $0xb8;
	[tilespmem:$0x19C80] =	vst v63  }
0x12: {  	_ =	swait.ge [sflag:s7], $0xC800  }
0x13: {  	[sflag:s7] =	ssyncset.done $0x0  }
0x14: {  	s8 =	rddreg [dreg:$0x4];
	[sflag:s7] =	ssyncadd.s32 $0xFFFF3800  }
0x15: {  	[hbm4b:s8+s2] =	stream.linear.scatter [tilespmem:s6], [sflag:$0x2], $0xC800, $0x38;
	[tilespmem:$0x19C80] =	vst v63  }
0x16: {  	s9 =	rddreg [dreg:$0x5]  }
0x17: {  	[tilespmem:s5], [sflag:$0x4] =	stream.linear.gather [hbm4b:s9+s2], $0x640, $0x38;
	[tilespmem:$0x19C80] =	vst v63  }
0x18: {  	_ =	swait.ge [sflag:s3], $0x640  }
0x19: {  	[sflag:s3] =	ssyncset.done $0x0  }
0x1a: {  	s8 =	simm.s32 $0xD480;
	[sflag:s3] =	ssyncadd.s32 $0xFFFFF9C0  }
0x1b: {  	[tilespmem:s8], [sflag:$0x1] =	stream.indirect.gather [hbm4b:s4+s5], $0x20, s5, s5, $0xb8;
	[tilespmem:$0x19C80] =	vst v63  }
0x1c: {  	_ =	swait.ge [sflag:s7], $0xC800  }
0x1d: {  	[sflag:s7] =	ssyncset.done $0x0  }
0x1e: {  	s9 =	simm.s32 $0x2;
	s10 =	rddreg [dreg:$0x6];
	[sflag:s7] =	ssyncadd.s32 $0xFFFF3800  }
0x1f: {  	[hbm4b:s10+s2] =	stream.linear.scatter [tilespmem:s8], [sflag:$0x3], $0xC800, $0x38;
	[tilespmem:$0x19C80] =	vst v63  }
0x20: {  	_ =	swait.ge [sflag:s9], $0xC800  }
0x21: {  	s26 =	sadd.s32 $0x6590, s30;
	[sflag:s9] =	ssyncset.done $0x0  }
0x22: {  	[dreg:$0x7] =	wrdreg s26;
	[sflag:s9] =	ssyncadd.s32 $0xFFFF3800  }
0x23: {  	[tilespmem:s2], [sflag:$0x4] =	stream.linear.gather [hbm4b:s26+s2], $0x640, $0x38;
	[tilespmem:$0x19C80] =	vst v63  }
0x24: {  	_ =	swait.ge [sflag:s3], $0x640  }
0x25: {  	[sflag:s3] =	ssyncset.done $0x0  }
0x26: {  	[sflag:s3] =	ssyncadd.s32 $0xFFFFF9C0  }
0x27: {  	[tilespmem:s6], [sflag:$0x1] =	stream.indirect.gather [hbm4b:s4+s5], $0x20, s2, s5, $0xb8;
	[tilespmem:$0x19C80] =	vst v63  }
0x28: {  	_ =	swait.ge [sflag:s7], $0xC800  }
0x29: {  	[sflag:s7] =	ssyncset.done $0x0  }
0x2a: {  	s11 =	simm.s32 $0x3;
	s12 =	sadd.s32 $0x3200, s31;
	[sflag:s7] =	ssyncadd.s32 $0xFFFF3800  }
0x2b: {  	[hbm4b:s12+s2] =	stream.linear.scatter [tilespmem:s6], [sflag:$0x2], $0xC800, $0x38;
	[tilespmem:$0x19C80] =	vst v63  }
0x2c: {  	_ =	swait.ge [sflag:s11], $0xC800  }
0x2d: {  	[sflag:s11] =	ssyncset.done $0x0  }
0x2e: {  	s13 =	sadd.s32 $0x6658, s30;
	[sflag:s11] =	ssyncadd.s32 $0xFFFF3800  }
0x2f: {  	[tilespmem:s5], [sflag:$0x4] =	stream.linear.gather [hbm4b:s13+s2], $0x640, $0x38;
	[tilespmem:$0x19C80] =	vst v63  }
0x30: {  	_ =	swait.ge [sflag:s3], $0x640  }
0x31: {  	[sflag:s3] =	ssyncset.done $0x0  }
0x32: {  	[sflag:s3] =	ssyncadd.s32 $0xFFFFF9C0  }
0x33: {  	[tilespmem:s8], [sflag:$0x1] =	stream.indirect.gather [hbm4b:s4+s5], $0x20, s5, s5, $0xb8;
	[tilespmem:$0x19C80] =	vst v63  }
0x34: {  	_ =	swait.ge [sflag:s7], $0xC800  }
0x35: {  	[sflag:s7] =	ssyncset.done $0x0  }
0x36: {  	s14 =	sadd.s32 $0x4B00, s31;
	[sflag:s7] =	ssyncadd.s32 $0xFFFF3800  }
0x37: {  	[hbm4b:s14+s2] =	stream.linear.scatter [tilespmem:s8], [sflag:$0x3], $0xC800, $0x38;
	[tilespmem:$0x19C80] =	vst v63  }
0x38: {  	_ =	swait.ge [sflag:s9], $0xC800  }
0x39: {  	[sflag:s9] =	ssyncset.done $0x0  }
0x3a: {  	s15 =	sadd.s32 $0x6720, s30;
	[sflag:s9] =	ssyncadd.s32 $0xFFFF3800  }
0x3b: {  	[tilespmem:s2], [sflag:$0x4] =	stream.linear.gather [hbm4b:s15+s2], $0x640, $0x38;
	[tilespmem:$0x19C80] =	vst v63  }
0x3c: {  	_ =	swait.ge [sflag:s3], $0x640  }
0x3d: {  	[sflag:s3] =	ssyncset.done $0x0  }
0x3e: {  	[sflag:s3] =	ssyncadd.s32 $0xFFFFF9C0  }
0x3f: {  	[tilespmem:s6], [sflag:$0x1] =	stream.indirect.gather [hbm4b:s4+s5], $0x20, s2, s5, $0xb8;
	[tilespmem:$0x19C80] =	vst v63  }
0x40: {  	_ =	swait.ge [sflag:s7], $0xC800  }
0x41: {  	[sflag:s7] =	ssyncset.done $0x0  }
0x42: {  	s16 =	sadd.s32 $0x6400, s31;
	[sflag:s7] =	ssyncadd.s32 $0xFFFF3800  }
0x43: {  	[hbm4b:s16+s2] =	stream.linear.scatter [tilespmem:s6], [sflag:$0x2], $0xC800, $0x38;
	[tilespmem:$0x19C80] =	vst v63  }
0x44: {  	_ =	swait.ge [sflag:s11], $0xC800  }
0x45: {  	[sflag:s11] =	ssyncset.done $0x0  }
0x46: {  	s17 =	sadd.s32 $0x67E8, s30;
	[sflag:s11] =	ssyncadd.s32 $0xFFFF3800  }
0x47: {  	[tilespmem:s5], [sflag:$0x4] =	stream.linear.gather [hbm4b:s17+s2], $0x640, $0x38;
	[tilespmem:$0x19C80] =	vst v63  }
0x48: {  	_ =	swait.ge [sflag:s3], $0x640  }
0x49: {  	[sflag:s3] =	ssyncset.done $0x0  }
0x4a: {  	[sflag:s3] =	ssyncadd.s32 $0xFFFFF9C0  }
0x4b: {  	[tilespmem:s8], [sflag:$0x1] =	stream.indirect.gather [hbm4b:s4+s5], $0x20, s5, s5, $0xb8;
	[tilespmem:$0x19C80] =	vst v63  }
0x4c: {  	_ =	swait.ge [sflag:s7], $0xC800  }
0x4d: {  	[sflag:s7] =	ssyncset.done $0x0  }
0x4e: {  	s18 =	sadd.s32 $0x7D00, s31;
	[sflag:s7] =	ssyncadd.s32 $0xFFFF3800  }
0x4f: {  	[hbm4b:s18+s2] =	stream.linear.scatter [tilespmem:s8], [sflag:$0x3], $0xC800, $0x38;
	[tilespmem:$0x19C80] =	vst v63  }
0x50: {  	_ =	swait.ge [sflag:s9], $0xC800  }
0x51: {  	[sflag:s9] =	ssyncset.done $0x0  }
0x52: {  	s19 =	sadd.s32 $0x68B0, s30;
	[sflag:s9] =	ssyncadd.s32 $0xFFFF3800  }
0x53: {  	[tilespmem:s2], [sflag:$0x4] =	stream.linear.gather [hbm4b:s19+s2], $0x640, $0x38;
	[tilespmem:$0x19C80] =	vst v63  }
0x54: {  	_ =	swait.ge [sflag:s3], $0x640  }
0x55: {  	[sflag:s3] =	ssyncset.done $0x0  }
0x56: {  	[sflag:s3] =	ssyncadd.s32 $0xFFFFF9C0  }
0x57: {  	[tilespmem:s6], [sflag:$0x1] =	stream.indirect.gather [hbm4b:s4+s5], $0x20, s2, s5, $0xb8;
	[tilespmem:$0x19C80] =	vst v63  }
0x58: {  	_ =	swait.ge [sflag:s7], $0xC800  }
0x59: {  	[sflag:s7] =	ssyncset.done $0x0  }
0x5a: {  	s20 =	sadd.s32 $0x9600, s31;
	[sflag:s7] =	ssyncadd.s32 $0xFFFF3800  }
0x5b: {  	[hbm4b:s20+s2] =	stream.linear.scatter [tilespmem:s6], [sflag:$0x2], $0xC800, $0x38;
	[tilespmem:$0x19C80] =	vst v63  }
0x5c: {  	_ =	swait.ge [sflag:s11], $0xC800  }
0x5d: {  	[sflag:s11] =	ssyncset.done $0x0  }
0x5e: {  	s21 =	sadd.s32 $0x6978, s30;
	[sflag:s11] =	ssyncadd.s32 $0xFFFF3800  }
0x5f: {  	[tilespmem:s5], [sflag:$0x4] =	stream.linear.gather [hbm4b:s21+s2], $0x640, $0x38;
	[tilespmem:$0x19C80] =	vst v63  }
0x60: {  	_ =	swait.ge [sflag:s3], $0x640  }
0x61: {  	[sflag:s3] =	ssyncset.done $0x0  }
0x62: {  	[sflag:s3] =	ssyncadd.s32 $0xFFFFF9C0  }
0x63: {  	[tilespmem:s8], [sflag:$0x1] =	stream.indirect.gather [hbm4b:s4+s5], $0x20, s5, s5, $0xb8;
	[tilespmem:$0x19C80] =	vst v63  }
0x64: {  	_ =	swait.ge [sflag:s7], $0xC800  }
0x65: {  	[sflag:s7] =	ssyncset.done $0x0  }
0x66: {  	s22 =	sadd.s32 $0xAF00, s31;
	[sflag:s7] =	ssyncadd.s32 $0xFFFF3800  }
0x67: {  	[hbm4b:s22+s2] =	stream.linear.scatter [tilespmem:s8], [sflag:$0x3], $0xC800, $0x38;
	[tilespmem:$0x19C80] =	vst v63  }
0x68: {  	_ =	swait.ge [sflag:s9], $0xC800  }
0x69: {  	[sflag:s9] =	ssyncset.done $0x0  }
0x6a: {  	s23 =	sadd.s32 $0x6A40, s30;
	[sflag:s9] =	ssyncadd.s32 $0xFFFF3800  }
0x6b: {  	[tilespmem:s2], [sflag:$0x4] =	stream.linear.gather [hbm4b:s23+s2], $0x640, $0x38;
	[tilespmem:$0x19C80] =	vst v63  }
0x6c: {  	_ =	swait.ge [sflag:s3], $0x640  }
0x6d: {  	[sflag:s3] =	ssyncset.done $0x0  }
0x6e: {  	[sflag:s3] =	ssyncadd.s32 $0xFFFFF9C0  }
0x6f: {  	[tilespmem:s6], [sflag:$0x1] =	stream.indirect.gather [hbm4b:s4+s5], $0x20, s2, s5, $0xb8;
	[tilespmem:$0x19C80] =	vst v63  }
0x70: {  	_ =	swait.ge [sflag:s7], $0xC800  }
0x71: {  	[sflag:s7] =	ssyncset.done $0x0  }
0x72: {  	s24 =	sadd.s32 $0xC800, s31;
	[sflag:s7] =	ssyncadd.s32 $0xFFFF3800  }
0x73: {  	[hbm4b:s24+s2] =	stream.linear.scatter [tilespmem:s6], [sflag:$0x2], $0xC800, $0x38;
	[tilespmem:$0x19C80] =	vst v63  }
0x74: {  	_ =	swait.ge [sflag:s11], $0xC800  }
0x75: {  	[sflag:s11] =	ssyncset.done $0x0  }
0x76: {  	s25 =	sadd.s32 $0x6B08, s30;
	[sflag:s11] =	ssyncadd.s32 $0xFFFF3800  }
0x77: {  	[tilespmem:s5], [sflag:$0x4] =	stream.linear.gather [hbm4b:s25+s2], $0x640, $0x38;
	[tilespmem:$0x19C80] =	vst v63  }
0x78: {  	_ =	swait.ge [sflag:s3], $0x640  }
0x79: {  	[sflag:s3] =	ssyncset.done $0x0  }
0x7a: {  	[sflag:s3] =	ssyncadd.s32 $0xFFFFF9C0  }
0x7b: {  	[tilespmem:s8], [sflag:$0x1] =	stream.indirect.gather [hbm4b:s4+s5], $0x20, s5, s5, $0xb8;
	[tilespmem:$0x19C80] =	vst v63  }
0x7c: {  	_ =	swait.ge [sflag:s7], $0xC800  }
0x7d: {  	[sflag:s7] =	ssyncset.done $0x0  }
0x7e: {  	s26 =	sadd.s32 $0xE100, s31;
	[sflag:s7] =	ssyncadd.s32 $0xFFFF3800  }
0x7f: {  	[hbm4b:s26+s2] =	stream.linear.scatter [tilespmem:s8], [sflag:$0x3], $0xC800, $0x38;
	[tilespmem:$0x19C80] =	vst v63  }
0x80: {  	_ =	swait.ge [sflag:s9], $0xC800  }
0x81: {  	[sflag:s9] =	ssyncset.done $0x0  }
0x82: {  	s28 =	sadd.s32 $0x6BD0, s30;
	[sflag:s9] =	ssyncadd.s32 $0xFFFF3800  }
0x83: {  	[tilespmem:s2], [sflag:$0x4] =	stream.linear.gather [hbm4b:s28+s2], $0x640, $0x38;
	[tilespmem:$0x19C80] =	vst v63  }
0x84: {  	_ =	swait.ge [sflag:s3], $0x640  }
0x85: {  	[sflag:s3] =	ssyncset.done $0x0  }
0x86: {  	[sflag:s3] =	ssyncadd.s32 $0xFFFFF9C0  }
0x87: {  	[tilespmem:s6], [sflag:$0x1] =	stream.indirect.gather [hbm4b:s4+s5], $0x20, s2, s5, $0xb8;
	[tilespmem:$0x19C80] =	vst v63  }
0x88: {  	_ =	swait.ge [sflag:s7], $0xC800  }
0x89: {  	[sflag:s7] =	ssyncset.done $0x0  }
0x8a: {  	s29 =	sadd.s32 $0xFA00, s31;
	[sflag:s7] =	ssyncadd.s32 $0xFFFF3800  }
0x8b: {  	[hbm4b:s29+s2] =	stream.linear.scatter [tilespmem:s6], [sflag:$0x2], $0xC800, $0x38;
	[tilespmem:$0x19C80] =	vst v63  }
0x8c: {  	_ =	swait.ge [sflag:s11], $0xC800  }
0x8d: {  	[sflag:s11] =	ssyncset.done $0x0  }
0x8e: {  	s30 =	sadd.s32 $0x6C98, s30;
	[sflag:s11] =	ssyncadd.s32 $0xFFFF3800  }
0x8f: {  	[tilespmem:s5], [sflag:$0x4] =	stream.linear.gather [hbm4b:s30+s2], $0x640, $0x38;
	[tilespmem:$0x19C80] =	vst v63  }
0x90: {  	_ =	swait.ge [sflag:s3], $0x640  }
0x91: {  	s1 =	ssub.s32 $0x2, s1;
	[sflag:s3] =	ssyncset.done $0x0  }
0x92: {  	s10 =	sshrl.u32 s1, $0x1;
	[sflag:s3] =	ssyncadd.s32 $0xFFFFF9C0  }
0x93: {  	[tilespmem:s8], [sflag:$0x1] =	stream.indirect.gather [hbm4b:s4+s5], $0x20, s5, s5, $0xb8;
	[tilespmem:$0x19C80] =	vst v63  }
0x94: {  	s0 =	ssub.s32 s1, s10;
	_ =	swait.ge [sflag:s7], $0xC800  }
0x95: {  	s0 =	smax.u32 s0, $0x1;
	[sflag:s7] =	ssyncset.done $0x0  }
0x96: {  	p0 =	sne.s32 s0, $0x1;
	s31 =	sadd.s32 $0x11300, s31;
	[sflag:s7] =	ssyncadd.s32 $0xFFFF3800  }
0x97: {  	[hbm4b:s31+s2] =	stream.linear.scatter [tilespmem:s8], [sflag:$0x3], $0xC800, $0x38;
	[tilespmem:$0x19C80] =	vst v63  }
.Ltmp0:
0x98: {  	_ =	swait.ge [sflag:s9], $0xC800;
	(pc) =	sbr.rel @!p0 .LBB2_2-.Ltmp0, $4  }
0x99: {  	[sflag:s9] =	ssyncset.done $0x0  }
0x9a: {  	[sflag:s9] =	ssyncadd.s32 $0xFFFF3800  }
0x9b: {  	_ =	swait.ge [sflag:s11], $0xC800  }
0x9c: {  	s1 =	sadd.s32 $0xFFFFFFFF, s0;
	[sflag:s11] =	ssyncset.done $0x0  }
.LBB2_1:
0x9d: {  	s0 =	rddreg [dreg:$0x3];
	[sflag:s11] =	ssyncadd.s32 $0xFFFF3800  }
0x9e: {  	[tilespmem:s2], [sflag:$0x4] =	stream.linear.gather [hbm4b:s0+s2], $0x640, $0x38;
	[tilespmem:$0x19C80] =	vst v63  }
0x9f: {  	_ =	swait.ge [sflag:s3], $0x640  }
0xa0: {  	[sflag:s3] =	ssyncset.done $0x0  }
0xa1: {  	[sflag:s3] =	ssyncadd.s32 $0xFFFFF9C0  }
0xa2: {  	[tilespmem:s6], [sflag:$0x1] =	stream.indirect.gather [hbm4b:s4+s5], $0x20, s2, s5, $0xb8;
	[tilespmem:$0x19C80] =	vst v63  }
0xa3: {  	_ =	swait.ge [sflag:s7], $0xC800  }
0xa4: {  	[sflag:s7] =	ssyncset.done $0x0  }
0xa5: {  	s0 =	rddreg [dreg:$0x4];
	[sflag:s7] =	ssyncadd.s32 $0xFFFF3800  }
0xa6: {  	[hbm4b:s0+s2] =	stream.linear.scatter [tilespmem:s6], [sflag:$0x2], $0xC800, $0x38;
	[tilespmem:$0x19C80] =	vst v63  }
0xa7: {  	s10 =	rddreg [dreg:$0x5]  }
0xa8: {  	[tilespmem:s5], [sflag:$0x4] =	stream.linear.gather [hbm4b:s10+s2], $0x640, $0x38;
	[tilespmem:$0x19C80] =	vst v63  }
0xa9: {  	_ =	swait.ge [sflag:s3], $0x640  }
0xaa: {  	[sflag:s3] =	ssyncset.done $0x0  }
0xab: {  	[sflag:s3] =	ssyncadd.s32 $0xFFFFF9C0  }
0xac: {  	[tilespmem:s8], [sflag:$0x1] =	stream.indirect.gather [hbm4b:s4+s5], $0x20, s5, s5, $0xb8;
	[tilespmem:$0x19C80] =	vst v63  }
0xad: {  	_ =	swait.ge [sflag:s7], $0xC800  }
0xae: {  	[sflag:s7] =	ssyncset.done $0x0  }
0xaf: {  	s10 =	rddreg [dreg:$0x6];
	[sflag:s7] =	ssyncadd.s32 $0xFFFF3800  }
0xb0: {  	[hbm4b:s10+s2] =	stream.linear.scatter [tilespmem:s8], [sflag:$0x3], $0xC800, $0x38;
	[tilespmem:$0x19C80] =	vst v63  }
0xb1: {  	_ =	swait.ge [sflag:s9], $0xC800  }
0xb2: {  	[sflag:s9] =	ssyncset.done $0x0  }
0xb3: {  	s10 =	rddreg [dreg:$0x7];
	[sflag:s9] =	ssyncadd.s32 $0xFFFF3800  }
0xb4: {  	[tilespmem:s2], [sflag:$0x4] =	stream.linear.gather [hbm4b:s10+s2], $0x640, $0x38;
	[tilespmem:$0x19C80] =	vst v63  }
0xb5: {  	_ =	swait.ge [sflag:s3], $0x640  }
0xb6: {  	[sflag:s3] =	ssyncset.done $0x0  }
0xb7: {  	[sflag:s3] =	ssyncadd.s32 $0xFFFFF9C0  }
0xb8: {  	[tilespmem:s6], [sflag:$0x1] =	stream.indirect.gather [hbm4b:s4+s5], $0x20, s2, s5, $0xb8;
	[tilespmem:$0x19C80] =	vst v63  }
0xb9: {  	_ =	swait.ge [sflag:s7], $0xC800  }
0xba: {  	[sflag:s7] =	ssyncset.done $0x0  }
0xbb: {  	[sflag:s7] =	ssyncadd.s32 $0xFFFF3800  }
0xbc: {  	[hbm4b:s12+s2] =	stream.linear.scatter [tilespmem:s6], [sflag:$0x2], $0xC800, $0x38;
	[tilespmem:$0x19C80] =	vst v63  }
0xbd: {  	_ =	swait.ge [sflag:s11], $0xC800  }
0xbe: {  	[sflag:s11] =	ssyncset.done $0x0  }
0xbf: {  	[sflag:s11] =	ssyncadd.s32 $0xFFFF3800  }
0xc0: {  	[tilespmem:s5], [sflag:$0x4] =	stream.linear.gather [hbm4b:s13+s2], $0x640, $0x38;
	[tilespmem:$0x19C80] =	vst v63  }
0xc1: {  	_ =	swait.ge [sflag:s3], $0x640  }
0xc2: {  	[sflag:s3] =	ssyncset.done $0x0  }
0xc3: {  	[sflag:s3] =	ssyncadd.s32 $0xFFFFF9C0  }
0xc4: {  	[tilespmem:s8], [sflag:$0x1] =	stream.indirect.gather [hbm4b:s4+s5], $0x20, s5, s5, $0xb8;
	[tilespmem:$0x19C80] =	vst v63  }
0xc5: {  	_ =	swait.ge [sflag:s7], $0xC800  }
0xc6: {  	[sflag:s7] =	ssyncset.done $0x0  }
0xc7: {  	[sflag:s7] =	ssyncadd.s32 $0xFFFF3800  }
0xc8: {  	[hbm4b:s14+s2] =	stream.linear.scatter [tilespmem:s8], [sflag:$0x3], $0xC800, $0x38;
	[tilespmem:$0x19C80] =	vst v63  }
0xc9: {  	_ =	swait.ge [sflag:s9], $0xC800  }
0xca: {  	[sflag:s9] =	ssyncset.done $0x0  }
0xcb: {  	[sflag:s9] =	ssyncadd.s32 $0xFFFF3800  }
0xcc: {  	[tilespmem:s2], [sflag:$0x4] =	stream.linear.gather [hbm4b:s15+s2], $0x640, $0x38;
	[tilespmem:$0x19C80] =	vst v63  }
0xcd: {  	_ =	swait.ge [sflag:s3], $0x640  }
0xce: {  	[sflag:s3] =	ssyncset.done $0x0  }
0xcf: {  	[sflag:s3] =	ssyncadd.s32 $0xFFFFF9C0  }
0xd0: {  	[tilespmem:s6], [sflag:$0x1] =	stream.indirect.gather [hbm4b:s4+s5], $0x20, s2, s5, $0xb8;
	[tilespmem:$0x19C80] =	vst v63  }
0xd1: {  	_ =	swait.ge [sflag:s7], $0xC800  }
0xd2: {  	[sflag:s7] =	ssyncset.done $0x0  }
0xd3: {  	[sflag:s7] =	ssyncadd.s32 $0xFFFF3800  }
0xd4: {  	[hbm4b:s16+s2] =	stream.linear.scatter [tilespmem:s6], [sflag:$0x2], $0xC800, $0x38;
	[tilespmem:$0x19C80] =	vst v63  }
0xd5: {  	_ =	swait.ge [sflag:s11], $0xC800  }
0xd6: {  	[sflag:s11] =	ssyncset.done $0x0  }
0xd7: {  	[sflag:s11] =	ssyncadd.s32 $0xFFFF3800  }
0xd8: {  	[tilespmem:s5], [sflag:$0x4] =	stream.linear.gather [hbm4b:s17+s2], $0x640, $0x38;
	[tilespmem:$0x19C80] =	vst v63  }
0xd9: {  	_ =	swait.ge [sflag:s3], $0x640  }
0xda: {  	[sflag:s3] =	ssyncset.done $0x0  }
0xdb: {  	[sflag:s3] =	ssyncadd.s32 $0xFFFFF9C0  }
0xdc: {  	[tilespmem:s8], [sflag:$0x1] =	stream.indirect.gather [hbm4b:s4+s5], $0x20, s5, s5, $0xb8;
	[tilespmem:$0x19C80] =	vst v63  }
0xdd: {  	_ =	swait.ge [sflag:s7], $0xC800  }
0xde: {  	[sflag:s7] =	ssyncset.done $0x0  }
0xdf: {  	[sflag:s7] =	ssyncadd.s32 $0xFFFF3800  }
0xe0: {  	[hbm4b:s18+s2] =	stream.linear.scatter [tilespmem:s8], [sflag:$0x3], $0xC800, $0x38;
	[tilespmem:$0x19C80] =	vst v63  }
0xe1: {  	_ =	swait.ge [sflag:s9], $0xC800  }
0xe2: {  	[sflag:s9] =	ssyncset.done $0x0  }
0xe3: {  	[sflag:s9] =	ssyncadd.s32 $0xFFFF3800  }
0xe4: {  	[tilespmem:s2], [sflag:$0x4] =	stream.linear.gather [hbm4b:s19+s2], $0x640, $0x38;
	[tilespmem:$0x19C80] =	vst v63  }
0xe5: {  	_ =	swait.ge [sflag:s3], $0x640  }
0xe6: {  	[sflag:s3] =	ssyncset.done $0x0  }
0xe7: {  	[sflag:s3] =	ssyncadd.s32 $0xFFFFF9C0  }
0xe8: {  	[tilespmem:s6], [sflag:$0x1] =	stream.indirect.gather [hbm4b:s4+s5], $0x20, s2, s5, $0xb8;
	[tilespmem:$0x19C80] =	vst v63  }
0xe9: {  	_ =	swait.ge [sflag:s7], $0xC800  }
0xea: {  	[sflag:s7] =	ssyncset.done $0x0  }
0xeb: {  	[sflag:s7] =	ssyncadd.s32 $0xFFFF3800  }
0xec: {  	[hbm4b:s20+s2] =	stream.linear.scatter [tilespmem:s6], [sflag:$0x2], $0xC800, $0x38;
	[tilespmem:$0x19C80] =	vst v63  }
0xed: {  	_ =	swait.ge [sflag:s11], $0xC800  }
0xee: {  	[sflag:s11] =	ssyncset.done $0x0  }
0xef: {  	[sflag:s11] =	ssyncadd.s32 $0xFFFF3800  }
0xf0: {  	[tilespmem:s5], [sflag:$0x4] =	stream.linear.gather [hbm4b:s21+s2], $0x640, $0x38;
	[tilespmem:$0x19C80] =	vst v63  }
0xf1: {  	_ =	swait.ge [sflag:s3], $0x640  }
0xf2: {  	[sflag:s3] =	ssyncset.done $0x0  }
0xf3: {  	[sflag:s3] =	ssyncadd.s32 $0xFFFFF9C0  }
0xf4: {  	[tilespmem:s8], [sflag:$0x1] =	stream.indirect.gather [hbm4b:s4+s5], $0x20, s5, s5, $0xb8;
	[tilespmem:$0x19C80] =	vst v63  }
0xf5: {  	_ =	swait.ge [sflag:s7], $0xC800  }
0xf6: {  	[sflag:s7] =	ssyncset.done $0x0  }
0xf7: {  	[sflag:s7] =	ssyncadd.s32 $0xFFFF3800  }
0xf8: {  	[hbm4b:s22+s2] =	stream.linear.scatter [tilespmem:s8], [sflag:$0x3], $0xC800, $0x38;
	[tilespmem:$0x19C80] =	vst v63  }
0xf9: {  	_ =	swait.ge [sflag:s9], $0xC800  }
0xfa: {  	[sflag:s9] =	ssyncset.done $0x0  }
0xfb: {  	[sflag:s9] =	ssyncadd.s32 $0xFFFF3800  }
0xfc: {  	[tilespmem:s2], [sflag:$0x4] =	stream.linear.gather [hbm4b:s23+s2], $0x640, $0x38;
	[tilespmem:$0x19C80] =	vst v63  }
0xfd: {  	_ =	swait.ge [sflag:s3], $0x640  }
0xfe: {  	[sflag:s3] =	ssyncset.done $0x0  }
0xff: {  	[sflag:s3] =	ssyncadd.s32 $0xFFFFF9C0  }
0x100: {  	[tilespmem:s6], [sflag:$0x1] =	stream.indirect.gather [hbm4b:s4+s5], $0x20, s2, s5, $0xb8;
	[tilespmem:$0x19C80] =	vst v63  }
0x101: {  	_ =	swait.ge [sflag:s7], $0xC800  }
0x102: {  	[sflag:s7] =	ssyncset.done $0x0  }
0x103: {  	[sflag:s7] =	ssyncadd.s32 $0xFFFF3800  }
0x104: {  	[hbm4b:s24+s2] =	stream.linear.scatter [tilespmem:s6], [sflag:$0x2], $0xC800, $0x38;
	[tilespmem:$0x19C80] =	vst v63  }
0x105: {  	_ =	swait.ge [sflag:s11], $0xC800  }
0x106: {  	[sflag:s11] =	ssyncset.done $0x0  }
0x107: {  	[sflag:s11] =	ssyncadd.s32 $0xFFFF3800  }
0x108: {  	[tilespmem:s5], [sflag:$0x4] =	stream.linear.gather [hbm4b:s25+s2], $0x640, $0x38;
	[tilespmem:$0x19C80] =	vst v63  }
0x109: {  	_ =	swait.ge [sflag:s3], $0x640  }
0x10a: {  	[sflag:s3] =	ssyncset.done $0x0  }
0x10b: {  	[sflag:s3] =	ssyncadd.s32 $0xFFFFF9C0  }
0x10c: {  	[tilespmem:s8], [sflag:$0x1] =	stream.indirect.gather [hbm4b:s4+s5], $0x20, s5, s5, $0xb8;
	[tilespmem:$0x19C80] =	vst v63  }
0x10d: {  	_ =	swait.ge [sflag:s7], $0xC800  }
0x10e: {  	[sflag:s7] =	ssyncset.done $0x0  }
0x10f: {  	[sflag:s7] =	ssyncadd.s32 $0xFFFF3800  }
0x110: {  	[hbm4b:s26+s2] =	stream.linear.scatter [tilespmem:s8], [sflag:$0x3], $0xC800, $0x38;
	[tilespmem:$0x19C80] =	vst v63  }
0x111: {  	_ =	swait.ge [sflag:s9], $0xC800  }
0x112: {  	[sflag:s9] =	ssyncset.done $0x0  }
0x113: {  	[sflag:s9] =	ssyncadd.s32 $0xFFFF3800  }
0x114: {  	[tilespmem:s2], [sflag:$0x4] =	stream.linear.gather [hbm4b:s28+s2], $0x640, $0x38;
	[tilespmem:$0x19C80] =	vst v63  }
0x115: {  	_ =	swait.ge [sflag:s3], $0x640  }
0x116: {  	[sflag:s3] =	ssyncset.done $0x0  }
0x117: {  	[sflag:s3] =	ssyncadd.s32 $0xFFFFF9C0  }
0x118: {  	[tilespmem:s6], [sflag:$0x1] =	stream.indirect.gather [hbm4b:s4+s5], $0x20, s2, s5, $0xb8;
	[tilespmem:$0x19C80] =	vst v63  }
0x119: {  	_ =	swait.ge [sflag:s7], $0xC800  }
0x11a: {  	[sflag:s7] =	ssyncset.done $0x0  }
0x11b: {  	[sflag:s7] =	ssyncadd.s32 $0xFFFF3800  }
0x11c: {  	[hbm4b:s29+s2] =	stream.linear.scatter [tilespmem:s6], [sflag:$0x2], $0xC800, $0x38;
	[tilespmem:$0x19C80] =	vst v63  }
0x11d: {  	_ =	swait.ge [sflag:s11], $0xC800  }
0x11e: {  	[sflag:s11] =	ssyncset.done $0x0  }
0x11f: {  	[sflag:s11] =	ssyncadd.s32 $0xFFFF3800  }
0x120: {  	[tilespmem:s5], [sflag:$0x4] =	stream.linear.gather [hbm4b:s30+s2], $0x640, $0x38;
	[tilespmem:$0x19C80] =	vst v63  }
0x121: {  	_ =	swait.ge [sflag:s3], $0x640  }
0x122: {  	[sflag:s3] =	ssyncset.done $0x0  }
0x123: {  	[sflag:s3] =	ssyncadd.s32 $0xFFFFF9C0  }
0x124: {  	[tilespmem:s8], [sflag:$0x1] =	stream.indirect.gather [hbm4b:s4+s5], $0x20, s5, s5, $0xb8;
	[tilespmem:$0x19C80] =	vst v63  }
0x125: {  	_ =	swait.ge [sflag:s7], $0xC800  }
0x126: {  	[sflag:s7] =	ssyncset.done $0x0  }
0x127: {  	p0 =	sne.s32 s1, $0x1;
	[sflag:s7] =	ssyncadd.s32 $0xFFFF3800  }
0x128: {  	[hbm4b:s31+s2] =	stream.linear.scatter [tilespmem:s8], [sflag:$0x3], $0xC800, $0x38;
	[tilespmem:$0x19C80] =	vst v63  }
.Ltmp1:
0x129: {  	_ =	swait.ge [sflag:s9], $0xC800;
	(pc) =	sbr.rel @p0 .LBB2_1-.Ltmp1, $4  }
0x12a: {  	[sflag:s9] =	ssyncset.done $0x0  }
0x12b: {  	[sflag:s9] =	ssyncadd.s32 $0xFFFF3800  }
0x12c: {  	_ =	swait.ge [sflag:s11], $0xC800  }
0x12d: {  	s1 =	sadd.s32 $0xFFFFFFFF, s1;
	[sflag:s11] =	ssyncset.done $0x0  }
.LBB2_2:
0x12e: {  	[sflag:s11] =	ssyncadd.s32 $0xFFFF3800  }
0x12f: {  	_ =	sfence.sel $0x180000  }
0x130: {  	[bflag:$0x0] =	sbarrier.arrive $0xFFFF  }
0x131: {  	_ =	strace $0x9000004D  }
0x132: {  	s0 =	stileid.u32;
	[bflag:$0x2] =	sbarrier.arrive $0xFFFF  }
0x133: {  	p0 =	sne.s32 s0, $0x0;
	s0 =	rddreg [dreg:$0x2]  }
0x134: {  	s0 =	sadd.s32 @!p0 $0x100000, s0  }
0x135: {  	[sflag:s0] =	ssyncadd.tile.s32 @!p0 $0x1;
	_ =	shalt  }
.Lfunc_end2:
_tile_overlayer_lowered:
.L_overlay_start_2:
0x136: {  	(tag) =	ssettag $0x2  }
0x137: {  	s0 =	rddreg [dreg:$0x0];
	s2 =	stileid.u32  }
0x138: {  	s1 =	rddreg [dreg:$0x1];
	p0 =	sne.s32 s2, $0x0  }
0x139: {  	s3 =	rddreg [dreg:$0x2];
	[bflag:$0x3] =	sbarrier.arrive $0xFFFF;
	s2 =	simm.s32 @!p0 $0x1C04  }
0x13a: {  	[timem:s3], [sflag:s2] =	dma.local @!p0 [hbm:s0], s1  }
0x13b: {  	s0 =	simm.s32 @!p0 $0x4  }
0x13c: {  	_ =	swait.ge @!p0 [sflag:s0], s1  }
0x13d: {  	s1 =	ssub.s32 @!p0 $0x0, s1;
	[sflag:s0] =	ssyncset.done @!p0 $0x0  }
0x13e: {  	[sflag:s0] =	ssyncadd.s32 @!p0 s1  }
0x13f: {  	[bflag:$0x3] =	sbarrier.arrive $0xFFFF  }
0x140: {  	_ =	shalt  }

// kernel: kernel.15.cloned.1.call-start
scs
__scs_entry_jumppad:
0x0: {  	(pc) =	sbr.rel $0x88, $3  }
0x1: {  	(tag) =	ssettag $0x0;
	lr =	simm.s32 $0x1  }
0x2: {  	[smem:$0x3F97] =	sst lr;
	_ =	strace $0xD0000000  }
0x3: {  	_ = 	snop  }
0x4: {  	_ = 	snop  }
0x5: {  	_ = 	snop  }
0x6: {  	_ = 	snop  }
0x7: {  	_ = 	snop  }
__scs_overlays_trampoline_lowered:
0x8: {  	[smem:$0x3FA6] =	sst s0  }
0x9: {  	[smem:$0x3FA7] =	sst s1  }
0xa: {  	[smem:$0x3FA8] =	sst s2  }
0xb: {  	[smem:$0x3FA9] =	sst s3  }
0xc: {  	[smem:$0x3FAA] =	sst s4  }
0xd: {  	[smem:$0x3FAB] =	sst s5  }
0xe: {  	[smem:$0x3FAC] =	sst s6  }
0xf: {  	[smem:$0x3FAD] =	sst s7  }
0x10: {  	[smem:$0x3FAE] =	sst s8  }
0x11: {  	[smem:$0x3FAF] =	sst s9;
	s0 =	simm.s32 @!p0 $0x0  }
0x12: {  	s1 =	sld [smem:$0x3F95];
	s0 =	simm.s32 @p0 $0x1  }
0x13: {  	[smem:$0x3FB0] =	sst s0;
	s0 =	simm.s32 @!p1 $0x0  }
0x14: {  	s2 =	sld [smem:$0x3F94];
	s0 =	simm.s32 @p1 $0x1  }
0x15: {  	[smem:$0x3FB1] =	sst s0;
	s0 =	simm.s32 @!p2 $0x0  }
0x16: {  	s3 =	sld [smem:$0x3FDB];
	s0 =	simm.s32 @p2 $0x1  }
0x17: {  	s4 =	simm.s32 $0x1BF5;
	[smem:$0x3FB3] =	sst s0  }
0x18: {  	s0 =	sld [smem:$0x3F96];
	_ =	swait.ge [sflag:s4], $0x0  }
0x19: {  	s7 =	sld [smem:$0x3F97]  }
0x1a: {  	s8 =	sadd.s32 $0xFFFFE003, lr  }
0x1b: {  	s9 =	sadd.s32 $0xFFFFFEF7, lr;
	s5 =	simm.s32 $0xFFFFFFFF;
	p2 =	slt.u32 s8, $0xFFFFF086  }
0x1c: {  	p1 =	slt.u32 s9, $0xF7A;
	s5 =	simm.s32 @!p2 $0x0  }
0x1d: {  	s5 =	simm.s32 @p1 $0x1;
	p0 =	seq.s32 s7, s2  }
0x1e: {  	s7 =	smul.u32 @!p0 $0xF7A, s2;
	p2 =	seq.s32 @!p0 s5, $0x0  }
0x1f: {  	s9 =	smul.u32 $0xF7A, s1;
	s8 =	simm.s32 @!p0 $0x1BF5;
	p2 =	por !p2, p0  }
0x20: {  	[sflag:s8] =	ssyncset.s32 @!p0 $0xFFFFF086;
	s6 =	sadd.s32 @!p0 s3, s7;
	s7 =	simm.s32 @!p0 $0x108  }
0x21: {  	s3 =	sadd.s32 s3, s9;
	s6 =	sadd.s32 @!p0 $0x88, s6;
	s7 =	simm.s32 @p2 $0x1082  }
0x22: {  	[simem:s7], [sflag:s8] =	dma.local @!p0 [hbm:s6], $0xF7A  }
0x23: {  	s9 =	sor.u32 $0xD0000000, s2;
	s6 =	simm.s32 $0x108;
	_ =	swait.ge @!p0 [sflag:s8], $0x0  }
0x24: {  	s3 =	sadd.s32 $0x88, s3;
	s6 =	simm.s32 @!p1 $0x1082;
	[sflag:s4] =	ssyncset.s32 $0xFFFFF086  }
0x25: {  	[simem:s6], [sflag:s4] =	dma.local [hbm:s3], $0xF7A  }
0x26: {  	[smem:$0x3F97] =	sst s1;
	(tag) =	ssettag s2;
	_ =	strace s9  }
0x27: {  	s1 =	sld [smem:$0x3FA7]  }
0x28: {  	s2 =	sld [smem:$0x3FA8]  }
0x29: {  	s4 =	sld [smem:$0x3FAA]  }
0x2a: {  	p0 =	seq.s32 s5, $0x0;
	s5 =	sld [smem:$0x3FAB]  }
0x2b: {  	s6 =	sld [smem:$0x3FAC]  }
0x2c: {  	s7 =	sld [smem:$0x3FAD]  }
0x2d: {  	s3 =	simm.s32 $0x108;
	s8 =	sld [smem:$0x3FAE]  }
0x2e: {  	s3 =	simm.s32 @!p0 $0x1082;
	s9 =	sld [smem:$0x3FAF]  }
0x2f: {  	lr =	sadd.s32 s0, s3;
	s0 =	sld [smem:$0x3FA6]  }
0x30: {  	s3 =	sld [smem:$0x3FA9]  }
0x31: {  	[smem:$0x3FB2] =	sst s10  }
0x32: {  	s10 =	sld [smem:$0x3FB0];
	_ =	sdelay $0x3  }
0x33: {  	p0 =	seq.s32 s10, $0x1;
	s10 =	sld [smem:$0x3FB2];
	_ =	sdelay $0x3  }
0x34: {  	[smem:$0x3FB2] =	sst s10  }
0x35: {  	s10 =	sld [smem:$0x3FB1];
	_ =	sdelay $0x3  }
0x36: {  	p1 =	seq.s32 s10, $0x1;
	s10 =	sld [smem:$0x3FB2];
	_ =	sdelay $0x3  }
0x37: {  	[smem:$0x3FB2] =	sst s10  }
0x38: {  	s10 =	sld [smem:$0x3FB3]  }
0x39: {  	_ = 	snop;
	(pc) =	sbr.ind lr, $3  }
0x3a: {  	_ = 	snop  }
0x3b: {  	_ = 	snop  }
0x3c: {  	p2 =	seq.s32 s10, $0x1;
	s10 =	sld [smem:$0x3FB2]  }
0x3d: {  	_ =	shalt  }
0x3e: {  	_ =	shalt  }
0x3f: {  	_ =	shalt  }
0x40: {  	_ =	shalt  }
0x41: {  	_ =	shalt  }
0x42: {  	_ =	shalt  }
0x43: {  	_ =	shalt  }
0x44: {  	_ =	shalt  }
0x45: {  	_ =	shalt  }
0x46: {  	_ =	shalt  }
0x47: {  	_ =	shalt  }
0x48: {  	_ =	shalt  }
0x49: {  	_ =	shalt  }
0x4a: {  	_ =	shalt  }
0x4b: {  	_ =	shalt  }
0x4c: {  	_ =	shalt  }
0x4d: {  	_ =	shalt  }
0x4e: {  	_ =	shalt  }
0x4f: {  	_ =	shalt  }
0x50: {  	_ =	shalt  }
0x51: {  	_ =	shalt  }
0x52: {  	_ =	shalt  }
0x53: {  	_ =	shalt  }
0x54: {  	_ =	shalt  }
0x55: {  	_ =	shalt  }
0x56: {  	_ =	shalt  }
0x57: {  	_ =	shalt  }
0x58: {  	_ =	shalt  }
0x59: {  	_ =	shalt  }
0x5a: {  	_ =	shalt  }
0x5b: {  	_ =	shalt  }
0x5c: {  	_ =	shalt  }
0x5d: {  	_ =	shalt  }
0x5e: {  	_ =	shalt  }
0x5f: {  	_ =	shalt  }
0x60: {  	_ =	shalt  }
0x61: {  	_ =	shalt  }
0x62: {  	_ =	shalt  }
0x63: {  	_ =	shalt  }
0x64: {  	_ =	shalt  }
0x65: {  	_ =	shalt  }
0x66: {  	_ =	shalt  }
0x67: {  	_ =	shalt  }
0x68: {  	_ =	shalt  }
0x69: {  	_ =	shalt  }
0x6a: {  	_ =	shalt  }
0x6b: {  	_ =	shalt  }
0x6c: {  	_ =	shalt  }
0x6d: {  	_ =	shalt  }
0x6e: {  	_ =	shalt  }
0x6f: {  	_ =	shalt  }
0x70: {  	_ =	shalt  }
0x71: {  	_ =	shalt  }
0x72: {  	_ =	shalt  }
0x73: {  	_ =	shalt  }
0x74: {  	_ =	shalt  }
0x75: {  	_ =	shalt  }
0x76: {  	_ =	shalt  }
0x77: {  	_ =	shalt  }
0x78: {  	_ =	shalt  }
0x79: {  	_ =	shalt  }
0x7a: {  	_ =	shalt  }
0x7b: {  	_ =	shalt  }
0x7c: {  	_ =	shalt  }
0x7d: {  	_ =	shalt  }
0x7e: {  	_ =	shalt  }
0x7f: {  	_ =	shalt  }
0x80: {  	_ =	shalt  }
0x81: {  	_ =	shalt  }
0x82: {  	_ =	shalt  }
0x83: {  	_ =	shalt  }
0x84: {  	_ =	shalt  }
0x85: {  	_ =	shalt  }
0x86: {  	_ =	shalt  }
0x87: {  	_ =	shalt  }
.Lfunc_end0:
.L_simem_size_0:
called_computation.2_lowered:
.L_overlay_start_0:
0x88: {  	s2 =	sld [smem:$0x3FD9]  }
0x89: {  	s3 =	sld [smem:$0x3FFE];
	_ =	sdelay $0x1  }
0x8a: {  	s1 =	srdreg.scid  }
0x8b: {  	s0 =	sand.u32 $0x1, s1  }
0x8c: {  	s14 =	sshll.u32 s0, $0xA;
	s2 =	sadd.s32 s3, s2  }
0x8d: {  	s2 =	sadd.s32 s2, s14  }
0x8e: {  	[smem:$0x3FBE] =	sst s2  }
0x8f: {  	_ = 	snop  }
0x90: {  	s2 =	sld [smem:$0x3FD0];
	_ =	sdelay $0x2  }
0x91: {  	s15 =	simm.s32 $0xB;
	s4 =	simm.s32 $0x10  }
0x92: {  	[smem:s4], [sflag:s15] =	dma.local [hbm:s2], $0x1  }
0x93: {  	_ =	swait.eq [sflag:s15], $0x1  }
0x94: {  	[sflag:s15] =	ssyncset.done $0x0  }
0x95: {  	[sflag:s15] =	ssyncadd.s32 $0xFFFFFFFF  }
0x96: {  	s16 =	sld [smem:$0x12];
	(tm) =	ssettm $0x1  }
0x97: {  	s17 =	sld [smem:$0x3FFB];
	_ =	sdelay $0x3  }
0x98: {  	_ =	strace s17  }
0x99: {  	s3 =	sld [smem:$0x3FFC];
	_ =	sdelay $0x3  }
0x9a: {  	_ =	strace s3  }
0x9b: {  	s3 =	sld [smem:$0x3FFD];
	_ =	sdelay $0x3  }
0x9c: {  	_ =	strace s3  }
0x9d: {  	_ =	strace $0x8FFFFFFF  }
0x9e: {  	s18 =	sld [smem:$0x3FDB];
	_ =	sdelay $0x1  }
0x9f: {  	s19 =	simm.s32 $_scs_section_size  }
0xa0: {  	s5 =	simm.s32 $_size__tile_overlayer_lowered;
	s6 =	simm.s32 $_tile_overlayer_lowered  }
0xa1: {  	s22 =	simm.s32 $0x1BFF;
	s21 =	sshll.u32 s6, $0x1;
	s3 =	sadd.s32 s19, s18  }
0xa2: {  	s7 =	simm.s32 $0x0;
	s20 =	sshll.u32 s5, $0x1;
	s5 =	sadd.s32 s21, s3  }
0xa3: {  	[timem:s7], [sflag:s22] =	dma.local [hbm:s5], s20  }
0xa4: {  	_ =	swait.ge [sflag:s22], s20  }
0xa5: {  	s4 =	ssub.s32 $0x0, s20;
	[sflag:s22] =	ssyncset.done $0x0  }
0xa6: {  	[sflag:s22] =	ssyncadd.s32 s4;
	_ =	sdelay $0x1  }
0xa7: {  	s23 =	simm.s32 $0x1B8B  }
0xa8: {  	_ =	swait.ge [sflag:s23], $0x1  }
0xa9: {  	[sflag:s23] =	ssyncset.done $0x0  }
0xaa: {  	s25 =	simm.s32 $0x1B8E;
	s24 =	sld [smem:$0x3FFE];
	[sflag:s23] =	ssyncadd.s32 $0xFFFFFFFF  }
0xab: {  	s26 =	simm.s32 $execute0_lowered;
	[smem:$0x3FD2] =	sst s25  }
0xac: {  	s5 =	sshll.u32 s26, $0x1;
	_ =	strace $0x80000049;
	[dreg:$0x1] =	wrdreg $0xFFFFFFFF  }
0xad: {  	s28 =	simm.s32 $_size_execute0_lowered;
	s3 =	sadd.s32 s3, s5;
	[dreg:$0x0] =	wrdreg $0x0  }
0xae: {  	s5 =	sshll.u32 s28, $0x1;
	[dreg:$0x2] =	wrdreg s3  }
0xaf: {  	[dreg:$0x3] =	wrdreg s5  }
0xb0: {  	[dreg:$0x4] =	wrdreg $0xC0  }
0xb1: {  	_ =	task [dreg:s7], $0x5FFFF  }
0xb2: {  	[dreg:$0x1] =	wrdreg $0xFFFFFFFF  }
0xb3: {  	[dreg:$0x0] =	wrdreg $0x60  }
0xb4: {  	[dreg:$0x2] =	wrdreg s24  }
0xb5: {  	[dreg:$0x3] =	wrdreg s16  }
0xb6: {  	[dreg:$0x4] =	wrdreg $0xA  }
0xb7: {  	_ =	task.clear_ibuf [dreg:s7], $0x5FFFF;
	_ =	strace $0x90000049  }
0xb8: {  	s29 =	simm.s32 $0xA;
	_ =	strace $0x8000004B  }
0xb9: {  	_ =	swait.ge [sflag:s29], $0x1  }
0xba: {  	[sflag:s29] =	ssyncadd.s32 $0xFFFFFFFF  }
0xbb: {  	_ =	strace $0x9000004B  }
0xbc: {  	_ =	sfence  }
0xbd: {  	s30 =	sld [smem:$0x0];
	_ =	sdelay $0x2  }
0xbe: {  	s31 =	sshll.u32 s1, $0xD;
	s1 =	sshrl.u32 s1, $0x2  }
0xbf: {  	s3 =	sand.u32 $0x4000, s31;
	s1 =	sadd.s32 s1, s30  }
0xc0: {  	s0 =	sor.u32 s3, s0;
	s1 =	sshll.u32 s1, $0x11  }
0xc1: {  	s0 =	sor.u32 s1, s0  }
0xc2: {  	s0 =	sadd.s32 $0x8F2B, s0  }
0xc3: {  	[sflag:s0] =	ssyncadd.remote.s32 $0x1  }
0xc4: {  	_ =	sfence.sel $0xFFFF  }
0xc5: {  	[dreg:$0x0] =	wrdreg $0xFFFFFFFF;
	(pc) =	sbr.abs _section_cstart, $3  }
0xc6: {  	[dreg:$0x1] =	wrdreg $0xFFFFFFFF  }
0xc7: {  	_ =	task.clear_ibuf [dreg:s7], $0x2FFFF;
	_ =	strace $0x9FFFFFFF  }
0xc8: {  	(tm) =	ssettm $0x7FFFFFFF  }
0xc9: {  	_ =	shalt  }
tec
execute0_lowered:
.L_overlay_start_1:
0x0: {  	(tag) =	ssettag $0x1  }
0x1: {  	s1 =	srdreg.scid;
	s0 =	stileid.u32  }
0x2: {  	s18 =	sand.u32 $0x1, s1;
	s28 =	sshll.u32 s0, $0x1  }
0x3: {  	s10 =	sor.u32 s18, s28  }
0x4: {  	s9 =	rddreg [dreg:$0x0];
	s19 =	smul.u32 $0x1900, s10  }
0x5: {  	s17 =	rddreg [dreg:$0x1];
	s2 =	simm.s32 $0x0  }
0x6: {  	s4 =	simm.s32 $0x4;
	[smem:$0x7FF] =	sst s2;
	s3 =	sshrl.u32 s19, $0x3  }
0x7: {  	s1 =	rddreg [dreg:$0x2];
	_ =	strace $0x8000004A;
	s3 =	sadd.s32 s17, s3  }
0x8: {  	[tilespmem:s2], [sflag:$0x4] =	stream.linear.gather [hbm4b:s3+s2], $0x640, $0x38;
	[tilespmem:$0x19C80] =	vst v63  }
0x9: {  	_ =	swait.ge [sflag:s4], $0x640  }
0xa: {  	s6 =	simm.s32 $0x640;
	s7 =	simm.s32 $0xC80;
	[sflag:s4] =	ssyncset.done $0x0  }
0xb: {  	s8 =	simm.s32 $0x1;
	s5 =	sadd.s32 $0x1C00, s9;
	[sflag:s4] =	ssyncadd.s32 $0xFFFFF9C0  }
0xc: {  	[tilespmem:s7], [sflag:$0x1] =	stream.indirect.gather [hbm4b:s5+s6], $0x20, s2, s6, $0xb8;
	[tilespmem:$0x19C80] =	vst v63  }
0xd: {  	s10 =	smul.u32 $0x6400, s10;
	_ =	swait.ge [sflag:s8], $0xC800  }
0xe: {  	s20 =	sadd.s32 $0x3E1C00, s9;
	s12 =	sadd.s32 $0x640, s19;
	[sflag:s8] =	ssyncset.done $0x0  }
0xf: {  	s9 =	sadd.s32 s20, s10;
	s29 =	sshrl.u32 s12, $0x3;
	[sflag:s8] =	ssyncadd.s32 $0xFFFF3800  }
0x10: {  	[hbm4b:s9+s2] =	stream.linear.scatter [tilespmem:s7], [sflag:$0x2], $0xC800, $0x38;
	[tilespmem:$0x19C80] =	vst v63  }
0x11: {  	s10 =	sadd.s32 s17, s29  }
0x12: {  	[tilespmem:s6], [sflag:$0x4] =	stream.linear.gather [hbm4b:s10+s2], $0x640, $0x38;
	[tilespmem:$0x19C80] =	vst v63  }
0x13: {  	_ =	swait.ge [sflag:s4], $0x640  }
0x14: {  	[sflag:s4] =	ssyncset.done $0x0  }
0x15: {  	s11 =	simm.s32 $0xD480;
	[sflag:s4] =	ssyncadd.s32 $0xFFFFF9C0  }
0x16: {  	[tilespmem:s11], [sflag:$0x1] =	stream.indirect.gather [hbm4b:s5+s6], $0x20, s6, s6, $0xb8;
	[tilespmem:$0x19C80] =	vst v63  }
0x17: {  	_ =	swait.ge [sflag:s8], $0xC800  }
0x18: {  	s12 =	sshll.u32 s12, $0x2;
	[sflag:s8] =	ssyncset.done $0x0  }
0x19: {  	s13 =	simm.s32 $0x2;
	s12 =	sadd.s32 s20, s12;
	[sflag:s8] =	ssyncadd.s32 $0xFFFF3800  }
0x1a: {  	[hbm4b:s12+s2] =	stream.linear.scatter [tilespmem:s11], [sflag:$0x3], $0xC800, $0x38;
	[tilespmem:$0x19C80] =	vst v63  }
0x1b: {  	s15 =	sadd.s32 $0xC80, s19;
	_ =	swait.ge [sflag:s13], $0xC800  }
0x1c: {  	s14 =	sshrl.u32 s15, $0x3;
	[sflag:s13] =	ssyncset.done $0x0  }
0x1d: {  	s14 =	sadd.s32 s17, s14;
	[sflag:s13] =	ssyncadd.s32 $0xFFFF3800  }
0x1e: {  	[tilespmem:s2], [sflag:$0x4] =	stream.linear.gather [hbm4b:s14+s2], $0x640, $0x38;
	[tilespmem:$0x19C80] =	vst v63  }
0x1f: {  	_ =	swait.ge [sflag:s4], $0x640  }
0x20: {  	[sflag:s4] =	ssyncset.done $0x0  }
0x21: {  	[sflag:s4] =	ssyncadd.s32 $0xFFFFF9C0  }
0x22: {  	[tilespmem:s7], [sflag:$0x1] =	stream.indirect.gather [hbm4b:s5+s6], $0x20, s2, s6, $0xb8;
	[tilespmem:$0x19C80] =	vst v63  }
0x23: {  	_ =	swait.ge [sflag:s8], $0xC800  }
0x24: {  	s15 =	sshll.u32 s15, $0x2;
	[sflag:s8] =	ssyncset.done $0x0  }
0x25: {  	s16 =	sadd.s32 s20, s15;
	s15 =	simm.s32 $0x3;
	[sflag:s8] =	ssyncadd.s32 $0xFFFF3800  }
0x26: {  	[hbm4b:s16+s2] =	stream.linear.scatter [tilespmem:s7], [sflag:$0x2], $0xC800, $0x38;
	[tilespmem:$0x19C80] =	vst v63  }
0x27: {  	s19 =	sadd.s32 $0x12C0, s19;
	_ =	swait.ge [sflag:s15], $0xC800  }
0x28: {  	s21 =	sshrl.u32 s19, $0x3;
	[sflag:s15] =	ssyncset.done $0x0  }
0x29: {  	s17 =	sadd.s32 s17, s21;
	[sflag:s15] =	ssyncadd.s32 $0xFFFF3800  }
0x2a: {  	[tilespmem:s6], [sflag:$0x4] =	stream.linear.gather [hbm4b:s17+s2], $0x640, $0x38;
	[tilespmem:$0x19C80] =	vst v63  }
0x2b: {  	_ =	swait.ge [sflag:s4], $0x640  }
0x2c: {  	s30 =	ssub.s32 $0x2, s18;
	[sflag:s4] =	ssyncset.done $0x0  }
0x2d: {  	s31 =	sshrl.u32 s30, $0x1;
	s19 =	sshll.u32 s19, $0x2;
	[sflag:s4] =	ssyncadd.s32 $0xFFFFF9C0  }
0x2e: {  	[tilespmem:s11], [sflag:$0x1] =	stream.indirect.gather [hbm4b:s5+s6], $0x20, s6, s6, $0xb8;
	[tilespmem:$0x19C80] =	vst v63  }
0x2f: {  	s18 =	sadd.s32 s20, s19;
	s19 =	ssub.s32 s30, s31;
	_ =	swait.ge [sflag:s8], $0xC800  }
0x30: {  	s19 =	smax.u32 s19, $0x1;
	[sflag:s8] =	ssyncset.done $0x0  }
0x31: {  	p0 =	sne.s32 s19, $0x1;
	[sflag:s8] =	ssyncadd.s32 $0xFFFF3800  }
0x32: {  	[hbm4b:s18+s2] =	stream.linear.scatter [tilespmem:s11], [sflag:$0x3], $0xC800, $0x38;
	[tilespmem:$0x19C80] =	vst v63  }
.Ltmp0:
0x33: {  	_ =	swait.ge [sflag:s13], $0xC800;
	(pc) =	sbr.rel @!p0 .LBB2_2-.Ltmp0, $4  }
0x34: {  	[sflag:s13] =	ssyncset.done $0x0  }
0x35: {  	[sflag:s13] =	ssyncadd.s32 $0xFFFF3800  }
0x36: {  	_ =	swait.ge [sflag:s15], $0xC800  }
0x37: {  	s19 =	sadd.s32 $0xFFFFFFFF, s19;
	[sflag:s15] =	ssyncset.done $0x0  }
.LBB2_1:
0x38: {  	p0 =	sne.s32 s19, $0x1;
	s19 =	sadd.s32 $0xFFFFFFFF, s19;
	[sflag:s15] =	ssyncadd.s32 $0xFFFF3800  }
0x39: {  	[tilespmem:s2], [sflag:$0x4] =	stream.linear.gather [hbm4b:s3+s2], $0x640, $0x38;
	[tilespmem:$0x19C80] =	vst v63  }
0x3a: {  	_ =	swait.ge [sflag:s4], $0x640  }
0x3b: {  	[sflag:s4] =	ssyncset.done $0x0  }
0x3c: {  	[sflag:s4] =	ssyncadd.s32 $0xFFFFF9C0  }
0x3d: {  	[tilespmem:s7], [sflag:$0x1] =	stream.indirect.gather [hbm4b:s5+s6], $0x20, s2, s6, $0xb8;
	[tilespmem:$0x19C80] =	vst v63  }
0x3e: {  	_ =	swait.ge [sflag:s8], $0xC800  }
0x3f: {  	[sflag:s8] =	ssyncset.done $0x0  }
0x40: {  	[sflag:s8] =	ssyncadd.s32 $0xFFFF3800  }
0x41: {  	[hbm4b:s9+s2] =	stream.linear.scatter [tilespmem:s7], [sflag:$0x2], $0xC800, $0x38;
	[tilespmem:$0x19C80] =	vst v63  }
0x42: {  	_ = 	snop  }
0x43: {  	[tilespmem:s6], [sflag:$0x4] =	stream.linear.gather [hbm4b:s10+s2], $0x640, $0x38;
	[tilespmem:$0x19C80] =	vst v63  }
0x44: {  	_ =	swait.ge [sflag:s4], $0x640  }
0x45: {  	[sflag:s4] =	ssyncset.done $0x0  }
0x46: {  	[sflag:s4] =	ssyncadd.s32 $0xFFFFF9C0  }
0x47: {  	[tilespmem:s11], [sflag:$0x1] =	stream.indirect.gather [hbm4b:s5+s6], $0x20, s6, s6, $0xb8;
	[tilespmem:$0x19C80] =	vst v63  }
0x48: {  	_ =	swait.ge [sflag:s8], $0xC800  }
0x49: {  	[sflag:s8] =	ssyncset.done $0x0  }
0x4a: {  	[sflag:s8] =	ssyncadd.s32 $0xFFFF3800  }
0x4b: {  	[hbm4b:s12+s2] =	stream.linear.scatter [tilespmem:s11], [sflag:$0x3], $0xC800, $0x38;
	[tilespmem:$0x19C80] =	vst v63  }
0x4c: {  	_ =	swait.ge [sflag:s13], $0xC800  }
0x4d: {  	[sflag:s13] =	ssyncset.done $0x0  }
0x4e: {  	[sflag:s13] =	ssyncadd.s32 $0xFFFF3800  }
0x4f: {  	[tilespmem:s2], [sflag:$0x4] =	stream.linear.gather [hbm4b:s14+s2], $0x640, $0x38;
	[tilespmem:$0x19C80] =	vst v63  }
0x50: {  	_ =	swait.ge [sflag:s4], $0x640  }
0x51: {  	[sflag:s4] =	ssyncset.done $0x0  }
0x52: {  	[sflag:s4] =	ssyncadd.s32 $0xFFFFF9C0  }
0x53: {  	[tilespmem:s7], [sflag:$0x1] =	stream.indirect.gather [hbm4b:s5+s6], $0x20, s2, s6, $0xb8;
	[tilespmem:$0x19C80] =	vst v63  }
0x54: {  	_ =	swait.ge [sflag:s8], $0xC800  }
0x55: {  	[sflag:s8] =	ssyncset.done $0x0  }
0x56: {  	[sflag:s8] =	ssyncadd.s32 $0xFFFF3800  }
0x57: {  	[hbm4b:s16+s2] =	stream.linear.scatter [tilespmem:s7], [sflag:$0x2], $0xC800, $0x38;
	[tilespmem:$0x19C80] =	vst v63  }
0x58: {  	_ =	swait.ge [sflag:s15], $0xC800  }
0x59: {  	[sflag:s15] =	ssyncset.done $0x0  }
0x5a: {  	[sflag:s15] =	ssyncadd.s32 $0xFFFF3800  }
0x5b: {  	[tilespmem:s6], [sflag:$0x4] =	stream.linear.gather [hbm4b:s17+s2], $0x640, $0x38;
	[tilespmem:$0x19C80] =	vst v63  }
0x5c: {  	_ =	swait.ge [sflag:s4], $0x640  }
0x5d: {  	[sflag:s4] =	ssyncset.done $0x0  }
0x5e: {  	[sflag:s4] =	ssyncadd.s32 $0xFFFFF9C0  }
0x5f: {  	[tilespmem:s11], [sflag:$0x1] =	stream.indirect.gather [hbm4b:s5+s6], $0x20, s6, s6, $0xb8;
	[tilespmem:$0x19C80] =	vst v63  }
0x60: {  	_ =	swait.ge [sflag:s8], $0xC800  }
0x61: {  	[sflag:s8] =	ssyncset.done $0x0  }
0x62: {  	[sflag:s8] =	ssyncadd.s32 $0xFFFF3800  }
0x63: {  	[hbm4b:s18+s2] =	stream.linear.scatter [tilespmem:s11], [sflag:$0x3], $0xC800, $0x38;
	[tilespmem:$0x19C80] =	vst v63  }
.Ltmp1:
0x64: {  	_ =	swait.ge [sflag:s13], $0xC800;
	(pc) =	sbr.rel @p0 .LBB2_1-.Ltmp1, $4  }
0x65: {  	[sflag:s13] =	ssyncset.done $0x0  }
0x66: {  	[sflag:s13] =	ssyncadd.s32 $0xFFFF3800  }
0x67: {  	_ =	swait.ge [sflag:s15], $0xC800  }
0x68: {  	[sflag:s15] =	ssyncset.done $0x0  }
.LBB2_2:
0x69: {  	[sflag:s15] =	ssyncadd.s32 $0xFFFF3800  }
0x6a: {  	_ =	sfence.sel $0x180000  }
0x6b: {  	[bflag:$0x0] =	sbarrier.arrive $0xFFFF  }
0x6c: {  	p0 =	sne.s32 s0, $0x0;
	_ =	strace $0x9000004A  }
0x6d: {  	s0 =	sadd.s32 @!p0 $0x100000, s1;
	[bflag:$0x2] =	sbarrier.arrive $0xFFFF  }
0x6e: {  	[sflag:s0] =	ssyncadd.tile.s32 @!p0 $0x1;
	_ =	shalt  }
.Lfunc_end2:
_tile_overlayer_lowered:
.L_overlay_start_2:
0x6f: {  	(tag) =	ssettag $0x2  }
0x70: {  	s0 =	rddreg [dreg:$0x0];
	s2 =	stileid.u32  }
0x71: {  	s1 =	rddreg [dreg:$0x1];
	p0 =	sne.s32 s2, $0x0  }
0x72: {  	s3 =	rddreg [dreg:$0x2];
	[bflag:$0x3] =	sbarrier.arrive $0xFFFF;
	s2 =	simm.s32 @!p0 $0x1C04  }
0x73: {  	[timem:s3], [sflag:s2] =	dma.local @!p0 [hbm:s0], s1  }
0x74: {  	s0 =	simm.s32 @!p0 $0x4  }
0x75: {  	_ =	swait.ge @!p0 [sflag:s0], s1  }
0x76: {  	s1 =	ssub.s32 @!p0 $0x0, s1;
	[sflag:s0] =	ssyncset.done @!p0 $0x0  }
0x77: {  	[sflag:s0] =	ssyncadd.s32 @!p0 s1  }
0x78: {  	[bflag:$0x3] =	sbarrier.arrive $0xFFFF  }
0x79: {  	_ =	shalt  }

// kernel: kernel.9.cloned.1.call-start
scs
__scs_entry_jumppad:
0x0: {  	(pc) =	sbr.rel $0x88, $3  }
0x1: {  	(tag) =	ssettag $0x0;
	lr =	simm.s32 $0x1  }
0x2: {  	[smem:$0x3F97] =	sst lr;
	_ =	strace $0xD0000000  }
0x3: {  	_ = 	snop  }
0x4: {  	_ = 	snop  }
0x5: {  	_ = 	snop  }
0x6: {  	_ = 	snop  }
0x7: {  	_ = 	snop  }
__scs_overlays_trampoline_lowered:
0x8: {  	[smem:$0x3FA6] =	sst s0  }
0x9: {  	[smem:$0x3FA7] =	sst s1  }
0xa: {  	[smem:$0x3FA8] =	sst s2  }
0xb: {  	[smem:$0x3FA9] =	sst s3  }
0xc: {  	[smem:$0x3FAA] =	sst s4  }
0xd: {  	[smem:$0x3FAB] =	sst s5  }
0xe: {  	[smem:$0x3FAC] =	sst s6  }
0xf: {  	[smem:$0x3FAD] =	sst s7  }
0x10: {  	[smem:$0x3FAE] =	sst s8  }
0x11: {  	[smem:$0x3FAF] =	sst s9;
	s0 =	simm.s32 @!p0 $0x0  }
0x12: {  	s1 =	sld [smem:$0x3F95];
	s0 =	simm.s32 @p0 $0x1  }
0x13: {  	[smem:$0x3FB0] =	sst s0;
	s0 =	simm.s32 @!p1 $0x0  }
0x14: {  	s2 =	sld [smem:$0x3F94];
	s0 =	simm.s32 @p1 $0x1  }
0x15: {  	[smem:$0x3FB1] =	sst s0;
	s0 =	simm.s32 @!p2 $0x0  }
0x16: {  	s3 =	sld [smem:$0x3FDB];
	s0 =	simm.s32 @p2 $0x1  }
0x17: {  	s4 =	simm.s32 $0x1BF5;
	[smem:$0x3FB3] =	sst s0  }
0x18: {  	s0 =	sld [smem:$0x3F96];
	_ =	swait.ge [sflag:s4], $0x0  }
0x19: {  	s7 =	sld [smem:$0x3F97]  }
0x1a: {  	s8 =	sadd.s32 $0xFFFFE003, lr  }
0x1b: {  	s9 =	sadd.s32 $0xFFFFFEF7, lr;
	s5 =	simm.s32 $0xFFFFFFFF;
	p2 =	slt.u32 s8, $0xFFFFF086  }
0x1c: {  	p1 =	slt.u32 s9, $0xF7A;
	s5 =	simm.s32 @!p2 $0x0  }
0x1d: {  	s5 =	simm.s32 @p1 $0x1;
	p0 =	seq.s32 s7, s2  }
0x1e: {  	s7 =	smul.u32 @!p0 $0xF7A, s2;
	p2 =	seq.s32 @!p0 s5, $0x0  }
0x1f: {  	s9 =	smul.u32 $0xF7A, s1;
	s8 =	simm.s32 @!p0 $0x1BF5;
	p2 =	por !p2, p0  }
0x20: {  	[sflag:s8] =	ssyncset.s32 @!p0 $0xFFFFF086;
	s6 =	sadd.s32 @!p0 s3, s7;
	s7 =	simm.s32 @!p0 $0x108  }
0x21: {  	s3 =	sadd.s32 s3, s9;
	s6 =	sadd.s32 @!p0 $0x88, s6;
	s7 =	simm.s32 @p2 $0x1082  }
0x22: {  	[simem:s7], [sflag:s8] =	dma.local @!p0 [hbm:s6], $0xF7A  }
0x23: {  	s9 =	sor.u32 $0xD0000000, s2;
	s6 =	simm.s32 $0x108;
	_ =	swait.ge @!p0 [sflag:s8], $0x0  }
0x24: {  	s3 =	sadd.s32 $0x88, s3;
	s6 =	simm.s32 @!p1 $0x1082;
	[sflag:s4] =	ssyncset.s32 $0xFFFFF086  }
0x25: {  	[simem:s6], [sflag:s4] =	dma.local [hbm:s3], $0xF7A  }
0x26: {  	[smem:$0x3F97] =	sst s1;
	(tag) =	ssettag s2;
	_ =	strace s9  }
0x27: {  	s1 =	sld [smem:$0x3FA7]  }
0x28: {  	s2 =	sld [smem:$0x3FA8]  }
0x29: {  	s4 =	sld [smem:$0x3FAA]  }
0x2a: {  	p0 =	seq.s32 s5, $0x0;
	s5 =	sld [smem:$0x3FAB]  }
0x2b: {  	s6 =	sld [smem:$0x3FAC]  }
0x2c: {  	s7 =	sld [smem:$0x3FAD]  }
0x2d: {  	s3 =	simm.s32 $0x108;
	s8 =	sld [smem:$0x3FAE]  }
0x2e: {  	s3 =	simm.s32 @!p0 $0x1082;
	s9 =	sld [smem:$0x3FAF]  }
0x2f: {  	lr =	sadd.s32 s0, s3;
	s0 =	sld [smem:$0x3FA6]  }
0x30: {  	s3 =	sld [smem:$0x3FA9]  }
0x31: {  	[smem:$0x3FB2] =	sst s10  }
0x32: {  	s10 =	sld [smem:$0x3FB0];
	_ =	sdelay $0x3  }
0x33: {  	p0 =	seq.s32 s10, $0x1;
	s10 =	sld [smem:$0x3FB2];
	_ =	sdelay $0x3  }
0x34: {  	[smem:$0x3FB2] =	sst s10  }
0x35: {  	s10 =	sld [smem:$0x3FB1];
	_ =	sdelay $0x3  }
0x36: {  	p1 =	seq.s32 s10, $0x1;
	s10 =	sld [smem:$0x3FB2];
	_ =	sdelay $0x3  }
0x37: {  	[smem:$0x3FB2] =	sst s10  }
0x38: {  	s10 =	sld [smem:$0x3FB3]  }
0x39: {  	_ = 	snop;
	(pc) =	sbr.ind lr, $3  }
0x3a: {  	_ = 	snop  }
0x3b: {  	_ = 	snop  }
0x3c: {  	p2 =	seq.s32 s10, $0x1;
	s10 =	sld [smem:$0x3FB2]  }
0x3d: {  	_ =	shalt  }
0x3e: {  	_ =	shalt  }
0x3f: {  	_ =	shalt  }
0x40: {  	_ =	shalt  }
0x41: {  	_ =	shalt  }
0x42: {  	_ =	shalt  }
0x43: {  	_ =	shalt  }
0x44: {  	_ =	shalt  }
0x45: {  	_ =	shalt  }
0x46: {  	_ =	shalt  }
0x47: {  	_ =	shalt  }
0x48: {  	_ =	shalt  }
0x49: {  	_ =	shalt  }
0x4a: {  	_ =	shalt  }
0x4b: {  	_ =	shalt  }
0x4c: {  	_ =	shalt  }
0x4d: {  	_ =	shalt  }
0x4e: {  	_ =	shalt  }
0x4f: {  	_ =	shalt  }
0x50: {  	_ =	shalt  }
0x51: {  	_ =	shalt  }
0x52: {  	_ =	shalt  }
0x53: {  	_ =	shalt  }
0x54: {  	_ =	shalt  }
0x55: {  	_ =	shalt  }
0x56: {  	_ =	shalt  }
0x57: {  	_ =	shalt  }
0x58: {  	_ =	shalt  }
0x59: {  	_ =	shalt  }
0x5a: {  	_ =	shalt  }
0x5b: {  	_ =	shalt  }
0x5c: {  	_ =	shalt  }
0x5d: {  	_ =	shalt  }
0x5e: {  	_ =	shalt  }
0x5f: {  	_ =	shalt  }
0x60: {  	_ =	shalt  }
0x61: {  	_ =	shalt  }
0x62: {  	_ =	shalt  }
0x63: {  	_ =	shalt  }
0x64: {  	_ =	shalt  }
0x65: {  	_ =	shalt  }
0x66: {  	_ =	shalt  }
0x67: {  	_ =	shalt  }
0x68: {  	_ =	shalt  }
0x69: {  	_ =	shalt  }
0x6a: {  	_ =	shalt  }
0x6b: {  	_ =	shalt  }
0x6c: {  	_ =	shalt  }
0x6d: {  	_ =	shalt  }
0x6e: {  	_ =	shalt  }
0x6f: {  	_ =	shalt  }
0x70: {  	_ =	shalt  }
0x71: {  	_ =	shalt  }
0x72: {  	_ =	shalt  }
0x73: {  	_ =	shalt  }
0x74: {  	_ =	shalt  }
0x75: {  	_ =	shalt  }
0x76: {  	_ =	shalt  }
0x77: {  	_ =	shalt  }
0x78: {  	_ =	shalt  }
0x79: {  	_ =	shalt  }
0x7a: {  	_ =	shalt  }
0x7b: {  	_ =	shalt  }
0x7c: {  	_ =	shalt  }
0x7d: {  	_ =	shalt  }
0x7e: {  	_ =	shalt  }
0x7f: {  	_ =	shalt  }
0x80: {  	_ =	shalt  }
0x81: {  	_ =	shalt  }
0x82: {  	_ =	shalt  }
0x83: {  	_ =	shalt  }
0x84: {  	_ =	shalt  }
0x85: {  	_ =	shalt  }
0x86: {  	_ =	shalt  }
0x87: {  	_ =	shalt  }
.Lfunc_end0:
.L_simem_size_0:
called_computation_lowered:
.L_overlay_start_0:
0x88: {  	s2 =	sld [smem:$0x3FD9]  }
0x89: {  	s3 =	sld [smem:$0x3FFE];
	_ =	sdelay $0x1  }
0x8a: {  	s1 =	srdreg.scid  }
0x8b: {  	s0 =	sand.u32 $0x1, s1  }
0x8c: {  	s15 =	sshll.u32 s0, $0xA;
	s2 =	sadd.s32 s3, s2  }
0x8d: {  	s2 =	sadd.s32 s2, s15  }
0x8e: {  	[smem:$0x3FBE] =	sst s2  }
0x8f: {  	_ = 	snop  }
0x90: {  	s2 =	sld [smem:$0x3FD0];
	_ =	sdelay $0x2  }
0x91: {  	s16 =	simm.s32 $0xB;
	s4 =	simm.s32 $0x10  }
0x92: {  	[smem:s4], [sflag:s16] =	dma.local [hbm:s2], $0x1  }
0x93: {  	_ =	swait.eq [sflag:s16], $0x1  }
0x94: {  	[sflag:s16] =	ssyncset.done $0x0  }
0x95: {  	s17 =	sld [smem:$0x12];
	[sflag:s16] =	ssyncadd.s32 $0xFFFFFFFF  }
0x96: {  	s18 =	sld [smem:$0x13];
	(tm) =	ssettm $0x1  }
0x97: {  	s19 =	sld [smem:$0x3FFB];
	_ =	sdelay $0x3  }
0x98: {  	_ =	strace s19  }
0x99: {  	s4 =	sld [smem:$0x3FFC];
	_ =	sdelay $0x3  }
0x9a: {  	_ =	strace s4  }
0x9b: {  	s4 =	sld [smem:$0x3FFD];
	_ =	sdelay $0x3  }
0x9c: {  	_ =	strace s4  }
0x9d: {  	_ =	strace $0x8FFFFFFF  }
0x9e: {  	s20 =	sld [smem:$0x3FDB];
	_ =	sdelay $0x1  }
0x9f: {  	s5 =	simm.s32 $_scs_section_size  }
0xa0: {  	s6 =	simm.s32 $_size__tile_overlayer_lowered;
	s7 =	simm.s32 $_tile_overlayer_lowered  }
0xa1: {  	s23 =	simm.s32 $0x1BFF;
	s22 =	sshll.u32 s7, $0x1;
	s4 =	sadd.s32 s5, s20  }
0xa2: {  	s8 =	simm.s32 $0x0;
	s21 =	sshll.u32 s6, $0x1;
	s6 =	sadd.s32 s22, s4  }
0xa3: {  	[timem:s8], [sflag:s23] =	dma.local [hbm:s6], s21  }
0xa4: {  	_ =	swait.ge [sflag:s23], s21  }
0xa5: {  	s5 =	ssub.s32 $0x0, s21;
	[sflag:s23] =	ssyncset.done $0x0  }
0xa6: {  	[sflag:s23] =	ssyncadd.s32 s5;
	_ =	sdelay $0x1  }
0xa7: {  	s24 =	simm.s32 $0x1B8B  }
0xa8: {  	_ =	swait.ge [sflag:s24], $0x1  }
0xa9: {  	[sflag:s24] =	ssyncset.done $0x0  }
0xaa: {  	s25 =	simm.s32 $0x1B8E;
	[sflag:s24] =	ssyncadd.s32 $0xFFFFFFFF  }
0xab: {  	s26 =	simm.s32 $execute0_lowered;
	[smem:$0x3FD2] =	sst s25  }
0xac: {  	s5 =	sshll.u32 s26, $0x1;
	_ =	strace $0x80000046;
	[dreg:$0x1] =	wrdreg $0xFFFFFFFF  }
0xad: {  	s28 =	simm.s32 $_size_execute0_lowered;
	s4 =	sadd.s32 s4, s5;
	[dreg:$0x0] =	wrdreg $0x0  }
0xae: {  	s5 =	sshll.u32 s28, $0x1;
	[dreg:$0x2] =	wrdreg s4  }
0xaf: {  	[dreg:$0x3] =	wrdreg s5  }
0xb0: {  	[dreg:$0x4] =	wrdreg $0xC0  }
0xb1: {  	_ =	task [dreg:s8], $0x5FFFF  }
0xb2: {  	[dreg:$0x1] =	wrdreg $0xFFFFFFFF  }
0xb3: {  	[dreg:$0x0] =	wrdreg $0x60  }
0xb4: {  	[dreg:$0x2] =	wrdreg s18  }
0xb5: {  	[dreg:$0x3] =	wrdreg s17  }
0xb6: {  	[dreg:$0x4] =	wrdreg $0x9  }
0xb7: {  	_ =	task.clear_ibuf [dreg:s8], $0x5FFFF;
	_ =	strace $0x90000046  }
0xb8: {  	s29 =	simm.s32 $0x9;
	_ =	strace $0x80000048  }
0xb9: {  	_ =	swait.ge [sflag:s29], $0x1  }
0xba: {  	[sflag:s29] =	ssyncadd.s32 $0xFFFFFFFF  }
0xbb: {  	_ =	strace $0x90000048  }
0xbc: {  	_ =	sfence  }
0xbd: {  	s30 =	sld [smem:$0x0];
	_ =	sdelay $0x2  }
0xbe: {  	s31 =	sshll.u32 s1, $0xD;
	s1 =	sshrl.u32 s1, $0x2  }
0xbf: {  	s3 =	sand.u32 $0x4000, s31;
	s1 =	sadd.s32 s1, s30  }
0xc0: {  	s0 =	sor.u32 s3, s0;
	s1 =	sshll.u32 s1, $0x11  }
0xc1: {  	s0 =	sor.u32 s1, s0  }
0xc2: {  	s0 =	sadd.s32 $0x8F2B, s0  }
0xc3: {  	[sflag:s0] =	ssyncadd.remote.s32 $0x1  }
0xc4: {  	_ =	sfence.sel $0xFFFF  }
0xc5: {  	[dreg:$0x0] =	wrdreg $0xFFFFFFFF;
	(pc) =	sbr.abs _section_cstart, $3  }
0xc6: {  	[dreg:$0x1] =	wrdreg $0xFFFFFFFF  }
0xc7: {  	_ =	task.clear_ibuf [dreg:s8], $0x2FFFF;
	_ =	strace $0x9FFFFFFF  }
0xc8: {  	(tm) =	ssettm $0x7FFFFFFF  }
0xc9: {  	_ =	shalt  }
tec
execute0_lowered:
.L_overlay_start_1:
0x0: {  	(tag) =	ssettag $0x1  }
0x1: {  	v0 =	vimm.s32 $0x303  }
0x2: {  	vm14 =	vcmask $0x300;
	vm13 =	vcmask $0x704;
	vm12 =	vcmask $0xB08  }
0x3: {  	vm11 =	vcmask $0xF0C;
	vm10 =	vcmask $0x1310;
	vm9 =	vcmask $0x1714  }
0x4: {  	vm8 =	vcmask $0x1B18;
	vm7 =	vcmask $0x1F1C;
	vm6 =	vcmask $0x2320  }
0x5: {  	vm5 =	vcmask $0x2724;
	vm4 =	vcmask $0x2B28;
	vm3 =	vcmask $0x2F2C  }
0x6: {  	vm2 =	vcmask $0x3330;
	vm1 =	vcmask $0x3734;
	vm0 =	vcmask $0x3B38  }
0x7: {  	v20 =	vimm.s32 $0x307;
	v1 =	vimm.s32 $0x30B;
	v2 =	vimm.s32 $0x30F  }
0x8: {  	v21 =	vimm.s32 $0x313;
	v22 =	vimm.s32 $0x317;
	v23 =	vimm.s32 $0x31B  }
0x9: {  	v24 =	vimm.s32 $0x31F;
	v25 =	vimm.s32 $0x323;
	v26 =	vimm.s32 $0x327  }
0xa: {  	v32 =	vimm.s32 $0x32B;
	v33 =	vimm.s32 $0x32F;
	v34 =	vimm.s32 $0x333  }
0xb: {  	v35 =	vimm.s32 $0x337;
	v36 =	vimm.s32 $0x33B;
	v37 =	vimm.s32 $0x33F  }
0xc: {  	v38 =	vimm.s32 $0x343;
	v39 =	vimm.s32 $0x347;
	v40 =	vimm.s32 $0x34B  }
0xd: {  	v41 =	vimm.s32 $0x34F;
	v42 =	vimm.s32 $0x353;
	v43 =	vimm.s32 $0x357  }
0xe: {  	v44 =	vimm.s32 $0x35B;
	v45 =	vimm.s32 $0x35F;
	v46 =	vimm.s32 $0x363  }
0xf: {  	v47 =	vimm.s32 $0x367;
	v48 =	vimm.s32 $0x36B;
	v49 =	vimm.s32 $0x36F  }
0x10: {  	v50 =	vimm.s32 $0x373;
	v51 =	vimm.s32 $0x377;
	v52 =	vimm.s32 $0x37B  }
0x11: {  	v55 =	vimm.s32 $0x37F;
	v56 =	vimm.s32 $0x383;
	v57 =	vimm.s32 $0x387  }
0x12: {  	v58 =	vimm.s32 $0x38B;
	v59 =	vimm.s32 $0x38F;
	v60 =	vimm.s32 $0x393  }
0x13: {  	v61 =	vimm.s32 $0x397;
	v62 =	vimm.s32 $0x39B;
	v63 =	vimm.s32 $0x39F  }
0x14: {  	v0 =	vsel vm14, $0x0, v0;
	v1 =	vsel vm14, $0x8, v1;
	v2 =	vsel vm14, $0xC, v2  }
0x15: {  	v0 =	vsel vm13, $0x100, v0;
	v1 =	vsel vm13, $0x108, v1;
	v2 =	vsel vm13, $0x10C, v2  }
0x16: {  	v0 =	vsel vm12, $0x200, v0;
	v1 =	vsel vm12, $0x208, v1;
	v2 =	vsel vm12, $0x20C, v2  }
0x17: {  	v0 =	vsel vm11, $0x300, v0;
	v1 =	vsel vm11, $0x308, v1;
	v2 =	vsel vm11, $0x30C, v2  }
0x18: {  	v0 =	vsel vm10, $0x1, v0;
	v1 =	vsel vm10, $0x9, v1;
	v2 =	vsel vm10, $0xD, v2  }
0x19: {  	v0 =	vsel vm9, $0x101, v0;
	v1 =	vsel vm9, $0x109, v1;
	v2 =	vsel vm9, $0x10D, v2  }
0x1a: {  	v0 =	vsel vm8, $0x201, v0;
	v1 =	vsel vm8, $0x209, v1;
	v2 =	vsel vm8, $0x20D, v2  }
0x1b: {  	v0 =	vsel vm7, $0x301, v0;
	v1 =	vsel vm7, $0x309, v1;
	v2 =	vsel vm7, $0x30D, v2  }
0x1c: {  	v0 =	vsel vm6, $0x2, v0;
	v1 =	vsel vm6, $0xA, v1;
	v2 =	vsel vm6, $0xE, v2  }
0x1d: {  	v0 =	vsel vm5, $0x102, v0;
	v1 =	vsel vm5, $0x10A, v1;
	v2 =	vsel vm5, $0x10E, v2  }
0x1e: {  	v0 =	vsel vm4, $0x202, v0;
	v1 =	vsel vm4, $0x20A, v1;
	v2 =	vsel vm4, $0x20E, v2  }
0x1f: {  	v0 =	vsel vm3, $0x302, v0;
	v1 =	vsel vm3, $0x30A, v1;
	v2 =	vsel vm3, $0x30E, v2  }
0x20: {  	v0 =	vsel vm2, $0x3, v0;
	v1 =	vsel vm2, $0xB, v1;
	v2 =	vsel vm2, $0xF, v2  }
0x21: {  	v0 =	vsel vm1, $0x103, v0;
	v1 =	vsel vm1, $0x10B, v1;
	v2 =	vsel vm1, $0x10F, v2  }
0x22: {  	v3 =	vsel vm0, $0x203, v0;
	v0 =	vsel vm14, $0x4, v20;
	v5 =	vsel vm0, $0x20B, v1  }
0x23: {  	v6 =	vsel vm0, $0x20F, v2;
	v1 =	vsel vm14, $0x14, v22;
	v2 =	vsel vm14, $0x18, v23  }
0x24: {  	v22 =	vimm.s32 $0x3A3;
	v23 =	vimm.s32 $0x3A7;
	v0 =	vsel vm13, $0x104, v0  }
0x25: {  	v1 =	vsel vm13, $0x114, v1;
	v2 =	vsel vm13, $0x118, v2;
	v0 =	vsel vm12, $0x204, v0  }
0x26: {  	v1 =	vsel vm12, $0x214, v1;
	v2 =	vsel vm12, $0x218, v2;
	v0 =	vsel vm11, $0x304, v0  }
0x27: {  	v1 =	vsel vm11, $0x314, v1;
	v2 =	vsel vm11, $0x318, v2;
	v0 =	vsel vm10, $0x5, v0  }
0x28: {  	v1 =	vsel vm10, $0x15, v1;
	v2 =	vsel vm10, $0x19, v2;
	v0 =	vsel vm9, $0x105, v0  }
0x29: {  	v1 =	vsel vm9, $0x115, v1;
	v2 =	vsel vm9, $0x119, v2;
	v0 =	vsel vm8, $0x205, v0  }
0x2a: {  	v1 =	vsel vm8, $0x215, v1;
	v2 =	vsel vm8, $0x219, v2;
	v0 =	vsel vm7, $0x305, v0  }
0x2b: {  	v1 =	vsel vm7, $0x315, v1;
	v2 =	vsel vm7, $0x319, v2;
	v0 =	vsel vm6, $0x6, v0  }
0x2c: {  	v1 =	vsel vm6, $0x16, v1;
	v2 =	vsel vm6, $0x1A, v2;
	v0 =	vsel vm5, $0x106, v0  }
0x2d: {  	v1 =	vsel vm5, $0x116, v1;
	v2 =	vsel vm5, $0x11A, v2;
	v0 =	vsel vm4, $0x206, v0  }
0x2e: {  	v1 =	vsel vm4, $0x216, v1;
	v2 =	vsel vm4, $0x21A, v2;
	v0 =	vsel vm3, $0x306, v0  }
0x2f: {  	v1 =	vsel vm3, $0x316, v1;
	v2 =	vsel vm3, $0x31A, v2;
	v0 =	vsel vm2, $0x7, v0  }
0x30: {  	v1 =	vsel vm2, $0x17, v1;
	v2 =	vsel vm2, $0x1B, v2;
	v0 =	vsel vm1, $0x107, v0  }
0x31: {  	v1 =	vsel vm1, $0x117, v1;
	v2 =	vsel vm1, $0x11B, v2;
	v4 =	vsel vm0, $0x207, v0  }
0x32: {  	v0 =	vsel vm14, $0x10, v21;
	v8 =	vsel vm0, $0x217, v1;
	v9 =	vsel vm0, $0x21B, v2  }
0x33: {  	v1 =	vsel vm14, $0x20, v25;
	v2 =	vsel vm14, $0x24, v26;
	v0 =	vsel vm13, $0x110, v0  }
0x34: {  	v1 =	vsel vm13, $0x120, v1;
	v2 =	vsel vm13, $0x124, v2;
	v0 =	vsel vm12, $0x210, v0  }
0x35: {  	v1 =	vsel vm12, $0x220, v1;
	v2 =	vsel vm12, $0x224, v2;
	v0 =	vsel vm11, $0x310, v0  }
0x36: {  	v1 =	vsel vm11, $0x320, v1;
	v2 =	vsel vm11, $0x324, v2;
	v0 =	vsel vm10, $0x11, v0  }
0x37: {  	v1 =	vsel vm10, $0x21, v1;
	v2 =	vsel vm10, $0x25, v2;
	v0 =	vsel vm9, $0x111, v0  }
0x38: {  	v1 =	vsel vm9, $0x121, v1;
	v2 =	vsel vm9, $0x125, v2;
	v0 =	vsel vm8, $0x211, v0  }
0x39: {  	v1 =	vsel vm8, $0x221, v1;
	v2 =	vsel vm8, $0x225, v2;
	v0 =	vsel vm7, $0x311, v0  }
0x3a: {  	v1 =	vsel vm7, $0x321, v1;
	v2 =	vsel vm7, $0x325, v2;
	v0 =	vsel vm6, $0x12, v0  }
0x3b: {  	v1 =	vsel vm6, $0x22, v1;
	v2 =	vsel vm6, $0x26, v2;
	v0 =	vsel vm5, $0x112, v0  }
0x3c: {  	v1 =	vsel vm5, $0x122, v1;
	v2 =	vsel vm5, $0x126, v2;
	v0 =	vsel vm4, $0x212, v0  }
0x3d: {  	v1 =	vsel vm4, $0x222, v1;
	v2 =	vsel vm4, $0x226, v2;
	v0 =	vsel vm3, $0x312, v0  }
0x3e: {  	v1 =	vsel vm3, $0x322, v1;
	v2 =	vsel vm3, $0x326, v2;
	v0 =	vsel vm2, $0x13, v0  }
0x3f: {  	v1 =	vsel vm2, $0x23, v1;
	v2 =	vsel vm2, $0x27, v2;
	v0 =	vsel vm1, $0x113, v0  }
0x40: {  	v1 =	vsel vm1, $0x123, v1;
	v2 =	vsel vm1, $0x127, v2;
	v7 =	vsel vm0, $0x213, v0  }
0x41: {  	v0 =	vsel vm14, $0x1C, v24;
	v11 =	vsel vm0, $0x223, v1;
	v12 =	vsel vm0, $0x227, v2  }
0x42: {  	v1 =	vsel vm14, $0x2C, v33;
	v2 =	vsel vm14, $0x30, v34;
	v0 =	vsel vm13, $0x11C, v0  }
0x43: {  	v1 =	vsel vm13, $0x12C, v1;
	v2 =	vsel vm13, $0x130, v2;
	v0 =	vsel vm12, $0x21C, v0  }
0x44: {  	v1 =	vsel vm12, $0x22C, v1;
	v2 =	vsel vm12, $0x230, v2;
	v0 =	vsel vm11, $0x31C, v0  }
0x45: {  	v1 =	vsel vm11, $0x32C, v1;
	v2 =	vsel vm11, $0x330, v2;
	v0 =	vsel vm10, $0x1D, v0  }
0x46: {  	v1 =	vsel vm10, $0x2D, v1;
	v2 =	vsel vm10, $0x31, v2;
	v0 =	vsel vm9, $0x11D, v0  }
0x47: {  	v1 =	vsel vm9, $0x12D, v1;
	v2 =	vsel vm9, $0x131, v2;
	v0 =	vsel vm8, $0x21D, v0  }
0x48: {  	v1 =	vsel vm8, $0x22D, v1;
	v2 =	vsel vm8, $0x231, v2;
	v0 =	vsel vm7, $0x31D, v0  }
0x49: {  	v1 =	vsel vm7, $0x32D, v1;
	v2 =	vsel vm7, $0x331, v2;
	v0 =	vsel vm6, $0x1E, v0  }
0x4a: {  	v1 =	vsel vm6, $0x2E, v1;
	v2 =	vsel vm6, $0x32, v2;
	v0 =	vsel vm5, $0x11E, v0  }
0x4b: {  	v1 =	vsel vm5, $0x12E, v1;
	v2 =	vsel vm5, $0x132, v2;
	v0 =	vsel vm4, $0x21E, v0  }
0x4c: {  	v1 =	vsel vm4, $0x22E, v1;
	v2 =	vsel vm4, $0x232, v2;
	v0 =	vsel vm3, $0x31E, v0  }
0x4d: {  	v1 =	vsel vm3, $0x32E, v1;
	v2 =	vsel vm3, $0x332, v2;
	v0 =	vsel vm2, $0x1F, v0  }
0x4e: {  	v1 =	vsel vm2, $0x2F, v1;
	v2 =	vsel vm2, $0x33, v2;
	v0 =	vsel vm1, $0x11F, v0  }
0x4f: {  	v1 =	vsel vm1, $0x12F, v1;
	v2 =	vsel vm1, $0x133, v2;
	v10 =	vsel vm0, $0x21F, v0  }
0x50: {  	v0 =	vsel vm14, $0x28, v32;
	v14 =	vsel vm0, $0x22F, v1;
	v15 =	vsel vm0, $0x233, v2  }
0x51: {  	v1 =	vsel vm14, $0x38, v36;
	v2 =	vsel vm14, $0x3C, v37;
	v0 =	vsel vm13, $0x128, v0  }
0x52: {  	v1 =	vsel vm13, $0x138, v1;
	v2 =	vsel vm13, $0x13C, v2;
	v0 =	vsel vm12, $0x228, v0  }
0x53: {  	v1 =	vsel vm12, $0x238, v1;
	v2 =	vsel vm12, $0x23C, v2;
	v0 =	vsel vm11, $0x328, v0  }
0x54: {  	v1 =	vsel vm11, $0x338, v1;
	v2 =	vsel vm11, $0x33C, v2;
	v0 =	vsel vm10, $0x29, v0  }
0x55: {  	v1 =	vsel vm10, $0x39, v1;
	v2 =	vsel vm10, $0x3D, v2;
	v0 =	vsel vm9, $0x129, v0  }
0x56: {  	v1 =	vsel vm9, $0x139, v1;
	v2 =	vsel vm9, $0x13D, v2;
	v0 =	vsel vm8, $0x229, v0  }
0x57: {  	v1 =	vsel vm8, $0x239, v1;
	v2 =	vsel vm8, $0x23D, v2;
	v0 =	vsel vm7, $0x329, v0  }
0x58: {  	v1 =	vsel vm7, $0x339, v1;
	v2 =	vsel vm7, $0x33D, v2;
	v0 =	vsel vm6, $0x2A, v0  }
0x59: {  	v1 =	vsel vm6, $0x3A, v1;
	v2 =	vsel vm6, $0x3E, v2;
	v0 =	vsel vm5, $0x12A, v0  }
0x5a: {  	v1 =	vsel vm5, $0x13A, v1;
	v2 =	vsel vm5, $0x13E, v2;
	v0 =	vsel vm4, $0x22A, v0  }
0x5b: {  	v1 =	vsel vm4, $0x23A, v1;
	v2 =	vsel vm4, $0x23E, v2;
	v0 =	vsel vm3, $0x32A, v0  }
0x5c: {  	v1 =	vsel vm3, $0x33A, v1;
	v2 =	vsel vm3, $0x33E, v2;
	v0 =	vsel vm2, $0x2B, v0  }
0x5d: {  	v1 =	vsel vm2, $0x3B, v1;
	v2 =	vsel vm2, $0x3F, v2;
	v0 =	vsel vm1, $0x12B, v0  }
0x5e: {  	v1 =	vsel vm1, $0x13B, v1;
	v2 =	vsel vm1, $0x13F, v2;
	v13 =	vsel vm0, $0x22B, v0  }
0x5f: {  	v0 =	vsel vm14, $0x34, v35;
	v17 =	vsel vm0, $0x23B, v1;
	v18 =	vsel vm0, $0x23F, v2  }
0x60: {  	v1 =	vsel vm14, $0x44, v39;
	v2 =	vsel vm14, $0x48, v40;
	v0 =	vsel vm13, $0x134, v0  }
0x61: {  	v1 =	vsel vm13, $0x144, v1;
	v2 =	vsel vm13, $0x148, v2;
	v0 =	vsel vm12, $0x234, v0  }
0x62: {  	v1 =	vsel vm12, $0x244, v1;
	v2 =	vsel vm12, $0x248, v2;
	v0 =	vsel vm11, $0x334, v0  }
0x63: {  	v1 =	vsel vm11, $0x344, v1;
	v2 =	vsel vm11, $0x348, v2;
	v0 =	vsel vm10, $0x35, v0  }
0x64: {  	v1 =	vsel vm10, $0x45, v1;
	v2 =	vsel vm10, $0x49, v2;
	v0 =	vsel vm9, $0x135, v0  }
0x65: {  	v1 =	vsel vm9, $0x145, v1;
	v2 =	vsel vm9, $0x149, v2;
	v0 =	vsel vm8, $0x235, v0  }
0x66: {  	v1 =	vsel vm8, $0x245, v1;
	v2 =	vsel vm8, $0x249, v2;
	v0 =	vsel vm7, $0x335, v0  }
0x67: {  	v1 =	vsel vm7, $0x345, v1;
	v2 =	vsel vm7, $0x349, v2;
	v0 =	vsel vm6, $0x36, v0  }
0x68: {  	v1 =	vsel vm6, $0x46, v1;
	v2 =	vsel vm6, $0x4A, v2;
	v0 =	vsel vm5, $0x136, v0  }
0x69: {  	v1 =	vsel vm5, $0x146, v1;
	v2 =	vsel vm5, $0x14A, v2;
	v0 =	vsel vm4, $0x236, v0  }
0x6a: {  	v1 =	vsel vm4, $0x246, v1;
	v2 =	vsel vm4, $0x24A, v2;
	v0 =	vsel vm3, $0x336, v0  }
0x6b: {  	v1 =	vsel vm3, $0x346, v1;
	v2 =	vsel vm3, $0x34A, v2;
	v0 =	vsel vm2, $0x37, v0  }
0x6c: {  	v1 =	vsel vm2, $0x47, v1;
	v2 =	vsel vm2, $0x4B, v2;
	v0 =	vsel vm1, $0x137, v0  }
0x6d: {  	v1 =	vsel vm1, $0x147, v1;
	v2 =	vsel vm1, $0x14B, v2;
	v16 =	vsel vm0, $0x237, v0  }
0x6e: {  	v0 =	vsel vm14, $0x40, v38;
	v20 =	vsel vm0, $0x247, v1;
	v21 =	vsel vm0, $0x24B, v2  }
0x6f: {  	v1 =	vsel vm14, $0x50, v42;
	v2 =	vsel vm14, $0x54, v43;
	v42 =	vimm.s32 $0x3AB  }
0x70: {  	v0 =	vsel vm13, $0x140, v0;
	v1 =	vsel vm13, $0x150, v1;
	v2 =	vsel vm13, $0x154, v2  }
0x71: {  	v0 =	vsel vm12, $0x240, v0;
	v1 =	vsel vm12, $0x250, v1;
	v2 =	vsel vm12, $0x254, v2  }
0x72: {  	v0 =	vsel vm11, $0x340, v0;
	v1 =	vsel vm11, $0x350, v1;
	v2 =	vsel vm11, $0x354, v2  }
0x73: {  	v0 =	vsel vm10, $0x41, v0;
	v1 =	vsel vm10, $0x51, v1;
	v2 =	vsel vm10, $0x55, v2  }
0x74: {  	v0 =	vsel vm9, $0x141, v0;
	v1 =	vsel vm9, $0x151, v1;
	v2 =	vsel vm9, $0x155, v2  }
0x75: {  	v0 =	vsel vm8, $0x241, v0;
	v1 =	vsel vm8, $0x251, v1;
	v2 =	vsel vm8, $0x255, v2  }
0x76: {  	v0 =	vsel vm7, $0x341, v0;
	v1 =	vsel vm7, $0x351, v1;
	v2 =	vsel vm7, $0x355, v2  }
0x77: {  	v0 =	vsel vm6, $0x42, v0;
	v1 =	vsel vm6, $0x52, v1;
	v2 =	vsel vm6, $0x56, v2  }
0x78: {  	v0 =	vsel vm5, $0x142, v0;
	v1 =	vsel vm5, $0x152, v1;
	v2 =	vsel vm5, $0x156, v2  }
0x79: {  	v0 =	vsel vm4, $0x242, v0;
	v1 =	vsel vm4, $0x252, v1;
	v2 =	vsel vm4, $0x256, v2  }
0x7a: {  	v0 =	vsel vm3, $0x342, v0;
	v1 =	vsel vm3, $0x352, v1;
	v2 =	vsel vm3, $0x356, v2  }
0x7b: {  	v0 =	vsel vm2, $0x43, v0;
	v1 =	vsel vm2, $0x53, v1;
	v2 =	vsel vm2, $0x57, v2  }
0x7c: {  	v0 =	vsel vm1, $0x143, v0;
	v1 =	vsel vm1, $0x153, v1;
	v2 =	vsel vm1, $0x157, v2  }
0x7d: {  	v19 =	vsel vm0, $0x243, v0;
	v0 =	vsel vm14, $0x4C, v41;
	v54 =	vsel vm0, $0x253, v1  }
0x7e: {  	v24 =	vsel vm0, $0x257, v2;
	v1 =	vsel vm14, $0x5C, v45;
	v2 =	vsel vm14, $0x60, v46  }
0x7f: {  	v45 =	vimm.s32 $0x3B3;
	v46 =	vimm.s32 $0x3B7;
	v0 =	vsel vm13, $0x14C, v0  }
0x80: {  	v1 =	vsel vm13, $0x15C, v1;
	v2 =	vsel vm13, $0x160, v2;
	v0 =	vsel vm12, $0x24C, v0  }
0x81: {  	v1 =	vsel vm12, $0x25C, v1;
	v2 =	vsel vm12, $0x260, v2;
	v0 =	vsel vm11, $0x34C, v0  }
0x82: {  	v1 =	vsel vm11, $0x35C, v1;
	v2 =	vsel vm11, $0x360, v2;
	v0 =	vsel vm10, $0x4D, v0  }
0x83: {  	v1 =	vsel vm10, $0x5D, v1;
	v2 =	vsel vm10, $0x61, v2;
	v0 =	vsel vm9, $0x14D, v0  }
0x84: {  	v1 =	vsel vm9, $0x15D, v1;
	v2 =	vsel vm9, $0x161, v2;
	v0 =	vsel vm8, $0x24D, v0  }
0x85: {  	v1 =	vsel vm8, $0x25D, v1;
	v2 =	vsel vm8, $0x261, v2;
	v0 =	vsel vm7, $0x34D, v0  }
0x86: {  	v1 =	vsel vm7, $0x35D, v1;
	v2 =	vsel vm7, $0x361, v2;
	v0 =	vsel vm6, $0x4E, v0  }
0x87: {  	v1 =	vsel vm6, $0x5E, v1;
	v2 =	vsel vm6, $0x62, v2;
	v0 =	vsel vm5, $0x14E, v0  }
0x88: {  	v1 =	vsel vm5, $0x15E, v1;
	v2 =	vsel vm5, $0x162, v2;
	v0 =	vsel vm4, $0x24E, v0  }
0x89: {  	v1 =	vsel vm4, $0x25E, v1;
	v2 =	vsel vm4, $0x262, v2;
	v0 =	vsel vm3, $0x34E, v0  }
0x8a: {  	v1 =	vsel vm3, $0x35E, v1;
	v2 =	vsel vm3, $0x362, v2;
	v0 =	vsel vm2, $0x4F, v0  }
0x8b: {  	v1 =	vsel vm2, $0x5F, v1;
	v2 =	vsel vm2, $0x63, v2;
	v0 =	vsel vm1, $0x14F, v0  }
0x8c: {  	v1 =	vsel vm1, $0x15F, v1;
	v2 =	vsel vm1, $0x163, v2;
	v53 =	vsel vm0, $0x24F, v0  }
0x8d: {  	v0 =	vsel vm14, $0x58, v44;
	v26 =	vsel vm0, $0x25F, v1;
	v27 =	vsel vm0, $0x263, v2  }
0x8e: {  	v1 =	vsel vm14, $0x68, v48;
	v2 =	vsel vm14, $0x6C, v49;
	v44 =	vimm.s32 $0x3AF  }
0x8f: {  	v48 =	vimm.s32 $0x3BF;
	v49 =	vimm.s32 $0x3C3;
	v0 =	vsel vm13, $0x158, v0  }
0x90: {  	v1 =	vsel vm13, $0x168, v1;
	v2 =	vsel vm13, $0x16C, v2;
	v0 =	vsel vm12, $0x258, v0  }
0x91: {  	v1 =	vsel vm12, $0x268, v1;
	v2 =	vsel vm12, $0x26C, v2;
	v0 =	vsel vm11, $0x358, v0  }
0x92: {  	v1 =	vsel vm11, $0x368, v1;
	v2 =	vsel vm11, $0x36C, v2;
	v0 =	vsel vm10, $0x59, v0  }
0x93: {  	v1 =	vsel vm10, $0x69, v1;
	v2 =	vsel vm10, $0x6D, v2;
	v0 =	vsel vm9, $0x159, v0  }
0x94: {  	v1 =	vsel vm9, $0x169, v1;
	v2 =	vsel vm9, $0x16D, v2;
	v0 =	vsel vm8, $0x259, v0  }
0x95: {  	v1 =	vsel vm8, $0x269, v1;
	v2 =	vsel vm8, $0x26D, v2;
	v0 =	vsel vm7, $0x359, v0  }
0x96: {  	v1 =	vsel vm7, $0x369, v1;
	v2 =	vsel vm7, $0x36D, v2;
	v0 =	vsel vm6, $0x5A, v0  }
0x97: {  	v1 =	vsel vm6, $0x6A, v1;
	v2 =	vsel vm6, $0x6E, v2;
	v0 =	vsel vm5, $0x15A, v0  }
0x98: {  	v1 =	vsel vm5, $0x16A, v1;
	v2 =	vsel vm5, $0x16E, v2;
	v0 =	vsel vm4, $0x25A, v0  }
0x99: {  	v1 =	vsel vm4, $0x26A, v1;
	v2 =	vsel vm4, $0x26E, v2;
	v0 =	vsel vm3, $0x35A, v0  }
0x9a: {  	v1 =	vsel vm3, $0x36A, v1;
	v2 =	vsel vm3, $0x36E, v2;
	v0 =	vsel vm2, $0x5B, v0  }
0x9b: {  	v1 =	vsel vm2, $0x6B, v1;
	v2 =	vsel vm2, $0x6F, v2;
	v0 =	vsel vm1, $0x15B, v0  }
0x9c: {  	v1 =	vsel vm1, $0x16B, v1;
	v2 =	vsel vm1, $0x16F, v2;
	v25 =	vsel vm0, $0x25B, v0  }
0x9d: {  	v0 =	vsel vm14, $0x64, v47;
	v29 =	vsel vm0, $0x26B, v1;
	v30 =	vsel vm0, $0x26F, v2  }
0x9e: {  	v1 =	vsel vm14, $0x74, v51;
	v2 =	vsel vm14, $0x78, v52;
	v47 =	vimm.s32 $0x3BB  }
0x9f: {  	v51 =	vimm.s32 $0x3CB;
	v52 =	vimm.s32 $0x3CF;
	v0 =	vsel vm13, $0x164, v0  }
0xa0: {  	v1 =	vsel vm13, $0x174, v1;
	v2 =	vsel vm13, $0x178, v2;
	v0 =	vsel vm12, $0x264, v0  }
0xa1: {  	v1 =	vsel vm12, $0x274, v1;
	v2 =	vsel vm12, $0x278, v2;
	v0 =	vsel vm11, $0x364, v0  }
0xa2: {  	v1 =	vsel vm11, $0x374, v1;
	v2 =	vsel vm11, $0x378, v2;
	v0 =	vsel vm10, $0x65, v0  }
0xa3: {  	v1 =	vsel vm10, $0x75, v1;
	v2 =	vsel vm10, $0x79, v2;
	v0 =	vsel vm9, $0x165, v0  }
0xa4: {  	v1 =	vsel vm9, $0x175, v1;
	v2 =	vsel vm9, $0x179, v2;
	v0 =	vsel vm8, $0x265, v0  }
0xa5: {  	v1 =	vsel vm8, $0x275, v1;
	v2 =	vsel vm8, $0x279, v2;
	v0 =	vsel vm7, $0x365, v0  }
0xa6: {  	v1 =	vsel vm7, $0x375, v1;
	v2 =	vsel vm7, $0x379, v2;
	v0 =	vsel vm6, $0x66, v0  }
0xa7: {  	v1 =	vsel vm6, $0x76, v1;
	v2 =	vsel vm6, $0x7A, v2;
	v0 =	vsel vm5, $0x166, v0  }
0xa8: {  	v1 =	vsel vm5, $0x176, v1;
	v2 =	vsel vm5, $0x17A, v2;
	v0 =	vsel vm4, $0x266, v0  }
0xa9: {  	v1 =	vsel vm4, $0x276, v1;
	v2 =	vsel vm4, $0x27A, v2;
	v0 =	vsel vm3, $0x366, v0  }
0xaa: {  	v1 =	vsel vm3, $0x376, v1;
	v2 =	vsel vm3, $0x37A, v2;
	v0 =	vsel vm2, $0x67, v0  }
0xab: {  	v1 =	vsel vm2, $0x77, v1;
	v2 =	vsel vm2, $0x7B, v2;
	v0 =	vsel vm1, $0x167, v0  }
0xac: {  	v1 =	vsel vm1, $0x177, v1;
	v2 =	vsel vm1, $0x17B, v2;
	v28 =	vsel vm0, $0x267, v0  }
0xad: {  	v0 =	vsel vm14, $0x70, v50;
	v32 =	vsel vm0, $0x277, v1;
	v33 =	vsel vm0, $0x27B, v2  }
0xae: {  	v1 =	vsel vm14, $0x80, v56;
	v2 =	vsel vm14, $0x84, v57;
	v50 =	vimm.s32 $0x3C7  }
0xaf: {  	v56 =	vimm.s32 $0x3D7;
	v57 =	vimm.s32 $0x3DB;
	v0 =	vsel vm13, $0x170, v0  }
0xb0: {  	v1 =	vsel vm13, $0x180, v1;
	v2 =	vsel vm13, $0x184, v2;
	v0 =	vsel vm12, $0x270, v0  }
0xb1: {  	v1 =	vsel vm12, $0x280, v1;
	v2 =	vsel vm12, $0x284, v2;
	v0 =	vsel vm11, $0x370, v0  }
0xb2: {  	v1 =	vsel vm11, $0x380, v1;
	v2 =	vsel vm11, $0x384, v2;
	v0 =	vsel vm10, $0x71, v0  }
0xb3: {  	v1 =	vsel vm10, $0x81, v1;
	v2 =	vsel vm10, $0x85, v2;
	v0 =	vsel vm9, $0x171, v0  }
0xb4: {  	v1 =	vsel vm9, $0x181, v1;
	v2 =	vsel vm9, $0x185, v2;
	v0 =	vsel vm8, $0x271, v0  }
0xb5: {  	v1 =	vsel vm8, $0x281, v1;
	v2 =	vsel vm8, $0x285, v2;
	v0 =	vsel vm7, $0x371, v0  }
0xb6: {  	v1 =	vsel vm7, $0x381, v1;
	v2 =	vsel vm7, $0x385, v2;
	v0 =	vsel vm6, $0x72, v0  }
0xb7: {  	v1 =	vsel vm6, $0x82, v1;
	v2 =	vsel vm6, $0x86, v2;
	v0 =	vsel vm5, $0x172, v0  }
0xb8: {  	v1 =	vsel vm5, $0x182, v1;
	v2 =	vsel vm5, $0x186, v2;
	v0 =	vsel vm4, $0x272, v0  }
0xb9: {  	v1 =	vsel vm4, $0x282, v1;
	v2 =	vsel vm4, $0x286, v2;
	v0 =	vsel vm3, $0x372, v0  }
0xba: {  	v1 =	vsel vm3, $0x382, v1;
	v2 =	vsel vm3, $0x386, v2;
	v0 =	vsel vm2, $0x73, v0  }
0xbb: {  	v1 =	vsel vm2, $0x83, v1;
	v2 =	vsel vm2, $0x87, v2;
	v0 =	vsel vm1, $0x173, v0  }
0xbc: {  	v1 =	vsel vm1, $0x183, v1;
	v2 =	vsel vm1, $0x187, v2;
	v31 =	vsel vm0, $0x273, v0  }
0xbd: {  	v0 =	vsel vm14, $0x7C, v55;
	v35 =	vsel vm0, $0x283, v1;
	v43 =	vsel vm0, $0x287, v2  }
0xbe: {  	v1 =	vsel vm14, $0x8C, v59;
	v2 =	vsel vm14, $0x90, v60;
	v55 =	vimm.s32 $0x3D3  }
0xbf: {  	v59 =	vimm.s32 $0x3E3;
	v60 =	vimm.s32 $0x3E7;
	v0 =	vsel vm13, $0x17C, v0  }
0xc0: {  	v1 =	vsel vm13, $0x18C, v1;
	v2 =	vsel vm13, $0x190, v2;
	v0 =	vsel vm12, $0x27C, v0  }
0xc1: {  	v1 =	vsel vm12, $0x28C, v1;
	v2 =	vsel vm12, $0x290, v2;
	v0 =	vsel vm11, $0x37C, v0  }
0xc2: {  	v1 =	vsel vm11, $0x38C, v1;
	v2 =	vsel vm11, $0x390, v2;
	v0 =	vsel vm10, $0x7D, v0  }
0xc3: {  	v1 =	vsel vm10, $0x8D, v1;
	v2 =	vsel vm10, $0x91, v2;
	v0 =	vsel vm9, $0x17D, v0  }
0xc4: {  	v1 =	vsel vm9, $0x18D, v1;
	v2 =	vsel vm9, $0x191, v2;
	v0 =	vsel vm8, $0x27D, v0  }
0xc5: {  	v1 =	vsel vm8, $0x28D, v1;
	v2 =	vsel vm8, $0x291, v2;
	v0 =	vsel vm7, $0x37D, v0  }
0xc6: {  	v1 =	vsel vm7, $0x38D, v1;
	v2 =	vsel vm7, $0x391, v2;
	v0 =	vsel vm6, $0x7E, v0  }
0xc7: {  	v1 =	vsel vm6, $0x8E, v1;
	v2 =	vsel vm6, $0x92, v2;
	v0 =	vsel vm5, $0x17E, v0  }
0xc8: {  	v1 =	vsel vm5, $0x18E, v1;
	v2 =	vsel vm5, $0x192, v2;
	v0 =	vsel vm4, $0x27E, v0  }
0xc9: {  	v1 =	vsel vm4, $0x28E, v1;
	v2 =	vsel vm4, $0x292, v2;
	v0 =	vsel vm3, $0x37E, v0  }
0xca: {  	v1 =	vsel vm3, $0x38E, v1;
	v2 =	vsel vm3, $0x392, v2;
	v0 =	vsel vm2, $0x7F, v0  }
0xcb: {  	v1 =	vsel vm2, $0x8F, v1;
	v2 =	vsel vm2, $0x93, v2;
	v0 =	vsel vm1, $0x17F, v0  }
0xcc: {  	v1 =	vsel vm1, $0x18F, v1;
	v2 =	vsel vm1, $0x193, v2;
	v34 =	vsel vm0, $0x27F, v0  }
0xcd: {  	v0 =	vsel vm14, $0x88, v58;
	v37 =	vsel vm0, $0x28F, v1;
	v38 =	vsel vm0, $0x293, v2  }
0xce: {  	v1 =	vsel vm14, $0x98, v62;
	v2 =	vsel vm14, $0x9C, v63;
	v58 =	vimm.s32 $0x3DF  }
0xcf: {  	v62 =	vimm.s32 $0x3EF;
	v63 =	vimm.s32 $0x3F3;
	v0 =	vsel vm13, $0x188, v0  }
0xd0: {  	v1 =	vsel vm13, $0x198, v1;
	v2 =	vsel vm13, $0x19C, v2;
	v0 =	vsel vm12, $0x288, v0  }
0xd1: {  	v1 =	vsel vm12, $0x298, v1;
	v2 =	vsel vm12, $0x29C, v2;
	v0 =	vsel vm11, $0x388, v0  }
0xd2: {  	v1 =	vsel vm11, $0x398, v1;
	v2 =	vsel vm11, $0x39C, v2;
	v0 =	vsel vm10, $0x89, v0  }
0xd3: {  	v1 =	vsel vm10, $0x99, v1;
	v2 =	vsel vm10, $0x9D, v2;
	v0 =	vsel vm9, $0x189, v0  }
0xd4: {  	v1 =	vsel vm9, $0x199, v1;
	v2 =	vsel vm9, $0x19D, v2;
	v0 =	vsel vm8, $0x289, v0  }
0xd5: {  	v1 =	vsel vm8, $0x299, v1;
	v2 =	vsel vm8, $0x29D, v2;
	v0 =	vsel vm7, $0x389, v0  }
0xd6: {  	v1 =	vsel vm7, $0x399, v1;
	v2 =	vsel vm7, $0x39D, v2;
	v0 =	vsel vm6, $0x8A, v0  }
0xd7: {  	v1 =	vsel vm6, $0x9A, v1;
	v2 =	vsel vm6, $0x9E, v2;
	v0 =	vsel vm5, $0x18A, v0  }
0xd8: {  	v1 =	vsel vm5, $0x19A, v1;
	v2 =	vsel vm5, $0x19E, v2;
	v0 =	vsel vm4, $0x28A, v0  }
0xd9: {  	v1 =	vsel vm4, $0x29A, v1;
	v2 =	vsel vm4, $0x29E, v2;
	v0 =	vsel vm3, $0x38A, v0  }
0xda: {  	v1 =	vsel vm3, $0x39A, v1;
	v2 =	vsel vm3, $0x39E, v2;
	v0 =	vsel vm2, $0x8B, v0  }
0xdb: {  	v1 =	vsel vm2, $0x9B, v1;
	v2 =	vsel vm2, $0x9F, v2;
	v0 =	vsel vm1, $0x18B, v0  }
0xdc: {  	v1 =	vsel vm1, $0x19B, v1;
	v2 =	vsel vm1, $0x19F, v2;
	v36 =	vsel vm0, $0x28B, v0  }
0xdd: {  	v0 =	vsel vm14, $0x94, v61;
	v40 =	vsel vm0, $0x29B, v1;
	v41 =	vsel vm0, $0x29F, v2  }
0xde: {  	v1 =	vsel vm14, $0xA4, v23;
	v2 =	vsel vm14, $0xA8, v42;
	v0 =	vsel vm13, $0x194, v0  }
0xdf: {  	v61 =	vimm.s32 $0x3EB;
	v1 =	vsel vm13, $0x1A4, v1;
	v0 =	vsel vm12, $0x294, v0  }
0xe0: {  	v2 =	vsel vm13, $0x1A8, v2;
	v1 =	vsel vm12, $0x2A4, v1;
	v0 =	vsel vm11, $0x394, v0  }
0xe1: {  	v2 =	vsel vm12, $0x2A8, v2;
	v1 =	vsel vm11, $0x3A4, v1;
	v0 =	vsel vm10, $0x95, v0  }
0xe2: {  	v2 =	vsel vm11, $0x3A8, v2;
	v1 =	vsel vm10, $0xA5, v1;
	v0 =	vsel vm9, $0x195, v0  }
0xe3: {  	v2 =	vsel vm10, $0xA9, v2;
	v1 =	vsel vm9, $0x1A5, v1;
	v0 =	vsel vm8, $0x295, v0  }
0xe4: {  	v2 =	vsel vm9, $0x1A9, v2;
	v1 =	vsel vm8, $0x2A5, v1;
	v0 =	vsel vm7, $0x395, v0  }
0xe5: {  	v2 =	vsel vm8, $0x2A9, v2;
	v1 =	vsel vm7, $0x3A5, v1;
	v0 =	vsel vm6, $0x96, v0  }
0xe6: {  	v2 =	vsel vm7, $0x3A9, v2;
	v1 =	vsel vm6, $0xA6, v1;
	v0 =	vsel vm5, $0x196, v0  }
0xe7: {  	v2 =	vsel vm6, $0xAA, v2;
	v1 =	vsel vm5, $0x1A6, v1;
	v0 =	vsel vm4, $0x296, v0  }
0xe8: {  	v2 =	vsel vm5, $0x1AA, v2;
	v1 =	vsel vm4, $0x2A6, v1;
	v0 =	vsel vm3, $0x396, v0  }
0xe9: {  	v2 =	vsel vm4, $0x2AA, v2;
	v1 =	vsel vm3, $0x3A6, v1;
	v0 =	vsel vm2, $0x97, v0  }
0xea: {  	v2 =	vsel vm3, $0x3AA, v2;
	v1 =	vsel vm2, $0xA7, v1;
	v0 =	vsel vm1, $0x197, v0  }
0xeb: {  	v2 =	vsel vm2, $0xAB, v2;
	v39 =	vsel vm0, $0x297, v0;
	v0 =	vsel vm14, $0xA0, v22  }
0xec: {  	v1 =	vsel vm1, $0x1A7, v1;
	v2 =	vsel vm1, $0x1AB, v2;
	v0 =	vsel vm13, $0x1A0, v0  }
0xed: {  	v22 =	vsel vm0, $0x2A7, v1;
	v23 =	vsel vm0, $0x2AB, v2;
	v0 =	vsel vm12, $0x2A0, v0  }
0xee: {  	v1 =	vsel vm14, $0xB0, v45;
	v2 =	vsel vm14, $0xB4, v46;
	v0 =	vsel vm11, $0x3A0, v0  }
0xef: {  	v1 =	vsel vm13, $0x1B0, v1;
	v2 =	vsel vm13, $0x1B4, v2;
	v0 =	vsel vm10, $0xA1, v0  }
0xf0: {  	v1 =	vsel vm12, $0x2B0, v1;
	v2 =	vsel vm12, $0x2B4, v2;
	v0 =	vsel vm9, $0x1A1, v0  }
0xf1: {  	v1 =	vsel vm11, $0x3B0, v1;
	v2 =	vsel vm11, $0x3B4, v2;
	v0 =	vsel vm8, $0x2A1, v0  }
0xf2: {  	v1 =	vsel vm10, $0xB1, v1;
	v2 =	vsel vm10, $0xB5, v2;
	v0 =	vsel vm7, $0x3A1, v0  }
0xf3: {  	v1 =	vsel vm9, $0x1B1, v1;
	v2 =	vsel vm9, $0x1B5, v2;
	v0 =	vsel vm6, $0xA2, v0  }
0xf4: {  	v1 =	vsel vm8, $0x2B1, v1;
	v2 =	vsel vm8, $0x2B5, v2;
	v0 =	vsel vm5, $0x1A2, v0  }
0xf5: {  	v1 =	vsel vm7, $0x3B1, v1;
	v2 =	vsel vm7, $0x3B5, v2;
	v0 =	vsel vm4, $0x2A2, v0  }
0xf6: {  	v1 =	vsel vm6, $0xB2, v1;
	v2 =	vsel vm6, $0xB6, v2;
	v0 =	vsel vm3, $0x3A2, v0  }
0xf7: {  	v1 =	vsel vm5, $0x1B2, v1;
	v2 =	vsel vm5, $0x1B6, v2;
	v0 =	vsel vm2, $0xA3, v0  }
0xf8: {  	v1 =	vsel vm4, $0x2B2, v1;
	v2 =	vsel vm4, $0x2B6, v2;
	v0 =	vsel vm1, $0x1A3, v0  }
0xf9: {  	v1 =	vsel vm3, $0x3B2, v1;
	v42 =	vsel vm0, $0x2A3, v0;
	v0 =	vsel vm14, $0xAC, v44  }
0xfa: {  	v2 =	vsel vm3, $0x3B6, v2;
	v1 =	vsel vm2, $0xB3, v1;
	v0 =	vsel vm13, $0x1AC, v0  }
0xfb: {  	v2 =	vsel vm2, $0xB7, v2;
	v1 =	vsel vm1, $0x1B3, v1;
	v0 =	vsel vm12, $0x2AC, v0  }
0xfc: {  	v2 =	vsel vm1, $0x1B7, v2;
	v45 =	vsel vm0, $0x2B3, v1;
	v0 =	vsel vm11, $0x3AC, v0  }
0xfd: {  	v46 =	vsel vm0, $0x2B7, v2;
	v1 =	vsel vm14, $0xBC, v48;
	v0 =	vsel vm10, $0xAD, v0  }
0xfe: {  	v2 =	vsel vm14, $0xC0, v49;
	v1 =	vsel vm13, $0x1BC, v1;
	v0 =	vsel vm9, $0x1AD, v0  }
0xff: {  	v2 =	vsel vm13, $0x1C0, v2;
	v1 =	vsel vm12, $0x2BC, v1;
	v0 =	vsel vm8, $0x2AD, v0  }
0x100: {  	v2 =	vsel vm12, $0x2C0, v2;
	v1 =	vsel vm11, $0x3BC, v1;
	v0 =	vsel vm7, $0x3AD, v0  }
0x101: {  	v2 =	vsel vm11, $0x3C0, v2;
	v1 =	vsel vm10, $0xBD, v1;
	v0 =	vsel vm6, $0xAE, v0  }
0x102: {  	v2 =	vsel vm10, $0xC1, v2;
	v1 =	vsel vm9, $0x1BD, v1;
	v0 =	vsel vm5, $0x1AE, v0  }
0x103: {  	v2 =	vsel vm9, $0x1C1, v2;
	v1 =	vsel vm8, $0x2BD, v1;
	v0 =	vsel vm4, $0x2AE, v0  }
0x104: {  	v2 =	vsel vm8, $0x2C1, v2;
	v1 =	vsel vm7, $0x3BD, v1;
	v0 =	vsel vm3, $0x3AE, v0  }
0x105: {  	v2 =	vsel vm7, $0x3C1, v2;
	v1 =	vsel vm6, $0xBE, v1;
	v0 =	vsel vm2, $0xAF, v0  }
0x106: {  	v2 =	vsel vm6, $0xC2, v2;
	v1 =	vsel vm5, $0x1BE, v1;
	v0 =	vsel vm1, $0x1AF, v0  }
0x107: {  	v2 =	vsel vm5, $0x1C2, v2;
	v44 =	vsel vm0, $0x2AF, v0;
	v0 =	vsel vm14, $0xB8, v47  }
0x108: {  	v1 =	vsel vm4, $0x2BE, v1;
	v2 =	vsel vm4, $0x2C2, v2;
	v0 =	vsel vm13, $0x1B8, v0  }
0x109: {  	v1 =	vsel vm3, $0x3BE, v1;
	v2 =	vsel vm3, $0x3C2, v2;
	v0 =	vsel vm12, $0x2B8, v0  }
0x10a: {  	v1 =	vsel vm2, $0xBF, v1;
	v2 =	vsel vm2, $0xC3, v2;
	v0 =	vsel vm11, $0x3B8, v0  }
0x10b: {  	v1 =	vsel vm1, $0x1BF, v1;
	v2 =	vsel vm1, $0x1C3, v2;
	v0 =	vsel vm10, $0xB9, v0  }
0x10c: {  	v48 =	vsel vm0, $0x2BF, v1;
	v49 =	vsel vm0, $0x2C3, v2;
	v0 =	vsel vm9, $0x1B9, v0  }
0x10d: {  	v1 =	vsel vm14, $0xC8, v51;
	v2 =	vsel vm14, $0xCC, v52;
	v0 =	vsel vm8, $0x2B9, v0  }
0x10e: {  	v1 =	vsel vm13, $0x1C8, v1;
	v2 =	vsel vm13, $0x1CC, v2;
	v0 =	vsel vm7, $0x3B9, v0  }
0x10f: {  	v1 =	vsel vm12, $0x2C8, v1;
	v2 =	vsel vm12, $0x2CC, v2;
	v0 =	vsel vm6, $0xBA, v0  }
0x110: {  	v1 =	vsel vm11, $0x3C8, v1;
	v2 =	vsel vm11, $0x3CC, v2;
	v0 =	vsel vm5, $0x1BA, v0  }
0x111: {  	v1 =	vsel vm10, $0xC9, v1;
	v2 =	vsel vm10, $0xCD, v2;
	v0 =	vsel vm4, $0x2BA, v0  }
0x112: {  	v1 =	vsel vm9, $0x1C9, v1;
	v2 =	vsel vm9, $0x1CD, v2;
	v0 =	vsel vm3, $0x3BA, v0  }
0x113: {  	v1 =	vsel vm8, $0x2C9, v1;
	v2 =	vsel vm8, $0x2CD, v2;
	v0 =	vsel vm2, $0xBB, v0  }
0x114: {  	v1 =	vsel vm7, $0x3C9, v1;
	v2 =	vsel vm7, $0x3CD, v2;
	v0 =	vsel vm1, $0x1BB, v0  }
0x115: {  	v1 =	vsel vm6, $0xCA, v1;
	v47 =	vsel vm0, $0x2BB, v0;
	v0 =	vsel vm14, $0xC4, v50  }
0x116: {  	v2 =	vsel vm6, $0xCE, v2;
	v1 =	vsel vm5, $0x1CA, v1;
	v0 =	vsel vm13, $0x1C4, v0  }
0x117: {  	v2 =	vsel vm5, $0x1CE, v2;
	v1 =	vsel vm4, $0x2CA, v1;
	v0 =	vsel vm12, $0x2C4, v0  }
0x118: {  	v2 =	vsel vm4, $0x2CE, v2;
	v1 =	vsel vm3, $0x3CA, v1;
	v0 =	vsel vm11, $0x3C4, v0  }
0x119: {  	v2 =	vsel vm3, $0x3CE, v2;
	v1 =	vsel vm2, $0xCB, v1;
	v0 =	vsel vm10, $0xC5, v0  }
0x11a: {  	v2 =	vsel vm2, $0xCF, v2;
	v1 =	vsel vm1, $0x1CB, v1;
	v0 =	vsel vm9, $0x1C5, v0  }
0x11b: {  	v2 =	vsel vm1, $0x1CF, v2;
	v51 =	vsel vm0, $0x2CB, v1;
	v0 =	vsel vm8, $0x2C5, v0  }
0x11c: {  	v52 =	vsel vm0, $0x2CF, v2;
	v1 =	vsel vm14, $0xD4, v56;
	v0 =	vsel vm7, $0x3C5, v0  }
0x11d: {  	v2 =	vsel vm14, $0xD8, v57;
	v1 =	vsel vm13, $0x1D4, v1;
	v0 =	vsel vm6, $0xC6, v0  }
0x11e: {  	v2 =	vsel vm13, $0x1D8, v2;
	v1 =	vsel vm12, $0x2D4, v1;
	v0 =	vsel vm5, $0x1C6, v0  }
0x11f: {  	v2 =	vsel vm12, $0x2D8, v2;
	v1 =	vsel vm11, $0x3D4, v1;
	v0 =	vsel vm4, $0x2C6, v0  }
0x120: {  	v2 =	vsel vm11, $0x3D8, v2;
	v1 =	vsel vm10, $0xD5, v1;
	v0 =	vsel vm3, $0x3C6, v0  }
0x121: {  	v2 =	vsel vm10, $0xD9, v2;
	v1 =	vsel vm9, $0x1D5, v1;
	v0 =	vsel vm2, $0xC7, v0  }
0x122: {  	v2 =	vsel vm9, $0x1D9, v2;
	v1 =	vsel vm8, $0x2D5, v1;
	v0 =	vsel vm1, $0x1C7, v0  }
0x123: {  	v2 =	vsel vm8, $0x2D9, v2;
	v50 =	vsel vm0, $0x2C7, v0;
	v0 =	vsel vm14, $0xD0, v55  }
0x124: {  	v1 =	vsel vm7, $0x3D5, v1;
	v2 =	vsel vm7, $0x3D9, v2;
	v0 =	vsel vm13, $0x1D0, v0  }
0x125: {  	v1 =	vsel vm6, $0xD6, v1;
	v2 =	vsel vm6, $0xDA, v2;
	v0 =	vsel vm12, $0x2D0, v0  }
0x126: {  	v1 =	vsel vm5, $0x1D6, v1;
	v2 =	vsel vm5, $0x1DA, v2;
	v0 =	vsel vm11, $0x3D0, v0  }
0x127: {  	v1 =	vsel vm4, $0x2D6, v1;
	v2 =	vsel vm4, $0x2DA, v2;
	v0 =	vsel vm10, $0xD1, v0  }
0x128: {  	v1 =	vsel vm3, $0x3D6, v1;
	v2 =	vsel vm3, $0x3DA, v2;
	v0 =	vsel vm9, $0x1D1, v0  }
0x129: {  	v1 =	vsel vm2, $0xD7, v1;
	v2 =	vsel vm2, $0xDB, v2;
	v0 =	vsel vm8, $0x2D1, v0  }
0x12a: {  	v1 =	vsel vm1, $0x1D7, v1;
	v2 =	vsel vm1, $0x1DB, v2;
	v0 =	vsel vm7, $0x3D1, v0  }
0x12b: {  	v56 =	vsel vm0, $0x2D7, v1;
	v57 =	vsel vm0, $0x2DB, v2;
	v0 =	vsel vm6, $0xD2, v0  }
0x12c: {  	v1 =	vsel vm14, $0xE0, v59;
	v2 =	vsel vm14, $0xE4, v60;
	v0 =	vsel vm5, $0x1D2, v0  }
0x12d: {  	v1 =	vsel vm13, $0x1E0, v1;
	v2 =	vsel vm13, $0x1E4, v2;
	v0 =	vsel vm4, $0x2D2, v0  }
0x12e: {  	v1 =	vsel vm12, $0x2E0, v1;
	v2 =	vsel vm12, $0x2E4, v2;
	v0 =	vsel vm3, $0x3D2, v0  }
0x12f: {  	v1 =	vsel vm11, $0x3E0, v1;
	v2 =	vsel vm11, $0x3E4, v2;
	v0 =	vsel vm2, $0xD3, v0  }
0x130: {  	v1 =	vsel vm10, $0xE1, v1;
	v2 =	vsel vm10, $0xE5, v2;
	v0 =	vsel vm1, $0x1D3, v0  }
0x131: {  	v1 =	vsel vm9, $0x1E1, v1;
	v55 =	vsel vm0, $0x2D3, v0;
	v0 =	vsel vm14, $0xDC, v58  }
0x132: {  	v2 =	vsel vm9, $0x1E5, v2;
	v1 =	vsel vm8, $0x2E1, v1;
	v0 =	vsel vm13, $0x1DC, v0  }
0x133: {  	v2 =	vsel vm8, $0x2E5, v2;
	v1 =	vsel vm7, $0x3E1, v1;
	v0 =	vsel vm12, $0x2DC, v0  }
0x134: {  	v2 =	vsel vm7, $0x3E5, v2;
	v1 =	vsel vm6, $0xE2, v1;
	v0 =	vsel vm11, $0x3DC, v0  }
0x135: {  	v2 =	vsel vm6, $0xE6, v2;
	v1 =	vsel vm5, $0x1E2, v1;
	v0 =	vsel vm10, $0xDD, v0  }
0x136: {  	v2 =	vsel vm5, $0x1E6, v2;
	v1 =	vsel vm4, $0x2E2, v1;
	v0 =	vsel vm9, $0x1DD, v0  }
0x137: {  	v2 =	vsel vm4, $0x2E6, v2;
	v1 =	vsel vm3, $0x3E2, v1;
	v0 =	vsel vm8, $0x2DD, v0  }
0x138: {  	s0 =	rddreg [dreg:$0x0];
	v2 =	vsel vm3, $0x3E6, v2;
	v1 =	vsel vm2, $0xE3, v1;
	v0 =	vsel vm7, $0x3DD, v0  }
0x139: {  	s2 =	rddreg [dreg:$0x1];
	s3 =	simm.s32 $0x0;
	v2 =	vsel vm2, $0xE7, v2;
	v1 =	vsel vm1, $0x1E3, v1;
	v0 =	vsel vm6, $0xDE, v0  }
0x13a: {  	[smem:$0x7FF] =	sst s3;
	v2 =	vsel vm1, $0x1E7, v2;
	v59 =	vsel vm0, $0x2E3, v1;
	v0 =	vsel vm5, $0x1DE, v0  }
0x13b: {  	s1 =	rddreg [dreg:$0x2];
	_ =	strace $0x80000047;
	[tilespmem:$0x1FDE0] =	vst v3;
	v60 =	vsel vm0, $0x2E7, v2;
	v1 =	vsel vm14, $0xEC, v62;
	v0 =	vsel vm4, $0x2DE, v0  }
0x13c: {  	[tilespmem:$0x1FE00] =	vst v5;
	v2 =	vsel vm14, $0xF0, v63;
	v1 =	vsel vm13, $0x1EC, v1;
	v0 =	vsel vm3, $0x3DE, v0  }
0x13d: {  	[tilespmem:$0x1FE10] =	vst v6;
	v2 =	vsel vm13, $0x1F0, v2;
	v1 =	vsel vm12, $0x2EC, v1;
	v0 =	vsel vm2, $0xDF, v0  }
0x13e: {  	[tilespmem:$0x1FDF0] =	vst v4;
	v2 =	vsel vm12, $0x2F0, v2;
	v1 =	vsel vm11, $0x3EC, v1;
	v0 =	vsel vm1, $0x1DF, v0  }
0x13f: {  	[tilespmem:$0x1FE20] =	vst v8;
	v2 =	vsel vm11, $0x3F0, v2;
	v58 =	vsel vm0, $0x2DF, v0;
	v0 =	vsel vm14, $0xE8, v61  }
0x140: {  	[tilespmem:$0x1FE40] =	vst v9;
	v1 =	vsel vm10, $0xED, v1;
	v2 =	vsel vm10, $0xF1, v2;
	v0 =	vsel vm13, $0x1E8, v0  }
0x141: {  	[tilespmem:$0x1FE30] =	vst v7;
	v1 =	vsel vm9, $0x1ED, v1;
	v2 =	vsel vm9, $0x1F1, v2;
	v0 =	vsel vm12, $0x2E8, v0  }
0x142: {  	[tilespmem:$0x1FE60] =	vst v11;
	v1 =	vsel vm8, $0x2ED, v1;
	v2 =	vsel vm8, $0x2F1, v2;
	v0 =	vsel vm11, $0x3E8, v0  }
0x143: {  	[tilespmem:$0x1FE70] =	vst v12;
	v1 =	vsel vm7, $0x3ED, v1;
	v2 =	vsel vm7, $0x3F1, v2;
	v0 =	vsel vm10, $0xE9, v0  }
0x144: {  	[tilespmem:$0x1FE50] =	vst v10;
	v1 =	vsel vm6, $0xEE, v1;
	v2 =	vsel vm6, $0xF2, v2;
	v0 =	vsel vm9, $0x1E9, v0  }
0x145: {  	[tilespmem:$0x1FE80] =	vst v15;
	v1 =	vsel vm5, $0x1EE, v1;
	v2 =	vsel vm5, $0x1F2, v2;
	v0 =	vsel vm8, $0x2E9, v0  }
0x146: {  	[tilespmem:$0x1FEA0] =	vst v14;
	v1 =	vsel vm4, $0x2EE, v1;
	v2 =	vsel vm4, $0x2F2, v2;
	v0 =	vsel vm7, $0x3E9, v0  }
0x147: {  	[tilespmem:$0x1FE90] =	vst v13;
	v1 =	vsel vm3, $0x3EE, v1;
	v2 =	vsel vm3, $0x3F2, v2;
	v0 =	vsel vm6, $0xEA, v0  }
0x148: {  	[tilespmem:$0x1FEC0] =	vst v17;
	v1 =	vsel vm2, $0xEF, v1;
	v2 =	vsel vm2, $0xF3, v2;
	v0 =	vsel vm5, $0x1EA, v0  }
0x149: {  	[tilespmem:$0x1FED0] =	vst v18;
	v1 =	vsel vm1, $0x1EF, v1;
	v2 =	vsel vm1, $0x1F3, v2;
	v0 =	vsel vm4, $0x2EA, v0  }
0x14a: {  	[tilespmem:$0x1FEB0] =	vst v16;
	v62 =	vsel vm0, $0x2EF, v1;
	v63 =	vsel vm0, $0x2F3, v2;
	v0 =	vsel vm3, $0x3EA, v0  }
0x14b: {  	[tilespmem:$0x1FEE0] =	vst v21;
	v1 =	vimm.s32 $0x3FB;
	v2 =	vimm.s32 $0x3FF;
	v0 =	vsel vm2, $0xEB, v0  }
0x14c: {  	[tilespmem:$0x1FEF0] =	vst v20;
	v1 =	vsel vm14, $0xF8, v1;
	v2 =	vsel vm14, $0xFC, v2;
	v0 =	vsel vm1, $0x1EB, v0  }
0x14d: {  	[tilespmem:$0x1FF00] =	vst v19;
	v1 =	vsel vm13, $0x1F8, v1;
	v61 =	vsel vm0, $0x2EB, v0;
	v0 =	vimm.s32 $0x3F7  }
0x14e: {  	[tilespmem:$0x1FF40] =	vst v24;
	v2 =	vsel vm13, $0x1FC, v2;
	v1 =	vsel vm12, $0x2F8, v1;
	v0 =	vsel vm14, $0xF4, v0  }
0x14f: {  	[tilespmem:$0x1FF50] =	vst v54;
	v2 =	vsel vm12, $0x2FC, v2;
	v1 =	vsel vm11, $0x3F8, v1;
	v0 =	vsel vm13, $0x1F4, v0  }
0x150: {  	[tilespmem:$0x1FF60] =	vst v27;
	v2 =	vsel vm11, $0x3FC, v2;
	v1 =	vsel vm10, $0xF9, v1;
	v0 =	vsel vm12, $0x2F4, v0  }
0x151: {  	[tilespmem:$0x1FF80] =	vst v53;
	v2 =	vsel vm10, $0xFD, v2;
	v1 =	vsel vm9, $0x1F9, v1;
	v0 =	vsel vm11, $0x3F4, v0  }
0x152: {  	[tilespmem:$0x1FF90] =	vst v26;
	v2 =	vsel vm9, $0x1FD, v2;
	v1 =	vsel vm8, $0x2F9, v1;
	v0 =	vsel vm10, $0xF5, v0  }
0x153: {  	[tilespmem:$0x1FFA0] =	vst v25;
	v2 =	vsel vm8, $0x2FD, v2;
	v1 =	vsel vm7, $0x3F9, v1;
	v0 =	vsel vm9, $0x1F5, v0  }
0x154: {  	s4 =	srdreg.scid;
	s10 =	simm.s32 $0x100;
	[tilespmem:$0x1FFB0] =	vst v30;
	v2 =	vsel vm7, $0x3FD, v2;
	v1 =	vsel vm6, $0xFA, v1;
	v0 =	vsel vm8, $0x2F5, v0  }
0x155: {  	s30 =	simm.s32 $0x200;
	s6 =	sand.u32 $0x1, s4;
	s7 =	sadd.s32 $0x80, s0;
	[tilespmem:$0x1FF20] =	vst v43;
	v2 =	vsel vm6, $0xFE, v2;
	v1 =	vsel vm5, $0x1FA, v1;
	v0 =	vsel vm7, $0x3F5, v0  }
0x156: {  	s4 =	stileid.u32;
	s25 =	sadd.s32 $0x100, s0;
	[dreg:$0x3] =	wrdreg s7;
	[tilespmem:$0x1FF10] =	vst v22;
	v2 =	vsel vm5, $0x1FE, v2;
	v1 =	vsel vm4, $0x2FA, v1;
	v0 =	vsel vm6, $0xF6, v0  }
0x157: {  	s26 =	sadd.s32 $0x180, s0;
	[dreg:$0x5] =	wrdreg s25;
	s9 =	smul.u32 $0xC800, s4;
	[tilespmem:$0x1FF30] =	vst v23;
	v2 =	vsel vm4, $0x2FE, v2;
	v1 =	vsel vm3, $0x3FA, v1;
	v0 =	vsel vm5, $0x1F6, v0  }
0x158: {  	s31 =	simm.s32 $0x300;
	[dreg:$0x7] =	wrdreg s26;
	s28 =	smul.u32 $0x6400, s6;
	[tilespmem:$0x1FF70] =	vst v56;
	v2 =	vsel vm3, $0x3FE, v2;
	v1 =	vsel vm2, $0xFB, v1;
	v0 =	vsel vm4, $0x2F6, v0  }
0x159: {  	s5 =	ssub.s32 $0x2, s6;
	s29 =	smul.u32 $0x32, s4;
	[dreg:$0x4] =	wrdreg s10;
	[tilespmem:$0x1FFC0] =	vst v62;
	v2 =	vsel vm2, $0xFF, v2;
	v1 =	vsel vm1, $0x1FB, v1;
	v0 =	vsel vm3, $0x3F6, v0  }
0x15a: {  	s11 =	smul.u32 $0x19, s6;
	[dreg:$0x6] =	wrdreg s30;
	s8 =	sshrl.u32 s5, $0x1;
	[tilespmem:$0x1FFD0] =	vst v63;
	v2 =	vsel vm1, $0x1FF, v2;
	v1 =	vsel vm0, $0x2FB, v1;
	v0 =	vsel vm2, $0xF7, v0  }
0x15b: {  	[dreg:$0x8] =	wrdreg s31;
	s10 =	simm.s32 $0x800;
	s5 =	ssub.s32 s5, s8;
	v2 =	vsel vm0, $0x2FF, v2;
	[tilespmem:$0x1FFE0] =	vst v1;
	v0 =	vsel vm1, $0x1F7, v0  }
0x15c: {  	s6 =	sadd.s32 s28, s9;
	s7 =	sadd.s32 s11, s29;
	s8 =	simm.s32 $0x1;
	[tilespmem:$0x1FFF0] =	vst v2;
	v0 =	vsel vm0, $0x2F7, v0  }
0x15d: {  	s9 =	simm.s32 $0x400;
	s11 =	simm.s32 $0x0;
	s5 =	smax.u32 s5, $0x1;
	[tilespmem:$0x1FDD0] =	vst v0  }
.LBB2_1:
0x15e: {  	s12 =	smov.u32 s7;
	s13 =	smov.u32 s6;
	s14 =	simm.s32 $0x0  }
.LBB2_2:
0x15f: {  	s15 =	smulhi.u32 $0x51EB851F, s12  }
0x160: {  	s16 =	sadd.s32 s14, s7  }
0x161: {  	s16 =	smulhi.u32 $0x51EB851F, s16;
	s15 =	sshrl.u32 s15, $0x6  }
0x162: {  	s15 =	smul.u32 $0x32000, s15  }
0x163: {  	s16 =	sshrl.u32 s16, $0x6  }
0x164: {  	s24 =	sadd.s32 s7, s14;
	s16 =	smul.u32 $0x32000, s16;
	s17 =	ssub.s32 s13, s15  }
0x165: {  	s15 =	sand.u32 $0x3, s24;
	s17 =	sand.u32 $0x3F000, s17  }
0x166: {  	s25 =	sshll.u32 s15, $0x8;
	s16 =	sadd.s32 s16, s17  }
0x167: {  	s17 =	sor.u32 s25, s16  }
0x168: {  	s17 =	sshrl.u32 s17, $0x3  }
0x169: {  	s18 =	sadd.s32 s0, s17  }
0x16a: {  	[tilespmem:s3], [sflag:$0x1] =	stream.linear.gather [hbm4b:s18+s3], $0x100, $0x38;
	[tilespmem:$0xC00] =	vst v63  }
0x16b: {  	_ =	swait.ge [sflag:s8], $0x100  }
0x16c: {  	s26 =	rddreg [dreg:$0x3];
	[sflag:s8] =	ssyncset.done $0x0  }
0x16d: {  	s19 =	rddreg [dreg:$0x4];
	[sflag:s8] =	ssyncadd.s32 $0xFFFFFF00;
	s18 =	sadd.s32 s17, s26  }
0x16e: {  	[tilespmem:s19], [sflag:$0x1] =	stream.linear.gather [hbm4b:s18+s3], $0x100, $0x38;
	[tilespmem:$0xC00] =	vst v63  }
0x16f: {  	_ =	swait.ge [sflag:s8], $0x100  }
0x170: {  	s28 =	rddreg [dreg:$0x5];
	[sflag:s8] =	ssyncset.done $0x0  }
0x171: {  	s29 =	rddreg [dreg:$0x6];
	[sflag:s8] =	ssyncadd.s32 $0xFFFFFF00;
	s18 =	sadd.s32 s17, s28  }
0x172: {  	[tilespmem:s29], [sflag:$0x1] =	stream.linear.gather [hbm4b:s18+s3], $0x100, $0x38;
	[tilespmem:$0xC00] =	vst v63  }
0x173: {  	_ =	swait.ge [sflag:s8], $0x100  }
0x174: {  	s30 =	rddreg [dreg:$0x7];
	[sflag:s8] =	ssyncset.done $0x0  }
0x175: {  	s31 =	rddreg [dreg:$0x8];
	s17 =	sadd.s32 s17, s30;
	[sflag:s8] =	ssyncadd.s32 $0xFFFFFF00  }
0x176: {  	[tilespmem:s31], [sflag:$0x1] =	stream.linear.gather [hbm4b:s17+s3], $0x100, $0x38;
	[tilespmem:$0xC00] =	vst v63  }
0x177: {  	_ =	swait.ge [sflag:s8], $0x100  }
0x178: {  	[sflag:s8] =	ssyncset.done $0x0  }
0x179: {  	[sflag:s8] =	ssyncadd.s32 $0xFFFFFF00  }
0x17a: {  	v0 =	vld [tilespmem:$0x0]  }
0x17b: {  	v1 =	vld [tilespmem:$0x10]  }
0x17c: {  	v3 =	vld [tilespmem:$0x20]  }
0x17d: {  	v5 =	vld [tilespmem:$0x30]  }
0x17e: {  	v7 =	vld [tilespmem:$0x40]  }
0x17f: {  	v13 =	vld [tilespmem:$0x50]  }
0x180: {  	v8 =	vld [tilespmem:$0x60];
	v2 =	vshll.u32 v0, $0x2;
	v4 =	vand.u32 $0xFFFF8000, v0  }
0x181: {  	v17 =	vld [tilespmem:$0x70];
	v0 =	vshrl.u32 v0, $0xD;
	v62 =	vshll.u32 v1, $0x2;
	v6 =	vand.u32 $0xFFFF8000, v1  }
0x182: {  	v1 =	vshrl.u32 v1, $0xD;
	v10 =	vshll.u32 v3, $0x2;
	v11 =	vand.u32 $0xFFFF8000, v3  }
0x183: {  	v3 =	vshrl.u32 v3, $0xD;
	v12 =	vshll.u32 v5, $0x2;
	v14 =	vand.u32 $0xFFFF8000, v5  }
0x184: {  	v15 =	vshrl.u32 v5, $0xD;
	v16 =	vshll.u32 v7, $0x2;
	v18 =	vshll.u32 v13, $0x2  }
0x185: {  	v19 =	vand.u32 $0xFFFF8000, v13;
	v20 =	vshll.u32 v8, $0x2;
	v22 =	vand.u32 $0xFFFF8000, v8  }
0x186: {  	v23 =	vshrl.u32 v8, $0xD;
	v24 =	vshll.u32 v17, $0x2;
	v2 =	vand.u32 $0x7FFC, v2  }
0x187: {  	v0 =	vand.u32 $0x3, v0;
	v63 =	vand.u32 $0x3, v1;
	v3 =	vand.u32 $0x3, v3  }
0x188: {  	v5 =	vand.u32 $0x7FFC, v16;
	v2 =	vor.u32 v4, v2;
	v4 =	vand.u32 $0x7FFC, v62  }
0x189: {  	v25 =	vld [tilespmem:$0xA0];
	v8 =	vand.u32 $0x7FFC, v24;
	v4 =	vor.u32 v6, v4;
	v1 =	vor.u32 v0, v2  }
0x18a: {  	v2 =	vand.u32 $0x7FFC, v10;
	v6 =	vshrl.u32 v13, $0xD;
	v9 =	vor.u32 v63, v4  }
0x18b: {  	v2 =	vor.u32 v11, v2;
	v4 =	vand.u32 $0x7FFC, v12;
	v6 =	vand.u32 $0x3, v6  }
0x18c: {  	v12 =	vand.u32 $0xFFFF8000, v17;
	v2 =	vor.u32 v3, v2;
	v3 =	vor.u32 v14, v4  }
0x18d: {  	v10 =	vld [tilespmem:$0x80];
	[tilespmem:$0x1FD50] =	vst v9;
	v9 =	vand.u32 $0xFFFF8000, v7;
	v7 =	vshrl.u32 v7, $0xD;
	v4 =	vand.u32 $0x3, v15  }
0x18e: {  	v13 =	vld [tilespmem:$0xB0];
	v8 =	vor.u32 v12, v8;
	v15 =	vand.u32 $0xFFFF8000, v25;
	v12 =	vshrl.u32 v25, $0xD  }
0x18f: {  	v5 =	vor.u32 v9, v5;
	v7 =	vand.u32 $0x3, v7;
	v4 =	vor.u32 v4, v3  }
0x190: {  	v11 =	vld [tilespmem:$0x90];
	v9 =	vshrl.u32 v17, $0xD;
	v12 =	vand.u32 $0x3, v12;
	v3 =	vor.u32 v7, v5  }
0x191: {  	v5 =	vand.u32 $0x7FFC, v18;
	v7 =	vand.u32 $0x7FFC, v20;
	v9 =	vand.u32 $0x3, v9  }
0x192: {  	v5 =	vor.u32 v19, v5;
	v26 =	vor.u32 v9, v8;
	v43 =	vshll.u32 v10, $0x2  }
0x193: {  	v53 =	vand.u32 $0xFFFF8000, v10;
	v10 =	vshrl.u32 v10, $0xD;
	v20 =	vshll.u32 v13, $0x2  }
0x194: {  	v14 =	vld [tilespmem:$0xC0];
	v21 =	vor.u32 v6, v5;
	v6 =	vor.u32 v22, v7;
	v7 =	vand.u32 $0x3, v23  }
0x195: {  	v16 =	vld [tilespmem:$0xE0];
	v8 =	vand.u32 $0x7FFC, v43;
	v54 =	vand.u32 $0x3, v10;
	v56 =	vshll.u32 v11, $0x2  }
0x196: {  	v63 =	vand.u32 $0xFFFF8000, v11;
	v0 =	vshrl.u32 v11, $0xD;
	v5 =	vshll.u32 v25, $0x2  }
0x197: {  	v7 =	vor.u32 v7, v6;
	v8 =	vor.u32 v53, v8;
	v10 =	vand.u32 $0x7FFC, v56  }
0x198: {  	v17 =	vld [tilespmem:$0xF0];
	[tilespmem:$0x1FD60] =	vst v21;
	v11 =	vand.u32 $0x7FFC, v5;
	v21 =	vand.u32 $0xFFFF8000, v13;
	v13 =	vshrl.u32 v13, $0xD  }
0x199: {  	[tilespmem:$0x1FD70] =	vst v26;
	v23 =	vshll.u32 v14, $0x2;
	v25 =	vand.u32 $0xFFFF8000, v14;
	v26 =	vshrl.u32 v14, $0xD  }
0x19a: {  	v56 =	vand.u32 $0xFFFF8000, v16;
	v62 =	vor.u32 v54, v8;
	v9 =	vor.u32 v63, v10  }
0x19b: {  	v10 =	vand.u32 $0x3, v0;
	v11 =	vor.u32 v15, v11;
	v22 =	vand.u32 $0x3, v13  }
0x19c: {  	v6 =	vld [tilespmem:$0xD0];
	v13 =	vand.u32 $0x7FFC, v23;
	v54 =	vshll.u32 v16, $0x2;
	v16 =	vshrl.u32 v16, $0xD  }
0x19d: {  	v53 =	vld [tilespmem:$0x100];
	v63 =	vshll.u32 v17, $0x2;
	v8 =	vshrl.u32 v17, $0xD;
	v18 =	vor.u32 v10, v9  }
0x19e: {  	v19 =	vor.u32 v12, v11;
	v11 =	vand.u32 $0x7FFC, v20;
	v12 =	vor.u32 v25, v13  }
0x19f: {  	[tilespmem:$0x1FD80] =	vst v62;
	v13 =	vand.u32 $0x3, v26;
	v62 =	vand.u32 $0x3, v16;
	v20 =	vld [tilespmem:$0x120];
	v11 =	vor.u32 v21, v11  }
0x1a0: {  	v16 =	vand.u32 $0x7FFC, v63;
	v10 =	vld [tilespmem:$0x130];
	v24 =	vor.u32 v22, v11;
	v11 =	vor.u32 v13, v12  }
0x1a1: {  	v23 =	vld [tilespmem:$0x150];
	[tilespmem:$0x1FD90] =	vst v18;
	v43 =	vshll.u32 v6, $0x2;
	v18 =	vand.u32 $0xFFFF8000, v6;
	v15 =	vshrl.u32 v6, $0xD  }
0x1a2: {  	v6 =	vand.u32 $0xFFFF8000, v17;
	v9 =	vshll.u32 v53, $0x2;
	v21 =	vand.u32 $0xFFFF8000, v53  }
0x1a3: {  	[tilespmem:$0x1FDA0] =	vst v19;
	v19 =	vld [tilespmem:$0x110];
	v14 =	vand.u32 $0x7FFC, v43;
	v15 =	vand.u32 $0x3, v15;
	v17 =	vand.u32 $0x7FFC, v9  }
0x1a4: {  	v14 =	vor.u32 v18, v14;
	v18 =	vshrl.u32 v53, $0xD;
	v17 =	vor.u32 v21, v17  }
0x1a5: {  	[tilespmem:$0x1FDB0] =	vst v24;
	v53 =	vshll.u32 v20, $0x2;
	v0 =	vshll.u32 v10, $0x2;
	v24 =	vand.u32 $0xFFFF8000, v10  }
0x1a6: {  	v21 =	vshrl.u32 v10, $0xD;
	v10 =	vshll.u32 v23, $0x2;
	v12 =	vor.u32 v15, v14  }
0x1a7: {  	v22 =	vld [tilespmem:$0x140];
	v14 =	vand.u32 $0x7FFC, v54;
	v15 =	vor.u32 v6, v16;
	v16 =	vand.u32 $0x3, v8  }
0x1a8: {  	v18 =	vand.u32 $0x3, v18;
	v25 =	vshll.u32 v19, $0x2;
	v26 =	vand.u32 $0xFFFF8000, v19  }
0x1a9: {  	v19 =	vshrl.u32 v19, $0xD;
	v54 =	vand.u32 $0xFFFF8000, v20;
	v21 =	vand.u32 $0x3, v21  }
0x1aa: {  	v14 =	vor.u32 v56, v14;
	v56 =	vor.u32 v16, v15;
	v63 =	vor.u32 v18, v17  }
0x1ab: {  	v17 =	vand.u32 $0x7FFC, v25;
	v43 =	vand.u32 $0x3, v19;
	v19 =	vand.u32 $0x7FFC, v53  }
0x1ac: {  	v6 =	vshll.u32 v22, $0x2;
	v8 =	vand.u32 $0xFFFF8000, v22;
	v22 =	vshrl.u32 v22, $0xD  }
0x1ad: {  	v5 =	vor.u32 v62, v14;
	v17 =	vor.u32 v26, v17;
	v18 =	vor.u32 v54, v19  }
0x1ae: {  	v25 =	vld [tilespmem:$0x170];
	v62 =	vshrl.u32 v20, $0xD;
	v20 =	vand.u32 $0x7FFC, v0;
	v9 =	vand.u32 $0x3, v22  }
0x1af: {  	v22 =	vand.u32 $0x7FFC, v10;
	v26 =	vld [tilespmem:$0x180];
	v13 =	vor.u32 v43, v17;
	v19 =	vand.u32 $0x3, v62  }
0x1b0: {  	[tilespmem:$0x1FDC0] =	vst v5;
	v20 =	vor.u32 v24, v20;
	v5 =	vld [tilespmem:$0x160];
	v17 =	vand.u32 $0xFFFF8000, v23;
	v14 =	vor.u32 v19, v18  }
0x1b1: {  	v18 =	vor.u32 v21, v20;
	v20 =	vand.u32 $0x7FFC, v6;
	v19 =	vshrl.u32 v23, $0xD  }
0x1b2: {  	v21 =	vor.u32 v17, v22;
	v20 =	vor.u32 v8, v20;
	v22 =	vand.u32 $0x3, v19  }
0x1b3: {  	v53 =	vshll.u32 v25, $0x2;
	v54 =	vand.u32 $0xFFFF8000, v25;
	v25 =	vshrl.u32 v25, $0xD  }
0x1b4: {  	v15 =	vor.u32 v9, v20;
	v17 =	vor.u32 v22, v21;
	v62 =	vand.u32 $0x3, v25  }
0x1b5: {  	v0 =	vshll.u32 v26, $0x2;
	v6 =	vshrl.u32 v26, $0xD;
	v43 =	vshll.u32 v5, $0x2  }
0x1b6: {  	v27 =	vand.u32 $0xFFFF8000, v5;
	v24 =	vshrl.u32 v5, $0xD;
	v23 =	vand.u32 $0x7FFC, v43  }
0x1b7: {  	v25 =	vand.u32 $0x7FFC, v0;
	v0 =	vld [tilespmem:$0x1F0];
	v24 =	vand.u32 $0x3, v24;
	v23 =	vor.u32 v27, v23  }
0x1b8: {  	v5 =	vand.u32 $0xFFFF8000, v26;
	v21 =	vor.u32 v24, v23;
	v23 =	vand.u32 $0x7FFC, v53  }
0x1b9: {  	v27 =	vld [tilespmem:$0x190];
	v53 =	vmovc v51;
	v51 =	vmovc v49;
	v49 =	vmov v47;
	v24 =	vor.u32 v5, v25;
	v25 =	vand.u32 $0x3, v6  }
0x1ba: {  	v47 =	vmovc v28;
	v28 =	vld [tilespmem:$0x1A0];
	v43 =	vmovc v32;
	v23 =	vor.u32 v54, v23;
	v25 =	vor.u32 v25, v24;
	v54 =	vmov v52  }
0x1bb: {  	v5 =	vld [tilespmem:$0x200];
	v52 =	vmovc v50;
	v50 =	vmovc v48;
	v48 =	vmov v46;
	v46 =	vmov v45;
	v45 =	vmov v44  }
0x1bc: {  	v44 =	vmovc v33;
	v16 =	vor.u32 v62, v23;
	v62 =	vmovc v61;
	v61 =	vmov v60;
	v6 =	vshll.u32 v0, $0x2  }
0x1bd: {  	v60 =	vmovc v59;
	v59 =	vmovc v58;
	v58 =	vmov v57;
	v33 =	vshrl.u32 v0, $0xD;
	v32 =	vand.u32 $0x7FFC, v6  }
0x1be: {  	v57 =	vmovc v55;
	v55 =	vmovc v29;
	v29 =	vld [tilespmem:$0x1B0];
	v8 =	vshll.u32 v27, $0x2;
	v30 =	vand.u32 $0xFFFF8000, v27;
	v27 =	vshrl.u32 v27, $0xD  }
0x1bf: {  	v33 =	vand.u32 $0x3, v33;
	v26 =	vand.u32 $0x7FFC, v8;
	v27 =	vand.u32 $0x3, v27  }
0x1c0: {  	v9 =	vshll.u32 v28, $0x2;
	v22 =	vshll.u32 v5, $0x2;
	v26 =	vor.u32 v30, v26;
	v30 =	vld [tilespmem:$0x1C0]  }
0x1c1: {  	v20 =	vmovc v34;
	v34 =	vshrl.u32 v5, $0xD;
	v24 =	vor.u32 v27, v26;
	v27 =	vand.u32 $0xFFFF8000, v28  }
0x1c2: {  	v26 =	vand.u32 $0x7FFC, v9;
	v28 =	vshrl.u32 v28, $0xD;
	v9 =	vand.u32 $0xFFFF8000, v0  }
0x1c3: {  	v19 =	vmovc v31;
	v31 =	vld [tilespmem:$0x1D0];
	v26 =	vor.u32 v27, v26;
	v27 =	vand.u32 $0x3, v28;
	v28 =	vshll.u32 v29, $0x2  }
0x1c4: {  	v26 =	vor.u32 v27, v26;
	v27 =	vand.u32 $0xFFFF8000, v29;
	v28 =	vand.u32 $0x7FFC, v28  }
0x1c5: {  	v10 =	vld [tilespmem:$0x1E0];
	v27 =	vor.u32 v27, v28;
	v28 =	vshrl.u32 v29, $0xD;
	v29 =	vshll.u32 v30, $0x2  }
0x1c6: {  	v23 =	vand.u32 $0xFFFF8000, v30;
	v30 =	vshrl.u32 v30, $0xD;
	v29 =	vand.u32 $0x7FFC, v29  }
0x1c7: {  	v28 =	vand.u32 $0x3, v28;
	v30 =	vand.u32 $0x3, v30;
	v29 =	vor.u32 v23, v29  }
0x1c8: {  	v28 =	vor.u32 v28, v27;
	v27 =	vor.u32 v30, v29;
	v29 =	vshll.u32 v31, $0x2  }
0x1c9: {  	v30 =	vand.u32 $0xFFFF8000, v31;
	v31 =	vshrl.u32 v31, $0xD;
	v23 =	vmovc v35;
	v35 =	vld [tilespmem:$0x210];
	v29 =	vand.u32 $0x7FFC, v29  }
0x1ca: {  	v29 =	vor.u32 v30, v29;
	v30 =	vand.u32 $0x3, v31;
	v31 =	vshll.u32 v10, $0x2  }
0x1cb: {  	v29 =	vor.u32 v30, v29;
	v30 =	vand.u32 $0xFFFF8000, v10;
	v31 =	vand.u32 $0x7FFC, v31  }
0x1cc: {  	v32 =	vor.u32 v9, v32;
	v9 =	vmovc v37;
	v37 =	vld [tilespmem:$0x230];
	v30 =	vor.u32 v30, v31;
	v31 =	vshrl.u32 v10, $0xD  }
0x1cd: {  	v0 =	vand.u32 $0xFFFF8000, v5;
	v5 =	vand.u32 $0x3, v34;
	v10 =	vmovc v36;
	v36 =	vld [tilespmem:$0x220];
	v31 =	vand.u32 $0x3, v31  }
0x1ce: {  	v6 =	vshll.u32 v35, $0x2;
	v31 =	vor.u32 v31, v30;
	v30 =	vor.u32 v33, v32  }
0x1cf: {  	v32 =	vand.u32 $0x7FFC, v22;
	v22 =	vand.u32 $0xFFFF8000, v35;
	v34 =	vand.u32 $0x7FFC, v6  }
0x1d0: {  	v32 =	vor.u32 v0, v32;
	v33 =	vor.u32 v22, v34;
	v34 =	vshrl.u32 v35, $0xD  }
0x1d1: {  	v32 =	vor.u32 v5, v32;
	v34 =	vand.u32 $0x3, v34  }
0x1d2: {  	v8 =	vmovc v38;
	v38 =	vld [tilespmem:$0x240];
	v5 =	vand.u32 $0xFFFF8000, v37;
	v0 =	vshll.u32 v36, $0x2;
	v22 =	vand.u32 $0xFFFF8000, v36  }
0x1d3: {  	v36 =	vshrl.u32 v36, $0xD;
	v34 =	vor.u32 v34, v33;
	v35 =	vand.u32 $0x7FFC, v0  }
0x1d4: {  	v6 =	vmovc v39;
	v39 =	vld [tilespmem:$0x250];
	v36 =	vand.u32 $0x3, v36;
	v0 =	vshll.u32 v37, $0x2;
	v35 =	vor.u32 v22, v35  }
0x1d5: {  	v37 =	vshrl.u32 v37, $0xD;
	v33 =	vor.u32 v36, v35;
	v35 =	vand.u32 $0x7FFC, v0  }
0x1d6: {  	v22 =	vand.u32 $0x3, v37;
	v35 =	vor.u32 v5, v35  }
0x1d7: {  	v5 =	vshll.u32 v38, $0x2;
	v35 =	vor.u32 v22, v35;
	v22 =	vand.u32 $0xFFFF8000, v38  }
0x1d8: {  	v37 =	vand.u32 $0x7FFC, v5  }
0x1d9: {  	v36 =	vor.u32 v22, v37;
	v37 =	vshrl.u32 v38, $0xD;
	v38 =	vshll.u32 v39, $0x2  }
0x1da: {  	v38 =	vand.u32 $0x7FFC, v38;
	v22 =	vmov v42;
	v42 =	vand.u32 $0xFFFF8000, v39  }
0x1db: {  	[tilespmem:$0x400] =	vst v1;
	v1 =	vand.u32 $0x3, v37;
	v37 =	vor.u32 v42, v38;
	v42 =	vld [tilespmem:$0x1FD50];
	_ =	sdelay $0x1  }
0x1dc: {  	v0 =	vmov v40;
	v40 =	vld [tilespmem:$0x260]  }
0x1dd: {  	v39 =	vshrl.u32 v39, $0xD  }
0x1de: {  	v38 =	vand.u32 $0x3, v39;
	v39 =	vld [tilespmem:$0x280]  }
0x1df: {  	[tilespmem:$0x410] =	vst v42;
	v42 =	vor.u32 v38, v37;
	v38 =	vld [tilespmem:$0x1FD60];
	_ =	sdelay $0x1  }
0x1e0: {  	v1 =	vor.u32 v1, v36;
	v36 =	vshll.u32 v40, $0x2  }
0x1e1: {  	[tilespmem:$0x420] =	vst v2;
	v2 =	vand.u32 $0xFFFF8000, v40;
	v36 =	vand.u32 $0x7FFC, v36;
	v37 =	vshrl.u32 v40, $0xD  }
0x1e2: {  	[tilespmem:$0x460] =	vst v7;
	v2 =	vor.u32 v2, v36;
	v40 =	vmovc v0;
	v7 =	vand.u32 $0xFFFF8000, v39;
	v0 =	vand.u32 $0x3, v37  }
0x1e3: {  	v2 =	vor.u32 v0, v2;
	v0 =	vshll.u32 v39, $0x2;
	[tilespmem:$0x450] =	vst v38;
	v38 =	vshrl.u32 v39, $0xD;
	v39 =	vmovc v6;
	v6 =	vld [tilespmem:$0x1FD70];
	_ =	sdelay $0x3  }
0x1e4: {  	v5 =	vmov v41;
	v41 =	vld [tilespmem:$0x270]  }
0x1e5: {  	[tilespmem:$0x470] =	vst v6;
	v6 =	vand.u32 $0x3, v38;
	v38 =	vmov v8;
	v8 =	vld [tilespmem:$0x1FD80];
	_ =	sdelay $0x3  }
0x1e6: {  	[tilespmem:$0x440] =	vst v3;
	v36 =	vshll.u32 v41, $0x2;
	v37 =	vld [tilespmem:$0x290]  }
0x1e7: {  	v3 =	vand.u32 $0xFFFF8000, v41;
	v36 =	vand.u32 $0x7FFC, v36;
	[tilespmem:$0x480] =	vst v8;
	v8 =	vld [tilespmem:$0x1FD90]  }
0x1e8: {  	v3 =	vor.u32 v3, v36;
	v36 =	vld [tilespmem:$0x2A0]  }
0x1e9: {  	[tilespmem:$0x430] =	vst v4;
	v4 =	vshrl.u32 v41, $0xD;
	v41 =	vmov v5;
	v5 =	vand.u32 $0x7FFC, v0;
	v0 =	vld [tilespmem:$0x1FDB0]  }
0x1ea: {  	v4 =	vand.u32 $0x3, v4;
	v5 =	vor.u32 v7, v5;
	v7 =	vld [tilespmem:$0x2B0]  }
0x1eb: {  	[tilespmem:$0x4C0] =	vst v11;
	v4 =	vor.u32 v4, v3;
	v3 =	vor.u32 v6, v5;
	v5 =	vshll.u32 v37, $0x2  }
0x1ec: {  	v6 =	vand.u32 $0xFFFF8000, v37;
	v5 =	vand.u32 $0x7FFC, v5;
	[tilespmem:$0x490] =	vst v8;
	v8 =	vshrl.u32 v37, $0xD;
	v37 =	vmovc v9;
	v9 =	vld [tilespmem:$0x1FDA0]  }
0x1ed: {  	v11 =	vld [tilespmem:$0x2D0];
	[tilespmem:$0x510] =	vst v13;
	v5 =	vor.u32 v6, v5;
	v6 =	vand.u32 $0x3, v8;
	v8 =	vshll.u32 v36, $0x2  }
0x1ee: {  	v13 =	vld [tilespmem:$0x2F0];
	[tilespmem:$0x4B0] =	vst v0;
	v0 =	vand.u32 $0xFFFF8000, v36;
	v8 =	vand.u32 $0x7FFC, v8  }
0x1ef: {  	[tilespmem:$0x4D0] =	vst v12;
	v5 =	vor.u32 v6, v5;
	v6 =	vor.u32 v0, v8;
	v0 =	vshll.u32 v7, $0x2  }
0x1f0: {  	[tilespmem:$0x520] =	vst v14;
	v8 =	vshrl.u32 v36, $0xD;
	v36 =	vmov v10;
	v10 =	vand.u32 $0x7FFC, v0;
	v0 =	vld [tilespmem:$0x1FDC0]  }
0x1f1: {  	[tilespmem:$0x4A0] =	vst v9;
	v9 =	vld [tilespmem:$0x2C0]  }
0x1f2: {  	v14 =	vand.u32 $0xFFFF8000, v11;
	[tilespmem:$0x530] =	vst v18  }
0x1f3: {  	[tilespmem:$0x550] =	vst v17;
	v17 =	vshll.u32 v13, $0x2;
	v18 =	vand.u32 $0xFFFF8000, v13;
	v13 =	vshrl.u32 v13, $0xD  }
0x1f4: {  	[tilespmem:$0x610] =	vst v34;
	v34 =	vmovc v20;
	v20 =	vld [tilespmem:$0x360];
	v12 =	vand.u32 $0xFFFF8000, v7;
	v7 =	vshrl.u32 v7, $0xD;
	v8 =	vand.u32 $0x3, v8  }
0x1f5: {  	[tilespmem:$0x4F0] =	vst v56;
	v7 =	vand.u32 $0x3, v7;
	v10 =	vor.u32 v12, v10;
	v12 =	vld [tilespmem:$0x2E0];
	v6 =	vor.u32 v8, v6  }
0x1f6: {  	v7 =	vor.u32 v7, v10;
	[tilespmem:$0x4E0] =	vst v0;
	v0 =	vshll.u32 v11, $0x2;
	v56 =	vshll.u32 v9, $0x2  }
0x1f7: {  	[tilespmem:$0x500] =	vst v63;
	v63 =	vand.u32 $0xFFFF8000, v9;
	v9 =	vshrl.u32 v9, $0xD;
	v8 =	vand.u32 $0x7FFC, v56  }
0x1f8: {  	v10 =	vand.u32 $0x7FFC, v0;
	v9 =	vand.u32 $0x3, v9;
	v8 =	vor.u32 v63, v8  }
0x1f9: {  	[tilespmem:$0x560] =	vst v21;
	v21 =	vand.u32 $0x3, v13;
	v8 =	vor.u32 v9, v8;
	v9 =	vor.u32 v14, v10;
	v14 =	vld [tilespmem:$0x300]  }
0x1fa: {  	[tilespmem:$0x680] =	vst v3;
	v3 =	vshrl.u32 v20, $0xD;
	v0 =	vand.u32 $0xFFFF8000, v12;
	v63 =	vshll.u32 v12, $0x2  }
0x1fb: {  	[tilespmem:$0x540] =	vst v15;
	v15 =	vld [tilespmem:$0x310];
	v56 =	vshrl.u32 v11, $0xD;
	v12 =	vshrl.u32 v12, $0xD;
	v11 =	vand.u32 $0x7FFC, v63  }
0x1fc: {  	v10 =	vand.u32 $0x3, v56;
	v12 =	vand.u32 $0x3, v12;
	v11 =	vor.u32 v0, v11  }
0x1fd: {  	[tilespmem:$0x570] =	vst v16;
	v16 =	vld [tilespmem:$0x320];
	v9 =	vor.u32 v10, v9;
	v10 =	vor.u32 v12, v11;
	v11 =	vand.u32 $0x7FFC, v17  }
0x1fe: {  	v3 =	vand.u32 $0x3, v3;
	v11 =	vor.u32 v18, v11;
	v0 =	vshll.u32 v14, $0x2  }
0x1ff: {  	v11 =	vor.u32 v21, v11;
	v21 =	vand.u32 $0xFFFF8000, v14;
	v13 =	vand.u32 $0x7FFC, v0  }
0x200: {  	v17 =	vld [tilespmem:$0x330];
	v0 =	vshll.u32 v15, $0x2;
	v12 =	vor.u32 v21, v13;
	v13 =	vshrl.u32 v14, $0xD  }
0x201: {  	v21 =	vand.u32 $0xFFFF8000, v15;
	v14 =	vand.u32 $0x7FFC, v0;
	v15 =	vshrl.u32 v15, $0xD  }
0x202: {  	v18 =	vld [tilespmem:$0x340];
	v0 =	vshll.u32 v16, $0x2;
	v13 =	vand.u32 $0x3, v13;
	v14 =	vor.u32 v21, v14  }
0x203: {  	v15 =	vand.u32 $0x3, v15;
	v21 =	vand.u32 $0xFFFF8000, v16;
	v16 =	vshrl.u32 v16, $0xD  }
0x204: {  	[tilespmem:$0x580] =	vst v25;
	v12 =	vor.u32 v13, v12;
	v13 =	vor.u32 v15, v14;
	v14 =	vand.u32 $0x7FFC, v0  }
0x205: {  	[tilespmem:$0x5E0] =	vst v31;
	v31 =	vmovc v19;
	v19 =	vld [tilespmem:$0x350];
	v0 =	vand.u32 $0x3, v16;
	v14 =	vor.u32 v21, v14;
	v21 =	vshll.u32 v17, $0x2  }
0x206: {  	[tilespmem:$0x600] =	vst v32;
	v32 =	vmovc v43;
	v43 =	vand.u32 $0xFFFF8000, v17;
	v14 =	vor.u32 v0, v14;
	v16 =	vand.u32 $0x7FFC, v21  }
0x207: {  	[tilespmem:$0x6A0] =	vst v6;
	v6 =	vld [tilespmem:$0x3A0];
	v15 =	vor.u32 v43, v16;
	v16 =	vshrl.u32 v17, $0xD;
	v17 =	vshll.u32 v18, $0x2  }
0x208: {  	[tilespmem:$0x590] =	vst v24;
	v0 =	vand.u32 $0xFFFF8000, v18;
	v21 =	vld [tilespmem:$0x370];
	v18 =	vshrl.u32 v18, $0xD;
	v17 =	vand.u32 $0x7FFC, v17  }
0x209: {  	[tilespmem:$0x640] =	vst v1;
	v16 =	vand.u32 $0x3, v16;
	v18 =	vand.u32 $0x3, v18;
	v17 =	vor.u32 v0, v17  }
0x20a: {  	[tilespmem:$0x670] =	vst v4;
	v1 =	vor.u32 v16, v15;
	v16 =	vshll.u32 v19, $0x2;
	v0 =	vand.u32 $0xFFFF8000, v19  }
0x20b: {  	[tilespmem:$0x660] =	vst v2;
	v15 =	vor.u32 v18, v17;
	v16 =	vand.u32 $0x7FFC, v16;
	v17 =	vshrl.u32 v19, $0xD  }
0x20c: {  	[tilespmem:$0x6D0] =	vst v9;
	v9 =	vshll.u32 v6, $0x2;
	v0 =	vor.u32 v0, v16;
	v2 =	vand.u32 $0x3, v17;
	v17 =	vld [tilespmem:$0x380]  }
0x20d: {  	[tilespmem:$0x690] =	vst v5;
	v16 =	vshll.u32 v20, $0x2;
	v4 =	vshll.u32 v21, $0x2;
	v5 =	vand.u32 $0xFFFF8000, v21  }
0x20e: {  	[tilespmem:$0x5A0] =	vst v26;
	v0 =	vor.u32 v2, v0;
	v2 =	vand.u32 $0xFFFF8000, v20;
	v18 =	vand.u32 $0x7FFC, v16;
	v16 =	vld [tilespmem:$0x390]  }
0x20f: {  	[tilespmem:$0x5B0] =	vst v28;
	v4 =	vand.u32 $0x7FFC, v4;
	v2 =	vor.u32 v2, v18;
	v18 =	vshrl.u32 v21, $0xD  }
0x210: {  	[tilespmem:$0x5C0] =	vst v27;
	v9 =	vand.u32 $0x7FFC, v9;
	v4 =	vor.u32 v5, v4;
	v5 =	vand.u32 $0x3, v18  }
0x211: {  	[tilespmem:$0x6B0] =	vst v7;
	v2 =	vor.u32 v3, v2;
	v3 =	vor.u32 v5, v4;
	v4 =	vshll.u32 v17, $0x2  }
0x212: {  	[tilespmem:$0x6C0] =	vst v8;
	v5 =	vand.u32 $0xFFFF8000, v17;
	v7 =	vshrl.u32 v17, $0xD;
	v4 =	vand.u32 $0x7FFC, v4  }
0x213: {  	v8 =	vld [tilespmem:$0x3B0];
	[tilespmem:$0x6E0] =	vst v10;
	v4 =	vor.u32 v5, v4;
	v5 =	vand.u32 $0x3, v7;
	v7 =	vshll.u32 v16, $0x2  }
0x214: {  	[tilespmem:$0x6F0] =	vst v11;
	v11 =	vand.u32 $0xFFFF8000, v6;
	v10 =	vand.u32 $0xFFFF8000, v16;
	v7 =	vand.u32 $0x7FFC, v7  }
0x215: {  	[tilespmem:$0x5D0] =	vst v29;
	v6 =	vshrl.u32 v6, $0xD;
	v4 =	vor.u32 v5, v4;
	v5 =	vor.u32 v10, v7;
	v10 =	vld [tilespmem:$0x3C0]  }
0x216: {  	[tilespmem:$0x5F0] =	vst v30;
	v9 =	vor.u32 v11, v9;
	v6 =	vand.u32 $0x3, v6  }
0x217: {  	[tilespmem:$0x620] =	vst v33;
	v11 =	vld [tilespmem:$0x3D0];
	v6 =	vor.u32 v6, v9;
	v7 =	vshrl.u32 v16, $0xD  }
0x218: {  	v9 =	vshll.u32 v8, $0x2;
	[tilespmem:$0x730] =	vst v1;
	v1 =	vand.u32 $0xFFFF8000, v8;
	v7 =	vand.u32 $0x3, v7  }
0x219: {  	[tilespmem:$0x630] =	vst v35;
	v8 =	vshrl.u32 v8, $0xD;
	v5 =	vor.u32 v7, v5;
	v7 =	vand.u32 $0x7FFC, v9  }
0x21a: {  	[tilespmem:$0x650] =	vst v42;
	v9 =	vld [tilespmem:$0x3E0];
	v1 =	vor.u32 v1, v7;
	v7 =	vand.u32 $0x3, v8;
	v8 =	vshll.u32 v10, $0x2  }
0x21b: {  	[tilespmem:$0x750] =	vst v0;
	v0 =	vor.u32 v7, v1;
	v1 =	vand.u32 $0xFFFF8000, v10;
	v7 =	vand.u32 $0x7FFC, v8  }
0x21c: {  	[tilespmem:$0x770] =	vst v3;
	v3 =	vand.u32 $0xFFFF8000, v11;
	v1 =	vor.u32 v1, v7;
	v7 =	vshll.u32 v11, $0x2  }
0x21d: {  	[tilespmem:$0x760] =	vst v2;
	v2 =	vshrl.u32 v10, $0xD;
	v10 =	vshrl.u32 v11, $0xD;
	v7 =	vand.u32 $0x7FFC, v7  }
0x21e: {  	[tilespmem:$0x780] =	vst v4;
	v2 =	vand.u32 $0x3, v2;
	v4 =	vand.u32 $0x3, v10;
	v3 =	vor.u32 v3, v7  }
0x21f: {  	[tilespmem:$0x7A0] =	vst v6;
	v1 =	vor.u32 v2, v1;
	v2 =	vor.u32 v4, v3;
	v3 =	vshll.u32 v9, $0x2  }
0x220: {  	[tilespmem:$0x790] =	vst v5;
	v8 =	vld [tilespmem:$0x3F0];
	v5 =	vshrl.u32 v9, $0xD;
	v4 =	vand.u32 $0xFFFF8000, v9;
	v3 =	vand.u32 $0x7FFC, v3  }
0x221: {  	[tilespmem:$0x7B0] =	vst v0;
	v0 =	vor.u32 v4, v3;
	v3 =	vand.u32 $0x3, v5  }
0x222: {  	[tilespmem:$0x700] =	vst v12;
	v0 =	vor.u32 v3, v0;
	v3 =	vld [tilespmem:$0x1FDE0]  }
0x223: {  	[tilespmem:$0x710] =	vst v13  }
0x224: {  	[tilespmem:$0x720] =	vst v14  }
0x225: {  	[tilespmem:$0x740] =	vst v15;
	v4 =	vshll.u32 v8, $0x2  }
0x226: {  	[tilespmem:$0x7C0] =	vst v1;
	v1 =	vand.u32 $0xFFFF8000, v8;
	v5 =	vshrl.u32 v8, $0xD;
	v4 =	vand.u32 $0x7FFC, v4  }
0x227: {  	[tilespmem:$0x7D0] =	vst v2;
	v2 =	vand.u32 $0x3, v5;
	v1 =	vor.u32 v1, v4  }
0x228: {  	v4 =	vld [tilespmem:$0x1FDF0];
	[tilespmem:$0x7E0] =	vst v0;
	v0 =	vor.u32 v2, v1  }
0x229: {  	[tilespmem:$0x7F0] =	vst v0  }
0x22a: {  	v0 =	vld.idx.msk [tilespmem:v3+s9+$0x0], $0xffff;
	_ =	sdelay $0x3  }
0x22b: {  	v5 =	vld [tilespmem:$0x1FE00]  }
0x22c: {  	[tilespmem:$0x800] =	vst v0  }
0x22d: {  	v0 =	vld.idx.msk [tilespmem:v4+s9+$0x0], $0xffff;
	_ =	sdelay $0x3  }
0x22e: {  	v6 =	vld [tilespmem:$0x1FE10]  }
0x22f: {  	[tilespmem:$0x810] =	vst v0  }
0x230: {  	v0 =	vld.idx.msk [tilespmem:v5+s9+$0x0], $0xffff;
	_ =	sdelay $0x3  }
0x231: {  	v7 =	vld [tilespmem:$0x1FE30]  }
0x232: {  	[tilespmem:$0x820] =	vst v0  }
0x233: {  	v0 =	vld.idx.msk [tilespmem:v6+s9+$0x0], $0xffff;
	_ =	sdelay $0x3  }
0x234: {  	v8 =	vld [tilespmem:$0x1FE20]  }
0x235: {  	[tilespmem:$0x830] =	vst v0  }
0x236: {  	v0 =	vld.idx.msk [tilespmem:v7+s9+$0x0], $0xffff;
	_ =	sdelay $0x3  }
0x237: {  	v9 =	vld [tilespmem:$0x1FE40]  }
0x238: {  	[tilespmem:$0x840] =	vst v0  }
0x239: {  	v0 =	vld.idx.msk [tilespmem:v8+s9+$0x0], $0xffff;
	_ =	sdelay $0x3  }
0x23a: {  	v10 =	vld [tilespmem:$0x1FE50]  }
0x23b: {  	[tilespmem:$0x850] =	vst v0  }
0x23c: {  	v0 =	vld.idx.msk [tilespmem:v9+s9+$0x0], $0xffff;
	_ =	sdelay $0x3  }
0x23d: {  	v11 =	vld [tilespmem:$0x1FE60]  }
0x23e: {  	[tilespmem:$0x860] =	vst v0  }
0x23f: {  	v0 =	vld.idx.msk [tilespmem:v10+s9+$0x0], $0xffff;
	_ =	sdelay $0x3  }
0x240: {  	v12 =	vld [tilespmem:$0x1FE70]  }
0x241: {  	[tilespmem:$0x870] =	vst v0  }
0x242: {  	v0 =	vld.idx.msk [tilespmem:v11+s9+$0x0], $0xffff;
	_ =	sdelay $0x3  }
0x243: {  	v13 =	vld [tilespmem:$0x1FE90]  }
0x244: {  	[tilespmem:$0x880] =	vst v0  }
0x245: {  	v0 =	vld.idx.msk [tilespmem:v12+s9+$0x0], $0xffff;
	_ =	sdelay $0x3  }
0x246: {  	v14 =	vld [tilespmem:$0x1FEA0]  }
0x247: {  	[tilespmem:$0x890] =	vst v0  }
0x248: {  	v0 =	vld.idx.msk [tilespmem:v13+s9+$0x0], $0xffff;
	_ =	sdelay $0x3  }
0x249: {  	v15 =	vld [tilespmem:$0x1FE80]  }
0x24a: {  	[tilespmem:$0x8A0] =	vst v0  }
0x24b: {  	v0 =	vld.idx.msk [tilespmem:v14+s9+$0x0], $0xffff;
	_ =	sdelay $0x3  }
0x24c: {  	v16 =	vld [tilespmem:$0x1FEB0]  }
0x24d: {  	[tilespmem:$0x8B0] =	vst v0  }
0x24e: {  	v0 =	vld.idx.msk [tilespmem:v15+s9+$0x0], $0xffff;
	_ =	sdelay $0x3  }
0x24f: {  	v17 =	vld [tilespmem:$0x1FEC0]  }
0x250: {  	[tilespmem:$0x8C0] =	vst v0  }
0x251: {  	v0 =	vld.idx.msk [tilespmem:v16+s9+$0x0], $0xffff;
	_ =	sdelay $0x3  }
0x252: {  	v18 =	vld [tilespmem:$0x1FED0]  }
0x253: {  	[tilespmem:$0x8D0] =	vst v0  }
0x254: {  	v0 =	vld.idx.msk [tilespmem:v17+s9+$0x0], $0xffff;
	_ =	sdelay $0x3  }
0x255: {  	v19 =	vld [tilespmem:$0x1FF00]  }
0x256: {  	[tilespmem:$0x8E0] =	vst v0  }
0x257: {  	v0 =	vld.idx.msk [tilespmem:v18+s9+$0x0], $0xffff;
	_ =	sdelay $0x3  }
0x258: {  	v20 =	vld [tilespmem:$0x1FEF0]  }
0x259: {  	[tilespmem:$0x8F0] =	vst v0  }
0x25a: {  	v0 =	vld.idx.msk [tilespmem:v19+s9+$0x0], $0xffff;
	_ =	sdelay $0x3  }
0x25b: {  	v21 =	vld [tilespmem:$0x1FEE0]  }
0x25c: {  	[tilespmem:$0x900] =	vst v0  }
0x25d: {  	v0 =	vld.idx.msk [tilespmem:v20+s9+$0x0], $0xffff;
	_ =	sdelay $0x3  }
0x25e: {  	v63 =	vld [tilespmem:$0x1FF80]  }
0x25f: {  	[tilespmem:$0x910] =	vst v0  }
0x260: {  	v0 =	vld.idx.msk [tilespmem:v21+s9+$0x0], $0xffff;
	_ =	sdelay $0x3  }
0x261: {  	v56 =	vld [tilespmem:$0x1FF50]  }
0x262: {  	[tilespmem:$0x920] =	vst v0  }
0x263: {  	v0 =	vld.idx.msk [tilespmem:v63+s9+$0x0], $0xffff;
	_ =	sdelay $0x3  }
0x264: {  	v24 =	vld [tilespmem:$0x1FF40]  }
0x265: {  	[tilespmem:$0x930] =	vst v0  }
0x266: {  	v0 =	vld.idx.msk [tilespmem:v56+s9+$0x0], $0xffff;
	_ =	sdelay $0x3  }
0x267: {  	v25 =	vld [tilespmem:$0x1FFA0]  }
0x268: {  	[tilespmem:$0x940] =	vst v0  }
0x269: {  	v0 =	vld.idx.msk [tilespmem:v24+s9+$0x0], $0xffff;
	_ =	sdelay $0x3  }
0x26a: {  	v26 =	vld [tilespmem:$0x1FF90]  }
0x26b: {  	[tilespmem:$0x950] =	vst v0  }
0x26c: {  	v0 =	vld.idx.msk [tilespmem:v25+s9+$0x0], $0xffff;
	_ =	sdelay $0x3  }
0x26d: {  	v27 =	vld [tilespmem:$0x1FF60]  }
0x26e: {  	[tilespmem:$0x960] =	vst v0  }
0x26f: {  	v0 =	vld.idx.msk [tilespmem:v26+s9+$0x0], $0xffff;
	_ =	sdelay $0x4  }
0x270: {  	[tilespmem:$0x970] =	vst v0  }
0x271: {  	v0 =	vld.idx.msk [tilespmem:v27+s9+$0x0], $0xffff  }
0x272: {  	v28 =	vmov v47;
	_ =	sdelay $0x3  }
0x273: {  	[tilespmem:$0x980] =	vst v0  }
0x274: {  	v0 =	vld.idx.msk [tilespmem:v28+s9+$0x0], $0xffff  }
0x275: {  	v29 =	vmov v55;
	_ =	sdelay $0x2  }
0x276: {  	v30 =	vld [tilespmem:$0x1FFB0]  }
0x277: {  	[tilespmem:$0x990] =	vst v0  }
0x278: {  	v0 =	vld.idx.msk [tilespmem:v29+s9+$0x0], $0xffff;
	_ =	sdelay $0x4  }
0x279: {  	[tilespmem:$0x9A0] =	vst v0  }
0x27a: {  	v0 =	vld.idx.msk [tilespmem:v30+s9+$0x0], $0xffff;
	_ =	sdelay $0x4  }
0x27b: {  	[tilespmem:$0x9B0] =	vst v0  }
0x27c: {  	v0 =	vld.idx.msk [tilespmem:v31+s9+$0x0], $0xffff;
	_ =	sdelay $0x4  }
0x27d: {  	[tilespmem:$0x9C0] =	vst v0  }
0x27e: {  	v0 =	vld.idx.msk [tilespmem:v32+s9+$0x0], $0xffff  }
0x27f: {  	v33 =	vmov v44;
	_ =	sdelay $0x3  }
0x280: {  	[tilespmem:$0x9D0] =	vst v0  }
0x281: {  	v0 =	vld.idx.msk [tilespmem:v33+s9+$0x0], $0xffff;
	_ =	sdelay $0x4  }
0x282: {  	[tilespmem:$0x9E0] =	vst v0  }
0x283: {  	v0 =	vld.idx.msk [tilespmem:v34+s9+$0x0], $0xffff  }
0x284: {  	v35 =	vmov v23;
	_ =	sdelay $0x2  }
0x285: {  	v43 =	vld [tilespmem:$0x1FF20]  }
0x286: {  	[tilespmem:$0x9F0] =	vst v0  }
0x287: {  	v0 =	vld.idx.msk [tilespmem:v35+s9+$0x0], $0xffff;
	_ =	sdelay $0x4  }
0x288: {  	[tilespmem:$0xA00] =	vst v0  }
0x289: {  	v0 =	vld.idx.msk [tilespmem:v43+s9+$0x0], $0xffff;
	_ =	sdelay $0x4  }
0x28a: {  	[tilespmem:$0xA10] =	vst v0  }
0x28b: {  	v0 =	vld.idx.msk [tilespmem:v36+s9+$0x0], $0xffff;
	_ =	sdelay $0x4  }
0x28c: {  	[tilespmem:$0xA20] =	vst v0  }
0x28d: {  	v0 =	vld.idx.msk [tilespmem:v37+s9+$0x0], $0xffff;
	_ =	sdelay $0x4  }
0x28e: {  	[tilespmem:$0xA30] =	vst v0  }
0x28f: {  	v0 =	vld.idx.msk [tilespmem:v38+s9+$0x0], $0xffff;
	_ =	sdelay $0x4  }
0x290: {  	[tilespmem:$0xA40] =	vst v0  }
0x291: {  	v0 =	vld.idx.msk [tilespmem:v39+s9+$0x0], $0xffff;
	_ =	sdelay $0x4  }
0x292: {  	[tilespmem:$0xA50] =	vst v0  }
0x293: {  	v0 =	vld.idx.msk [tilespmem:v40+s9+$0x0], $0xffff;
	_ =	sdelay $0x4  }
0x294: {  	[tilespmem:$0xA60] =	vst v0  }
0x295: {  	v0 =	vld.idx.msk [tilespmem:v41+s9+$0x0], $0xffff  }
0x296: {  	v42 =	vmov v22;
	_ =	sdelay $0x2  }
0x297: {  	v22 =	vld [tilespmem:$0x1FF10]  }
0x298: {  	[tilespmem:$0xA70] =	vst v0  }
0x299: {  	v0 =	vld.idx.msk [tilespmem:v42+s9+$0x0], $0xffff;
	_ =	sdelay $0x3  }
0x29a: {  	v23 =	vld [tilespmem:$0x1FF30]  }
0x29b: {  	[tilespmem:$0xA80] =	vst v0  }
0x29c: {  	v0 =	vld.idx.msk [tilespmem:v22+s9+$0x0], $0xffff;
	_ =	sdelay $0x4  }
0x29d: {  	[tilespmem:$0xA90] =	vst v0  }
0x29e: {  	v0 =	vld.idx.msk [tilespmem:v23+s9+$0x0], $0xffff  }
0x29f: {  	v44 =	vmov v45;
	_ =	sdelay $0x3  }
0x2a0: {  	[tilespmem:$0xAA0] =	vst v0  }
0x2a1: {  	v0 =	vld.idx.msk [tilespmem:v44+s9+$0x0], $0xffff  }
0x2a2: {  	v45 =	vmov v46;
	_ =	sdelay $0x3  }
0x2a3: {  	[tilespmem:$0xAB0] =	vst v0  }
0x2a4: {  	v0 =	vld.idx.msk [tilespmem:v45+s9+$0x0], $0xffff  }
0x2a5: {  	v46 =	vmov v48;
	_ =	sdelay $0x3  }
0x2a6: {  	[tilespmem:$0xAC0] =	vst v0  }
0x2a7: {  	v0 =	vld.idx.msk [tilespmem:v46+s9+$0x0], $0xffff  }
0x2a8: {  	v47 =	vmov v49;
	_ =	sdelay $0x3  }
0x2a9: {  	[tilespmem:$0xAD0] =	vst v0  }
0x2aa: {  	v0 =	vld.idx.msk [tilespmem:v47+s9+$0x0], $0xffff  }
0x2ab: {  	v48 =	vmov v50;
	_ =	sdelay $0x3  }
0x2ac: {  	[tilespmem:$0xAE0] =	vst v0  }
0x2ad: {  	v0 =	vld.idx.msk [tilespmem:v48+s9+$0x0], $0xffff  }
0x2ae: {  	v49 =	vmov v51;
	_ =	sdelay $0x3  }
0x2af: {  	[tilespmem:$0xAF0] =	vst v0  }
0x2b0: {  	v0 =	vld.idx.msk [tilespmem:v49+s9+$0x0], $0xffff  }
0x2b1: {  	v50 =	vmov v52;
	_ =	sdelay $0x3  }
0x2b2: {  	[tilespmem:$0xB00] =	vst v0  }
0x2b3: {  	v0 =	vld.idx.msk [tilespmem:v50+s9+$0x0], $0xffff;
	_ =	sdelay $0x4  }
0x2b4: {  	[tilespmem:$0xB10] =	vst v0  }
0x2b5: {  	v0 =	vld.idx.msk [tilespmem:v53+s9+$0x0], $0xffff;
	_ =	sdelay $0x4  }
0x2b6: {  	[tilespmem:$0xB20] =	vst v0  }
0x2b7: {  	v0 =	vld.idx.msk [tilespmem:v54+s9+$0x0], $0xffff  }
0x2b8: {  	v55 =	vmov v57;
	_ =	sdelay $0x2  }
0x2b9: {  	v21 =	vld [tilespmem:$0x1FF70]  }
0x2ba: {  	[tilespmem:$0xB30] =	vst v0  }
0x2bb: {  	v0 =	vld.idx.msk [tilespmem:v55+s9+$0x0], $0xffff;
	_ =	sdelay $0x4  }
0x2bc: {  	[tilespmem:$0xB40] =	vst v0  }
0x2bd: {  	v0 =	vld.idx.msk [tilespmem:v21+s9+$0x0], $0xffff  }
0x2be: {  	v57 =	vmov v58;
	_ =	sdelay $0x3  }
0x2bf: {  	[tilespmem:$0xB50] =	vst v0  }
0x2c0: {  	v0 =	vld.idx.msk [tilespmem:v57+s9+$0x0], $0xffff  }
0x2c1: {  	v58 =	vmov v59;
	_ =	sdelay $0x3  }
0x2c2: {  	[tilespmem:$0xB60] =	vst v0  }
0x2c3: {  	v0 =	vld.idx.msk [tilespmem:v58+s9+$0x0], $0xffff  }
0x2c4: {  	v59 =	vmov v60;
	_ =	sdelay $0x3  }
0x2c5: {  	[tilespmem:$0xB70] =	vst v0  }
0x2c6: {  	v0 =	vld.idx.msk [tilespmem:v59+s9+$0x0], $0xffff  }
0x2c7: {  	v60 =	vmov v61;
	_ =	sdelay $0x3  }
0x2c8: {  	[tilespmem:$0xB80] =	vst v0  }
0x2c9: {  	v0 =	vld.idx.msk [tilespmem:v60+s9+$0x0], $0xffff  }
0x2ca: {  	v61 =	vmov v62;
	_ =	sdelay $0x2  }
0x2cb: {  	v62 =	vld [tilespmem:$0x1FFC0]  }
0x2cc: {  	[tilespmem:$0xB90] =	vst v0  }
0x2cd: {  	v0 =	vld.idx.msk [tilespmem:v61+s9+$0x0], $0xffff;
	_ =	sdelay $0x3  }
0x2ce: {  	v20 =	vld [tilespmem:$0x1FFD0]  }
0x2cf: {  	[tilespmem:$0xBA0] =	vst v0  }
0x2d0: {  	v0 =	vld.idx.msk [tilespmem:v62+s9+$0x0], $0xffff;
	_ =	sdelay $0x3  }
0x2d1: {  	v63 =	vld [tilespmem:$0x1FDD0]  }
0x2d2: {  	[tilespmem:$0xBB0] =	vst v0  }
0x2d3: {  	v0 =	vld.idx.msk [tilespmem:v20+s9+$0x0], $0xffff;
	_ =	sdelay $0x3  }
0x2d4: {  	v1 =	vld [tilespmem:$0x1FFE0]  }
0x2d5: {  	[tilespmem:$0xBC0] =	vst v0  }
0x2d6: {  	v0 =	vld.idx.msk [tilespmem:v63+s9+$0x0], $0xffff;
	_ =	sdelay $0x3  }
0x2d7: {  	v2 =	vld [tilespmem:$0x1FFF0]  }
0x2d8: {  	[tilespmem:$0xBD0] =	vst v0  }
0x2d9: {  	v0 =	vld.idx.msk [tilespmem:v1+s9+$0x0], $0xffff;
	_ =	sdelay $0x4  }
0x2da: {  	[tilespmem:$0xBE0] =	vst v0  }
0x2db: {  	v0 =	vld.idx.msk [tilespmem:v2+s9+$0x0], $0xffff;
	_ =	sdelay $0x1  }
0x2dc: {  	s15 =	sshll.u32 s15, $0xA  }
0x2dd: {  	s15 =	sor.u32 s15, s16  }
0x2de: {  	p0 =	sne.s32 s14, $0x18;
	s15 =	sshrl.u32 s15, $0x3  }
.Ltmp0:
0x2df: {  	s15 =	sadd.s32 s2, s15;
	[tilespmem:$0xBF0] =	vst v0;
	(pc) =	sbr.rel @p0 .LBB2_2-.Ltmp0, $4  }
0x2e0: {  	[hbm4b:s15+s3] =	stream.linear.scatter [tilespmem:s10], [sflag:$0x1], $0x400, $0x38;
	[tilespmem:$0xC00] =	vst v63  }
0x2e1: {  	_ =	swait.ge [sflag:s8], $0x400  }
0x2e2: {  	s12 =	sadd.s32 $0x1, s12;
	[sflag:s8] =	ssyncset.done $0x0  }
0x2e3: {  	s14 =	sadd.s32 $0x1, s14;
	s13 =	sadd.s32 $0x400, s13;
	v51 =	vmov v53;
	v52 =	vmov v54;
	[sflag:s8] =	ssyncadd.s32 $0xFFFFFC00  }
0x2e4: {  	s11 =	sadd.s32 $0x1, s11  }
0x2e5: {  	p0 =	sne.s32 s11, s5  }
.Ltmp1:
0x2e6: {  	_ = 	snop;
	(pc) =	sbr.rel @p0 .LBB2_1-.Ltmp1, $1  }
0x2e7: {  	_ =	sdelay $0x3  }
0x2e8: {  	_ =	sfence.sel $0x180000  }
0x2e9: {  	[bflag:$0x0] =	sbarrier.arrive $0xFFFF  }
0x2ea: {  	p0 =	sne.s32 s4, $0x0;
	_ =	strace $0x90000047  }
0x2eb: {  	s0 =	sadd.s32 @!p0 $0x100000, s1;
	[bflag:$0x2] =	sbarrier.arrive $0xFFFF  }
0x2ec: {  	[sflag:s0] =	ssyncadd.tile.s32 @!p0 $0x1;
	_ =	shalt  }
.Lfunc_end2:
_tile_overlayer_lowered:
.L_overlay_start_2:
0x2ed: {  	(tag) =	ssettag $0x2  }
0x2ee: {  	s0 =	rddreg [dreg:$0x0];
	s2 =	stileid.u32  }
0x2ef: {  	s1 =	rddreg [dreg:$0x1];
	p0 =	sne.s32 s2, $0x0  }
0x2f0: {  	s3 =	rddreg [dreg:$0x2];
	[bflag:$0x3] =	sbarrier.arrive $0xFFFF;
	s2 =	simm.s32 @!p0 $0x1C01  }
0x2f1: {  	[timem:s3], [sflag:s2] =	dma.local @!p0 [hbm:s0], s1  }
0x2f2: {  	s0 =	simm.s32 @!p0 $0x1  }
0x2f3: {  	_ =	swait.ge @!p0 [sflag:s0], s1  }
0x2f4: {  	s1 =	ssub.s32 @!p0 $0x0, s1;
	[sflag:s0] =	ssyncset.done @!p0 $0x0  }
0x2f5: {  	[sflag:s0] =	ssyncadd.s32 @!p0 s1  }
0x2f6: {  	[bflag:$0x3] =	sbarrier.arrive $0xFFFF  }
0x2f7: {  	_ =	shalt  }

</sc_bundles>
